<compile_context>
chip_gen: v7x
topology: tpu7x:2x2x1
jax: 0.10.2.dev20260603
libtpu: 0.0.44.dev20260713+nightly
codegen_flags: <defaults>
</compile_context>

<pallas_src>
import functools

import jax
import jax.numpy as jnp
from jax import lax
from jax.experimental import pallas as pl
from jax.experimental.pallas import tpu as pltpu
from jax.experimental.pallas import tpu_sc as plsc

_N = 10000
_EH = 5000
_NNZ = 320000
_H = 128
_C = 40
_NP = 10240
_EHP = 5120
_CHUNK = 128
_NCHUNKS = _NNZ // _CHUNK
_NC = 2
_NS = 16

_MESH = plsc.VectorSubcoreMesh(
    core_axis_name="c", subcore_axis_name="s", num_cores=_NC, num_subcores=_NS)

_F32 = jnp.float32
_I32 = jnp.int32


def _zero_1d(ref, n):
  def body(j, _):
    ref[pl.ds(j * 16, 16)] = jnp.zeros((16,), _F32)
    return 0
  lax.fori_loop(0, n // 16, body, 0)


def _deg_body(ni_hbm, ei_hbm, dv_out, de_out,
              dv_s, de_s, zbuf, ones_v, ni_v, ei_v):
  c = lax.axis_index("c")
  s = lax.axis_index("s")
  w = s * _NC + c

  _zero_1d(zbuf, 640)
  def ones_body(j, _):
    ones_v[pl.ds(j * 16, 16)] = jnp.ones((16,), _F32)
    return 0
  lax.fori_loop(0, _CHUNK // 16, ones_body, 0)

  pltpu.sync_copy(zbuf, dv_s.at[pl.ds(s * 640, 640)])
  pltpu.sync_copy(zbuf.at[pl.ds(0, 320)], de_s.at[pl.ds(s * 320, 320)])
  plsc.subcore_barrier()

  trips = 78 + jnp.where(w < 4, 1, 0)
  def body(it, _):
    off = (it * 32 + w) * _CHUNK
    pltpu.sync_copy(ni_hbm.at[pl.ds(off, _CHUNK)], ni_v)
    pltpu.sync_copy(ei_hbm.at[pl.ds(off, _CHUNK)], ei_v)
    pltpu.sync_copy(ones_v, dv_s.at[ni_v], add=True)
    pltpu.sync_copy(ones_v, de_s.at[ei_v], add=True)
    return 0
  lax.fori_loop(0, trips, body, 0)

  plsc.subcore_barrier()
  pltpu.sync_copy(dv_s.at[pl.ds(s * 640, 640)], zbuf)
  pltpu.sync_copy(zbuf, dv_out.at[pl.ds(c * _NP + s * 640, 640)])
  pltpu.sync_copy(de_s.at[pl.ds(s * 320, 320)], zbuf.at[pl.ds(0, 320)])
  pltpu.sync_copy(zbuf.at[pl.ds(0, 320)],
                  de_out.at[pl.ds(c * _EHP + s * 320, 320)])


_deg_kernel = pl.kernel(
    _deg_body,
    out_type=(jax.ShapeDtypeStruct((_NC * _NP,), _F32),
              jax.ShapeDtypeStruct((_NC * _EHP,), _F32)),
    mesh=_MESH,
    scratch_types=[
        pltpu.VMEM_SHARED((_NP,), _F32),
        pltpu.VMEM_SHARED((_EHP,), _F32),
        pltpu.VMEM((640,), _F32),
        pltpu.VMEM((_CHUNK,), _F32),
        pltpu.VMEM((_CHUNK,), _I32),
        pltpu.VMEM((_CHUNK,), _I32),
    ],
)


def _norm_body(ni_hbm, ei_hbm, wv_hbm, we_hbm, ne_out, nv_out,
               ne_s, nv_s, zbuf, ni_v, ei_v, vn_v, ve_v, sem):
  c = lax.axis_index("c")
  s = lax.axis_index("s")
  w = s * _NC + c

  _zero_1d(zbuf, 640)
  pltpu.sync_copy(zbuf, nv_s.at[pl.ds(s * 640, 640)])
  pltpu.sync_copy(zbuf.at[pl.ds(0, 320)], ne_s.at[pl.ds(s * 320, 320)])
  plsc.subcore_barrier()

  trips = 78 + jnp.where(w < 4, 1, 0)
  def body(it, _):
    off = (it * 32 + w) * _CHUNK
    pltpu.sync_copy(ni_hbm.at[pl.ds(off, _CHUNK)], ni_v)
    pltpu.sync_copy(ei_hbm.at[pl.ds(off, _CHUNK)], ei_v)
    pltpu.async_copy(wv_hbm.at[ni_v], ve_v, sem).wait()
    pltpu.async_copy(we_hbm.at[ei_v], vn_v, sem).wait()
    pltpu.sync_copy(ve_v, ne_s.at[ei_v], add=True)
    pltpu.sync_copy(vn_v, nv_s.at[ni_v], add=True)
    return 0
  lax.fori_loop(0, trips, body, 0)

  plsc.subcore_barrier()
  pltpu.sync_copy(ne_s.at[pl.ds(s * 320, 320)], zbuf.at[pl.ds(0, 320)])
  pltpu.sync_copy(zbuf.at[pl.ds(0, 320)],
                  ne_out.at[pl.ds(c * _EHP + s * 320, 320)])
  pltpu.sync_copy(nv_s.at[pl.ds(s * 640, 640)], zbuf)
  pltpu.sync_copy(zbuf, nv_out.at[pl.ds(c * _NP + s * 640, 640)])


_norm_kernel = pl.kernel(
    _norm_body,
    out_type=(jax.ShapeDtypeStruct((_NC * _EHP,), _F32),
              jax.ShapeDtypeStruct((_NC * _NP,), _F32)),
    mesh=_MESH,
    scratch_types=[
        pltpu.VMEM_SHARED((_EHP,), _F32),
        pltpu.VMEM_SHARED((_NP,), _F32),
        pltpu.VMEM((640,), _F32),
        pltpu.VMEM((_CHUNK,), _I32),
        pltpu.VMEM((_CHUNK,), _I32),
        pltpu.VMEM((_CHUNK,), _F32),
        pltpu.VMEM((_CHUNK,), _F32),
        pltpu.SemaphoreType.DMA,
    ],
)


def _make_spmm(rows_p):
  rpt = rows_p // _NS
  half = _NCHUNKS // _NC
  base_trips = half // _NS
  rem = half - base_trips * _NS

  def body(z_hbm, gi_hbm, si_hbm, out_hbm,
           acc_s, zbuf, gi_v, si_v, rows_v, sem):
    c = lax.axis_index("c")
    s = lax.axis_index("s")

    def zrow(i, _):
      for j in range(_H // 16):
        zbuf[i, pl.ds(j * 16, 16)] = jnp.zeros((16,), _F32)
      return 0
    lax.fori_loop(0, 40, zrow, 0)
    for k in range(rpt // 40):
      pltpu.sync_copy(zbuf, acc_s.at[pl.ds(s * rpt + k * 40, 40)])
    plsc.subcore_barrier()

    trips = base_trips + jnp.where(s < rem, 1, 0)
    def loop(it, _):
      off = (c * half + it * _NS + s) * _CHUNK
      pltpu.sync_copy(gi_hbm.at[pl.ds(off, _CHUNK)], gi_v)
      pltpu.sync_copy(si_hbm.at[pl.ds(off, _CHUNK)], si_v)
      pltpu.async_copy(z_hbm.at[gi_v], rows_v, sem).wait()
      pltpu.sync_copy(rows_v, acc_s.at[si_v], add=True)
      return 0
    lax.fori_loop(0, trips, loop, 0)

    plsc.subcore_barrier()
    for k in range(rpt // 320):
      r = s * rpt + k * 320
      pltpu.sync_copy(acc_s.at[pl.ds(r, 320)], out_hbm.at[c, pl.ds(r, 320)])

  return pl.kernel(
      body,
      out_type=jax.ShapeDtypeStruct((_NC, rows_p, _H), _F32),
      mesh=_MESH,
      scratch_types=[
          pltpu.VMEM_SHARED((rows_p, _H), _F32),
          pltpu.VMEM((40, _H), _F32),
          pltpu.VMEM((_CHUNK,), _I32),
          pltpu.VMEM((_CHUNK,), _I32),
          pltpu.VMEM((_CHUNK, _H), _F32),
          pltpu.SemaphoreType.DMA,
      ],
  )


_spmm_edge = _make_spmm(_EHP)
_spmm_node = _make_spmm(_NP)


def _pow_body(dv_ref, de_ref, wv_ref, we_ref):
  dv = jnp.maximum(dv_ref[0] + dv_ref[1], 1.0)
  rv = lax.rsqrt(dv)
  wv_ref[...] = rv * rv * rv
  de = jnp.maximum(de_ref[0] + de_ref[1], 1.0)
  we_ref[...] = lax.rsqrt(de)


_pow_kernel = pl.pallas_call(
    _pow_body,
    out_shape=(jax.ShapeDtypeStruct((_NP // 128, 128), _F32),
               jax.ShapeDtypeStruct((_EHP // 128, 128), _F32)),
)


def _m0_body(x_ref, wi_ref, bi_ref, we_ref, be_ref, wv_ref, z_ref):
  t = jnp.dot(x_ref[...], wi_ref[...], preferred_element_type=_F32) + bi_ref[...]
  z = jnp.dot(t, we_ref[...], preferred_element_type=_F32) + be_ref[...]
  z_ref[...] = z * wv_ref[...]


def _mid_body(p0_ref, p1_ref, n0_ref, n1_ref, wm_ref, bm_ref, ws_ref, z_ref):
  x = jnp.maximum(
      (p0_ref[...] + p1_ref[...])
      / jnp.maximum(n0_ref[...] + n1_ref[...], 1e-12), 0.0)
  z = jnp.dot(x, wm_ref[...], preferred_element_type=_F32) + bm_ref[...]
  z_ref[...] = z * ws_ref[...]


def _mid_keep_body(p0_ref, p1_ref, n0_ref, n1_ref, wm_ref, bm_ref, ws_ref,
                   x_ref, z_ref):
  x = jnp.maximum(
      (p0_ref[...] + p1_ref[...])
      / jnp.maximum(n0_ref[...] + n1_ref[...], 1e-12), 0.0)
  x_ref[...] = x
  z = jnp.dot(x, wm_ref[...], preferred_element_type=_F32) + bm_ref[...]
  z_ref[...] = z * ws_ref[...]


def _out_body(p0_ref, p1_ref, n0_ref, n1_ref, wo_ref, bo_ref, y_ref):
  x = jnp.maximum(
      (p0_ref[...] + p1_ref[...])
      / jnp.maximum(n0_ref[...] + n1_ref[...], 1e-12), 0.0)
  y_ref[...] = jnp.dot(x, wo_ref[...], preferred_element_type=_F32) + bo_ref[...]


def _row_spec(blk):
  return pl.BlockSpec((blk, _H), lambda i: (i, 0))


def _col_spec(blk):
  return pl.BlockSpec((blk, 1), lambda i: (i, 0))


_W_SPEC = pl.BlockSpec((_H, _H), lambda i: (0, 0))
_B_SPEC = pl.BlockSpec((1, _H), lambda i: (0, 0))

_m0_kernel = pl.pallas_call(
    _m0_body,
    grid=(25,),
    in_specs=[_row_spec(400), _W_SPEC, _B_SPEC, _W_SPEC, _B_SPEC, _col_spec(400)],
    out_specs=_row_spec(400),
    out_shape=jax.ShapeDtypeStruct((_N, _H), _F32),
)


def _make_mid(rows, blk, keep_x):
  body = _mid_keep_body if keep_x else _mid_body
  out_spec = _row_spec(blk)
  out_shape = jax.ShapeDtypeStruct((rows, _H), _F32)
  return pl.pallas_call(
      body,
      grid=(rows // blk,),
      in_specs=[_row_spec(blk), _row_spec(blk), _col_spec(blk), _col_spec(blk),
                _W_SPEC, _B_SPEC, _col_spec(blk)],
      out_specs=(out_spec, out_spec) if keep_x else out_spec,
      out_shape=(out_shape, out_shape) if keep_x else out_shape,
  )


_m_edge = _make_mid(_EH, 200, keep_x=False)
_m_edge_keep = _make_mid(_EH, 200, keep_x=True)
_m_node = _make_mid(_N, 400, keep_x=False)

_m_out = pl.pallas_call(
    _out_body,
    grid=(25,),
    in_specs=[_row_spec(400), _row_spec(400), _col_spec(400), _col_spec(400),
              _W_SPEC, _B_SPEC],
    out_specs=_row_spec(400),
    out_shape=jax.ShapeDtypeStruct((_N, _H), _F32),
)


@jax.jit
def kernel(x_0, node_idx, edge_idx, W_in, b_in, W0_e, b0_e, W0_v, b0_v,
           W1_e, b1_e, W1_v, b1_v, W_out, b_out):
  ni = node_idx.astype(_I32)
  ei = edge_idx.astype(_I32)

  dv_p, de_p = _deg_kernel(ni, ei)
  wv2d, we2d = _pow_kernel(dv_p.reshape(_NC, _NP // 128, 128),
                           de_p.reshape(_NC, _EHP // 128, 128))
  wv = wv2d.reshape(_NP)
  we = we2d.reshape(_EHP)
  ne_p, nv_p = _norm_kernel(ni, ei, wv, we)
  ne_p = ne_p.reshape(_NC, _EHP)
  nv_p = nv_p.reshape(_NC, _NP)

  wv_col = wv[:_N, None]
  we_col = we[:_EH, None]
  ne0 = ne_p[0, :_EH, None]
  ne1 = ne_p[1, :_EH, None]
  nv0 = nv_p[0, :_N, None]
  nv1 = nv_p[1, :_N, None]

  b_in2 = b_in.reshape(1, _H)
  b0e2 = b0_e.reshape(1, _H)
  b0v2 = b0_v.reshape(1, _H)
  b1e2 = b1_e.reshape(1, _H)
  b1v2 = b1_v.reshape(1, _H)
  wo_pad = jnp.pad(W_out, ((0, 0), (0, _H - _C)))
  bo_pad = jnp.pad(b_out, (0, _H - _C)).reshape(1, _H)

  z0 = _m0_kernel(x_0, W_in, b_in2, W0_e, b0e2, wv_col)
  pe = _spmm_edge(z0, ni, ei)
  z1 = _m_edge(pe[0, :_EH], pe[1, :_EH], ne0, ne1, W0_v, b0v2, we_col)
  pv = _spmm_node(z1, ei, ni)
  z2 = _m_node(pv[0, :_N], pv[1, :_N], nv0, nv1, W1_e, b1e2, wv_col)
  pe2 = _spmm_edge(z2, ni, ei)
  x1, z3 = _m_edge_keep(pe2[0, :_EH], pe2[1, :_EH], ne0, ne1, W1_v, b1v2, we_col)
  pv2 = _spmm_node(z3, ei, ni)
  y_pad = _m_out(pv2[0, :_N], pv2[1, :_N], nv0, nv1, wo_pad, bo_pad)
  return (y_pad[:, :_C], x1)

# --- scband reference (transcript-rebuilt; emitter-appended) ---
"""Pipeline reference for scband-hnhn2-90615220011533 (READ-ONLY COPY).

The authoritative reference and input builder live on the scoring server;
editing this copy changes nothing except your own understanding.
"""

import jax, jax.numpy as jnp
import numpy as np

N = 10000      # n_nodes
EH = 5000      # n_hyperedges
NNZ = 320000   # incidence nonzeros
F_IN = 128
H = 128
C = 40
ALPHA = -1.5
BETA = -0.5


def _lin_init(key, fan_in, fan_out):
    s = 1.0 / np.sqrt(fan_in)
    return jax.random.uniform(key, (fan_in, fan_out), minval=-s, maxval=s, dtype=jnp.float32)


def setup_inputs(seed: int = 0) -> dict:
    key = jax.random.key(seed)
    ks = jax.random.split(key, 12)
    x_0 = jax.random.normal(ks[0], (N, F_IN), dtype=jnp.float32)
    node_idx = jax.random.randint(ks[1], (NNZ,), 0, N, dtype=jnp.int64 if jax.config.jax_enable_x64 else jnp.int32)
    edge_idx = jax.random.randint(ks[2], (NNZ,), 0, EH, dtype=jnp.int64 if jax.config.jax_enable_x64 else jnp.int32)
    inp = {
        'x_0': x_0,
        'node_idx': node_idx,
        'edge_idx': edge_idx,
        'W_in': _lin_init(ks[3], F_IN, H),
        'b_in': jnp.zeros((H,), dtype=jnp.float32),
        'W0_e': _lin_init(ks[4], H, H),
        'b0_e': jnp.zeros((H,), dtype=jnp.float32),
        'W0_v': _lin_init(ks[5], H, H),
        'b0_v': jnp.zeros((H,), dtype=jnp.float32),
        'W1_e': _lin_init(ks[6], H, H),
        'b1_e': jnp.zeros((H,), dtype=jnp.float32),
        'W1_v': _lin_init(ks[7], H, H),
        'b1_v': jnp.zeros((H,), dtype=jnp.float32),
        'W_out': _lin_init(ks[8], H, C),
        'b_out': jnp.zeros((C,), dtype=jnp.float32),
    }
    return inp


def _hnhn_layer(x0, node_idx, edge_idx, We, be, Wv, bv):
    ones = jnp.ones((NNZ,), dtype=jnp.float32)
    d_v = jax.ops.segment_sum(ones, node_idx, num_segments=N)
    d_e = jax.ops.segment_sum(ones, edge_idx, num_segments=EH)
    w_v = jnp.maximum(d_v, 1.0) ** ALPHA   # node weights, exponent alpha
    w_e = jnp.maximum(d_e, 1.0) ** BETA    # hyperedge weights, exponent beta
    # node -> hyperedge (weighted, normalized): x_1 = sigma(D_e(alpha)^-1 B^T D_v(alpha) (x_0 W_e + b_e))
    norm_e = jnp.maximum(jax.ops.segment_sum(w_v[node_idx], edge_idx, num_segments=EH), 1e-12)
    xe_lin = x0 @ We + be
    msg_e = w_v[node_idx][:, None] * xe_lin[node_idx]
    x1 = jax.ops.segment_sum(msg_e, edge_idx, num_segments=EH) / norm_e[:, None]
    x1 = jax.nn.relu(x1)
    # hyperedge -> node: x_0' = sigma(D_v(beta)^-1 B D_e(beta) (x_1 W_v + b_v))
    norm_v = jnp.maximum(jax.ops.segment_sum(w_e[edge_idx], node_idx, num_segments=N), 1e-12)
    xv_lin = x1 @ Wv + bv
    msg_v = w_e[edge_idx][:, None] * xv_lin[edge_idx]
    x0_new = jax.ops.segment_sum(msg_v, node_idx, num_segments=N) / norm_v[:, None]
    x0_new = jax.nn.relu(x0_new)
    return x0_new, x1


def reference(x_0, node_idx, edge_idx, W_in, b_in, W0_e, b0_e, W0_v, b0_v, W1_e, b1_e, W1_v, b1_v, W_out, b_out):
    x0 = x_0 @ W_in + b_in
    x1 = jnp.zeros((EH, H), dtype=jnp.float32)
    # layer 0 (dropout is identity in inference/reference mode)
    x0, x1 = _hnhn_layer(x0, node_idx, edge_idx, W0_e, b0_e, W0_v, b0_v)
    # layer 1 (last layer: no dropout in original module either)
    x0, x1 = _hnhn_layer(x0, node_idx, edge_idx, W1_e, b1_e, W1_v, b1_v)
    y_pred = x0 @ W_out + b_out
    return (y_pred, x1)


if False:  # reference __main__ guard neutralized (emitter)
    out = reference(**setup_inputs())
    print(out[0].shape, out[1].shape)

if __name__ == "__main__":
    import jax
    _d = setup_inputs()
    print(jax.jit(kernel)(*tuple(_d.values())))

</pallas_src>

<mosaic_0001>
#map = affine_map<(d0, d1) -> (0, 0)>
#map1 = affine_map<(d0, d1) -> (0)>
#map2 = affine_map<(d0, d1) -> (0, 0, 0)>
module attributes {stable_mosaic.version = 14 : i64} {
  func.func @body(%arg0: i32, %arg1: i32, %arg2: memref<10000x128xf32, #tpu.memory_space<hbm>>, %arg3: memref<320000xi32, #tpu.memory_space<hbm>>, %arg4: memref<320000xi32, #tpu.memory_space<hbm>>, %arg5: memref<2x5120x128xf32, #tpu.memory_space<hbm>>, %arg6: memref<5120x128xf32, #tpu.memory_space<vmem_shared>>, %arg7: memref<40x128xf32, #tpu.memory_space<vmem>>, %arg8: memref<128xi32, #tpu.memory_space<vmem>>, %arg9: memref<128xi32, #tpu.memory_space<vmem>>, %arg10: memref<128x128xf32, #tpu.memory_space<vmem>>, %arg11: memref<!tpu.dma_semaphore, #tpu.memory_space<semaphore_mem>>) attributes {dimension_semantics = [#tpu.dimension_semantics<core_parallel>, #tpu.dimension_semantics<subcore_parallel>], iteration_bounds = array<i64: 2, 16>, scalar_prefetch = 0 : i64, scratch_operands = 6 : i64, tpu.core_type = #tpu.core_type<sc_vector_subcore>, window_params = [{transform_indices = #map}, {transform_indices = #map1}, {transform_indices = #map1}, {transform_indices = #map2}]} {
    %scan3A = arith.constant 0 : i32
    %scan3A_0 = arith.constant 0 : i32
    %scan3A_1 = arith.constant 40 : i32
    %scan3A_2 = arith.addi %scan3A_0, %scan3A_1 : i32
    %scan3A_3 = arith.constant 1 : i32
    %scan3A_4 = scf.for %scan3A_56 = %scan3A_0 to %scan3A_2 step %scan3A_3 iter_args(%scan3A_57 = %scan3A) -> (i32)  : i32 {
      %broadcast_in_dim3A = arith.constant 0.000000e+00 : f32
      %broadcast_in_dim3A_58 = vector.broadcast %broadcast_in_dim3A : f32 to vector<16xf32>
      %swap3A = arith.index_cast %scan3A_56 : i32 to index
      %swap3A_59 = arith.constant 0 : index
      %swap3A_60 = tpu.vector_load %arg7[%swap3A, %swap3A_59] {strides = array<i32>} : memref<40x128xf32, #tpu.memory_space<vmem>>, vector<1x16xf32>,
      %swap3A_61 = vector.shape_cast %swap3A_60 : vector<1x16xf32> to vector<16xf32>
      %swap3A_62 = vector.shape_cast %broadcast_in_dim3A_58 : vector<16xf32> to vector<1x16xf32>
      tpu.vector_store %arg7[%swap3A, %swap3A_59], %swap3A_62 {strides = array<i32>} : memref<40x128xf32, #tpu.memory_space<vmem>>, vector<1x16xf32>,
      %broadcast_in_dim3A_63 = arith.constant 0.000000e+00 : f32
      %broadcast_in_dim3A_64 = vector.broadcast %broadcast_in_dim3A_63 : f32 to vector<16xf32>
      %swap3A_65 = arith.index_cast %scan3A_56 : i32 to index
      %swap3A_66 = arith.constant 16 : index
      %swap3A_67 = tpu.vector_load %arg7[%swap3A_65, %swap3A_66] {strides = array<i32>} : memref<40x128xf32, #tpu.memory_space<vmem>>, vector<1x16xf32>,
      %swap3A_68 = vector.shape_cast %swap3A_67 : vector<1x16xf32> to vector<16xf32>
      %swap3A_69 = vector.shape_cast %broadcast_in_dim3A_64 : vector<16xf32> to vector<1x16xf32>
      tpu.vector_store %arg7[%swap3A_65, %swap3A_66], %swap3A_69 {strides = array<i32>} : memref<40x128xf32, #tpu.memory_space<vmem>>, vector<1x16xf32>,
      %broadcast_in_dim3A_70 = arith.constant 0.000000e+00 : f32
      %broadcast_in_dim3A_71 = vector.broadcast %broadcast_in_dim3A_70 : f32 to vector<16xf32>
      %swap3A_72 = arith.index_cast %scan3A_56 : i32 to index
      %swap3A_73 = arith.constant 32 : index
      %swap3A_74 = tpu.vector_load %arg7[%swap3A_72, %swap3A_73] {strides = array<i32>} : memref<40x128xf32, #tpu.memory_space<vmem>>, vector<1x16xf32>,
      %swap3A_75 = vector.shape_cast %swap3A_74 : vector<1x16xf32> to vector<16xf32>
      %swap3A_76 = vector.shape_cast %broadcast_in_dim3A_71 : vector<16xf32> to vector<1x16xf32>
      tpu.vector_store %arg7[%swap3A_72, %swap3A_73], %swap3A_76 {strides = array<i32>} : memref<40x128xf32, #tpu.memory_space<vmem>>, vector<1x16xf32>,
      %broadcast_in_dim3A_77 = arith.constant 0.000000e+00 : f32
      %broadcast_in_dim3A_78 = vector.broadcast %broadcast_in_dim3A_77 : f32 to vector<16xf32>
      %swap3A_79 = arith.index_cast %scan3A_56 : i32 to index
      %swap3A_80 = arith.constant 48 : index
      %swap3A_81 = tpu.vector_load %arg7[%swap3A_79, %swap3A_80] {strides = array<i32>} : memref<40x128xf32, #tpu.memory_space<vmem>>, vector<1x16xf32>,
      %swap3A_82 = vector.shape_cast %swap3A_81 : vector<1x16xf32> to vector<16xf32>
      %swap3A_83 = vector.shape_cast %broadcast_in_dim3A_78 : vector<16xf32> to vector<1x16xf32>
      tpu.vector_store %arg7[%swap3A_79, %swap3A_80], %swap3A_83 {strides = array<i32>} : memref<40x128xf32, #tpu.memory_space<vmem>>, vector<1x16xf32>,
      %broadcast_in_dim3A_84 = arith.constant 0.000000e+00 : f32
      %broadcast_in_dim3A_85 = vector.broadcast %broadcast_in_dim3A_84 : f32 to vector<16xf32>
      %swap3A_86 = arith.index_cast %scan3A_56 : i32 to index
      %swap3A_87 = arith.constant 64 : index
      %swap3A_88 = tpu.vector_load %arg7[%swap3A_86, %swap3A_87] {strides = array<i32>} : memref<40x128xf32, #tpu.memory_space<vmem>>, vector<1x16xf32>,
      %swap3A_89 = vector.shape_cast %swap3A_88 : vector<1x16xf32> to vector<16xf32>
      %swap3A_90 = vector.shape_cast %broadcast_in_dim3A_85 : vector<16xf32> to vector<1x16xf32>
      tpu.vector_store %arg7[%swap3A_86, %swap3A_87], %swap3A_90 {strides = array<i32>} : memref<40x128xf32, #tpu.memory_space<vmem>>, vector<1x16xf32>,
      %broadcast_in_dim3A_91 = arith.constant 0.000000e+00 : f32
      %broadcast_in_dim3A_92 = vector.broadcast %broadcast_in_dim3A_91 : f32 to vector<16xf32>
      %swap3A_93 = arith.index_cast %scan3A_56 : i32 to index
      %swap3A_94 = arith.constant 80 : index
      %swap3A_95 = tpu.vector_load %arg7[%swap3A_93, %swap3A_94] {strides = array<i32>} : memref<40x128xf32, #tpu.memory_space<vmem>>, vector<1x16xf32>,
      %swap3A_96 = vector.shape_cast %swap3A_95 : vector<1x16xf32> to vector<16xf32>
      %swap3A_97 = vector.shape_cast %broadcast_in_dim3A_92 : vector<16xf32> to vector<1x16xf32>
      tpu.vector_store %arg7[%swap3A_93, %swap3A_94], %swap3A_97 {strides = array<i32>} : memref<40x128xf32, #tpu.memory_space<vmem>>, vector<1x16xf32>,
      %broadcast_in_dim3A_98 = arith.constant 0.000000e+00 : f32
      %broadcast_in_dim3A_99 = vector.broadcast %broadcast_in_dim3A_98 : f32 to vector<16xf32>
      %swap3A_100 = arith.index_cast %scan3A_56 : i32 to index
      %swap3A_101 = arith.constant 96 : index
      %swap3A_102 = tpu.vector_load %arg7[%swap3A_100, %swap3A_101] {strides = array<i32>} : memref<40x128xf32, #tpu.memory_space<vmem>>, vector<1x16xf32>,
      %swap3A_103 = vector.shape_cast %swap3A_102 : vector<1x16xf32> to vector<16xf32>
      %swap3A_104 = vector.shape_cast %broadcast_in_dim3A_99 : vector<16xf32> to vector<1x16xf32>
      tpu.vector_store %arg7[%swap3A_100, %swap3A_101], %swap3A_104 {strides = array<i32>} : memref<40x128xf32, #tpu.memory_space<vmem>>, vector<1x16xf32>,
      %broadcast_in_dim3A_105 = arith.constant 0.000000e+00 : f32
      %broadcast_in_dim3A_106 = vector.broadcast %broadcast_in_dim3A_105 : f32 to vector<16xf32>
      %swap3A_107 = arith.index_cast %scan3A_56 : i32 to index
      %swap3A_108 = arith.constant 112 : index
      %swap3A_109 = tpu.vector_load %arg7[%swap3A_107, %swap3A_108] {strides = array<i32>} : memref<40x128xf32, #tpu.memory_space<vmem>>, vector<1x16xf32>,
      %swap3A_110 = vector.shape_cast %swap3A_109 : vector<1x16xf32> to vector<16xf32>
      %swap3A_111 = vector.shape_cast %broadcast_in_dim3A_106 : vector<16xf32> to vector<1x16xf32>
      tpu.vector_store %arg7[%swap3A_107, %swap3A_108], %swap3A_111 {strides = array<i32>} : memref<40x128xf32, #tpu.memory_space<vmem>>, vector<1x16xf32>,
      %scan3A_112 = arith.constant 0 : i32
      scf.yield %scan3A_112 : i32
    }
    %scan3A_5 = arith.constant 40 : i32
    %mul3A = arith.constant 320 : i32
    %mul3A_6 = arith.muli %arg1, %mul3A : i32
    %add3A = arith.constant 0 : i32
    %add3A_7 = arith.addi %mul3A_6, %add3A : i32
    "tpu.region"() ({
      %run_scoped3A = tpu.sem_alloc : memref<!tpu.dma_semaphore, #tpu.memory_space<semaphore_mem>>
      %dma_start3A = arith.constant 0 : i32
      %dma_start3A_56 = tpu.memref_slice %arg6[%add3A_7, %dma_start3A] : memref<5120x128xf32, #tpu.memory_space<vmem_shared>> -> memref<40x128xf32, #tpu.memory_space<vmem_shared>>
      %dma_start3A_57 = arith.constant 0 : i32
      %dma_start3A_58 = tpu.memref_slice %arg6[%add3A_7, %dma_start3A_57] : memref<5120x128xf32, #tpu.memory_space<vmem_shared>> -> memref<40x128xf32, #tpu.memory_space<vmem_shared>>
      tpu.enqueue_dma source(%arg7 : memref<40x128xf32, #tpu.memory_space<vmem>>) target(%dma_start3A_58 : memref<40x128xf32, #tpu.memory_space<vmem_shared>>) target_semaphore(%run_scoped3A : memref<!tpu.dma_semaphore, #tpu.memory_space<semaphore_mem>>)
      %dma_wait3A = arith.constant 0 : i32
      %dma_wait3A_59 = tpu.memref_slice %arg6[%add3A_7, %dma_wait3A] : memref<5120x128xf32, #tpu.memory_space<vmem_shared>> -> memref<40x128xf32, #tpu.memory_space<vmem_shared>>
      %dma_wait3A_60 = arith.constant 0 : i32
      %dma_wait3A_61 = tpu.memref_slice %arg6[%add3A_7, %dma_wait3A_60] : memref<5120x128xf32, #tpu.memory_space<vmem_shared>> -> memref<40x128xf32, #tpu.memory_space<vmem_shared>>
      tpu.wait_dma2 semaphore(%run_scoped3A : memref<!tpu.dma_semaphore, #tpu.memory_space<semaphore_mem>>) src(%arg7 : memref<40x128xf32, #tpu.memory_space<vmem>>) dst(%dma_wait3A_61 : memref<40x128xf32, #tpu.memory_space<vmem_shared>>)
      tpu.yield
    }) : () -> ()
    %mul3A_8 = arith.constant 320 : i32
    %mul3A_9 = arith.muli %arg1, %mul3A_8 : i32
    %add3A_10 = arith.constant 40 : i32
    %add3A_11 = arith.addi %mul3A_9, %add3A_10 : i32
    "tpu.region"() ({
      %run_scoped3A = tpu.sem_alloc : memref<!tpu.dma_semaphore, #tpu.memory_space<semaphore_mem>>
      %dma_start3A = arith.constant 0 : i32
      %dma_start3A_56 = tpu.memref_slice %arg6[%add3A_11, %dma_start3A] : memref<5120x128xf32, #tpu.memory_space<vmem_shared>> -> memref<40x128xf32, #tpu.memory_space<vmem_shared>>
      %dma_start3A_57 = arith.constant 0 : i32
      %dma_start3A_58 = tpu.memref_slice %arg6[%add3A_11, %dma_start3A_57] : memref<5120x128xf32, #tpu.memory_space<vmem_shared>> -> memref<40x128xf32, #tpu.memory_space<vmem_shared>>
      tpu.enqueue_dma source(%arg7 : memref<40x128xf32, #tpu.memory_space<vmem>>) target(%dma_start3A_58 : memref<40x128xf32, #tpu.memory_space<vmem_shared>>) target_semaphore(%run_scoped3A : memref<!tpu.dma_semaphore, #tpu.memory_space<semaphore_mem>>)
      %dma_wait3A = arith.constant 0 : i32
      %dma_wait3A_59 = tpu.memref_slice %arg6[%add3A_11, %dma_wait3A] : memref<5120x128xf32, #tpu.memory_space<vmem_shared>> -> memref<40x128xf32, #tpu.memory_space<vmem_shared>>
      %dma_wait3A_60 = arith.constant 0 : i32
      %dma_wait3A_61 = tpu.memref_slice %arg6[%add3A_11, %dma_wait3A_60] : memref<5120x128xf32, #tpu.memory_space<vmem_shared>> -> memref<40x128xf32, #tpu.memory_space<vmem_shared>>
      tpu.wait_dma2 semaphore(%run_scoped3A : memref<!tpu.dma_semaphore, #tpu.memory_space<semaphore_mem>>) src(%arg7 : memref<40x128xf32, #tpu.memory_space<vmem>>) dst(%dma_wait3A_61 : memref<40x128xf32, #tpu.memory_space<vmem_shared>>)
      tpu.yield
    }) : () -> ()
    %mul3A_12 = arith.constant 320 : i32
    %mul3A_13 = arith.muli %arg1, %mul3A_12 : i32
    %add3A_14 = arith.constant 80 : i32
    %add3A_15 = arith.addi %mul3A_13, %add3A_14 : i32
    "tpu.region"() ({
      %run_scoped3A = tpu.sem_alloc : memref<!tpu.dma_semaphore, #tpu.memory_space<semaphore_mem>>
      %dma_start3A = arith.constant 0 : i32
      %dma_start3A_56 = tpu.memref_slice %arg6[%add3A_15, %dma_start3A] : memref<5120x128xf32, #tpu.memory_space<vmem_shared>> -> memref<40x128xf32, #tpu.memory_space<vmem_shared>>
      %dma_start3A_57 = arith.constant 0 : i32
      %dma_start3A_58 = tpu.memref_slice %arg6[%add3A_15, %dma_start3A_57] : memref<5120x128xf32, #tpu.memory_space<vmem_shared>> -> memref<40x128xf32, #tpu.memory_space<vmem_shared>>
      tpu.enqueue_dma source(%arg7 : memref<40x128xf32, #tpu.memory_space<vmem>>) target(%dma_start3A_58 : memref<40x128xf32, #tpu.memory_space<vmem_shared>>) target_semaphore(%run_scoped3A : memref<!tpu.dma_semaphore, #tpu.memory_space<semaphore_mem>>)
      %dma_wait3A = arith.constant 0 : i32
      %dma_wait3A_59 = tpu.memref_slice %arg6[%add3A_15, %dma_wait3A] : memref<5120x128xf32, #tpu.memory_space<vmem_shared>> -> memref<40x128xf32, #tpu.memory_space<vmem_shared>>
      %dma_wait3A_60 = arith.constant 0 : i32
      %dma_wait3A_61 = tpu.memref_slice %arg6[%add3A_15, %dma_wait3A_60] : memref<5120x128xf32, #tpu.memory_space<vmem_shared>> -> memref<40x128xf32, #tpu.memory_space<vmem_shared>>
      tpu.wait_dma2 semaphore(%run_scoped3A : memref<!tpu.dma_semaphore, #tpu.memory_space<semaphore_mem>>) src(%arg7 : memref<40x128xf32, #tpu.memory_space<vmem>>) dst(%dma_wait3A_61 : memref<40x128xf32, #tpu.memory_space<vmem_shared>>)
      tpu.yield
    }) : () -> ()
    %mul3A_16 = arith.constant 320 : i32
    %mul3A_17 = arith.muli %arg1, %mul3A_16 : i32
    %add3A_18 = arith.constant 120 : i32
    %add3A_19 = arith.addi %mul3A_17, %add3A_18 : i32
    "tpu.region"() ({
      %run_scoped3A = tpu.sem_alloc : memref<!tpu.dma_semaphore, #tpu.memory_space<semaphore_mem>>
      %dma_start3A = arith.constant 0 : i32
      %dma_start3A_56 = tpu.memref_slice %arg6[%add3A_19, %dma_start3A] : memref<5120x128xf32, #tpu.memory_space<vmem_shared>> -> memref<40x128xf32, #tpu.memory_space<vmem_shared>>
      %dma_start3A_57 = arith.constant 0 : i32
      %dma_start3A_58 = tpu.memref_slice %arg6[%add3A_19, %dma_start3A_57] : memref<5120x128xf32, #tpu.memory_space<vmem_shared>> -> memref<40x128xf32, #tpu.memory_space<vmem_shared>>
      tpu.enqueue_dma source(%arg7 : memref<40x128xf32, #tpu.memory_space<vmem>>) target(%dma_start3A_58 : memref<40x128xf32, #tpu.memory_space<vmem_shared>>) target_semaphore(%run_scoped3A : memref<!tpu.dma_semaphore, #tpu.memory_space<semaphore_mem>>)
      %dma_wait3A = arith.constant 0 : i32
      %dma_wait3A_59 = tpu.memref_slice %arg6[%add3A_19, %dma_wait3A] : memref<5120x128xf32, #tpu.memory_space<vmem_shared>> -> memref<40x128xf32, #tpu.memory_space<vmem_shared>>
      %dma_wait3A_60 = arith.constant 0 : i32
      %dma_wait3A_61 = tpu.memref_slice %arg6[%add3A_19, %dma_wait3A_60] : memref<5120x128xf32, #tpu.memory_space<vmem_shared>> -> memref<40x128xf32, #tpu.memory_space<vmem_shared>>
      tpu.wait_dma2 semaphore(%run_scoped3A : memref<!tpu.dma_semaphore, #tpu.memory_space<semaphore_mem>>) src(%arg7 : memref<40x128xf32, #tpu.memory_space<vmem>>) dst(%dma_wait3A_61 : memref<40x128xf32, #tpu.memory_space<vmem_shared>>)
      tpu.yield
    }) : () -> ()
    %mul3A_20 = arith.constant 320 : i32
    %mul3A_21 = arith.muli %arg1, %mul3A_20 : i32
    %add3A_22 = arith.constant 160 : i32
    %add3A_23 = arith.addi %mul3A_21, %add3A_22 : i32
    "tpu.region"() ({
      %run_scoped3A = tpu.sem_alloc : memref<!tpu.dma_semaphore, #tpu.memory_space<semaphore_mem>>
      %dma_start3A = arith.constant 0 : i32
      %dma_start3A_56 = tpu.memref_slice %arg6[%add3A_23, %dma_start3A] : memref<5120x128xf32, #tpu.memory_space<vmem_shared>> -> memref<40x128xf32, #tpu.memory_space<vmem_shared>>
      %dma_start3A_57 = arith.constant 0 : i32
      %dma_start3A_58 = tpu.memref_slice %arg6[%add3A_23, %dma_start3A_57] : memref<5120x128xf32, #tpu.memory_space<vmem_shared>> -> memref<40x128xf32, #tpu.memory_space<vmem_shared>>
      tpu.enqueue_dma source(%arg7 : memref<40x128xf32, #tpu.memory_space<vmem>>) target(%dma_start3A_58 : memref<40x128xf32, #tpu.memory_space<vmem_shared>>) target_semaphore(%run_scoped3A : memref<!tpu.dma_semaphore, #tpu.memory_space<semaphore_mem>>)
      %dma_wait3A = arith.constant 0 : i32
      %dma_wait3A_59 = tpu.memref_slice %arg6[%add3A_23, %dma_wait3A] : memref<5120x128xf32, #tpu.memory_space<vmem_shared>> -> memref<40x128xf32, #tpu.memory_space<vmem_shared>>
      %dma_wait3A_60 = arith.constant 0 : i32
      %dma_wait3A_61 = tpu.memref_slice %arg6[%add3A_23, %dma_wait3A_60] : memref<5120x128xf32, #tpu.memory_space<vmem_shared>> -> memref<40x128xf32, #tpu.memory_space<vmem_shared>>
      tpu.wait_dma2 semaphore(%run_scoped3A : memref<!tpu.dma_semaphore, #tpu.memory_space<semaphore_mem>>) src(%arg7 : memref<40x128xf32, #tpu.memory_space<vmem>>) dst(%dma_wait3A_61 : memref<40x128xf32, #tpu.memory_space<vmem_shared>>)
      tpu.yield
    }) : () -> ()
    %mul3A_24 = arith.constant 320 : i32
    %mul3A_25 = arith.muli %arg1, %mul3A_24 : i32
    %add3A_26 = arith.constant 200 : i32
    %add3A_27 = arith.addi %mul3A_25, %add3A_26 : i32
    "tpu.region"() ({
      %run_scoped3A = tpu.sem_alloc : memref<!tpu.dma_semaphore, #tpu.memory_space<semaphore_mem>>
      %dma_start3A = arith.constant 0 : i32
      %dma_start3A_56 = tpu.memref_slice %arg6[%add3A_27, %dma_start3A] : memref<5120x128xf32, #tpu.memory_space<vmem_shared>> -> memref<40x128xf32, #tpu.memory_space<vmem_shared>>
      %dma_start3A_57 = arith.constant 0 : i32
      %dma_start3A_58 = tpu.memref_slice %arg6[%add3A_27, %dma_start3A_57] : memref<5120x128xf32, #tpu.memory_space<vmem_shared>> -> memref<40x128xf32, #tpu.memory_space<vmem_shared>>
      tpu.enqueue_dma source(%arg7 : memref<40x128xf32, #tpu.memory_space<vmem>>) target(%dma_start3A_58 : memref<40x128xf32, #tpu.memory_space<vmem_shared>>) target_semaphore(%run_scoped3A : memref<!tpu.dma_semaphore, #tpu.memory_space<semaphore_mem>>)
      %dma_wait3A = arith.constant 0 : i32
      %dma_wait3A_59 = tpu.memref_slice %arg6[%add3A_27, %dma_wait3A] : memref<5120x128xf32, #tpu.memory_space<vmem_shared>> -> memref<40x128xf32, #tpu.memory_space<vmem_shared>>
      %dma_wait3A_60 = arith.constant 0 : i32
      %dma_wait3A_61 = tpu.memref_slice %arg6[%add3A_27, %dma_wait3A_60] : memref<5120x128xf32, #tpu.memory_space<vmem_shared>> -> memref<40x128xf32, #tpu.memory_space<vmem_shared>>
      tpu.wait_dma2 semaphore(%run_scoped3A : memref<!tpu.dma_semaphore, #tpu.memory_space<semaphore_mem>>) src(%arg7 : memref<40x128xf32, #tpu.memory_space<vmem>>) dst(%dma_wait3A_61 : memref<40x128xf32, #tpu.memory_space<vmem_shared>>)
      tpu.yield
    }) : () -> ()
    %mul3A_28 = arith.constant 320 : i32
    %mul3A_29 = arith.muli %arg1, %mul3A_28 : i32
    %add3A_30 = arith.constant 240 : i32
    %add3A_31 = arith.addi %mul3A_29, %add3A_30 : i32
    "tpu.region"() ({
      %run_scoped3A = tpu.sem_alloc : memref<!tpu.dma_semaphore, #tpu.memory_space<semaphore_mem>>
      %dma_start3A = arith.constant 0 : i32
      %dma_start3A_56 = tpu.memref_slice %arg6[%add3A_31, %dma_start3A] : memref<5120x128xf32, #tpu.memory_space<vmem_shared>> -> memref<40x128xf32, #tpu.memory_space<vmem_shared>>
      %dma_start3A_57 = arith.constant 0 : i32
      %dma_start3A_58 = tpu.memref_slice %arg6[%add3A_31, %dma_start3A_57] : memref<5120x128xf32, #tpu.memory_space<vmem_shared>> -> memref<40x128xf32, #tpu.memory_space<vmem_shared>>
      tpu.enqueue_dma source(%arg7 : memref<40x128xf32, #tpu.memory_space<vmem>>) target(%dma_start3A_58 : memref<40x128xf32, #tpu.memory_space<vmem_shared>>) target_semaphore(%run_scoped3A : memref<!tpu.dma_semaphore, #tpu.memory_space<semaphore_mem>>)
      %dma_wait3A = arith.constant 0 : i32
      %dma_wait3A_59 = tpu.memref_slice %arg6[%add3A_31, %dma_wait3A] : memref<5120x128xf32, #tpu.memory_space<vmem_shared>> -> memref<40x128xf32, #tpu.memory_space<vmem_shared>>
      %dma_wait3A_60 = arith.constant 0 : i32
      %dma_wait3A_61 = tpu.memref_slice %arg6[%add3A_31, %dma_wait3A_60] : memref<5120x128xf32, #tpu.memory_space<vmem_shared>> -> memref<40x128xf32, #tpu.memory_space<vmem_shared>>
      tpu.wait_dma2 semaphore(%run_scoped3A : memref<!tpu.dma_semaphore, #tpu.memory_space<semaphore_mem>>) src(%arg7 : memref<40x128xf32, #tpu.memory_space<vmem>>) dst(%dma_wait3A_61 : memref<40x128xf32, #tpu.memory_space<vmem_shared>>)
      tpu.yield
    }) : () -> ()
    %mul3A_32 = arith.constant 320 : i32
    %mul3A_33 = arith.muli %arg1, %mul3A_32 : i32
    %add3A_34 = arith.constant 280 : i32
    %add3A_35 = arith.addi %mul3A_33, %add3A_34 : i32
    "tpu.region"() ({
      %run_scoped3A = tpu.sem_alloc : memref<!tpu.dma_semaphore, #tpu.memory_space<semaphore_mem>>
      %dma_start3A = arith.constant 0 : i32
      %dma_start3A_56 = tpu.memref_slice %arg6[%add3A_35, %dma_start3A] : memref<5120x128xf32, #tpu.memory_space<vmem_shared>> -> memref<40x128xf32, #tpu.memory_space<vmem_shared>>
      %dma_start3A_57 = arith.constant 0 : i32
      %dma_start3A_58 = tpu.memref_slice %arg6[%add3A_35, %dma_start3A_57] : memref<5120x128xf32, #tpu.memory_space<vmem_shared>> -> memref<40x128xf32, #tpu.memory_space<vmem_shared>>
      tpu.enqueue_dma source(%arg7 : memref<40x128xf32, #tpu.memory_space<vmem>>) target(%dma_start3A_58 : memref<40x128xf32, #tpu.memory_space<vmem_shared>>) target_semaphore(%run_scoped3A : memref<!tpu.dma_semaphore, #tpu.memory_space<semaphore_mem>>)
      %dma_wait3A = arith.constant 0 : i32
      %dma_wait3A_59 = tpu.memref_slice %arg6[%add3A_35, %dma_wait3A] : memref<5120x128xf32, #tpu.memory_space<vmem_shared>> -> memref<40x128xf32, #tpu.memory_space<vmem_shared>>
      %dma_wait3A_60 = arith.constant 0 : i32
      %dma_wait3A_61 = tpu.memref_slice %arg6[%add3A_35, %dma_wait3A_60] : memref<5120x128xf32, #tpu.memory_space<vmem_shared>> -> memref<40x128xf32, #tpu.memory_space<vmem_shared>>
      tpu.wait_dma2 semaphore(%run_scoped3A : memref<!tpu.dma_semaphore, #tpu.memory_space<semaphore_mem>>) src(%arg7 : memref<40x128xf32, #tpu.memory_space<vmem>>) dst(%dma_wait3A_61 : memref<40x128xf32, #tpu.memory_space<vmem_shared>>)
      tpu.yield
    }) : () -> ()
    %barrier3A = arith.constant 0 : index
    tpu.barrier barrier_id(%barrier3A)
    %lt3A = arith.constant 2 : i32
    %lt3A_36 = arith.cmpi slt, %arg1, %lt3A : i32
    %jit3A = arith.constant 1 : i32
    %jit3A_37 = arith.constant 0 : i32
    %select_n3A = arith.select %lt3A_36, %jit3A, %jit3A_37 : i32
    %add3A_38 = arith.constant 78 : i32
    %add3A_39 = arith.addi %add3A_38, %select_n3A : i32
    %while3A = arith.constant 0 : i32
    %while3A_40 = arith.constant 0 : i32
    %while3A_41 = arith.subi %add3A_39, %while3A : i32
    %while3A_42 = arith.addi %while3A, %while3A_41 : i32
    %while3A_43 = arith.constant 1 : i32
    %while3A_44 = arith.divsi %while3A_41, %while3A_43 : i32
    %while3A_45 = arith.muli %while3A_44, %while3A_43 : i32
    %while3A_46 = arith.addi %while3A, %while3A_45 : i32
    %while3A_47 = arith.constant 1 : i32
    %while3A_48 = scf.for %while3A_56 = %while3A to %while3A_46 step %while3A_47 iter_args(%while3A_57 = %while3A_40) -> (i32)  : i32 {
      %mul3A_58 = arith.constant 1250 : i32
      %mul3A_59 = arith.muli %arg0, %mul3A_58 : i32
      %mul3A_60 = arith.constant 16 : i32
      %mul3A_61 = arith.muli %while3A_56, %mul3A_60 : i32
      %add3A_62 = arith.addi %mul3A_59, %mul3A_61 : i32
      %add3A_63 = arith.addi %add3A_62, %arg1 : i32
      %mul3A_64 = arith.constant 128 : i32
      %mul3A_65 = arith.muli %add3A_63, %mul3A_64 : i32
      "tpu.region"() ({
        %run_scoped3A = tpu.sem_alloc : memref<!tpu.dma_semaphore, #tpu.memory_space<semaphore_mem>>
        %dma_start3A_71 = tpu.memref_slice %arg3[%mul3A_65] : memref<320000xi32, #tpu.memory_space<hbm>> -> memref<128xi32, #tpu.memory_space<hbm>>
        %dma_start3A_72 = tpu.memref_slice %arg3[%mul3A_65] : memref<320000xi32, #tpu.memory_space<hbm>> -> memref<128xi32, #tpu.memory_space<hbm>>
        tpu.enqueue_dma source(%dma_start3A_72 : memref<128xi32, #tpu.memory_space<hbm>>) target(%arg8 : memref<128xi32, #tpu.memory_space<vmem>>) target_semaphore(%run_scoped3A : memref<!tpu.dma_semaphore, #tpu.memory_space<semaphore_mem>>)
        %dma_wait3A_73 = tpu.memref_slice %arg3[%mul3A_65] : memref<320000xi32, #tpu.memory_space<hbm>> -> memref<128xi32, #tpu.memory_space<hbm>>
        %dma_wait3A_74 = tpu.memref_slice %arg3[%mul3A_65] : memref<320000xi32, #tpu.memory_space<hbm>> -> memref<128xi32, #tpu.memory_space<hbm>>
        tpu.wait_dma2 semaphore(%run_scoped3A : memref<!tpu.dma_semaphore, #tpu.memory_space<semaphore_mem>>) src(%dma_wait3A_74 : memref<128xi32, #tpu.memory_space<hbm>>) dst(%arg8 : memref<128xi32, #tpu.memory_space<vmem>>)
        tpu.yield
      }) : () -> ()
      "tpu.region"() ({
        %run_scoped3A = tpu.sem_alloc : memref<!tpu.dma_semaphore, #tpu.memory_space<semaphore_mem>>
        %dma_start3A_71 = tpu.memref_slice %arg4[%mul3A_65] : memref<320000xi32, #tpu.memory_space<hbm>> -> memref<128xi32, #tpu.memory_space<hbm>>
        %dma_start3A_72 = tpu.memref_slice %arg4[%mul3A_65] : memref<320000xi32, #tpu.memory_space<hbm>> -> memref<128xi32, #tpu.memory_space<hbm>>
        tpu.enqueue_dma source(%dma_start3A_72 : memref<128xi32, #tpu.memory_space<hbm>>) target(%arg9 : memref<128xi32, #tpu.memory_space<vmem>>) target_semaphore(%run_scoped3A : memref<!tpu.dma_semaphore, #tpu.memory_space<semaphore_mem>>)
        %dma_wait3A_73 = tpu.memref_slice %arg4[%mul3A_65] : memref<320000xi32, #tpu.memory_space<hbm>> -> memref<128xi32, #tpu.memory_space<hbm>>
        %dma_wait3A_74 = tpu.memref_slice %arg4[%mul3A_65] : memref<320000xi32, #tpu.memory_space<hbm>> -> memref<128xi32, #tpu.memory_space<hbm>>
        tpu.wait_dma2 semaphore(%run_scoped3A : memref<!tpu.dma_semaphore, #tpu.memory_space<semaphore_mem>>) src(%dma_wait3A_74 : memref<128xi32, #tpu.memory_space<hbm>>) dst(%arg9 : memref<128xi32, #tpu.memory_space<vmem>>)
        tpu.yield
      }) : () -> ()
      %dma_start3A = arith.constant 0 : i32
      %dma_start3A_66 = arith.constant 0 : i32
      %dma_start3A_67 = tpu.memref_slice %arg2[%dma_start3A, %dma_start3A_66] : memref<10000x128xf32, #tpu.memory_space<hbm>> -> memref<10000x128xf32, #tpu.memory_space<hbm>>
      tpu.enqueue_indirect_dma source(%dma_start3A_67 : memref<10000x128xf32, #tpu.memory_space<hbm>>) target(%arg10 : memref<128x128xf32, #tpu.memory_space<vmem>>) offsets(%arg8 : memref<128xi32, #tpu.memory_space<vmem>>) semaphore(%arg11 : memref<!tpu.dma_semaphore, #tpu.memory_space<semaphore_mem>>)
      %dma_wait3A = arith.constant 0 : i32
      %dma_wait3A_68 = arith.constant 0 : i32
      %dma_wait3A_69 = tpu.memref_slice %arg2[%dma_wait3A, %dma_wait3A_68] : memref<10000x128xf32, #tpu.memory_space<hbm>> -> memref<10000x128xf32, #tpu.memory_space<hbm>>
      tpu.wait_indirect_dma semaphore(%arg11 : memref<!tpu.dma_semaphore, #tpu.memory_space<semaphore_mem>>) src(%dma_wait3A_69 : memref<10000x128xf32, #tpu.memory_space<hbm>>) dst(%arg10 : memref<128x128xf32, #tpu.memory_space<vmem>>)
      "tpu.region"() ({
        %run_scoped3A = tpu.sem_alloc : memref<!tpu.dma_semaphore, #tpu.memory_space<semaphore_mem>>
        %dma_start3A_71 = arith.constant 0 : i32
        %dma_start3A_72 = arith.constant 0 : i32
        %dma_start3A_73 = tpu.memref_slice %arg6[%dma_start3A_71, %dma_start3A_72] : memref<5120x128xf32, #tpu.memory_space<vmem_shared>> -> memref<5120x128xf32, #tpu.memory_space<vmem_shared>>
        tpu.enqueue_indirect_dma source(%arg10 : memref<128x128xf32, #tpu.memory_space<vmem>>) target(%dma_start3A_73 : memref<5120x128xf32, #tpu.memory_space<vmem_shared>>) offsets(%arg9 : memref<128xi32, #tpu.memory_space<vmem>>) semaphore(%run_scoped3A : memref<!tpu.dma_semaphore, #tpu.memory_space<semaphore_mem>>) {add = true}
        %dma_wait3A_74 = arith.constant 0 : i32
        %dma_wait3A_75 = arith.constant 0 : i32
        %dma_wait3A_76 = tpu.memref_slice %arg6[%dma_wait3A_74, %dma_wait3A_75] : memref<5120x128xf32, #tpu.memory_space<vmem_shared>> -> memref<5120x128xf32, #tpu.memory_space<vmem_shared>>
        tpu.wait_indirect_dma semaphore(%run_scoped3A : memref<!tpu.dma_semaphore, #tpu.memory_space<semaphore_mem>>) src(%arg10 : memref<128x128xf32, #tpu.memory_space<vmem>>) dst(%dma_wait3A_76 : memref<5120x128xf32, #tpu.memory_space<vmem_shared>>)
        tpu.yield
      }) : () -> ()
      %while3A_70 = arith.constant 0 : i32
      scf.yield %while3A_70 : i32
    }
    %while3A_49 = arith.constant 1 : i32
    %while3A_50 = scf.for %while3A_56 = %while3A_46 to %while3A_42 step %while3A_49 iter_args(%while3A_57 = %while3A_48) -> (i32)  : i32 {
      %mul3A_58 = arith.constant 1250 : i32
      %mul3A_59 = arith.muli %arg0, %mul3A_58 : i32
      %mul3A_60 = arith.constant 16 : i32
      %mul3A_61 = arith.muli %while3A_56, %mul3A_60 : i32
      %add3A_62 = arith.addi %mul3A_59, %mul3A_61 : i32
      %add3A_63 = arith.addi %add3A_62, %arg1 : i32
      %mul3A_64 = arith.constant 128 : i32
      %mul3A_65 = arith.muli %add3A_63, %mul3A_64 : i32
      "tpu.region"() ({
        %run_scoped3A = tpu.sem_alloc : memref<!tpu.dma_semaphore, #tpu.memory_space<semaphore_mem>>
        %dma_start3A_71 = tpu.memref_slice %arg3[%mul3A_65] : memref<320000xi32, #tpu.memory_space<hbm>> -> memref<128xi32, #tpu.memory_space<hbm>>
        %dma_start3A_72 = tpu.memref_slice %arg3[%mul3A_65] : memref<320000xi32, #tpu.memory_space<hbm>> -> memref<128xi32, #tpu.memory_space<hbm>>
        tpu.enqueue_dma source(%dma_start3A_72 : memref<128xi32, #tpu.memory_space<hbm>>) target(%arg8 : memref<128xi32, #tpu.memory_space<vmem>>) target_semaphore(%run_scoped3A : memref<!tpu.dma_semaphore, #tpu.memory_space<semaphore_mem>>)
        %dma_wait3A_73 = tpu.memref_slice %arg3[%mul3A_65] : memref<320000xi32, #tpu.memory_space<hbm>> -> memref<128xi32, #tpu.memory_space<hbm>>
        %dma_wait3A_74 = tpu.memref_slice %arg3[%mul3A_65] : memref<320000xi32, #tpu.memory_space<hbm>> -> memref<128xi32, #tpu.memory_space<hbm>>
        tpu.wait_dma2 semaphore(%run_scoped3A : memref<!tpu.dma_semaphore, #tpu.memory_space<semaphore_mem>>) src(%dma_wait3A_74 : memref<128xi32, #tpu.memory_space<hbm>>) dst(%arg8 : memref<128xi32, #tpu.memory_space<vmem>>)
        tpu.yield
      }) : () -> ()
      "tpu.region"() ({
        %run_scoped3A = tpu.sem_alloc : memref<!tpu.dma_semaphore, #tpu.memory_space<semaphore_mem>>
        %dma_start3A_71 = tpu.memref_slice %arg4[%mul3A_65] : memref<320000xi32, #tpu.memory_space<hbm>> -> memref<128xi32, #tpu.memory_space<hbm>>
        %dma_start3A_72 = tpu.memref_slice %arg4[%mul3A_65] : memref<320000xi32, #tpu.memory_space<hbm>> -> memref<128xi32, #tpu.memory_space<hbm>>
        tpu.enqueue_dma source(%dma_start3A_72 : memref<128xi32, #tpu.memory_space<hbm>>) target(%arg9 : memref<128xi32, #tpu.memory_space<vmem>>) target_semaphore(%run_scoped3A : memref<!tpu.dma_semaphore, #tpu.memory_space<semaphore_mem>>)
        %dma_wait3A_73 = tpu.memref_slice %arg4[%mul3A_65] : memref<320000xi32, #tpu.memory_space<hbm>> -> memref<128xi32, #tpu.memory_space<hbm>>
        %dma_wait3A_74 = tpu.memref_slice %arg4[%mul3A_65] : memref<320000xi32, #tpu.memory_space<hbm>> -> memref<128xi32, #tpu.memory_space<hbm>>
        tpu.wait_dma2 semaphore(%run_scoped3A : memref<!tpu.dma_semaphore, #tpu.memory_space<semaphore_mem>>) src(%dma_wait3A_74 : memref<128xi32, #tpu.memory_space<hbm>>) dst(%arg9 : memref<128xi32, #tpu.memory_space<vmem>>)
        tpu.yield
      }) : () -> ()
      %dma_start3A = arith.constant 0 : i32
      %dma_start3A_66 = arith.constant 0 : i32
      %dma_start3A_67 = tpu.memref_slice %arg2[%dma_start3A, %dma_start3A_66] : memref<10000x128xf32, #tpu.memory_space<hbm>> -> memref<10000x128xf32, #tpu.memory_space<hbm>>
      tpu.enqueue_indirect_dma source(%dma_start3A_67 : memref<10000x128xf32, #tpu.memory_space<hbm>>) target(%arg10 : memref<128x128xf32, #tpu.memory_space<vmem>>) offsets(%arg8 : memref<128xi32, #tpu.memory_space<vmem>>) semaphore(%arg11 : memref<!tpu.dma_semaphore, #tpu.memory_space<semaphore_mem>>)
      %dma_wait3A = arith.constant 0 : i32
      %dma_wait3A_68 = arith.constant 0 : i32
      %dma_wait3A_69 = tpu.memref_slice %arg2[%dma_wait3A, %dma_wait3A_68] : memref<10000x128xf32, #tpu.memory_space<hbm>> -> memref<10000x128xf32, #tpu.memory_space<hbm>>
      tpu.wait_indirect_dma semaphore(%arg11 : memref<!tpu.dma_semaphore, #tpu.memory_space<semaphore_mem>>) src(%dma_wait3A_69 : memref<10000x128xf32, #tpu.memory_space<hbm>>) dst(%arg10 : memref<128x128xf32, #tpu.memory_space<vmem>>)
      "tpu.region"() ({
        %run_scoped3A = tpu.sem_alloc : memref<!tpu.dma_semaphore, #tpu.memory_space<semaphore_mem>>
        %dma_start3A_71 = arith.constant 0 : i32
        %dma_start3A_72 = arith.constant 0 : i32
        %dma_start3A_73 = tpu.memref_slice %arg6[%dma_start3A_71, %dma_start3A_72] : memref<5120x128xf32, #tpu.memory_space<vmem_shared>> -> memref<5120x128xf32, #tpu.memory_space<vmem_shared>>
        tpu.enqueue_indirect_dma source(%arg10 : memref<128x128xf32, #tpu.memory_space<vmem>>) target(%dma_start3A_73 : memref<5120x128xf32, #tpu.memory_space<vmem_shared>>) offsets(%arg9 : memref<128xi32, #tpu.memory_space<vmem>>) semaphore(%run_scoped3A : memref<!tpu.dma_semaphore, #tpu.memory_space<semaphore_mem>>) {add = true}
        %dma_wait3A_74 = arith.constant 0 : i32
        %dma_wait3A_75 = arith.constant 0 : i32
        %dma_wait3A_76 = tpu.memref_slice %arg6[%dma_wait3A_74, %dma_wait3A_75] : memref<5120x128xf32, #tpu.memory_space<vmem_shared>> -> memref<5120x128xf32, #tpu.memory_space<vmem_shared>>
        tpu.wait_indirect_dma semaphore(%run_scoped3A : memref<!tpu.dma_semaphore, #tpu.memory_space<semaphore_mem>>) src(%arg10 : memref<128x128xf32, #tpu.memory_space<vmem>>) dst(%dma_wait3A_76 : memref<5120x128xf32, #tpu.memory_space<vmem_shared>>)
        tpu.yield
      }) : () -> ()
      %while3A_70 = arith.constant 0 : i32
      scf.yield %while3A_70 : i32
    }
    %barrier3A_51 = arith.constant 0 : index
    tpu.barrier barrier_id(%barrier3A_51)
    %mul3A_52 = arith.constant 320 : i32
    %mul3A_53 = arith.muli %arg1, %mul3A_52 : i32
    %add3A_54 = arith.constant 0 : i32
    %add3A_55 = arith.addi %mul3A_53, %add3A_54 : i32
    "tpu.region"() ({
      %run_scoped3A = tpu.sem_alloc : memref<!tpu.dma_semaphore, #tpu.memory_space<semaphore_mem>>
      %dma_start3A = arith.constant 0 : i32
      %dma_start3A_56 = tpu.memref_slice %arg5[%arg0, %add3A_55, %dma_start3A] : memref<2x5120x128xf32, #tpu.memory_space<hbm>> -> memref<1x320x128xf32, #tpu.memory_space<hbm>>
      %dma_start3A_57 = tpu.memref_squeeze %dma_start3A_56 : memref<1x320x128xf32, #tpu.memory_space<hbm>> -> memref<320x128xf32, #tpu.memory_space<hbm>>
      %dma_start3A_58 = arith.constant 0 : i32
      %dma_start3A_59 = tpu.memref_slice %arg6[%add3A_55, %dma_start3A_58] : memref<5120x128xf32, #tpu.memory_space<vmem_shared>> -> memref<320x128xf32, #tpu.memory_space<vmem_shared>>
      tpu.enqueue_dma source(%dma_start3A_59 : memref<320x128xf32, #tpu.memory_space<vmem_shared>>) target(%dma_start3A_57 : memref<320x128xf32, #tpu.memory_space<hbm>>) target_semaphore(%run_scoped3A : memref<!tpu.dma_semaphore, #tpu.memory_space<semaphore_mem>>)
      %dma_wait3A = arith.constant 0 : i32
      %dma_wait3A_60 = tpu.memref_slice %arg5[%arg0, %add3A_55, %dma_wait3A] : memref<2x5120x128xf32, #tpu.memory_space<hbm>> -> memref<1x320x128xf32, #tpu.memory_space<hbm>>
      %dma_wait3A_61 = tpu.memref_squeeze %dma_wait3A_60 : memref<1x320x128xf32, #tpu.memory_space<hbm>> -> memref<320x128xf32, #tpu.memory_space<hbm>>
      %dma_wait3A_62 = arith.constant 0 : i32
      %dma_wait3A_63 = tpu.memref_slice %arg6[%add3A_55, %dma_wait3A_62] : memref<5120x128xf32, #tpu.memory_space<vmem_shared>> -> memref<320x128xf32, #tpu.memory_space<vmem_shared>>
      tpu.wait_dma2 semaphore(%run_scoped3A : memref<!tpu.dma_semaphore, #tpu.memory_space<semaphore_mem>>) src(%dma_wait3A_63 : memref<320x128xf32, #tpu.memory_space<vmem_shared>>) dst(%dma_wait3A_61 : memref<320x128xf32, #tpu.memory_space<hbm>>)
      tpu.yield
    }) : () -> ()
    return
  }
}

#map = affine_map<(d0, d1) -> (0)>
module attributes {stable_mosaic.version = 14 : i64} {
  func.func @_deg_body(%arg0: i32, %arg1: i32, %arg2: memref<320000xi32, #tpu.memory_space<hbm>>, %arg3: memref<320000xi32, #tpu.memory_space<hbm>>, %arg4: memref<20480xf32, #tpu.memory_space<hbm>>, %arg5: memref<10240xf32, #tpu.memory_space<hbm>>, %arg6: memref<10240xf32, #tpu.memory_space<vmem_shared>>, %arg7: memref<5120xf32, #tpu.memory_space<vmem_shared>>, %arg8: memref<640xf32, #tpu.memory_space<vmem>>, %arg9: memref<128xf32, #tpu.memory_space<vmem>>, %arg10: memref<128xi32, #tpu.memory_space<vmem>>, %arg11: memref<128xi32, #tpu.memory_space<vmem>>) attributes {dimension_semantics = [#tpu.dimension_semantics<core_parallel>, #tpu.dimension_semantics<subcore_parallel>], iteration_bounds = array<i64: 2, 16>, scalar_prefetch = 0 : i64, scratch_operands = 6 : i64, tpu.core_type = #tpu.core_type<sc_vector_subcore>, window_params = [{transform_indices = #map}, {transform_indices = #map}, {transform_indices = #map}, {transform_indices = #map}]} {
    %mul3A = arith.constant 2 : i32
    %mul3A_0 = arith.muli %arg1, %mul3A : i32
    %add3A = arith.addi %mul3A_0, %arg0 : i32
    %scan3A = arith.constant 0 : i32
    %scan3A_1 = arith.constant 0 : i32
    %scan3A_2 = arith.constant 40 : i32
    %scan3A_3 = arith.addi %scan3A_1, %scan3A_2 : i32
    %scan3A_4 = arith.constant 1 : i32
    %scan3A_5 = scf.for %scan3A_48 = %scan3A_1 to %scan3A_3 step %scan3A_4 iter_args(%scan3A_49 = %scan3A) -> (i32)  : i32 {
      %broadcast_in_dim3A = arith.constant 0.000000e+00 : f32
      %broadcast_in_dim3A_50 = vector.broadcast %broadcast_in_dim3A : f32 to vector<16xf32>
      %mul3A_51 = arith.constant 16 : i32
      %mul3A_52 = arith.muli %scan3A_48, %mul3A_51 : i32
      %swap3A = arith.index_cast %mul3A_52 : i32 to index
      %swap3A_53 = tpu.vector_load %arg8[%swap3A] {strides = array<i32>} : memref<640xf32, #tpu.memory_space<vmem>>, vector<16xf32>,
      %swap3A_54 = vector.shape_cast %swap3A_53 : vector<16xf32> to vector<16xf32>
      %swap3A_55 = vector.shape_cast %broadcast_in_dim3A_50 : vector<16xf32> to vector<16xf32>
      tpu.vector_store %arg8[%swap3A], %swap3A_55 {strides = array<i32>} : memref<640xf32, #tpu.memory_space<vmem>>, vector<16xf32>,
      %scan3A_56 = arith.constant 0 : i32
      scf.yield %scan3A_56 : i32
    }
    %scan3A_6 = arith.constant 40 : i32
    %scan3A_7 = arith.constant 0 : i32
    %scan3A_8 = arith.constant 0 : i32
    %scan3A_9 = arith.constant 8 : i32
    %scan3A_10 = arith.addi %scan3A_8, %scan3A_9 : i32
    %scan3A_11 = arith.constant 1 : i32
    %scan3A_12 = scf.for %scan3A_48 = %scan3A_8 to %scan3A_10 step %scan3A_11 iter_args(%scan3A_49 = %scan3A_7) -> (i32)  : i32 {
      %broadcast_in_dim3A = arith.constant 1.000000e+00 : f32
      %broadcast_in_dim3A_50 = vector.broadcast %broadcast_in_dim3A : f32 to vector<16xf32>
      %mul3A_51 = arith.constant 16 : i32
      %mul3A_52 = arith.muli %scan3A_48, %mul3A_51 : i32
      %swap3A = arith.index_cast %mul3A_52 : i32 to index
      %swap3A_53 = tpu.vector_load %arg9[%swap3A] {strides = array<i32>} : memref<128xf32, #tpu.memory_space<vmem>>, vector<16xf32>,
      %swap3A_54 = vector.shape_cast %swap3A_53 : vector<16xf32> to vector<16xf32>
      %swap3A_55 = vector.shape_cast %broadcast_in_dim3A_50 : vector<16xf32> to vector<16xf32>
      tpu.vector_store %arg9[%swap3A], %swap3A_55 {strides = array<i32>} : memref<128xf32, #tpu.memory_space<vmem>>, vector<16xf32>,
      %scan3A_56 = arith.constant 0 : i32
      scf.yield %scan3A_56 : i32
    }
    %scan3A_13 = arith.constant 8 : i32
    %mul3A_14 = arith.constant 640 : i32
    %mul3A_15 = arith.muli %arg1, %mul3A_14 : i32
    "tpu.region"() ({
      %run_scoped3A = tpu.sem_alloc : memref<!tpu.dma_semaphore, #tpu.memory_space<semaphore_mem>>
      %dma_start3A = tpu.memref_slice %arg6[%mul3A_15] : memref<10240xf32, #tpu.memory_space<vmem_shared>> -> memref<640xf32, #tpu.memory_space<vmem_shared>>
      %dma_start3A_48 = tpu.memref_slice %arg6[%mul3A_15] : memref<10240xf32, #tpu.memory_space<vmem_shared>> -> memref<640xf32, #tpu.memory_space<vmem_shared>>
      tpu.enqueue_dma source(%arg8 : memref<640xf32, #tpu.memory_space<vmem>>) target(%dma_start3A_48 : memref<640xf32, #tpu.memory_space<vmem_shared>>) target_semaphore(%run_scoped3A : memref<!tpu.dma_semaphore, #tpu.memory_space<semaphore_mem>>)
      %dma_wait3A = tpu.memref_slice %arg6[%mul3A_15] : memref<10240xf32, #tpu.memory_space<vmem_shared>> -> memref<640xf32, #tpu.memory_space<vmem_shared>>
      %dma_wait3A_49 = tpu.memref_slice %arg6[%mul3A_15] : memref<10240xf32, #tpu.memory_space<vmem_shared>> -> memref<640xf32, #tpu.memory_space<vmem_shared>>
      tpu.wait_dma2 semaphore(%run_scoped3A : memref<!tpu.dma_semaphore, #tpu.memory_space<semaphore_mem>>) src(%arg8 : memref<640xf32, #tpu.memory_space<vmem>>) dst(%dma_wait3A_49 : memref<640xf32, #tpu.memory_space<vmem_shared>>)
      tpu.yield
    }) : () -> ()
    %mul3A_16 = arith.constant 320 : i32
    %mul3A_17 = arith.muli %arg1, %mul3A_16 : i32
    "tpu.region"() ({
      %run_scoped3A = tpu.sem_alloc : memref<!tpu.dma_semaphore, #tpu.memory_space<semaphore_mem>>
      %dma_start3A = arith.constant 0 : i32
      %dma_start3A_48 = tpu.memref_slice %arg8[%dma_start3A] : memref<640xf32, #tpu.memory_space<vmem>> -> memref<320xf32, #tpu.memory_space<vmem>>
      %dma_start3A_49 = tpu.memref_slice %arg7[%mul3A_17] : memref<5120xf32, #tpu.memory_space<vmem_shared>> -> memref<320xf32, #tpu.memory_space<vmem_shared>>
      %dma_start3A_50 = tpu.memref_slice %arg7[%mul3A_17] : memref<5120xf32, #tpu.memory_space<vmem_shared>> -> memref<320xf32, #tpu.memory_space<vmem_shared>>
      %dma_start3A_51 = arith.constant 0 : i32
      %dma_start3A_52 = tpu.memref_slice %arg8[%dma_start3A_51] : memref<640xf32, #tpu.memory_space<vmem>> -> memref<320xf32, #tpu.memory_space<vmem>>
      tpu.enqueue_dma source(%dma_start3A_52 : memref<320xf32, #tpu.memory_space<vmem>>) target(%dma_start3A_50 : memref<320xf32, #tpu.memory_space<vmem_shared>>) target_semaphore(%run_scoped3A : memref<!tpu.dma_semaphore, #tpu.memory_space<semaphore_mem>>)
      %dma_wait3A = arith.constant 0 : i32
      %dma_wait3A_53 = tpu.memref_slice %arg8[%dma_wait3A] : memref<640xf32, #tpu.memory_space<vmem>> -> memref<320xf32, #tpu.memory_space<vmem>>
      %dma_wait3A_54 = tpu.memref_slice %arg7[%mul3A_17] : memref<5120xf32, #tpu.memory_space<vmem_shared>> -> memref<320xf32, #tpu.memory_space<vmem_shared>>
      %dma_wait3A_55 = tpu.memref_slice %arg7[%mul3A_17] : memref<5120xf32, #tpu.memory_space<vmem_shared>> -> memref<320xf32, #tpu.memory_space<vmem_shared>>
      %dma_wait3A_56 = arith.constant 0 : i32
      %dma_wait3A_57 = tpu.memref_slice %arg8[%dma_wait3A_56] : memref<640xf32, #tpu.memory_space<vmem>> -> memref<320xf32, #tpu.memory_space<vmem>>
      tpu.wait_dma2 semaphore(%run_scoped3A : memref<!tpu.dma_semaphore, #tpu.memory_space<semaphore_mem>>) src(%dma_wait3A_57 : memref<320xf32, #tpu.memory_space<vmem>>) dst(%dma_wait3A_55 : memref<320xf32, #tpu.memory_space<vmem_shared>>)
      tpu.yield
    }) : () -> ()
    %barrier3A = arith.constant 0 : index
    tpu.barrier barrier_id(%barrier3A)
    %lt3A = arith.constant 4 : i32
    %lt3A_18 = arith.cmpi slt, %add3A, %lt3A : i32
    %jit3A = arith.constant 1 : i32
    %jit3A_19 = arith.constant 0 : i32
    %select_n3A = arith.select %lt3A_18, %jit3A, %jit3A_19 : i32
    %add3A_20 = arith.constant 78 : i32
    %add3A_21 = arith.addi %add3A_20, %select_n3A : i32
    %while3A = arith.constant 0 : i32
    %while3A_22 = arith.constant 0 : i32
    %while3A_23 = arith.subi %add3A_21, %while3A : i32
    %while3A_24 = arith.addi %while3A, %while3A_23 : i32
    %while3A_25 = arith.constant 1 : i32
    %while3A_26 = arith.divsi %while3A_23, %while3A_25 : i32
    %while3A_27 = arith.muli %while3A_26, %while3A_25 : i32
    %while3A_28 = arith.addi %while3A, %while3A_27 : i32
    %while3A_29 = arith.constant 1 : i32
    %while3A_30 = scf.for %while3A_48 = %while3A to %while3A_28 step %while3A_29 iter_args(%while3A_49 = %while3A_22) -> (i32)  : i32 {
      %mul3A_50 = arith.constant 32 : i32
      %mul3A_51 = arith.muli %while3A_48, %mul3A_50 : i32
      %add3A_52 = arith.addi %mul3A_51, %add3A : i32
      %mul3A_53 = arith.constant 128 : i32
      %mul3A_54 = arith.muli %add3A_52, %mul3A_53 : i32
      "tpu.region"() ({
        %run_scoped3A = tpu.sem_alloc : memref<!tpu.dma_semaphore, #tpu.memory_space<semaphore_mem>>
        %dma_start3A = tpu.memref_slice %arg2[%mul3A_54] : memref<320000xi32, #tpu.memory_space<hbm>> -> memref<128xi32, #tpu.memory_space<hbm>>
        %dma_start3A_56 = tpu.memref_slice %arg2[%mul3A_54] : memref<320000xi32, #tpu.memory_space<hbm>> -> memref<128xi32, #tpu.memory_space<hbm>>
        tpu.enqueue_dma source(%dma_start3A_56 : memref<128xi32, #tpu.memory_space<hbm>>) target(%arg10 : memref<128xi32, #tpu.memory_space<vmem>>) target_semaphore(%run_scoped3A : memref<!tpu.dma_semaphore, #tpu.memory_space<semaphore_mem>>)
        %dma_wait3A = tpu.memref_slice %arg2[%mul3A_54] : memref<320000xi32, #tpu.memory_space<hbm>> -> memref<128xi32, #tpu.memory_space<hbm>>
        %dma_wait3A_57 = tpu.memref_slice %arg2[%mul3A_54] : memref<320000xi32, #tpu.memory_space<hbm>> -> memref<128xi32, #tpu.memory_space<hbm>>
        tpu.wait_dma2 semaphore(%run_scoped3A : memref<!tpu.dma_semaphore, #tpu.memory_space<semaphore_mem>>) src(%dma_wait3A_57 : memref<128xi32, #tpu.memory_space<hbm>>) dst(%arg10 : memref<128xi32, #tpu.memory_space<vmem>>)
        tpu.yield
      }) : () -> ()
      "tpu.region"() ({
        %run_scoped3A = tpu.sem_alloc : memref<!tpu.dma_semaphore, #tpu.memory_space<semaphore_mem>>
        %dma_start3A = tpu.memref_slice %arg3[%mul3A_54] : memref<320000xi32, #tpu.memory_space<hbm>> -> memref<128xi32, #tpu.memory_space<hbm>>
        %dma_start3A_56 = tpu.memref_slice %arg3[%mul3A_54] : memref<320000xi32, #tpu.memory_space<hbm>> -> memref<128xi32, #tpu.memory_space<hbm>>
        tpu.enqueue_dma source(%dma_start3A_56 : memref<128xi32, #tpu.memory_space<hbm>>) target(%arg11 : memref<128xi32, #tpu.memory_space<vmem>>) target_semaphore(%run_scoped3A : memref<!tpu.dma_semaphore, #tpu.memory_space<semaphore_mem>>)
        %dma_wait3A = tpu.memref_slice %arg3[%mul3A_54] : memref<320000xi32, #tpu.memory_space<hbm>> -> memref<128xi32, #tpu.memory_space<hbm>>
        %dma_wait3A_57 = tpu.memref_slice %arg3[%mul3A_54] : memref<320000xi32, #tpu.memory_space<hbm>> -> memref<128xi32, #tpu.memory_space<hbm>>
        tpu.wait_dma2 semaphore(%run_scoped3A : memref<!tpu.dma_semaphore, #tpu.memory_space<semaphore_mem>>) src(%dma_wait3A_57 : memref<128xi32, #tpu.memory_space<hbm>>) dst(%arg11 : memref<128xi32, #tpu.memory_space<vmem>>)
        tpu.yield
      }) : () -> ()
      "tpu.region"() ({
        %run_scoped3A = tpu.sem_alloc : memref<!tpu.dma_semaphore, #tpu.memory_space<semaphore_mem>>
        %dma_start3A = arith.constant 0 : i32
        %dma_start3A_56 = tpu.memref_slice %arg6[%dma_start3A] : memref<10240xf32, #tpu.memory_space<vmem_shared>> -> memref<10240xf32, #tpu.memory_space<vmem_shared>>
        tpu.enqueue_indirect_dma source(%arg9 : memref<128xf32, #tpu.memory_space<vmem>>) target(%dma_start3A_56 : memref<10240xf32, #tpu.memory_space<vmem_shared>>) offsets(%arg10 : memref<128xi32, #tpu.memory_space<vmem>>) semaphore(%run_scoped3A : memref<!tpu.dma_semaphore, #tpu.memory_space<semaphore_mem>>) {add = true}
        %dma_wait3A = arith.constant 0 : i32
        %dma_wait3A_57 = tpu.memref_slice %arg6[%dma_wait3A] : memref<10240xf32, #tpu.memory_space<vmem_shared>> -> memref<10240xf32, #tpu.memory_space<vmem_shared>>
        tpu.wait_indirect_dma semaphore(%run_scoped3A : memref<!tpu.dma_semaphore, #tpu.memory_space<semaphore_mem>>) src(%arg9 : memref<128xf32, #tpu.memory_space<vmem>>) dst(%dma_wait3A_57 : memref<10240xf32, #tpu.memory_space<vmem_shared>>)
        tpu.yield
      }) : () -> ()
      "tpu.region"() ({
        %run_scoped3A = tpu.sem_alloc : memref<!tpu.dma_semaphore, #tpu.memory_space<semaphore_mem>>
        %dma_start3A = arith.constant 0 : i32
        %dma_start3A_56 = tpu.memref_slice %arg7[%dma_start3A] : memref<5120xf32, #tpu.memory_space<vmem_shared>> -> memref<5120xf32, #tpu.memory_space<vmem_shared>>
        tpu.enqueue_indirect_dma source(%arg9 : memref<128xf32, #tpu.memory_space<vmem>>) target(%dma_start3A_56 : memref<5120xf32, #tpu.memory_space<vmem_shared>>) offsets(%arg11 : memref<128xi32, #tpu.memory_space<vmem>>) semaphore(%run_scoped3A : memref<!tpu.dma_semaphore, #tpu.memory_space<semaphore_mem>>) {add = true}
        %dma_wait3A = arith.constant 0 : i32
        %dma_wait3A_57 = tpu.memref_slice %arg7[%dma_wait3A] : memref<5120xf32, #tpu.memory_space<vmem_shared>> -> memref<5120xf32, #tpu.memory_space<vmem_shared>>
        tpu.wait_indirect_dma semaphore(%run_scoped3A : memref<!tpu.dma_semaphore, #tpu.memory_space<semaphore_mem>>) src(%arg9 : memref<128xf32, #tpu.memory_space<vmem>>) dst(%dma_wait3A_57 : memref<5120xf32, #tpu.memory_space<vmem_shared>>)
        tpu.yield
      }) : () -> ()
      %while3A_55 = arith.constant 0 : i32
      scf.yield %while3A_55 : i32
    }
    %while3A_31 = arith.constant 1 : i32
    %while3A_32 = scf.for %while3A_48 = %while3A_28 to %while3A_24 step %while3A_31 iter_args(%while3A_49 = %while3A_30) -> (i32)  : i32 {
      %mul3A_50 = arith.constant 32 : i32
      %mul3A_51 = arith.muli %while3A_48, %mul3A_50 : i32
      %add3A_52 = arith.addi %mul3A_51, %add3A : i32
      %mul3A_53 = arith.constant 128 : i32
      %mul3A_54 = arith.muli %add3A_52, %mul3A_53 : i32
      "tpu.region"() ({
        %run_scoped3A = tpu.sem_alloc : memref<!tpu.dma_semaphore, #tpu.memory_space<semaphore_mem>>
        %dma_start3A = tpu.memref_slice %arg2[%mul3A_54] : memref<320000xi32, #tpu.memory_space<hbm>> -> memref<128xi32, #tpu.memory_space<hbm>>
        %dma_start3A_56 = tpu.memref_slice %arg2[%mul3A_54] : memref<320000xi32, #tpu.memory_space<hbm>> -> memref<128xi32, #tpu.memory_space<hbm>>
        tpu.enqueue_dma source(%dma_start3A_56 : memref<128xi32, #tpu.memory_space<hbm>>) target(%arg10 : memref<128xi32, #tpu.memory_space<vmem>>) target_semaphore(%run_scoped3A : memref<!tpu.dma_semaphore, #tpu.memory_space<semaphore_mem>>)
        %dma_wait3A = tpu.memref_slice %arg2[%mul3A_54] : memref<320000xi32, #tpu.memory_space<hbm>> -> memref<128xi32, #tpu.memory_space<hbm>>
        %dma_wait3A_57 = tpu.memref_slice %arg2[%mul3A_54] : memref<320000xi32, #tpu.memory_space<hbm>> -> memref<128xi32, #tpu.memory_space<hbm>>
        tpu.wait_dma2 semaphore(%run_scoped3A : memref<!tpu.dma_semaphore, #tpu.memory_space<semaphore_mem>>) src(%dma_wait3A_57 : memref<128xi32, #tpu.memory_space<hbm>>) dst(%arg10 : memref<128xi32, #tpu.memory_space<vmem>>)
        tpu.yield
      }) : () -> ()
      "tpu.region"() ({
        %run_scoped3A = tpu.sem_alloc : memref<!tpu.dma_semaphore, #tpu.memory_space<semaphore_mem>>
        %dma_start3A = tpu.memref_slice %arg3[%mul3A_54] : memref<320000xi32, #tpu.memory_space<hbm>> -> memref<128xi32, #tpu.memory_space<hbm>>
        %dma_start3A_56 = tpu.memref_slice %arg3[%mul3A_54] : memref<320000xi32, #tpu.memory_space<hbm>> -> memref<128xi32, #tpu.memory_space<hbm>>
        tpu.enqueue_dma source(%dma_start3A_56 : memref<128xi32, #tpu.memory_space<hbm>>) target(%arg11 : memref<128xi32, #tpu.memory_space<vmem>>) target_semaphore(%run_scoped3A : memref<!tpu.dma_semaphore, #tpu.memory_space<semaphore_mem>>)
        %dma_wait3A = tpu.memref_slice %arg3[%mul3A_54] : memref<320000xi32, #tpu.memory_space<hbm>> -> memref<128xi32, #tpu.memory_space<hbm>>
        %dma_wait3A_57 = tpu.memref_slice %arg3[%mul3A_54] : memref<320000xi32, #tpu.memory_space<hbm>> -> memref<128xi32, #tpu.memory_space<hbm>>
        tpu.wait_dma2 semaphore(%run_scoped3A : memref<!tpu.dma_semaphore, #tpu.memory_space<semaphore_mem>>) src(%dma_wait3A_57 : memref<128xi32, #tpu.memory_space<hbm>>) dst(%arg11 : memref<128xi32, #tpu.memory_space<vmem>>)
        tpu.yield
      }) : () -> ()
      "tpu.region"() ({
        %run_scoped3A = tpu.sem_alloc : memref<!tpu.dma_semaphore, #tpu.memory_space<semaphore_mem>>
        %dma_start3A = arith.constant 0 : i32
        %dma_start3A_56 = tpu.memref_slice %arg6[%dma_start3A] : memref<10240xf32, #tpu.memory_space<vmem_shared>> -> memref<10240xf32, #tpu.memory_space<vmem_shared>>
        tpu.enqueue_indirect_dma source(%arg9 : memref<128xf32, #tpu.memory_space<vmem>>) target(%dma_start3A_56 : memref<10240xf32, #tpu.memory_space<vmem_shared>>) offsets(%arg10 : memref<128xi32, #tpu.memory_space<vmem>>) semaphore(%run_scoped3A : memref<!tpu.dma_semaphore, #tpu.memory_space<semaphore_mem>>) {add = true}
        %dma_wait3A = arith.constant 0 : i32
        %dma_wait3A_57 = tpu.memref_slice %arg6[%dma_wait3A] : memref<10240xf32, #tpu.memory_space<vmem_shared>> -> memref<10240xf32, #tpu.memory_space<vmem_shared>>
        tpu.wait_indirect_dma semaphore(%run_scoped3A : memref<!tpu.dma_semaphore, #tpu.memory_space<semaphore_mem>>) src(%arg9 : memref<128xf32, #tpu.memory_space<vmem>>) dst(%dma_wait3A_57 : memref<10240xf32, #tpu.memory_space<vmem_shared>>)
        tpu.yield
      }) : () -> ()
      "tpu.region"() ({
        %run_scoped3A = tpu.sem_alloc : memref<!tpu.dma_semaphore, #tpu.memory_space<semaphore_mem>>
        %dma_start3A = arith.constant 0 : i32
        %dma_start3A_56 = tpu.memref_slice %arg7[%dma_start3A] : memref<5120xf32, #tpu.memory_space<vmem_shared>> -> memref<5120xf32, #tpu.memory_space<vmem_shared>>
        tpu.enqueue_indirect_dma source(%arg9 : memref<128xf32, #tpu.memory_space<vmem>>) target(%dma_start3A_56 : memref<5120xf32, #tpu.memory_space<vmem_shared>>) offsets(%arg11 : memref<128xi32, #tpu.memory_space<vmem>>) semaphore(%run_scoped3A : memref<!tpu.dma_semaphore, #tpu.memory_space<semaphore_mem>>) {add = true}
        %dma_wait3A = arith.constant 0 : i32
        %dma_wait3A_57 = tpu.memref_slice %arg7[%dma_wait3A] : memref<5120xf32, #tpu.memory_space<vmem_shared>> -> memref<5120xf32, #tpu.memory_space<vmem_shared>>
        tpu.wait_indirect_dma semaphore(%run_scoped3A : memref<!tpu.dma_semaphore, #tpu.memory_space<semaphore_mem>>) src(%arg9 : memref<128xf32, #tpu.memory_space<vmem>>) dst(%dma_wait3A_57 : memref<5120xf32, #tpu.memory_space<vmem_shared>>)
        tpu.yield
      }) : () -> ()
      %while3A_55 = arith.constant 0 : i32
      scf.yield %while3A_55 : i32
    }
    %barrier3A_33 = arith.constant 0 : index
    tpu.barrier barrier_id(%barrier3A_33)
    %mul3A_34 = arith.constant 640 : i32
    %mul3A_35 = arith.muli %arg1, %mul3A_34 : i32
    "tpu.region"() ({
      %run_scoped3A = tpu.sem_alloc : memref<!tpu.dma_semaphore, #tpu.memory_space<semaphore_mem>>
      %dma_start3A = tpu.memref_slice %arg6[%mul3A_35] : memref<10240xf32, #tpu.memory_space<vmem_shared>> -> memref<640xf32, #tpu.memory_space<vmem_shared>>
      %dma_start3A_48 = tpu.memref_slice %arg6[%mul3A_35] : memref<10240xf32, #tpu.memory_space<vmem_shared>> -> memref<640xf32, #tpu.memory_space<vmem_shared>>
      tpu.enqueue_dma source(%dma_start3A_48 : memref<640xf32, #tpu.memory_space<vmem_shared>>) target(%arg8 : memref<640xf32, #tpu.memory_space<vmem>>) target_semaphore(%run_scoped3A : memref<!tpu.dma_semaphore, #tpu.memory_space<semaphore_mem>>)
      %dma_wait3A = tpu.memref_slice %arg6[%mul3A_35] : memref<10240xf32, #tpu.memory_space<vmem_shared>> -> memref<640xf32, #tpu.memory_space<vmem_shared>>
      %dma_wait3A_49 = tpu.memref_slice %arg6[%mul3A_35] : memref<10240xf32, #tpu.memory_space<vmem_shared>> -> memref<640xf32, #tpu.memory_space<vmem_shared>>
      tpu.wait_dma2 semaphore(%run_scoped3A : memref<!tpu.dma_semaphore, #tpu.memory_space<semaphore_mem>>) src(%dma_wait3A_49 : memref<640xf32, #tpu.memory_space<vmem_shared>>) dst(%arg8 : memref<640xf32, #tpu.memory_space<vmem>>)
      tpu.yield
    }) : () -> ()
    %mul3A_36 = arith.constant 10240 : i32
    %mul3A_37 = arith.muli %arg0, %mul3A_36 : i32
    %mul3A_38 = arith.constant 640 : i32
    %mul3A_39 = arith.muli %arg1, %mul3A_38 : i32
    %add3A_40 = arith.addi %mul3A_37, %mul3A_39 : i32
    "tpu.region"() ({
      %run_scoped3A = tpu.sem_alloc : memref<!tpu.dma_semaphore, #tpu.memory_space<semaphore_mem>>
      %dma_start3A = tpu.memref_slice %arg4[%add3A_40] : memref<20480xf32, #tpu.memory_space<hbm>> -> memref<640xf32, #tpu.memory_space<hbm>>
      %dma_start3A_48 = tpu.memref_slice %arg4[%add3A_40] : memref<20480xf32, #tpu.memory_space<hbm>> -> memref<640xf32, #tpu.memory_space<hbm>>
      tpu.enqueue_dma source(%arg8 : memref<640xf32, #tpu.memory_space<vmem>>) target(%dma_start3A_48 : memref<640xf32, #tpu.memory_space<hbm>>) target_semaphore(%run_scoped3A : memref<!tpu.dma_semaphore, #tpu.memory_space<semaphore_mem>>)
      %dma_wait3A = tpu.memref_slice %arg4[%add3A_40] : memref<20480xf32, #tpu.memory_space<hbm>> -> memref<640xf32, #tpu.memory_space<hbm>>
      %dma_wait3A_49 = tpu.memref_slice %arg4[%add3A_40] : memref<20480xf32, #tpu.memory_space<hbm>> -> memref<640xf32, #tpu.memory_space<hbm>>
      tpu.wait_dma2 semaphore(%run_scoped3A : memref<!tpu.dma_semaphore, #tpu.memory_space<semaphore_mem>>) src(%arg8 : memref<640xf32, #tpu.memory_space<vmem>>) dst(%dma_wait3A_49 : memref<640xf32, #tpu.memory_space<hbm>>)
      tpu.yield
    }) : () -> ()
    %mul3A_41 = arith.constant 320 : i32
    %mul3A_42 = arith.muli %arg1, %mul3A_41 : i32
    "tpu.region"() ({
      %run_scoped3A = tpu.sem_alloc : memref<!tpu.dma_semaphore, #tpu.memory_space<semaphore_mem>>
      %dma_start3A = arith.constant 0 : i32
      %dma_start3A_48 = tpu.memref_slice %arg8[%dma_start3A] : memref<640xf32, #tpu.memory_space<vmem>> -> memref<320xf32, #tpu.memory_space<vmem>>
      %dma_start3A_49 = tpu.memref_slice %arg7[%mul3A_42] : memref<5120xf32, #tpu.memory_space<vmem_shared>> -> memref<320xf32, #tpu.memory_space<vmem_shared>>
      %dma_start3A_50 = arith.constant 0 : i32
      %dma_start3A_51 = tpu.memref_slice %arg8[%dma_start3A_50] : memref<640xf32, #tpu.memory_space<vmem>> -> memref<320xf32, #tpu.memory_space<vmem>>
      %dma_start3A_52 = tpu.memref_slice %arg7[%mul3A_42] : memref<5120xf32, #tpu.memory_space<vmem_shared>> -> memref<320xf32, #tpu.memory_space<vmem_shared>>
      tpu.enqueue_dma source(%dma_start3A_52 : memref<320xf32, #tpu.memory_space<vmem_shared>>) target(%dma_start3A_51 : memref<320xf32, #tpu.memory_space<vmem>>) target_semaphore(%run_scoped3A : memref<!tpu.dma_semaphore, #tpu.memory_space<semaphore_mem>>)
      %dma_wait3A = arith.constant 0 : i32
      %dma_wait3A_53 = tpu.memref_slice %arg8[%dma_wait3A] : memref<640xf32, #tpu.memory_space<vmem>> -> memref<320xf32, #tpu.memory_space<vmem>>
      %dma_wait3A_54 = tpu.memref_slice %arg7[%mul3A_42] : memref<5120xf32, #tpu.memory_space<vmem_shared>> -> memref<320xf32, #tpu.memory_space<vmem_shared>>
      %dma_wait3A_55 = arith.constant 0 : i32
      %dma_wait3A_56 = tpu.memref_slice %arg8[%dma_wait3A_55] : memref<640xf32, #tpu.memory_space<vmem>> -> memref<320xf32, #tpu.memory_space<vmem>>
      %dma_wait3A_57 = tpu.memref_slice %arg7[%mul3A_42] : memref<5120xf32, #tpu.memory_space<vmem_shared>> -> memref<320xf32, #tpu.memory_space<vmem_shared>>
      tpu.wait_dma2 semaphore(%run_scoped3A : memref<!tpu.dma_semaphore, #tpu.memory_space<semaphore_mem>>) src(%dma_wait3A_57 : memref<320xf32, #tpu.memory_space<vmem_shared>>) dst(%dma_wait3A_56 : memref<320xf32, #tpu.memory_space<vmem>>)
      tpu.yield
    }) : () -> ()
    %mul3A_43 = arith.constant 5120 : i32
    %mul3A_44 = arith.muli %arg0, %mul3A_43 : i32
    %mul3A_45 = arith.constant 320 : i32
    %mul3A_46 = arith.muli %arg1, %mul3A_45 : i32
    %add3A_47 = arith.addi %mul3A_44, %mul3A_46 : i32
    "tpu.region"() ({
      %run_scoped3A = tpu.sem_alloc : memref<!tpu.dma_semaphore, #tpu.memory_space<semaphore_mem>>
      %dma_start3A = arith.constant 0 : i32
      %dma_start3A_48 = tpu.memref_slice %arg8[%dma_start3A] : memref<640xf32, #tpu.memory_space<vmem>> -> memref<320xf32, #tpu.memory_space<vmem>>
      %dma_start3A_49 = tpu.memref_slice %arg5[%add3A_47] : memref<10240xf32, #tpu.memory_space<hbm>> -> memref<320xf32, #tpu.memory_space<hbm>>
      %dma_start3A_50 = tpu.memref_slice %arg5[%add3A_47] : memref<10240xf32, #tpu.memory_space<hbm>> -> memref<320xf32, #tpu.memory_space<hbm>>
      %dma_start3A_51 = arith.constant 0 : i32
      %dma_start3A_52 = tpu.memref_slice %arg8[%dma_start3A_51] : memref<640xf32, #tpu.memory_space<vmem>> -> memref<320xf32, #tpu.memory_space<vmem>>
      tpu.enqueue_dma source(%dma_start3A_52 : memref<320xf32, #tpu.memory_space<vmem>>) target(%dma_start3A_50 : memref<320xf32, #tpu.memory_space<hbm>>) target_semaphore(%run_scoped3A : memref<!tpu.dma_semaphore, #tpu.memory_space<semaphore_mem>>)
      %dma_wait3A = arith.constant 0 : i32
      %dma_wait3A_53 = tpu.memref_slice %arg8[%dma_wait3A] : memref<640xf32, #tpu.memory_space<vmem>> -> memref<320xf32, #tpu.memory_space<vmem>>
      %dma_wait3A_54 = tpu.memref_slice %arg5[%add3A_47] : memref<10240xf32, #tpu.memory_space<hbm>> -> memref<320xf32, #tpu.memory_space<hbm>>
      %dma_wait3A_55 = tpu.memref_slice %arg5[%add3A_47] : memref<10240xf32, #tpu.memory_space<hbm>> -> memref<320xf32, #tpu.memory_space<hbm>>
      %dma_wait3A_56 = arith.constant 0 : i32
      %dma_wait3A_57 = tpu.memref_slice %arg8[%dma_wait3A_56] : memref<640xf32, #tpu.memory_space<vmem>> -> memref<320xf32, #tpu.memory_space<vmem>>
      tpu.wait_dma2 semaphore(%run_scoped3A : memref<!tpu.dma_semaphore, #tpu.memory_space<semaphore_mem>>) src(%dma_wait3A_57 : memref<320xf32, #tpu.memory_space<vmem>>) dst(%dma_wait3A_55 : memref<320xf32, #tpu.memory_space<hbm>>)
      tpu.yield
    }) : () -> ()
    return
  }
}

#map = affine_map<(d0, d1) -> (0, 0)>
#map1 = affine_map<(d0, d1) -> (0)>
#map2 = affine_map<(d0, d1) -> (0, 0, 0)>
module attributes {stable_mosaic.version = 14 : i64} {
  func.func @body(%arg0: i32, %arg1: i32, %arg2: memref<5000x128xf32, #tpu.memory_space<hbm>>, %arg3: memref<320000xi32, #tpu.memory_space<hbm>>, %arg4: memref<320000xi32, #tpu.memory_space<hbm>>, %arg5: memref<2x10240x128xf32, #tpu.memory_space<hbm>>, %arg6: memref<10240x128xf32, #tpu.memory_space<vmem_shared>>, %arg7: memref<40x128xf32, #tpu.memory_space<vmem>>, %arg8: memref<128xi32, #tpu.memory_space<vmem>>, %arg9: memref<128xi32, #tpu.memory_space<vmem>>, %arg10: memref<128x128xf32, #tpu.memory_space<vmem>>, %arg11: memref<!tpu.dma_semaphore, #tpu.memory_space<semaphore_mem>>) attributes {dimension_semantics = [#tpu.dimension_semantics<core_parallel>, #tpu.dimension_semantics<subcore_parallel>], iteration_bounds = array<i64: 2, 16>, scalar_prefetch = 0 : i64, scratch_operands = 6 : i64, tpu.core_type = #tpu.core_type<sc_vector_subcore>, window_params = [{transform_indices = #map}, {transform_indices = #map1}, {transform_indices = #map1}, {transform_indices = #map2}]} {
    %scan3A = arith.constant 0 : i32
    %scan3A_0 = arith.constant 0 : i32
    %scan3A_1 = arith.constant 40 : i32
    %scan3A_2 = arith.addi %scan3A_0, %scan3A_1 : i32
    %scan3A_3 = arith.constant 1 : i32
    %scan3A_4 = scf.for %scan3A_92 = %scan3A_0 to %scan3A_2 step %scan3A_3 iter_args(%scan3A_93 = %scan3A) -> (i32)  : i32 {
      %broadcast_in_dim3A = arith.constant 0.000000e+00 : f32
      %broadcast_in_dim3A_94 = vector.broadcast %broadcast_in_dim3A : f32 to vector<16xf32>
      %swap3A = arith.index_cast %scan3A_92 : i32 to index
      %swap3A_95 = arith.constant 0 : index
      %swap3A_96 = tpu.vector_load %arg7[%swap3A, %swap3A_95] {strides = array<i32>} : memref<40x128xf32, #tpu.memory_space<vmem>>, vector<1x16xf32>,
      %swap3A_97 = vector.shape_cast %swap3A_96 : vector<1x16xf32> to vector<16xf32>
      %swap3A_98 = vector.shape_cast %broadcast_in_dim3A_94 : vector<16xf32> to vector<1x16xf32>
      tpu.vector_store %arg7[%swap3A, %swap3A_95], %swap3A_98 {strides = array<i32>} : memref<40x128xf32, #tpu.memory_space<vmem>>, vector<1x16xf32>,
      %broadcast_in_dim3A_99 = arith.constant 0.000000e+00 : f32
      %broadcast_in_dim3A_100 = vector.broadcast %broadcast_in_dim3A_99 : f32 to vector<16xf32>
      %swap3A_101 = arith.index_cast %scan3A_92 : i32 to index
      %swap3A_102 = arith.constant 16 : index
      %swap3A_103 = tpu.vector_load %arg7[%swap3A_101, %swap3A_102] {strides = array<i32>} : memref<40x128xf32, #tpu.memory_space<vmem>>, vector<1x16xf32>,
      %swap3A_104 = vector.shape_cast %swap3A_103 : vector<1x16xf32> to vector<16xf32>
      %swap3A_105 = vector.shape_cast %broadcast_in_dim3A_100 : vector<16xf32> to vector<1x16xf32>
      tpu.vector_store %arg7[%swap3A_101, %swap3A_102], %swap3A_105 {strides = array<i32>} : memref<40x128xf32, #tpu.memory_space<vmem>>, vector<1x16xf32>,
      %broadcast_in_dim3A_106 = arith.constant 0.000000e+00 : f32
      %broadcast_in_dim3A_107 = vector.broadcast %broadcast_in_dim3A_106 : f32 to vector<16xf32>
      %swap3A_108 = arith.index_cast %scan3A_92 : i32 to index
      %swap3A_109 = arith.constant 32 : index
      %swap3A_110 = tpu.vector_load %arg7[%swap3A_108, %swap3A_109] {strides = array<i32>} : memref<40x128xf32, #tpu.memory_space<vmem>>, vector<1x16xf32>,
      %swap3A_111 = vector.shape_cast %swap3A_110 : vector<1x16xf32> to vector<16xf32>
      %swap3A_112 = vector.shape_cast %broadcast_in_dim3A_107 : vector<16xf32> to vector<1x16xf32>
      tpu.vector_store %arg7[%swap3A_108, %swap3A_109], %swap3A_112 {strides = array<i32>} : memref<40x128xf32, #tpu.memory_space<vmem>>, vector<1x16xf32>,
      %broadcast_in_dim3A_113 = arith.constant 0.000000e+00 : f32
      %broadcast_in_dim3A_114 = vector.broadcast %broadcast_in_dim3A_113 : f32 to vector<16xf32>
      %swap3A_115 = arith.index_cast %scan3A_92 : i32 to index
      %swap3A_116 = arith.constant 48 : index
      %swap3A_117 = tpu.vector_load %arg7[%swap3A_115, %swap3A_116] {strides = array<i32>} : memref<40x128xf32, #tpu.memory_space<vmem>>, vector<1x16xf32>,
      %swap3A_118 = vector.shape_cast %swap3A_117 : vector<1x16xf32> to vector<16xf32>
      %swap3A_119 = vector.shape_cast %broadcast_in_dim3A_114 : vector<16xf32> to vector<1x16xf32>
      tpu.vector_store %arg7[%swap3A_115, %swap3A_116], %swap3A_119 {strides = array<i32>} : memref<40x128xf32, #tpu.memory_space<vmem>>, vector<1x16xf32>,
      %broadcast_in_dim3A_120 = arith.constant 0.000000e+00 : f32
      %broadcast_in_dim3A_121 = vector.broadcast %broadcast_in_dim3A_120 : f32 to vector<16xf32>
      %swap3A_122 = arith.index_cast %scan3A_92 : i32 to index
      %swap3A_123 = arith.constant 64 : index
      %swap3A_124 = tpu.vector_load %arg7[%swap3A_122, %swap3A_123] {strides = array<i32>} : memref<40x128xf32, #tpu.memory_space<vmem>>, vector<1x16xf32>,
      %swap3A_125 = vector.shape_cast %swap3A_124 : vector<1x16xf32> to vector<16xf32>
      %swap3A_126 = vector.shape_cast %broadcast_in_dim3A_121 : vector<16xf32> to vector<1x16xf32>
      tpu.vector_store %arg7[%swap3A_122, %swap3A_123], %swap3A_126 {strides = array<i32>} : memref<40x128xf32, #tpu.memory_space<vmem>>, vector<1x16xf32>,
      %broadcast_in_dim3A_127 = arith.constant 0.000000e+00 : f32
      %broadcast_in_dim3A_128 = vector.broadcast %broadcast_in_dim3A_127 : f32 to vector<16xf32>
      %swap3A_129 = arith.index_cast %scan3A_92 : i32 to index
      %swap3A_130 = arith.constant 80 : index
      %swap3A_131 = tpu.vector_load %arg7[%swap3A_129, %swap3A_130] {strides = array<i32>} : memref<40x128xf32, #tpu.memory_space<vmem>>, vector<1x16xf32>,
      %swap3A_132 = vector.shape_cast %swap3A_131 : vector<1x16xf32> to vector<16xf32>
      %swap3A_133 = vector.shape_cast %broadcast_in_dim3A_128 : vector<16xf32> to vector<1x16xf32>
      tpu.vector_store %arg7[%swap3A_129, %swap3A_130], %swap3A_133 {strides = array<i32>} : memref<40x128xf32, #tpu.memory_space<vmem>>, vector<1x16xf32>,
      %broadcast_in_dim3A_134 = arith.constant 0.000000e+00 : f32
      %broadcast_in_dim3A_135 = vector.broadcast %broadcast_in_dim3A_134 : f32 to vector<16xf32>
      %swap3A_136 = arith.index_cast %scan3A_92 : i32 to index
      %swap3A_137 = arith.constant 96 : index
      %swap3A_138 = tpu.vector_load %arg7[%swap3A_136, %swap3A_137] {strides = array<i32>} : memref<40x128xf32, #tpu.memory_space<vmem>>, vector<1x16xf32>,
      %swap3A_139 = vector.shape_cast %swap3A_138 : vector<1x16xf32> to vector<16xf32>
      %swap3A_140 = vector.shape_cast %broadcast_in_dim3A_135 : vector<16xf32> to vector<1x16xf32>
      tpu.vector_store %arg7[%swap3A_136, %swap3A_137], %swap3A_140 {strides = array<i32>} : memref<40x128xf32, #tpu.memory_space<vmem>>, vector<1x16xf32>,
      %broadcast_in_dim3A_141 = arith.constant 0.000000e+00 : f32
      %broadcast_in_dim3A_142 = vector.broadcast %broadcast_in_dim3A_141 : f32 to vector<16xf32>
      %swap3A_143 = arith.index_cast %scan3A_92 : i32 to index
      %swap3A_144 = arith.constant 112 : index
      %swap3A_145 = tpu.vector_load %arg7[%swap3A_143, %swap3A_144] {strides = array<i32>} : memref<40x128xf32, #tpu.memory_space<vmem>>, vector<1x16xf32>,
      %swap3A_146 = vector.shape_cast %swap3A_145 : vector<1x16xf32> to vector<16xf32>
      %swap3A_147 = vector.shape_cast %broadcast_in_dim3A_142 : vector<16xf32> to vector<1x16xf32>
      tpu.vector_store %arg7[%swap3A_143, %swap3A_144], %swap3A_147 {strides = array<i32>} : memref<40x128xf32, #tpu.memory_space<vmem>>, vector<1x16xf32>,
      %scan3A_148 = arith.constant 0 : i32
      scf.yield %scan3A_148 : i32
    }
    %scan3A_5 = arith.constant 40 : i32
    %mul3A = arith.constant 640 : i32
    %mul3A_6 = arith.muli %arg1, %mul3A : i32
    %add3A = arith.constant 0 : i32
    %add3A_7 = arith.addi %mul3A_6, %add3A : i32
    "tpu.region"() ({
      %run_scoped3A = tpu.sem_alloc : memref<!tpu.dma_semaphore, #tpu.memory_space<semaphore_mem>>
      %dma_start3A = arith.constant 0 : i32
      %dma_start3A_92 = tpu.memref_slice %arg6[%add3A_7, %dma_start3A] : memref<10240x128xf32, #tpu.memory_space<vmem_shared>> -> memref<40x128xf32, #tpu.memory_space<vmem_shared>>
      %dma_start3A_93 = arith.constant 0 : i32
      %dma_start3A_94 = tpu.memref_slice %arg6[%add3A_7, %dma_start3A_93] : memref<10240x128xf32, #tpu.memory_space<vmem_shared>> -> memref<40x128xf32, #tpu.memory_space<vmem_shared>>
      tpu.enqueue_dma source(%arg7 : memref<40x128xf32, #tpu.memory_space<vmem>>) target(%dma_start3A_94 : memref<40x128xf32, #tpu.memory_space<vmem_shared>>) target_semaphore(%run_scoped3A : memref<!tpu.dma_semaphore, #tpu.memory_space<semaphore_mem>>)
      %dma_wait3A = arith.constant 0 : i32
      %dma_wait3A_95 = tpu.memref_slice %arg6[%add3A_7, %dma_wait3A] : memref<10240x128xf32, #tpu.memory_space<vmem_shared>> -> memref<40x128xf32, #tpu.memory_space<vmem_shared>>
      %dma_wait3A_96 = arith.constant 0 : i32
      %dma_wait3A_97 = tpu.memref_slice %arg6[%add3A_7, %dma_wait3A_96] : memref<10240x128xf32, #tpu.memory_space<vmem_shared>> -> memref<40x128xf32, #tpu.memory_space<vmem_shared>>
      tpu.wait_dma2 semaphore(%run_scoped3A : memref<!tpu.dma_semaphore, #tpu.memory_space<semaphore_mem>>) src(%arg7 : memref<40x128xf32, #tpu.memory_space<vmem>>) dst(%dma_wait3A_97 : memref<40x128xf32, #tpu.memory_space<vmem_shared>>)
      tpu.yield
    }) : () -> ()
    %mul3A_8 = arith.constant 640 : i32
    %mul3A_9 = arith.muli %arg1, %mul3A_8 : i32
    %add3A_10 = arith.constant 40 : i32
    %add3A_11 = arith.addi %mul3A_9, %add3A_10 : i32
    "tpu.region"() ({
      %run_scoped3A = tpu.sem_alloc : memref<!tpu.dma_semaphore, #tpu.memory_space<semaphore_mem>>
      %dma_start3A = arith.constant 0 : i32
      %dma_start3A_92 = tpu.memref_slice %arg6[%add3A_11, %dma_start3A] : memref<10240x128xf32, #tpu.memory_space<vmem_shared>> -> memref<40x128xf32, #tpu.memory_space<vmem_shared>>
      %dma_start3A_93 = arith.constant 0 : i32
      %dma_start3A_94 = tpu.memref_slice %arg6[%add3A_11, %dma_start3A_93] : memref<10240x128xf32, #tpu.memory_space<vmem_shared>> -> memref<40x128xf32, #tpu.memory_space<vmem_shared>>
      tpu.enqueue_dma source(%arg7 : memref<40x128xf32, #tpu.memory_space<vmem>>) target(%dma_start3A_94 : memref<40x128xf32, #tpu.memory_space<vmem_shared>>) target_semaphore(%run_scoped3A : memref<!tpu.dma_semaphore, #tpu.memory_space<semaphore_mem>>)
      %dma_wait3A = arith.constant 0 : i32
      %dma_wait3A_95 = tpu.memref_slice %arg6[%add3A_11, %dma_wait3A] : memref<10240x128xf32, #tpu.memory_space<vmem_shared>> -> memref<40x128xf32, #tpu.memory_space<vmem_shared>>
      %dma_wait3A_96 = arith.constant 0 : i32
      %dma_wait3A_97 = tpu.memref_slice %arg6[%add3A_11, %dma_wait3A_96] : memref<10240x128xf32, #tpu.memory_space<vmem_shared>> -> memref<40x128xf32, #tpu.memory_space<vmem_shared>>
      tpu.wait_dma2 semaphore(%run_scoped3A : memref<!tpu.dma_semaphore, #tpu.memory_space<semaphore_mem>>) src(%arg7 : memref<40x128xf32, #tpu.memory_space<vmem>>) dst(%dma_wait3A_97 : memref<40x128xf32, #tpu.memory_space<vmem_shared>>)
      tpu.yield
    }) : () -> ()
    %mul3A_12 = arith.constant 640 : i32
    %mul3A_13 = arith.muli %arg1, %mul3A_12 : i32
    %add3A_14 = arith.constant 80 : i32
    %add3A_15 = arith.addi %mul3A_13, %add3A_14 : i32
    "tpu.region"() ({
      %run_scoped3A = tpu.sem_alloc : memref<!tpu.dma_semaphore, #tpu.memory_space<semaphore_mem>>
      %dma_start3A = arith.constant 0 : i32
      %dma_start3A_92 = tpu.memref_slice %arg6[%add3A_15, %dma_start3A] : memref<10240x128xf32, #tpu.memory_space<vmem_shared>> -> memref<40x128xf32, #tpu.memory_space<vmem_shared>>
      %dma_start3A_93 = arith.constant 0 : i32
      %dma_start3A_94 = tpu.memref_slice %arg6[%add3A_15, %dma_start3A_93] : memref<10240x128xf32, #tpu.memory_space<vmem_shared>> -> memref<40x128xf32, #tpu.memory_space<vmem_shared>>
      tpu.enqueue_dma source(%arg7 : memref<40x128xf32, #tpu.memory_space<vmem>>) target(%dma_start3A_94 : memref<40x128xf32, #tpu.memory_space<vmem_shared>>) target_semaphore(%run_scoped3A : memref<!tpu.dma_semaphore, #tpu.memory_space<semaphore_mem>>)
      %dma_wait3A = arith.constant 0 : i32
      %dma_wait3A_95 = tpu.memref_slice %arg6[%add3A_15, %dma_wait3A] : memref<10240x128xf32, #tpu.memory_space<vmem_shared>> -> memref<40x128xf32, #tpu.memory_space<vmem_shared>>
      %dma_wait3A_96 = arith.constant 0 : i32
      %dma_wait3A_97 = tpu.memref_slice %arg6[%add3A_15, %dma_wait3A_96] : memref<10240x128xf32, #tpu.memory_space<vmem_shared>> -> memref<40x128xf32, #tpu.memory_space<vmem_shared>>
      tpu.wait_dma2 semaphore(%run_scoped3A : memref<!tpu.dma_semaphore, #tpu.memory_space<semaphore_mem>>) src(%arg7 : memref<40x128xf32, #tpu.memory_space<vmem>>) dst(%dma_wait3A_97 : memref<40x128xf32, #tpu.memory_space<vmem_shared>>)
      tpu.yield
    }) : () -> ()
    %mul3A_16 = arith.constant 640 : i32
    %mul3A_17 = arith.muli %arg1, %mul3A_16 : i32
    %add3A_18 = arith.constant 120 : i32
    %add3A_19 = arith.addi %mul3A_17, %add3A_18 : i32
    "tpu.region"() ({
      %run_scoped3A = tpu.sem_alloc : memref<!tpu.dma_semaphore, #tpu.memory_space<semaphore_mem>>
      %dma_start3A = arith.constant 0 : i32
      %dma_start3A_92 = tpu.memref_slice %arg6[%add3A_19, %dma_start3A] : memref<10240x128xf32, #tpu.memory_space<vmem_shared>> -> memref<40x128xf32, #tpu.memory_space<vmem_shared>>
      %dma_start3A_93 = arith.constant 0 : i32
      %dma_start3A_94 = tpu.memref_slice %arg6[%add3A_19, %dma_start3A_93] : memref<10240x128xf32, #tpu.memory_space<vmem_shared>> -> memref<40x128xf32, #tpu.memory_space<vmem_shared>>
      tpu.enqueue_dma source(%arg7 : memref<40x128xf32, #tpu.memory_space<vmem>>) target(%dma_start3A_94 : memref<40x128xf32, #tpu.memory_space<vmem_shared>>) target_semaphore(%run_scoped3A : memref<!tpu.dma_semaphore, #tpu.memory_space<semaphore_mem>>)
      %dma_wait3A = arith.constant 0 : i32
      %dma_wait3A_95 = tpu.memref_slice %arg6[%add3A_19, %dma_wait3A] : memref<10240x128xf32, #tpu.memory_space<vmem_shared>> -> memref<40x128xf32, #tpu.memory_space<vmem_shared>>
      %dma_wait3A_96 = arith.constant 0 : i32
      %dma_wait3A_97 = tpu.memref_slice %arg6[%add3A_19, %dma_wait3A_96] : memref<10240x128xf32, #tpu.memory_space<vmem_shared>> -> memref<40x128xf32, #tpu.memory_space<vmem_shared>>
      tpu.wait_dma2 semaphore(%run_scoped3A : memref<!tpu.dma_semaphore, #tpu.memory_space<semaphore_mem>>) src(%arg7 : memref<40x128xf32, #tpu.memory_space<vmem>>) dst(%dma_wait3A_97 : memref<40x128xf32, #tpu.memory_space<vmem_shared>>)
      tpu.yield
    }) : () -> ()
    %mul3A_20 = arith.constant 640 : i32
    %mul3A_21 = arith.muli %arg1, %mul3A_20 : i32
    %add3A_22 = arith.constant 160 : i32
    %add3A_23 = arith.addi %mul3A_21, %add3A_22 : i32
    "tpu.region"() ({
      %run_scoped3A = tpu.sem_alloc : memref<!tpu.dma_semaphore, #tpu.memory_space<semaphore_mem>>
      %dma_start3A = arith.constant 0 : i32
      %dma_start3A_92 = tpu.memref_slice %arg6[%add3A_23, %dma_start3A] : memref<10240x128xf32, #tpu.memory_space<vmem_shared>> -> memref<40x128xf32, #tpu.memory_space<vmem_shared>>
      %dma_start3A_93 = arith.constant 0 : i32
      %dma_start3A_94 = tpu.memref_slice %arg6[%add3A_23, %dma_start3A_93] : memref<10240x128xf32, #tpu.memory_space<vmem_shared>> -> memref<40x128xf32, #tpu.memory_space<vmem_shared>>
      tpu.enqueue_dma source(%arg7 : memref<40x128xf32, #tpu.memory_space<vmem>>) target(%dma_start3A_94 : memref<40x128xf32, #tpu.memory_space<vmem_shared>>) target_semaphore(%run_scoped3A : memref<!tpu.dma_semaphore, #tpu.memory_space<semaphore_mem>>)
      %dma_wait3A = arith.constant 0 : i32
      %dma_wait3A_95 = tpu.memref_slice %arg6[%add3A_23, %dma_wait3A] : memref<10240x128xf32, #tpu.memory_space<vmem_shared>> -> memref<40x128xf32, #tpu.memory_space<vmem_shared>>
      %dma_wait3A_96 = arith.constant 0 : i32
      %dma_wait3A_97 = tpu.memref_slice %arg6[%add3A_23, %dma_wait3A_96] : memref<10240x128xf32, #tpu.memory_space<vmem_shared>> -> memref<40x128xf32, #tpu.memory_space<vmem_shared>>
      tpu.wait_dma2 semaphore(%run_scoped3A : memref<!tpu.dma_semaphore, #tpu.memory_space<semaphore_mem>>) src(%arg7 : memref<40x128xf32, #tpu.memory_space<vmem>>) dst(%dma_wait3A_97 : memref<40x128xf32, #tpu.memory_space<vmem_shared>>)
      tpu.yield
    }) : () -> ()
    %mul3A_24 = arith.constant 640 : i32
    %mul3A_25 = arith.muli %arg1, %mul3A_24 : i32
    %add3A_26 = arith.constant 200 : i32
    %add3A_27 = arith.addi %mul3A_25, %add3A_26 : i32
    "tpu.region"() ({
      %run_scoped3A = tpu.sem_alloc : memref<!tpu.dma_semaphore, #tpu.memory_space<semaphore_mem>>
      %dma_start3A = arith.constant 0 : i32
      %dma_start3A_92 = tpu.memref_slice %arg6[%add3A_27, %dma_start3A] : memref<10240x128xf32, #tpu.memory_space<vmem_shared>> -> memref<40x128xf32, #tpu.memory_space<vmem_shared>>
      %dma_start3A_93 = arith.constant 0 : i32
      %dma_start3A_94 = tpu.memref_slice %arg6[%add3A_27, %dma_start3A_93] : memref<10240x128xf32, #tpu.memory_space<vmem_shared>> -> memref<40x128xf32, #tpu.memory_space<vmem_shared>>
      tpu.enqueue_dma source(%arg7 : memref<40x128xf32, #tpu.memory_space<vmem>>) target(%dma_start3A_94 : memref<40x128xf32, #tpu.memory_space<vmem_shared>>) target_semaphore(%run_scoped3A : memref<!tpu.dma_semaphore, #tpu.memory_space<semaphore_mem>>)
      %dma_wait3A = arith.constant 0 : i32
      %dma_wait3A_95 = tpu.memref_slice %arg6[%add3A_27, %dma_wait3A] : memref<10240x128xf32, #tpu.memory_space<vmem_shared>> -> memref<40x128xf32, #tpu.memory_space<vmem_shared>>
      %dma_wait3A_96 = arith.constant 0 : i32
      %dma_wait3A_97 = tpu.memref_slice %arg6[%add3A_27, %dma_wait3A_96] : memref<10240x128xf32, #tpu.memory_space<vmem_shared>> -> memref<40x128xf32, #tpu.memory_space<vmem_shared>>
      tpu.wait_dma2 semaphore(%run_scoped3A : memref<!tpu.dma_semaphore, #tpu.memory_space<semaphore_mem>>) src(%arg7 : memref<40x128xf32, #tpu.memory_space<vmem>>) dst(%dma_wait3A_97 : memref<40x128xf32, #tpu.memory_space<vmem_shared>>)
      tpu.yield
    }) : () -> ()
    %mul3A_28 = arith.constant 640 : i32
    %mul3A_29 = arith.muli %arg1, %mul3A_28 : i32
    %add3A_30 = arith.constant 240 : i32
    %add3A_31 = arith.addi %mul3A_29, %add3A_30 : i32
    "tpu.region"() ({
      %run_scoped3A = tpu.sem_alloc : memref<!tpu.dma_semaphore, #tpu.memory_space<semaphore_mem>>
      %dma_start3A = arith.constant 0 : i32
      %dma_start3A_92 = tpu.memref_slice %arg6[%add3A_31, %dma_start3A] : memref<10240x128xf32, #tpu.memory_space<vmem_shared>> -> memref<40x128xf32, #tpu.memory_space<vmem_shared>>
      %dma_start3A_93 = arith.constant 0 : i32
      %dma_start3A_94 = tpu.memref_slice %arg6[%add3A_31, %dma_start3A_93] : memref<10240x128xf32, #tpu.memory_space<vmem_shared>> -> memref<40x128xf32, #tpu.memory_space<vmem_shared>>
      tpu.enqueue_dma source(%arg7 : memref<40x128xf32, #tpu.memory_space<vmem>>) target(%dma_start3A_94 : memref<40x128xf32, #tpu.memory_space<vmem_shared>>) target_semaphore(%run_scoped3A : memref<!tpu.dma_semaphore, #tpu.memory_space<semaphore_mem>>)
      %dma_wait3A = arith.constant 0 : i32
      %dma_wait3A_95 = tpu.memref_slice %arg6[%add3A_31, %dma_wait3A] : memref<10240x128xf32, #tpu.memory_space<vmem_shared>> -> memref<40x128xf32, #tpu.memory_space<vmem_shared>>
      %dma_wait3A_96 = arith.constant 0 : i32
      %dma_wait3A_97 = tpu.memref_slice %arg6[%add3A_31, %dma_wait3A_96] : memref<10240x128xf32, #tpu.memory_space<vmem_shared>> -> memref<40x128xf32, #tpu.memory_space<vmem_shared>>
      tpu.wait_dma2 semaphore(%run_scoped3A : memref<!tpu.dma_semaphore, #tpu.memory_space<semaphore_mem>>) src(%arg7 : memref<40x128xf32, #tpu.memory_space<vmem>>) dst(%dma_wait3A_97 : memref<40x128xf32, #tpu.memory_space<vmem_shared>>)
      tpu.yield
    }) : () -> ()
    %mul3A_32 = arith.constant 640 : i32
    %mul3A_33 = arith.muli %arg1, %mul3A_32 : i32
    %add3A_34 = arith.constant 280 : i32
    %add3A_35 = arith.addi %mul3A_33, %add3A_34 : i32
    "tpu.region"() ({
      %run_scoped3A = tpu.sem_alloc : memref<!tpu.dma_semaphore, #tpu.memory_space<semaphore_mem>>
      %dma_start3A = arith.constant 0 : i32
      %dma_start3A_92 = tpu.memref_slice %arg6[%add3A_35, %dma_start3A] : memref<10240x128xf32, #tpu.memory_space<vmem_shared>> -> memref<40x128xf32, #tpu.memory_space<vmem_shared>>
      %dma_start3A_93 = arith.constant 0 : i32
      %dma_start3A_94 = tpu.memref_slice %arg6[%add3A_35, %dma_start3A_93] : memref<10240x128xf32, #tpu.memory_space<vmem_shared>> -> memref<40x128xf32, #tpu.memory_space<vmem_shared>>
      tpu.enqueue_dma source(%arg7 : memref<40x128xf32, #tpu.memory_space<vmem>>) target(%dma_start3A_94 : memref<40x128xf32, #tpu.memory_space<vmem_shared>>) target_semaphore(%run_scoped3A : memref<!tpu.dma_semaphore, #tpu.memory_space<semaphore_mem>>)
      %dma_wait3A = arith.constant 0 : i32
      %dma_wait3A_95 = tpu.memref_slice %arg6[%add3A_35, %dma_wait3A] : memref<10240x128xf32, #tpu.memory_space<vmem_shared>> -> memref<40x128xf32, #tpu.memory_space<vmem_shared>>
      %dma_wait3A_96 = arith.constant 0 : i32
      %dma_wait3A_97 = tpu.memref_slice %arg6[%add3A_35, %dma_wait3A_96] : memref<10240x128xf32, #tpu.memory_space<vmem_shared>> -> memref<40x128xf32, #tpu.memory_space<vmem_shared>>
      tpu.wait_dma2 semaphore(%run_scoped3A : memref<!tpu.dma_semaphore, #tpu.memory_space<semaphore_mem>>) src(%arg7 : memref<40x128xf32, #tpu.memory_space<vmem>>) dst(%dma_wait3A_97 : memref<40x128xf32, #tpu.memory_space<vmem_shared>>)
      tpu.yield
    }) : () -> ()
    %mul3A_36 = arith.constant 640 : i32
    %mul3A_37 = arith.muli %arg1, %mul3A_36 : i32
    %add3A_38 = arith.constant 320 : i32
    %add3A_39 = arith.addi %mul3A_37, %add3A_38 : i32
    "tpu.region"() ({
      %run_scoped3A = tpu.sem_alloc : memref<!tpu.dma_semaphore, #tpu.memory_space<semaphore_mem>>
      %dma_start3A = arith.constant 0 : i32
      %dma_start3A_92 = tpu.memref_slice %arg6[%add3A_39, %dma_start3A] : memref<10240x128xf32, #tpu.memory_space<vmem_shared>> -> memref<40x128xf32, #tpu.memory_space<vmem_shared>>
      %dma_start3A_93 = arith.constant 0 : i32
      %dma_start3A_94 = tpu.memref_slice %arg6[%add3A_39, %dma_start3A_93] : memref<10240x128xf32, #tpu.memory_space<vmem_shared>> -> memref<40x128xf32, #tpu.memory_space<vmem_shared>>
      tpu.enqueue_dma source(%arg7 : memref<40x128xf32, #tpu.memory_space<vmem>>) target(%dma_start3A_94 : memref<40x128xf32, #tpu.memory_space<vmem_shared>>) target_semaphore(%run_scoped3A : memref<!tpu.dma_semaphore, #tpu.memory_space<semaphore_mem>>)
      %dma_wait3A = arith.constant 0 : i32
      %dma_wait3A_95 = tpu.memref_slice %arg6[%add3A_39, %dma_wait3A] : memref<10240x128xf32, #tpu.memory_space<vmem_shared>> -> memref<40x128xf32, #tpu.memory_space<vmem_shared>>
      %dma_wait3A_96 = arith.constant 0 : i32
      %dma_wait3A_97 = tpu.memref_slice %arg6[%add3A_39, %dma_wait3A_96] : memref<10240x128xf32, #tpu.memory_space<vmem_shared>> -> memref<40x128xf32, #tpu.memory_space<vmem_shared>>
      tpu.wait_dma2 semaphore(%run_scoped3A : memref<!tpu.dma_semaphore, #tpu.memory_space<semaphore_mem>>) src(%arg7 : memref<40x128xf32, #tpu.memory_space<vmem>>) dst(%dma_wait3A_97 : memref<40x128xf32, #tpu.memory_space<vmem_shared>>)
      tpu.yield
    }) : () -> ()
    %mul3A_40 = arith.constant 640 : i32
    %mul3A_41 = arith.muli %arg1, %mul3A_40 : i32
    %add3A_42 = arith.constant 360 : i32
    %add3A_43 = arith.addi %mul3A_41, %add3A_42 : i32
    "tpu.region"() ({
      %run_scoped3A = tpu.sem_alloc : memref<!tpu.dma_semaphore, #tpu.memory_space<semaphore_mem>>
      %dma_start3A = arith.constant 0 : i32
      %dma_start3A_92 = tpu.memref_slice %arg6[%add3A_43, %dma_start3A] : memref<10240x128xf32, #tpu.memory_space<vmem_shared>> -> memref<40x128xf32, #tpu.memory_space<vmem_shared>>
      %dma_start3A_93 = arith.constant 0 : i32
      %dma_start3A_94 = tpu.memref_slice %arg6[%add3A_43, %dma_start3A_93] : memref<10240x128xf32, #tpu.memory_space<vmem_shared>> -> memref<40x128xf32, #tpu.memory_space<vmem_shared>>
      tpu.enqueue_dma source(%arg7 : memref<40x128xf32, #tpu.memory_space<vmem>>) target(%dma_start3A_94 : memref<40x128xf32, #tpu.memory_space<vmem_shared>>) target_semaphore(%run_scoped3A : memref<!tpu.dma_semaphore, #tpu.memory_space<semaphore_mem>>)
      %dma_wait3A = arith.constant 0 : i32
      %dma_wait3A_95 = tpu.memref_slice %arg6[%add3A_43, %dma_wait3A] : memref<10240x128xf32, #tpu.memory_space<vmem_shared>> -> memref<40x128xf32, #tpu.memory_space<vmem_shared>>
      %dma_wait3A_96 = arith.constant 0 : i32
      %dma_wait3A_97 = tpu.memref_slice %arg6[%add3A_43, %dma_wait3A_96] : memref<10240x128xf32, #tpu.memory_space<vmem_shared>> -> memref<40x128xf32, #tpu.memory_space<vmem_shared>>
      tpu.wait_dma2 semaphore(%run_scoped3A : memref<!tpu.dma_semaphore, #tpu.memory_space<semaphore_mem>>) src(%arg7 : memref<40x128xf32, #tpu.memory_space<vmem>>) dst(%dma_wait3A_97 : memref<40x128xf32, #tpu.memory_space<vmem_shared>>)
      tpu.yield
    }) : () -> ()
    %mul3A_44 = arith.constant 640 : i32
    %mul3A_45 = arith.muli %arg1, %mul3A_44 : i32
    %add3A_46 = arith.constant 400 : i32
    %add3A_47 = arith.addi %mul3A_45, %add3A_46 : i32
    "tpu.region"() ({
      %run_scoped3A = tpu.sem_alloc : memref<!tpu.dma_semaphore, #tpu.memory_space<semaphore_mem>>
      %dma_start3A = arith.constant 0 : i32
      %dma_start3A_92 = tpu.memref_slice %arg6[%add3A_47, %dma_start3A] : memref<10240x128xf32, #tpu.memory_space<vmem_shared>> -> memref<40x128xf32, #tpu.memory_space<vmem_shared>>
      %dma_start3A_93 = arith.constant 0 : i32
      %dma_start3A_94 = tpu.memref_slice %arg6[%add3A_47, %dma_start3A_93] : memref<10240x128xf32, #tpu.memory_space<vmem_shared>> -> memref<40x128xf32, #tpu.memory_space<vmem_shared>>
      tpu.enqueue_dma source(%arg7 : memref<40x128xf32, #tpu.memory_space<vmem>>) target(%dma_start3A_94 : memref<40x128xf32, #tpu.memory_space<vmem_shared>>) target_semaphore(%run_scoped3A : memref<!tpu.dma_semaphore, #tpu.memory_space<semaphore_mem>>)
      %dma_wait3A = arith.constant 0 : i32
      %dma_wait3A_95 = tpu.memref_slice %arg6[%add3A_47, %dma_wait3A] : memref<10240x128xf32, #tpu.memory_space<vmem_shared>> -> memref<40x128xf32, #tpu.memory_space<vmem_shared>>
      %dma_wait3A_96 = arith.constant 0 : i32
      %dma_wait3A_97 = tpu.memref_slice %arg6[%add3A_47, %dma_wait3A_96] : memref<10240x128xf32, #tpu.memory_space<vmem_shared>> -> memref<40x128xf32, #tpu.memory_space<vmem_shared>>
      tpu.wait_dma2 semaphore(%run_scoped3A : memref<!tpu.dma_semaphore, #tpu.memory_space<semaphore_mem>>) src(%arg7 : memref<40x128xf32, #tpu.memory_space<vmem>>) dst(%dma_wait3A_97 : memref<40x128xf32, #tpu.memory_space<vmem_shared>>)
      tpu.yield
    }) : () -> ()
    %mul3A_48 = arith.constant 640 : i32
    %mul3A_49 = arith.muli %arg1, %mul3A_48 : i32
    %add3A_50 = arith.constant 440 : i32
    %add3A_51 = arith.addi %mul3A_49, %add3A_50 : i32
    "tpu.region"() ({
      %run_scoped3A = tpu.sem_alloc : memref<!tpu.dma_semaphore, #tpu.memory_space<semaphore_mem>>
      %dma_start3A = arith.constant 0 : i32
      %dma_start3A_92 = tpu.memref_slice %arg6[%add3A_51, %dma_start3A] : memref<10240x128xf32, #tpu.memory_space<vmem_shared>> -> memref<40x128xf32, #tpu.memory_space<vmem_shared>>
      %dma_start3A_93 = arith.constant 0 : i32
      %dma_start3A_94 = tpu.memref_slice %arg6[%add3A_51, %dma_start3A_93] : memref<10240x128xf32, #tpu.memory_space<vmem_shared>> -> memref<40x128xf32, #tpu.memory_space<vmem_shared>>
      tpu.enqueue_dma source(%arg7 : memref<40x128xf32, #tpu.memory_space<vmem>>) target(%dma_start3A_94 : memref<40x128xf32, #tpu.memory_space<vmem_shared>>) target_semaphore(%run_scoped3A : memref<!tpu.dma_semaphore, #tpu.memory_space<semaphore_mem>>)
      %dma_wait3A = arith.constant 0 : i32
      %dma_wait3A_95 = tpu.memref_slice %arg6[%add3A_51, %dma_wait3A] : memref<10240x128xf32, #tpu.memory_space<vmem_shared>> -> memref<40x128xf32, #tpu.memory_space<vmem_shared>>
      %dma_wait3A_96 = arith.constant 0 : i32
      %dma_wait3A_97 = tpu.memref_slice %arg6[%add3A_51, %dma_wait3A_96] : memref<10240x128xf32, #tpu.memory_space<vmem_shared>> -> memref<40x128xf32, #tpu.memory_space<vmem_shared>>
      tpu.wait_dma2 semaphore(%run_scoped3A : memref<!tpu.dma_semaphore, #tpu.memory_space<semaphore_mem>>) src(%arg7 : memref<40x128xf32, #tpu.memory_space<vmem>>) dst(%dma_wait3A_97 : memref<40x128xf32, #tpu.memory_space<vmem_shared>>)
      tpu.yield
    }) : () -> ()
    %mul3A_52 = arith.constant 640 : i32
    %mul3A_53 = arith.muli %arg1, %mul3A_52 : i32
    %add3A_54 = arith.constant 480 : i32
    %add3A_55 = arith.addi %mul3A_53, %add3A_54 : i32
    "tpu.region"() ({
      %run_scoped3A = tpu.sem_alloc : memref<!tpu.dma_semaphore, #tpu.memory_space<semaphore_mem>>
      %dma_start3A = arith.constant 0 : i32
      %dma_start3A_92 = tpu.memref_slice %arg6[%add3A_55, %dma_start3A] : memref<10240x128xf32, #tpu.memory_space<vmem_shared>> -> memref<40x128xf32, #tpu.memory_space<vmem_shared>>
      %dma_start3A_93 = arith.constant 0 : i32
      %dma_start3A_94 = tpu.memref_slice %arg6[%add3A_55, %dma_start3A_93] : memref<10240x128xf32, #tpu.memory_space<vmem_shared>> -> memref<40x128xf32, #tpu.memory_space<vmem_shared>>
      tpu.enqueue_dma source(%arg7 : memref<40x128xf32, #tpu.memory_space<vmem>>) target(%dma_start3A_94 : memref<40x128xf32, #tpu.memory_space<vmem_shared>>) target_semaphore(%run_scoped3A : memref<!tpu.dma_semaphore, #tpu.memory_space<semaphore_mem>>)
      %dma_wait3A = arith.constant 0 : i32
      %dma_wait3A_95 = tpu.memref_slice %arg6[%add3A_55, %dma_wait3A] : memref<10240x128xf32, #tpu.memory_space<vmem_shared>> -> memref<40x128xf32, #tpu.memory_space<vmem_shared>>
      %dma_wait3A_96 = arith.constant 0 : i32
      %dma_wait3A_97 = tpu.memref_slice %arg6[%add3A_55, %dma_wait3A_96] : memref<10240x128xf32, #tpu.memory_space<vmem_shared>> -> memref<40x128xf32, #tpu.memory_space<vmem_shared>>
      tpu.wait_dma2 semaphore(%run_scoped3A : memref<!tpu.dma_semaphore, #tpu.memory_space<semaphore_mem>>) src(%arg7 : memref<40x128xf32, #tpu.memory_space<vmem>>) dst(%dma_wait3A_97 : memref<40x128xf32, #tpu.memory_space<vmem_shared>>)
      tpu.yield
    }) : () -> ()
    %mul3A_56 = arith.constant 640 : i32
    %mul3A_57 = arith.muli %arg1, %mul3A_56 : i32
    %add3A_58 = arith.constant 520 : i32
    %add3A_59 = arith.addi %mul3A_57, %add3A_58 : i32
    "tpu.region"() ({
      %run_scoped3A = tpu.sem_alloc : memref<!tpu.dma_semaphore, #tpu.memory_space<semaphore_mem>>
      %dma_start3A = arith.constant 0 : i32
      %dma_start3A_92 = tpu.memref_slice %arg6[%add3A_59, %dma_start3A] : memref<10240x128xf32, #tpu.memory_space<vmem_shared>> -> memref<40x128xf32, #tpu.memory_space<vmem_shared>>
      %dma_start3A_93 = arith.constant 0 : i32
      %dma_start3A_94 = tpu.memref_slice %arg6[%add3A_59, %dma_start3A_93] : memref<10240x128xf32, #tpu.memory_space<vmem_shared>> -> memref<40x128xf32, #tpu.memory_space<vmem_shared>>
      tpu.enqueue_dma source(%arg7 : memref<40x128xf32, #tpu.memory_space<vmem>>) target(%dma_start3A_94 : memref<40x128xf32, #tpu.memory_space<vmem_shared>>) target_semaphore(%run_scoped3A : memref<!tpu.dma_semaphore, #tpu.memory_space<semaphore_mem>>)
      %dma_wait3A = arith.constant 0 : i32
      %dma_wait3A_95 = tpu.memref_slice %arg6[%add3A_59, %dma_wait3A] : memref<10240x128xf32, #tpu.memory_space<vmem_shared>> -> memref<40x128xf32, #tpu.memory_space<vmem_shared>>
      %dma_wait3A_96 = arith.constant 0 : i32
      %dma_wait3A_97 = tpu.memref_slice %arg6[%add3A_59, %dma_wait3A_96] : memref<10240x128xf32, #tpu.memory_space<vmem_shared>> -> memref<40x128xf32, #tpu.memory_space<vmem_shared>>
      tpu.wait_dma2 semaphore(%run_scoped3A : memref<!tpu.dma_semaphore, #tpu.memory_space<semaphore_mem>>) src(%arg7 : memref<40x128xf32, #tpu.memory_space<vmem>>) dst(%dma_wait3A_97 : memref<40x128xf32, #tpu.memory_space<vmem_shared>>)
      tpu.yield
    }) : () -> ()
    %mul3A_60 = arith.constant 640 : i32
    %mul3A_61 = arith.muli %arg1, %mul3A_60 : i32
    %add3A_62 = arith.constant 560 : i32
    %add3A_63 = arith.addi %mul3A_61, %add3A_62 : i32
    "tpu.region"() ({
      %run_scoped3A = tpu.sem_alloc : memref<!tpu.dma_semaphore, #tpu.memory_space<semaphore_mem>>
      %dma_start3A = arith.constant 0 : i32
      %dma_start3A_92 = tpu.memref_slice %arg6[%add3A_63, %dma_start3A] : memref<10240x128xf32, #tpu.memory_space<vmem_shared>> -> memref<40x128xf32, #tpu.memory_space<vmem_shared>>
      %dma_start3A_93 = arith.constant 0 : i32
      %dma_start3A_94 = tpu.memref_slice %arg6[%add3A_63, %dma_start3A_93] : memref<10240x128xf32, #tpu.memory_space<vmem_shared>> -> memref<40x128xf32, #tpu.memory_space<vmem_shared>>
      tpu.enqueue_dma source(%arg7 : memref<40x128xf32, #tpu.memory_space<vmem>>) target(%dma_start3A_94 : memref<40x128xf32, #tpu.memory_space<vmem_shared>>) target_semaphore(%run_scoped3A : memref<!tpu.dma_semaphore, #tpu.memory_space<semaphore_mem>>)
      %dma_wait3A = arith.constant 0 : i32
      %dma_wait3A_95 = tpu.memref_slice %arg6[%add3A_63, %dma_wait3A] : memref<10240x128xf32, #tpu.memory_space<vmem_shared>> -> memref<40x128xf32, #tpu.memory_space<vmem_shared>>
      %dma_wait3A_96 = arith.constant 0 : i32
      %dma_wait3A_97 = tpu.memref_slice %arg6[%add3A_63, %dma_wait3A_96] : memref<10240x128xf32, #tpu.memory_space<vmem_shared>> -> memref<40x128xf32, #tpu.memory_space<vmem_shared>>
      tpu.wait_dma2 semaphore(%run_scoped3A : memref<!tpu.dma_semaphore, #tpu.memory_space<semaphore_mem>>) src(%arg7 : memref<40x128xf32, #tpu.memory_space<vmem>>) dst(%dma_wait3A_97 : memref<40x128xf32, #tpu.memory_space<vmem_shared>>)
      tpu.yield
    }) : () -> ()
    %mul3A_64 = arith.constant 640 : i32
    %mul3A_65 = arith.muli %arg1, %mul3A_64 : i32
    %add3A_66 = arith.constant 600 : i32
    %add3A_67 = arith.addi %mul3A_65, %add3A_66 : i32
    "tpu.region"() ({
      %run_scoped3A = tpu.sem_alloc : memref<!tpu.dma_semaphore, #tpu.memory_space<semaphore_mem>>
      %dma_start3A = arith.constant 0 : i32
      %dma_start3A_92 = tpu.memref_slice %arg6[%add3A_67, %dma_start3A] : memref<10240x128xf32, #tpu.memory_space<vmem_shared>> -> memref<40x128xf32, #tpu.memory_space<vmem_shared>>
      %dma_start3A_93 = arith.constant 0 : i32
      %dma_start3A_94 = tpu.memref_slice %arg6[%add3A_67, %dma_start3A_93] : memref<10240x128xf32, #tpu.memory_space<vmem_shared>> -> memref<40x128xf32, #tpu.memory_space<vmem_shared>>
      tpu.enqueue_dma source(%arg7 : memref<40x128xf32, #tpu.memory_space<vmem>>) target(%dma_start3A_94 : memref<40x128xf32, #tpu.memory_space<vmem_shared>>) target_semaphore(%run_scoped3A : memref<!tpu.dma_semaphore, #tpu.memory_space<semaphore_mem>>)
      %dma_wait3A = arith.constant 0 : i32
      %dma_wait3A_95 = tpu.memref_slice %arg6[%add3A_67, %dma_wait3A] : memref<10240x128xf32, #tpu.memory_space<vmem_shared>> -> memref<40x128xf32, #tpu.memory_space<vmem_shared>>
      %dma_wait3A_96 = arith.constant 0 : i32
      %dma_wait3A_97 = tpu.memref_slice %arg6[%add3A_67, %dma_wait3A_96] : memref<10240x128xf32, #tpu.memory_space<vmem_shared>> -> memref<40x128xf32, #tpu.memory_space<vmem_shared>>
      tpu.wait_dma2 semaphore(%run_scoped3A : memref<!tpu.dma_semaphore, #tpu.memory_space<semaphore_mem>>) src(%arg7 : memref<40x128xf32, #tpu.memory_space<vmem>>) dst(%dma_wait3A_97 : memref<40x128xf32, #tpu.memory_space<vmem_shared>>)
      tpu.yield
    }) : () -> ()
    %barrier3A = arith.constant 0 : index
    tpu.barrier barrier_id(%barrier3A)
    %lt3A = arith.constant 2 : i32
    %lt3A_68 = arith.cmpi slt, %arg1, %lt3A : i32
    %jit3A = arith.constant 1 : i32
    %jit3A_69 = arith.constant 0 : i32
    %select_n3A = arith.select %lt3A_68, %jit3A, %jit3A_69 : i32
    %add3A_70 = arith.constant 78 : i32
    %add3A_71 = arith.addi %add3A_70, %select_n3A : i32
    %while3A = arith.constant 0 : i32
    %while3A_72 = arith.constant 0 : i32
    %while3A_73 = arith.subi %add3A_71, %while3A : i32
    %while3A_74 = arith.addi %while3A, %while3A_73 : i32
    %while3A_75 = arith.constant 1 : i32
    %while3A_76 = arith.divsi %while3A_73, %while3A_75 : i32
    %while3A_77 = arith.muli %while3A_76, %while3A_75 : i32
    %while3A_78 = arith.addi %while3A, %while3A_77 : i32
    %while3A_79 = arith.constant 1 : i32
    %while3A_80 = scf.for %while3A_92 = %while3A to %while3A_78 step %while3A_79 iter_args(%while3A_93 = %while3A_72) -> (i32)  : i32 {
      %mul3A_94 = arith.constant 1250 : i32
      %mul3A_95 = arith.muli %arg0, %mul3A_94 : i32
      %mul3A_96 = arith.constant 16 : i32
      %mul3A_97 = arith.muli %while3A_92, %mul3A_96 : i32
      %add3A_98 = arith.addi %mul3A_95, %mul3A_97 : i32
      %add3A_99 = arith.addi %add3A_98, %arg1 : i32
      %mul3A_100 = arith.constant 128 : i32
      %mul3A_101 = arith.muli %add3A_99, %mul3A_100 : i32
      "tpu.region"() ({
        %run_scoped3A = tpu.sem_alloc : memref<!tpu.dma_semaphore, #tpu.memory_space<semaphore_mem>>
        %dma_start3A_107 = tpu.memref_slice %arg3[%mul3A_101] : memref<320000xi32, #tpu.memory_space<hbm>> -> memref<128xi32, #tpu.memory_space<hbm>>
        %dma_start3A_108 = tpu.memref_slice %arg3[%mul3A_101] : memref<320000xi32, #tpu.memory_space<hbm>> -> memref<128xi32, #tpu.memory_space<hbm>>
        tpu.enqueue_dma source(%dma_start3A_108 : memref<128xi32, #tpu.memory_space<hbm>>) target(%arg8 : memref<128xi32, #tpu.memory_space<vmem>>) target_semaphore(%run_scoped3A : memref<!tpu.dma_semaphore, #tpu.memory_space<semaphore_mem>>)
        %dma_wait3A_109 = tpu.memref_slice %arg3[%mul3A_101] : memref<320000xi32, #tpu.memory_space<hbm>> -> memref<128xi32, #tpu.memory_space<hbm>>
        %dma_wait3A_110 = tpu.memref_slice %arg3[%mul3A_101] : memref<320000xi32, #tpu.memory_space<hbm>> -> memref<128xi32, #tpu.memory_space<hbm>>
        tpu.wait_dma2 semaphore(%run_scoped3A : memref<!tpu.dma_semaphore, #tpu.memory_space<semaphore_mem>>) src(%dma_wait3A_110 : memref<128xi32, #tpu.memory_space<hbm>>) dst(%arg8 : memref<128xi32, #tpu.memory_space<vmem>>)
        tpu.yield
      }) : () -> ()
      "tpu.region"() ({
        %run_scoped3A = tpu.sem_alloc : memref<!tpu.dma_semaphore, #tpu.memory_space<semaphore_mem>>
        %dma_start3A_107 = tpu.memref_slice %arg4[%mul3A_101] : memref<320000xi32, #tpu.memory_space<hbm>> -> memref<128xi32, #tpu.memory_space<hbm>>
        %dma_start3A_108 = tpu.memref_slice %arg4[%mul3A_101] : memref<320000xi32, #tpu.memory_space<hbm>> -> memref<128xi32, #tpu.memory_space<hbm>>
        tpu.enqueue_dma source(%dma_start3A_108 : memref<128xi32, #tpu.memory_space<hbm>>) target(%arg9 : memref<128xi32, #tpu.memory_space<vmem>>) target_semaphore(%run_scoped3A : memref<!tpu.dma_semaphore, #tpu.memory_space<semaphore_mem>>)
        %dma_wait3A_109 = tpu.memref_slice %arg4[%mul3A_101] : memref<320000xi32, #tpu.memory_space<hbm>> -> memref<128xi32, #tpu.memory_space<hbm>>
        %dma_wait3A_110 = tpu.memref_slice %arg4[%mul3A_101] : memref<320000xi32, #tpu.memory_space<hbm>> -> memref<128xi32, #tpu.memory_space<hbm>>
        tpu.wait_dma2 semaphore(%run_scoped3A : memref<!tpu.dma_semaphore, #tpu.memory_space<semaphore_mem>>) src(%dma_wait3A_110 : memref<128xi32, #tpu.memory_space<hbm>>) dst(%arg9 : memref<128xi32, #tpu.memory_space<vmem>>)
        tpu.yield
      }) : () -> ()
      %dma_start3A = arith.constant 0 : i32
      %dma_start3A_102 = arith.constant 0 : i32
      %dma_start3A_103 = tpu.memref_slice %arg2[%dma_start3A, %dma_start3A_102] : memref<5000x128xf32, #tpu.memory_space<hbm>> -> memref<5000x128xf32, #tpu.memory_space<hbm>>
      tpu.enqueue_indirect_dma source(%dma_start3A_103 : memref<5000x128xf32, #tpu.memory_space<hbm>>) target(%arg10 : memref<128x128xf32, #tpu.memory_space<vmem>>) offsets(%arg8 : memref<128xi32, #tpu.memory_space<vmem>>) semaphore(%arg11 : memref<!tpu.dma_semaphore, #tpu.memory_space<semaphore_mem>>)
      %dma_wait3A = arith.constant 0 : i32
      %dma_wait3A_104 = arith.constant 0 : i32
      %dma_wait3A_105 = tpu.memref_slice %arg2[%dma_wait3A, %dma_wait3A_104] : memref<5000x128xf32, #tpu.memory_space<hbm>> -> memref<5000x128xf32, #tpu.memory_space<hbm>>
      tpu.wait_indirect_dma semaphore(%arg11 : memref<!tpu.dma_semaphore, #tpu.memory_space<semaphore_mem>>) src(%dma_wait3A_105 : memref<5000x128xf32, #tpu.memory_space<hbm>>) dst(%arg10 : memref<128x128xf32, #tpu.memory_space<vmem>>)
      "tpu.region"() ({
        %run_scoped3A = tpu.sem_alloc : memref<!tpu.dma_semaphore, #tpu.memory_space<semaphore_mem>>
        %dma_start3A_107 = arith.constant 0 : i32
        %dma_start3A_108 = arith.constant 0 : i32
        %dma_start3A_109 = tpu.memref_slice %arg6[%dma_start3A_107, %dma_start3A_108] : memref<10240x128xf32, #tpu.memory_space<vmem_shared>> -> memref<10240x128xf32, #tpu.memory_space<vmem_shared>>
        tpu.enqueue_indirect_dma source(%arg10 : memref<128x128xf32, #tpu.memory_space<vmem>>) target(%dma_start3A_109 : memref<10240x128xf32, #tpu.memory_space<vmem_shared>>) offsets(%arg9 : memref<128xi32, #tpu.memory_space<vmem>>) semaphore(%run_scoped3A : memref<!tpu.dma_semaphore, #tpu.memory_space<semaphore_mem>>) {add = true}
        %dma_wait3A_110 = arith.constant 0 : i32
        %dma_wait3A_111 = arith.constant 0 : i32
        %dma_wait3A_112 = tpu.memref_slice %arg6[%dma_wait3A_110, %dma_wait3A_111] : memref<10240x128xf32, #tpu.memory_space<vmem_shared>> -> memref<10240x128xf32, #tpu.memory_space<vmem_shared>>
        tpu.wait_indirect_dma semaphore(%run_scoped3A : memref<!tpu.dma_semaphore, #tpu.memory_space<semaphore_mem>>) src(%arg10 : memref<128x128xf32, #tpu.memory_space<vmem>>) dst(%dma_wait3A_112 : memref<10240x128xf32, #tpu.memory_space<vmem_shared>>)
        tpu.yield
      }) : () -> ()
      %while3A_106 = arith.constant 0 : i32
      scf.yield %while3A_106 : i32
    }
    %while3A_81 = arith.constant 1 : i32
    %while3A_82 = scf.for %while3A_92 = %while3A_78 to %while3A_74 step %while3A_81 iter_args(%while3A_93 = %while3A_80) -> (i32)  : i32 {
      %mul3A_94 = arith.constant 1250 : i32
      %mul3A_95 = arith.muli %arg0, %mul3A_94 : i32
      %mul3A_96 = arith.constant 16 : i32
      %mul3A_97 = arith.muli %while3A_92, %mul3A_96 : i32
      %add3A_98 = arith.addi %mul3A_95, %mul3A_97 : i32
      %add3A_99 = arith.addi %add3A_98, %arg1 : i32
      %mul3A_100 = arith.constant 128 : i32
      %mul3A_101 = arith.muli %add3A_99, %mul3A_100 : i32
      "tpu.region"() ({
        %run_scoped3A = tpu.sem_alloc : memref<!tpu.dma_semaphore, #tpu.memory_space<semaphore_mem>>
        %dma_start3A_107 = tpu.memref_slice %arg3[%mul3A_101] : memref<320000xi32, #tpu.memory_space<hbm>> -> memref<128xi32, #tpu.memory_space<hbm>>
        %dma_start3A_108 = tpu.memref_slice %arg3[%mul3A_101] : memref<320000xi32, #tpu.memory_space<hbm>> -> memref<128xi32, #tpu.memory_space<hbm>>
        tpu.enqueue_dma source(%dma_start3A_108 : memref<128xi32, #tpu.memory_space<hbm>>) target(%arg8 : memref<128xi32, #tpu.memory_space<vmem>>) target_semaphore(%run_scoped3A : memref<!tpu.dma_semaphore, #tpu.memory_space<semaphore_mem>>)
        %dma_wait3A_109 = tpu.memref_slice %arg3[%mul3A_101] : memref<320000xi32, #tpu.memory_space<hbm>> -> memref<128xi32, #tpu.memory_space<hbm>>
        %dma_wait3A_110 = tpu.memref_slice %arg3[%mul3A_101] : memref<320000xi32, #tpu.memory_space<hbm>> -> memref<128xi32, #tpu.memory_space<hbm>>
        tpu.wait_dma2 semaphore(%run_scoped3A : memref<!tpu.dma_semaphore, #tpu.memory_space<semaphore_mem>>) src(%dma_wait3A_110 : memref<128xi32, #tpu.memory_space<hbm>>) dst(%arg8 : memref<128xi32, #tpu.memory_space<vmem>>)
        tpu.yield
      }) : () -> ()
      "tpu.region"() ({
        %run_scoped3A = tpu.sem_alloc : memref<!tpu.dma_semaphore, #tpu.memory_space<semaphore_mem>>
        %dma_start3A_107 = tpu.memref_slice %arg4[%mul3A_101] : memref<320000xi32, #tpu.memory_space<hbm>> -> memref<128xi32, #tpu.memory_space<hbm>>
        %dma_start3A_108 = tpu.memref_slice %arg4[%mul3A_101] : memref<320000xi32, #tpu.memory_space<hbm>> -> memref<128xi32, #tpu.memory_space<hbm>>
        tpu.enqueue_dma source(%dma_start3A_108 : memref<128xi32, #tpu.memory_space<hbm>>) target(%arg9 : memref<128xi32, #tpu.memory_space<vmem>>) target_semaphore(%run_scoped3A : memref<!tpu.dma_semaphore, #tpu.memory_space<semaphore_mem>>)
        %dma_wait3A_109 = tpu.memref_slice %arg4[%mul3A_101] : memref<320000xi32, #tpu.memory_space<hbm>> -> memref<128xi32, #tpu.memory_space<hbm>>
        %dma_wait3A_110 = tpu.memref_slice %arg4[%mul3A_101] : memref<320000xi32, #tpu.memory_space<hbm>> -> memref<128xi32, #tpu.memory_space<hbm>>
        tpu.wait_dma2 semaphore(%run_scoped3A : memref<!tpu.dma_semaphore, #tpu.memory_space<semaphore_mem>>) src(%dma_wait3A_110 : memref<128xi32, #tpu.memory_space<hbm>>) dst(%arg9 : memref<128xi32, #tpu.memory_space<vmem>>)
        tpu.yield
      }) : () -> ()
      %dma_start3A = arith.constant 0 : i32
      %dma_start3A_102 = arith.constant 0 : i32
      %dma_start3A_103 = tpu.memref_slice %arg2[%dma_start3A, %dma_start3A_102] : memref<5000x128xf32, #tpu.memory_space<hbm>> -> memref<5000x128xf32, #tpu.memory_space<hbm>>
      tpu.enqueue_indirect_dma source(%dma_start3A_103 : memref<5000x128xf32, #tpu.memory_space<hbm>>) target(%arg10 : memref<128x128xf32, #tpu.memory_space<vmem>>) offsets(%arg8 : memref<128xi32, #tpu.memory_space<vmem>>) semaphore(%arg11 : memref<!tpu.dma_semaphore, #tpu.memory_space<semaphore_mem>>)
      %dma_wait3A = arith.constant 0 : i32
      %dma_wait3A_104 = arith.constant 0 : i32
      %dma_wait3A_105 = tpu.memref_slice %arg2[%dma_wait3A, %dma_wait3A_104] : memref<5000x128xf32, #tpu.memory_space<hbm>> -> memref<5000x128xf32, #tpu.memory_space<hbm>>
      tpu.wait_indirect_dma semaphore(%arg11 : memref<!tpu.dma_semaphore, #tpu.memory_space<semaphore_mem>>) src(%dma_wait3A_105 : memref<5000x128xf32, #tpu.memory_space<hbm>>) dst(%arg10 : memref<128x128xf32, #tpu.memory_space<vmem>>)
      "tpu.region"() ({
        %run_scoped3A = tpu.sem_alloc : memref<!tpu.dma_semaphore, #tpu.memory_space<semaphore_mem>>
        %dma_start3A_107 = arith.constant 0 : i32
        %dma_start3A_108 = arith.constant 0 : i32
        %dma_start3A_109 = tpu.memref_slice %arg6[%dma_start3A_107, %dma_start3A_108] : memref<10240x128xf32, #tpu.memory_space<vmem_shared>> -> memref<10240x128xf32, #tpu.memory_space<vmem_shared>>
        tpu.enqueue_indirect_dma source(%arg10 : memref<128x128xf32, #tpu.memory_space<vmem>>) target(%dma_start3A_109 : memref<10240x128xf32, #tpu.memory_space<vmem_shared>>) offsets(%arg9 : memref<128xi32, #tpu.memory_space<vmem>>) semaphore(%run_scoped3A : memref<!tpu.dma_semaphore, #tpu.memory_space<semaphore_mem>>) {add = true}
        %dma_wait3A_110 = arith.constant 0 : i32
        %dma_wait3A_111 = arith.constant 0 : i32
        %dma_wait3A_112 = tpu.memref_slice %arg6[%dma_wait3A_110, %dma_wait3A_111] : memref<10240x128xf32, #tpu.memory_space<vmem_shared>> -> memref<10240x128xf32, #tpu.memory_space<vmem_shared>>
        tpu.wait_indirect_dma semaphore(%run_scoped3A : memref<!tpu.dma_semaphore, #tpu.memory_space<semaphore_mem>>) src(%arg10 : memref<128x128xf32, #tpu.memory_space<vmem>>) dst(%dma_wait3A_112 : memref<10240x128xf32, #tpu.memory_space<vmem_shared>>)
        tpu.yield
      }) : () -> ()
      %while3A_106 = arith.constant 0 : i32
      scf.yield %while3A_106 : i32
    }
    %barrier3A_83 = arith.constant 0 : index
    tpu.barrier barrier_id(%barrier3A_83)
    %mul3A_84 = arith.constant 640 : i32
    %mul3A_85 = arith.muli %arg1, %mul3A_84 : i32
    %add3A_86 = arith.constant 0 : i32
    %add3A_87 = arith.addi %mul3A_85, %add3A_86 : i32
    "tpu.region"() ({
      %run_scoped3A = tpu.sem_alloc : memref<!tpu.dma_semaphore, #tpu.memory_space<semaphore_mem>>
      %dma_start3A = arith.constant 0 : i32
      %dma_start3A_92 = tpu.memref_slice %arg5[%arg0, %add3A_87, %dma_start3A] : memref<2x10240x128xf32, #tpu.memory_space<hbm>> -> memref<1x320x128xf32, #tpu.memory_space<hbm>>
      %dma_start3A_93 = tpu.memref_squeeze %dma_start3A_92 : memref<1x320x128xf32, #tpu.memory_space<hbm>> -> memref<320x128xf32, #tpu.memory_space<hbm>>
      %dma_start3A_94 = arith.constant 0 : i32
      %dma_start3A_95 = tpu.memref_slice %arg6[%add3A_87, %dma_start3A_94] : memref<10240x128xf32, #tpu.memory_space<vmem_shared>> -> memref<320x128xf32, #tpu.memory_space<vmem_shared>>
      tpu.enqueue_dma source(%dma_start3A_95 : memref<320x128xf32, #tpu.memory_space<vmem_shared>>) target(%dma_start3A_93 : memref<320x128xf32, #tpu.memory_space<hbm>>) target_semaphore(%run_scoped3A : memref<!tpu.dma_semaphore, #tpu.memory_space<semaphore_mem>>)
      %dma_wait3A = arith.constant 0 : i32
      %dma_wait3A_96 = tpu.memref_slice %arg5[%arg0, %add3A_87, %dma_wait3A] : memref<2x10240x128xf32, #tpu.memory_space<hbm>> -> memref<1x320x128xf32, #tpu.memory_space<hbm>>
      %dma_wait3A_97 = tpu.memref_squeeze %dma_wait3A_96 : memref<1x320x128xf32, #tpu.memory_space<hbm>> -> memref<320x128xf32, #tpu.memory_space<hbm>>
      %dma_wait3A_98 = arith.constant 0 : i32
      %dma_wait3A_99 = tpu.memref_slice %arg6[%add3A_87, %dma_wait3A_98] : memref<10240x128xf32, #tpu.memory_space<vmem_shared>> -> memref<320x128xf32, #tpu.memory_space<vmem_shared>>
      tpu.wait_dma2 semaphore(%run_scoped3A : memref<!tpu.dma_semaphore, #tpu.memory_space<semaphore_mem>>) src(%dma_wait3A_99 : memref<320x128xf32, #tpu.memory_space<vmem_shared>>) dst(%dma_wait3A_97 : memref<320x128xf32, #tpu.memory_space<hbm>>)
      tpu.yield
    }) : () -> ()
    %mul3A_88 = arith.constant 640 : i32
    %mul3A_89 = arith.muli %arg1, %mul3A_88 : i32
    %add3A_90 = arith.constant 320 : i32
    %add3A_91 = arith.addi %mul3A_89, %add3A_90 : i32
    "tpu.region"() ({
      %run_scoped3A = tpu.sem_alloc : memref<!tpu.dma_semaphore, #tpu.memory_space<semaphore_mem>>
      %dma_start3A = arith.constant 0 : i32
      %dma_start3A_92 = tpu.memref_slice %arg5[%arg0, %add3A_91, %dma_start3A] : memref<2x10240x128xf32, #tpu.memory_space<hbm>> -> memref<1x320x128xf32, #tpu.memory_space<hbm>>
      %dma_start3A_93 = tpu.memref_squeeze %dma_start3A_92 : memref<1x320x128xf32, #tpu.memory_space<hbm>> -> memref<320x128xf32, #tpu.memory_space<hbm>>
      %dma_start3A_94 = arith.constant 0 : i32
      %dma_start3A_95 = tpu.memref_slice %arg6[%add3A_91, %dma_start3A_94] : memref<10240x128xf32, #tpu.memory_space<vmem_shared>> -> memref<320x128xf32, #tpu.memory_space<vmem_shared>>
      tpu.enqueue_dma source(%dma_start3A_95 : memref<320x128xf32, #tpu.memory_space<vmem_shared>>) target(%dma_start3A_93 : memref<320x128xf32, #tpu.memory_space<hbm>>) target_semaphore(%run_scoped3A : memref<!tpu.dma_semaphore, #tpu.memory_space<semaphore_mem>>)
      %dma_wait3A = arith.constant 0 : i32
      %dma_wait3A_96 = tpu.memref_slice %arg5[%arg0, %add3A_91, %dma_wait3A] : memref<2x10240x128xf32, #tpu.memory_space<hbm>> -> memref<1x320x128xf32, #tpu.memory_space<hbm>>
      %dma_wait3A_97 = tpu.memref_squeeze %dma_wait3A_96 : memref<1x320x128xf32, #tpu.memory_space<hbm>> -> memref<320x128xf32, #tpu.memory_space<hbm>>
      %dma_wait3A_98 = arith.constant 0 : i32
      %dma_wait3A_99 = tpu.memref_slice %arg6[%add3A_91, %dma_wait3A_98] : memref<10240x128xf32, #tpu.memory_space<vmem_shared>> -> memref<320x128xf32, #tpu.memory_space<vmem_shared>>
      tpu.wait_dma2 semaphore(%run_scoped3A : memref<!tpu.dma_semaphore, #tpu.memory_space<semaphore_mem>>) src(%dma_wait3A_99 : memref<320x128xf32, #tpu.memory_space<vmem_shared>>) dst(%dma_wait3A_97 : memref<320x128xf32, #tpu.memory_space<hbm>>)
      tpu.yield
    }) : () -> ()
    return
  }
}

#map = affine_map<(d0, d1) -> (0)>
module attributes {stable_mosaic.version = 14 : i64} {
  func.func @_norm_body(%arg0: i32, %arg1: i32, %arg2: memref<320000xi32, #tpu.memory_space<hbm>>, %arg3: memref<320000xi32, #tpu.memory_space<hbm>>, %arg4: memref<10240xf32, #tpu.memory_space<hbm>>, %arg5: memref<5120xf32, #tpu.memory_space<hbm>>, %arg6: memref<10240xf32, #tpu.memory_space<hbm>>, %arg7: memref<20480xf32, #tpu.memory_space<hbm>>, %arg8: memref<5120xf32, #tpu.memory_space<vmem_shared>>, %arg9: memref<10240xf32, #tpu.memory_space<vmem_shared>>, %arg10: memref<640xf32, #tpu.memory_space<vmem>>, %arg11: memref<128xi32, #tpu.memory_space<vmem>>, %arg12: memref<128xi32, #tpu.memory_space<vmem>>, %arg13: memref<128xf32, #tpu.memory_space<vmem>>, %arg14: memref<128xf32, #tpu.memory_space<vmem>>, %arg15: memref<!tpu.dma_semaphore, #tpu.memory_space<semaphore_mem>>) attributes {dimension_semantics = [#tpu.dimension_semantics<core_parallel>, #tpu.dimension_semantics<subcore_parallel>], iteration_bounds = array<i64: 2, 16>, scalar_prefetch = 0 : i64, scratch_operands = 8 : i64, tpu.core_type = #tpu.core_type<sc_vector_subcore>, window_params = [{transform_indices = #map}, {transform_indices = #map}, {transform_indices = #map}, {transform_indices = #map}, {transform_indices = #map}, {transform_indices = #map}]} {
    %mul3A = arith.constant 2 : i32
    %mul3A_0 = arith.muli %arg1, %mul3A : i32
    %add3A = arith.addi %mul3A_0, %arg0 : i32
    %scan3A = arith.constant 0 : i32
    %scan3A_1 = arith.constant 0 : i32
    %scan3A_2 = arith.constant 40 : i32
    %scan3A_3 = arith.addi %scan3A_1, %scan3A_2 : i32
    %scan3A_4 = arith.constant 1 : i32
    %scan3A_5 = scf.for %scan3A_41 = %scan3A_1 to %scan3A_3 step %scan3A_4 iter_args(%scan3A_42 = %scan3A) -> (i32)  : i32 {
      %broadcast_in_dim3A = arith.constant 0.000000e+00 : f32
      %broadcast_in_dim3A_43 = vector.broadcast %broadcast_in_dim3A : f32 to vector<16xf32>
      %mul3A_44 = arith.constant 16 : i32
      %mul3A_45 = arith.muli %scan3A_41, %mul3A_44 : i32
      %swap3A = arith.index_cast %mul3A_45 : i32 to index
      %swap3A_46 = tpu.vector_load %arg10[%swap3A] {strides = array<i32>} : memref<640xf32, #tpu.memory_space<vmem>>, vector<16xf32>,
      %swap3A_47 = vector.shape_cast %swap3A_46 : vector<16xf32> to vector<16xf32>
      %swap3A_48 = vector.shape_cast %broadcast_in_dim3A_43 : vector<16xf32> to vector<16xf32>
      tpu.vector_store %arg10[%swap3A], %swap3A_48 {strides = array<i32>} : memref<640xf32, #tpu.memory_space<vmem>>, vector<16xf32>,
      %scan3A_49 = arith.constant 0 : i32
      scf.yield %scan3A_49 : i32
    }
    %scan3A_6 = arith.constant 40 : i32
    %mul3A_7 = arith.constant 640 : i32
    %mul3A_8 = arith.muli %arg1, %mul3A_7 : i32
    "tpu.region"() ({
      %run_scoped3A = tpu.sem_alloc : memref<!tpu.dma_semaphore, #tpu.memory_space<semaphore_mem>>
      %dma_start3A = tpu.memref_slice %arg9[%mul3A_8] : memref<10240xf32, #tpu.memory_space<vmem_shared>> -> memref<640xf32, #tpu.memory_space<vmem_shared>>
      %dma_start3A_41 = tpu.memref_slice %arg9[%mul3A_8] : memref<10240xf32, #tpu.memory_space<vmem_shared>> -> memref<640xf32, #tpu.memory_space<vmem_shared>>
      tpu.enqueue_dma source(%arg10 : memref<640xf32, #tpu.memory_space<vmem>>) target(%dma_start3A_41 : memref<640xf32, #tpu.memory_space<vmem_shared>>) target_semaphore(%run_scoped3A : memref<!tpu.dma_semaphore, #tpu.memory_space<semaphore_mem>>)
      %dma_wait3A = tpu.memref_slice %arg9[%mul3A_8] : memref<10240xf32, #tpu.memory_space<vmem_shared>> -> memref<640xf32, #tpu.memory_space<vmem_shared>>
      %dma_wait3A_42 = tpu.memref_slice %arg9[%mul3A_8] : memref<10240xf32, #tpu.memory_space<vmem_shared>> -> memref<640xf32, #tpu.memory_space<vmem_shared>>
      tpu.wait_dma2 semaphore(%run_scoped3A : memref<!tpu.dma_semaphore, #tpu.memory_space<semaphore_mem>>) src(%arg10 : memref<640xf32, #tpu.memory_space<vmem>>) dst(%dma_wait3A_42 : memref<640xf32, #tpu.memory_space<vmem_shared>>)
      tpu.yield
    }) : () -> ()
    %mul3A_9 = arith.constant 320 : i32
    %mul3A_10 = arith.muli %arg1, %mul3A_9 : i32
    "tpu.region"() ({
      %run_scoped3A = tpu.sem_alloc : memref<!tpu.dma_semaphore, #tpu.memory_space<semaphore_mem>>
      %dma_start3A = arith.constant 0 : i32
      %dma_start3A_41 = tpu.memref_slice %arg10[%dma_start3A] : memref<640xf32, #tpu.memory_space<vmem>> -> memref<320xf32, #tpu.memory_space<vmem>>
      %dma_start3A_42 = tpu.memref_slice %arg8[%mul3A_10] : memref<5120xf32, #tpu.memory_space<vmem_shared>> -> memref<320xf32, #tpu.memory_space<vmem_shared>>
      %dma_start3A_43 = tpu.memref_slice %arg8[%mul3A_10] : memref<5120xf32, #tpu.memory_space<vmem_shared>> -> memref<320xf32, #tpu.memory_space<vmem_shared>>
      %dma_start3A_44 = arith.constant 0 : i32
      %dma_start3A_45 = tpu.memref_slice %arg10[%dma_start3A_44] : memref<640xf32, #tpu.memory_space<vmem>> -> memref<320xf32, #tpu.memory_space<vmem>>
      tpu.enqueue_dma source(%dma_start3A_45 : memref<320xf32, #tpu.memory_space<vmem>>) target(%dma_start3A_43 : memref<320xf32, #tpu.memory_space<vmem_shared>>) target_semaphore(%run_scoped3A : memref<!tpu.dma_semaphore, #tpu.memory_space<semaphore_mem>>)
      %dma_wait3A = arith.constant 0 : i32
      %dma_wait3A_46 = tpu.memref_slice %arg10[%dma_wait3A] : memref<640xf32, #tpu.memory_space<vmem>> -> memref<320xf32, #tpu.memory_space<vmem>>
      %dma_wait3A_47 = tpu.memref_slice %arg8[%mul3A_10] : memref<5120xf32, #tpu.memory_space<vmem_shared>> -> memref<320xf32, #tpu.memory_space<vmem_shared>>
      %dma_wait3A_48 = tpu.memref_slice %arg8[%mul3A_10] : memref<5120xf32, #tpu.memory_space<vmem_shared>> -> memref<320xf32, #tpu.memory_space<vmem_shared>>
      %dma_wait3A_49 = arith.constant 0 : i32
      %dma_wait3A_50 = tpu.memref_slice %arg10[%dma_wait3A_49] : memref<640xf32, #tpu.memory_space<vmem>> -> memref<320xf32, #tpu.memory_space<vmem>>
      tpu.wait_dma2 semaphore(%run_scoped3A : memref<!tpu.dma_semaphore, #tpu.memory_space<semaphore_mem>>) src(%dma_wait3A_50 : memref<320xf32, #tpu.memory_space<vmem>>) dst(%dma_wait3A_48 : memref<320xf32, #tpu.memory_space<vmem_shared>>)
      tpu.yield
    }) : () -> ()
    %barrier3A = arith.constant 0 : index
    tpu.barrier barrier_id(%barrier3A)
    %lt3A = arith.constant 4 : i32
    %lt3A_11 = arith.cmpi slt, %add3A, %lt3A : i32
    %jit3A = arith.constant 1 : i32
    %jit3A_12 = arith.constant 0 : i32
    %select_n3A = arith.select %lt3A_11, %jit3A, %jit3A_12 : i32
    %add3A_13 = arith.constant 78 : i32
    %add3A_14 = arith.addi %add3A_13, %select_n3A : i32
    %while3A = arith.constant 0 : i32
    %while3A_15 = arith.constant 0 : i32
    %while3A_16 = arith.subi %add3A_14, %while3A : i32
    %while3A_17 = arith.addi %while3A, %while3A_16 : i32
    %while3A_18 = arith.constant 1 : i32
    %while3A_19 = arith.divsi %while3A_16, %while3A_18 : i32
    %while3A_20 = arith.muli %while3A_19, %while3A_18 : i32
    %while3A_21 = arith.addi %while3A, %while3A_20 : i32
    %while3A_22 = arith.constant 1 : i32
    %while3A_23 = scf.for %while3A_41 = %while3A to %while3A_21 step %while3A_22 iter_args(%while3A_42 = %while3A_15) -> (i32)  : i32 {
      %mul3A_43 = arith.constant 32 : i32
      %mul3A_44 = arith.muli %while3A_41, %mul3A_43 : i32
      %add3A_45 = arith.addi %mul3A_44, %add3A : i32
      %mul3A_46 = arith.constant 128 : i32
      %mul3A_47 = arith.muli %add3A_45, %mul3A_46 : i32
      "tpu.region"() ({
        %run_scoped3A = tpu.sem_alloc : memref<!tpu.dma_semaphore, #tpu.memory_space<semaphore_mem>>
        %dma_start3A_55 = tpu.memref_slice %arg2[%mul3A_47] : memref<320000xi32, #tpu.memory_space<hbm>> -> memref<128xi32, #tpu.memory_space<hbm>>
        %dma_start3A_56 = tpu.memref_slice %arg2[%mul3A_47] : memref<320000xi32, #tpu.memory_space<hbm>> -> memref<128xi32, #tpu.memory_space<hbm>>
        tpu.enqueue_dma source(%dma_start3A_56 : memref<128xi32, #tpu.memory_space<hbm>>) target(%arg11 : memref<128xi32, #tpu.memory_space<vmem>>) target_semaphore(%run_scoped3A : memref<!tpu.dma_semaphore, #tpu.memory_space<semaphore_mem>>)
        %dma_wait3A_57 = tpu.memref_slice %arg2[%mul3A_47] : memref<320000xi32, #tpu.memory_space<hbm>> -> memref<128xi32, #tpu.memory_space<hbm>>
        %dma_wait3A_58 = tpu.memref_slice %arg2[%mul3A_47] : memref<320000xi32, #tpu.memory_space<hbm>> -> memref<128xi32, #tpu.memory_space<hbm>>
        tpu.wait_dma2 semaphore(%run_scoped3A : memref<!tpu.dma_semaphore, #tpu.memory_space<semaphore_mem>>) src(%dma_wait3A_58 : memref<128xi32, #tpu.memory_space<hbm>>) dst(%arg11 : memref<128xi32, #tpu.memory_space<vmem>>)
        tpu.yield
      }) : () -> ()
      "tpu.region"() ({
        %run_scoped3A = tpu.sem_alloc : memref<!tpu.dma_semaphore, #tpu.memory_space<semaphore_mem>>
        %dma_start3A_55 = tpu.memref_slice %arg3[%mul3A_47] : memref<320000xi32, #tpu.memory_space<hbm>> -> memref<128xi32, #tpu.memory_space<hbm>>
        %dma_start3A_56 = tpu.memref_slice %arg3[%mul3A_47] : memref<320000xi32, #tpu.memory_space<hbm>> -> memref<128xi32, #tpu.memory_space<hbm>>
        tpu.enqueue_dma source(%dma_start3A_56 : memref<128xi32, #tpu.memory_space<hbm>>) target(%arg12 : memref<128xi32, #tpu.memory_space<vmem>>) target_semaphore(%run_scoped3A : memref<!tpu.dma_semaphore, #tpu.memory_space<semaphore_mem>>)
        %dma_wait3A_57 = tpu.memref_slice %arg3[%mul3A_47] : memref<320000xi32, #tpu.memory_space<hbm>> -> memref<128xi32, #tpu.memory_space<hbm>>
        %dma_wait3A_58 = tpu.memref_slice %arg3[%mul3A_47] : memref<320000xi32, #tpu.memory_space<hbm>> -> memref<128xi32, #tpu.memory_space<hbm>>
        tpu.wait_dma2 semaphore(%run_scoped3A : memref<!tpu.dma_semaphore, #tpu.memory_space<semaphore_mem>>) src(%dma_wait3A_58 : memref<128xi32, #tpu.memory_space<hbm>>) dst(%arg12 : memref<128xi32, #tpu.memory_space<vmem>>)
        tpu.yield
      }) : () -> ()
      %dma_start3A = arith.constant 0 : i32
      %dma_start3A_48 = tpu.memref_slice %arg4[%dma_start3A] : memref<10240xf32, #tpu.memory_space<hbm>> -> memref<10240xf32, #tpu.memory_space<hbm>>
      tpu.enqueue_indirect_dma source(%dma_start3A_48 : memref<10240xf32, #tpu.memory_space<hbm>>) target(%arg14 : memref<128xf32, #tpu.memory_space<vmem>>) offsets(%arg11 : memref<128xi32, #tpu.memory_space<vmem>>) semaphore(%arg15 : memref<!tpu.dma_semaphore, #tpu.memory_space<semaphore_mem>>)
      %dma_wait3A = arith.constant 0 : i32
      %dma_wait3A_49 = tpu.memref_slice %arg4[%dma_wait3A] : memref<10240xf32, #tpu.memory_space<hbm>> -> memref<10240xf32, #tpu.memory_space<hbm>>
      tpu.wait_indirect_dma semaphore(%arg15 : memref<!tpu.dma_semaphore, #tpu.memory_space<semaphore_mem>>) src(%dma_wait3A_49 : memref<10240xf32, #tpu.memory_space<hbm>>) dst(%arg14 : memref<128xf32, #tpu.memory_space<vmem>>)
      %dma_start3A_50 = arith.constant 0 : i32
      %dma_start3A_51 = tpu.memref_slice %arg5[%dma_start3A_50] : memref<5120xf32, #tpu.memory_space<hbm>> -> memref<5120xf32, #tpu.memory_space<hbm>>
      tpu.enqueue_indirect_dma source(%dma_start3A_51 : memref<5120xf32, #tpu.memory_space<hbm>>) target(%arg13 : memref<128xf32, #tpu.memory_space<vmem>>) offsets(%arg12 : memref<128xi32, #tpu.memory_space<vmem>>) semaphore(%arg15 : memref<!tpu.dma_semaphore, #tpu.memory_space<semaphore_mem>>)
      %dma_wait3A_52 = arith.constant 0 : i32
      %dma_wait3A_53 = tpu.memref_slice %arg5[%dma_wait3A_52] : memref<5120xf32, #tpu.memory_space<hbm>> -> memref<5120xf32, #tpu.memory_space<hbm>>
      tpu.wait_indirect_dma semaphore(%arg15 : memref<!tpu.dma_semaphore, #tpu.memory_space<semaphore_mem>>) src(%dma_wait3A_53 : memref<5120xf32, #tpu.memory_space<hbm>>) dst(%arg13 : memref<128xf32, #tpu.memory_space<vmem>>)
      "tpu.region"() ({
        %run_scoped3A = tpu.sem_alloc : memref<!tpu.dma_semaphore, #tpu.memory_space<semaphore_mem>>
        %dma_start3A_55 = arith.constant 0 : i32
        %dma_start3A_56 = tpu.memref_slice %arg8[%dma_start3A_55] : memref<5120xf32, #tpu.memory_space<vmem_shared>> -> memref<5120xf32, #tpu.memory_space<vmem_shared>>
        tpu.enqueue_indirect_dma source(%arg14 : memref<128xf32, #tpu.memory_space<vmem>>) target(%dma_start3A_56 : memref<5120xf32, #tpu.memory_space<vmem_shared>>) offsets(%arg12 : memref<128xi32, #tpu.memory_space<vmem>>) semaphore(%run_scoped3A : memref<!tpu.dma_semaphore, #tpu.memory_space<semaphore_mem>>) {add = true}
        %dma_wait3A_57 = arith.constant 0 : i32
        %dma_wait3A_58 = tpu.memref_slice %arg8[%dma_wait3A_57] : memref<5120xf32, #tpu.memory_space<vmem_shared>> -> memref<5120xf32, #tpu.memory_space<vmem_shared>>
        tpu.wait_indirect_dma semaphore(%run_scoped3A : memref<!tpu.dma_semaphore, #tpu.memory_space<semaphore_mem>>) src(%arg14 : memref<128xf32, #tpu.memory_space<vmem>>) dst(%dma_wait3A_58 : memref<5120xf32, #tpu.memory_space<vmem_shared>>)
        tpu.yield
      }) : () -> ()
      "tpu.region"() ({
        %run_scoped3A = tpu.sem_alloc : memref<!tpu.dma_semaphore, #tpu.memory_space<semaphore_mem>>
        %dma_start3A_55 = arith.constant 0 : i32
        %dma_start3A_56 = tpu.memref_slice %arg9[%dma_start3A_55] : memref<10240xf32, #tpu.memory_space<vmem_shared>> -> memref<10240xf32, #tpu.memory_space<vmem_shared>>
        tpu.enqueue_indirect_dma source(%arg13 : memref<128xf32, #tpu.memory_space<vmem>>) target(%dma_start3A_56 : memref<10240xf32, #tpu.memory_space<vmem_shared>>) offsets(%arg11 : memref<128xi32, #tpu.memory_space<vmem>>) semaphore(%run_scoped3A : memref<!tpu.dma_semaphore, #tpu.memory_space<semaphore_mem>>) {add = true}
        %dma_wait3A_57 = arith.constant 0 : i32
        %dma_wait3A_58 = tpu.memref_slice %arg9[%dma_wait3A_57] : memref<10240xf32, #tpu.memory_space<vmem_shared>> -> memref<10240xf32, #tpu.memory_space<vmem_shared>>
        tpu.wait_indirect_dma semaphore(%run_scoped3A : memref<!tpu.dma_semaphore, #tpu.memory_space<semaphore_mem>>) src(%arg13 : memref<128xf32, #tpu.memory_space<vmem>>) dst(%dma_wait3A_58 : memref<10240xf32, #tpu.memory_space<vmem_shared>>)
        tpu.yield
      }) : () -> ()
      %while3A_54 = arith.constant 0 : i32
      scf.yield %while3A_54 : i32
    }
    %while3A_24 = arith.constant 1 : i32
    %while3A_25 = scf.for %while3A_41 = %while3A_21 to %while3A_17 step %while3A_24 iter_args(%while3A_42 = %while3A_23) -> (i32)  : i32 {
      %mul3A_43 = arith.constant 32 : i32
      %mul3A_44 = arith.muli %while3A_41, %mul3A_43 : i32
      %add3A_45 = arith.addi %mul3A_44, %add3A : i32
      %mul3A_46 = arith.constant 128 : i32
      %mul3A_47 = arith.muli %add3A_45, %mul3A_46 : i32
      "tpu.region"() ({
        %run_scoped3A = tpu.sem_alloc : memref<!tpu.dma_semaphore, #tpu.memory_space<semaphore_mem>>
        %dma_start3A_55 = tpu.memref_slice %arg2[%mul3A_47] : memref<320000xi32, #tpu.memory_space<hbm>> -> memref<128xi32, #tpu.memory_space<hbm>>
        %dma_start3A_56 = tpu.memref_slice %arg2[%mul3A_47] : memref<320000xi32, #tpu.memory_space<hbm>> -> memref<128xi32, #tpu.memory_space<hbm>>
        tpu.enqueue_dma source(%dma_start3A_56 : memref<128xi32, #tpu.memory_space<hbm>>) target(%arg11 : memref<128xi32, #tpu.memory_space<vmem>>) target_semaphore(%run_scoped3A : memref<!tpu.dma_semaphore, #tpu.memory_space<semaphore_mem>>)
        %dma_wait3A_57 = tpu.memref_slice %arg2[%mul3A_47] : memref<320000xi32, #tpu.memory_space<hbm>> -> memref<128xi32, #tpu.memory_space<hbm>>
        %dma_wait3A_58 = tpu.memref_slice %arg2[%mul3A_47] : memref<320000xi32, #tpu.memory_space<hbm>> -> memref<128xi32, #tpu.memory_space<hbm>>
        tpu.wait_dma2 semaphore(%run_scoped3A : memref<!tpu.dma_semaphore, #tpu.memory_space<semaphore_mem>>) src(%dma_wait3A_58 : memref<128xi32, #tpu.memory_space<hbm>>) dst(%arg11 : memref<128xi32, #tpu.memory_space<vmem>>)
        tpu.yield
      }) : () -> ()
      "tpu.region"() ({
        %run_scoped3A = tpu.sem_alloc : memref<!tpu.dma_semaphore, #tpu.memory_space<semaphore_mem>>
        %dma_start3A_55 = tpu.memref_slice %arg3[%mul3A_47] : memref<320000xi32, #tpu.memory_space<hbm>> -> memref<128xi32, #tpu.memory_space<hbm>>
        %dma_start3A_56 = tpu.memref_slice %arg3[%mul3A_47] : memref<320000xi32, #tpu.memory_space<hbm>> -> memref<128xi32, #tpu.memory_space<hbm>>
        tpu.enqueue_dma source(%dma_start3A_56 : memref<128xi32, #tpu.memory_space<hbm>>) target(%arg12 : memref<128xi32, #tpu.memory_space<vmem>>) target_semaphore(%run_scoped3A : memref<!tpu.dma_semaphore, #tpu.memory_space<semaphore_mem>>)
        %dma_wait3A_57 = tpu.memref_slice %arg3[%mul3A_47] : memref<320000xi32, #tpu.memory_space<hbm>> -> memref<128xi32, #tpu.memory_space<hbm>>
        %dma_wait3A_58 = tpu.memref_slice %arg3[%mul3A_47] : memref<320000xi32, #tpu.memory_space<hbm>> -> memref<128xi32, #tpu.memory_space<hbm>>
        tpu.wait_dma2 semaphore(%run_scoped3A : memref<!tpu.dma_semaphore, #tpu.memory_space<semaphore_mem>>) src(%dma_wait3A_58 : memref<128xi32, #tpu.memory_space<hbm>>) dst(%arg12 : memref<128xi32, #tpu.memory_space<vmem>>)
        tpu.yield
      }) : () -> ()
      %dma_start3A = arith.constant 0 : i32
      %dma_start3A_48 = tpu.memref_slice %arg4[%dma_start3A] : memref<10240xf32, #tpu.memory_space<hbm>> -> memref<10240xf32, #tpu.memory_space<hbm>>
      tpu.enqueue_indirect_dma source(%dma_start3A_48 : memref<10240xf32, #tpu.memory_space<hbm>>) target(%arg14 : memref<128xf32, #tpu.memory_space<vmem>>) offsets(%arg11 : memref<128xi32, #tpu.memory_space<vmem>>) semaphore(%arg15 : memref<!tpu.dma_semaphore, #tpu.memory_space<semaphore_mem>>)
      %dma_wait3A = arith.constant 0 : i32
      %dma_wait3A_49 = tpu.memref_slice %arg4[%dma_wait3A] : memref<10240xf32, #tpu.memory_space<hbm>> -> memref<10240xf32, #tpu.memory_space<hbm>>
      tpu.wait_indirect_dma semaphore(%arg15 : memref<!tpu.dma_semaphore, #tpu.memory_space<semaphore_mem>>) src(%dma_wait3A_49 : memref<10240xf32, #tpu.memory_space<hbm>>) dst(%arg14 : memref<128xf32, #tpu.memory_space<vmem>>)
      %dma_start3A_50 = arith.constant 0 : i32
      %dma_start3A_51 = tpu.memref_slice %arg5[%dma_start3A_50] : memref<5120xf32, #tpu.memory_space<hbm>> -> memref<5120xf32, #tpu.memory_space<hbm>>
      tpu.enqueue_indirect_dma source(%dma_start3A_51 : memref<5120xf32, #tpu.memory_space<hbm>>) target(%arg13 : memref<128xf32, #tpu.memory_space<vmem>>) offsets(%arg12 : memref<128xi32, #tpu.memory_space<vmem>>) semaphore(%arg15 : memref<!tpu.dma_semaphore, #tpu.memory_space<semaphore_mem>>)
      %dma_wait3A_52 = arith.constant 0 : i32
      %dma_wait3A_53 = tpu.memref_slice %arg5[%dma_wait3A_52] : memref<5120xf32, #tpu.memory_space<hbm>> -> memref<5120xf32, #tpu.memory_space<hbm>>
      tpu.wait_indirect_dma semaphore(%arg15 : memref<!tpu.dma_semaphore, #tpu.memory_space<semaphore_mem>>) src(%dma_wait3A_53 : memref<5120xf32, #tpu.memory_space<hbm>>) dst(%arg13 : memref<128xf32, #tpu.memory_space<vmem>>)
      "tpu.region"() ({
        %run_scoped3A = tpu.sem_alloc : memref<!tpu.dma_semaphore, #tpu.memory_space<semaphore_mem>>
        %dma_start3A_55 = arith.constant 0 : i32
        %dma_start3A_56 = tpu.memref_slice %arg8[%dma_start3A_55] : memref<5120xf32, #tpu.memory_space<vmem_shared>> -> memref<5120xf32, #tpu.memory_space<vmem_shared>>
        tpu.enqueue_indirect_dma source(%arg14 : memref<128xf32, #tpu.memory_space<vmem>>) target(%dma_start3A_56 : memref<5120xf32, #tpu.memory_space<vmem_shared>>) offsets(%arg12 : memref<128xi32, #tpu.memory_space<vmem>>) semaphore(%run_scoped3A : memref<!tpu.dma_semaphore, #tpu.memory_space<semaphore_mem>>) {add = true}
        %dma_wait3A_57 = arith.constant 0 : i32
        %dma_wait3A_58 = tpu.memref_slice %arg8[%dma_wait3A_57] : memref<5120xf32, #tpu.memory_space<vmem_shared>> -> memref<5120xf32, #tpu.memory_space<vmem_shared>>
        tpu.wait_indirect_dma semaphore(%run_scoped3A : memref<!tpu.dma_semaphore, #tpu.memory_space<semaphore_mem>>) src(%arg14 : memref<128xf32, #tpu.memory_space<vmem>>) dst(%dma_wait3A_58 : memref<5120xf32, #tpu.memory_space<vmem_shared>>)
        tpu.yield
      }) : () -> ()
      "tpu.region"() ({
        %run_scoped3A = tpu.sem_alloc : memref<!tpu.dma_semaphore, #tpu.memory_space<semaphore_mem>>
        %dma_start3A_55 = arith.constant 0 : i32
        %dma_start3A_56 = tpu.memref_slice %arg9[%dma_start3A_55] : memref<10240xf32, #tpu.memory_space<vmem_shared>> -> memref<10240xf32, #tpu.memory_space<vmem_shared>>
        tpu.enqueue_indirect_dma source(%arg13 : memref<128xf32, #tpu.memory_space<vmem>>) target(%dma_start3A_56 : memref<10240xf32, #tpu.memory_space<vmem_shared>>) offsets(%arg11 : memref<128xi32, #tpu.memory_space<vmem>>) semaphore(%run_scoped3A : memref<!tpu.dma_semaphore, #tpu.memory_space<semaphore_mem>>) {add = true}
        %dma_wait3A_57 = arith.constant 0 : i32
        %dma_wait3A_58 = tpu.memref_slice %arg9[%dma_wait3A_57] : memref<10240xf32, #tpu.memory_space<vmem_shared>> -> memref<10240xf32, #tpu.memory_space<vmem_shared>>
        tpu.wait_indirect_dma semaphore(%run_scoped3A : memref<!tpu.dma_semaphore, #tpu.memory_space<semaphore_mem>>) src(%arg13 : memref<128xf32, #tpu.memory_space<vmem>>) dst(%dma_wait3A_58 : memref<10240xf32, #tpu.memory_space<vmem_shared>>)
        tpu.yield
      }) : () -> ()
      %while3A_54 = arith.constant 0 : i32
      scf.yield %while3A_54 : i32
    }
    %barrier3A_26 = arith.constant 0 : index
    tpu.barrier barrier_id(%barrier3A_26)
    %mul3A_27 = arith.constant 320 : i32
    %mul3A_28 = arith.muli %arg1, %mul3A_27 : i32
    "tpu.region"() ({
      %run_scoped3A = tpu.sem_alloc : memref<!tpu.dma_semaphore, #tpu.memory_space<semaphore_mem>>
      %dma_start3A = arith.constant 0 : i32
      %dma_start3A_41 = tpu.memref_slice %arg10[%dma_start3A] : memref<640xf32, #tpu.memory_space<vmem>> -> memref<320xf32, #tpu.memory_space<vmem>>
      %dma_start3A_42 = tpu.memref_slice %arg8[%mul3A_28] : memref<5120xf32, #tpu.memory_space<vmem_shared>> -> memref<320xf32, #tpu.memory_space<vmem_shared>>
      %dma_start3A_43 = arith.constant 0 : i32
      %dma_start3A_44 = tpu.memref_slice %arg10[%dma_start3A_43] : memref<640xf32, #tpu.memory_space<vmem>> -> memref<320xf32, #tpu.memory_space<vmem>>
      %dma_start3A_45 = tpu.memref_slice %arg8[%mul3A_28] : memref<5120xf32, #tpu.memory_space<vmem_shared>> -> memref<320xf32, #tpu.memory_space<vmem_shared>>
      tpu.enqueue_dma source(%dma_start3A_45 : memref<320xf32, #tpu.memory_space<vmem_shared>>) target(%dma_start3A_44 : memref<320xf32, #tpu.memory_space<vmem>>) target_semaphore(%run_scoped3A : memref<!tpu.dma_semaphore, #tpu.memory_space<semaphore_mem>>)
      %dma_wait3A = arith.constant 0 : i32
      %dma_wait3A_46 = tpu.memref_slice %arg10[%dma_wait3A] : memref<640xf32, #tpu.memory_space<vmem>> -> memref<320xf32, #tpu.memory_space<vmem>>
      %dma_wait3A_47 = tpu.memref_slice %arg8[%mul3A_28] : memref<5120xf32, #tpu.memory_space<vmem_shared>> -> memref<320xf32, #tpu.memory_space<vmem_shared>>
      %dma_wait3A_48 = arith.constant 0 : i32
      %dma_wait3A_49 = tpu.memref_slice %arg10[%dma_wait3A_48] : memref<640xf32, #tpu.memory_space<vmem>> -> memref<320xf32, #tpu.memory_space<vmem>>
      %dma_wait3A_50 = tpu.memref_slice %arg8[%mul3A_28] : memref<5120xf32, #tpu.memory_space<vmem_shared>> -> memref<320xf32, #tpu.memory_space<vmem_shared>>
      tpu.wait_dma2 semaphore(%run_scoped3A : memref<!tpu.dma_semaphore, #tpu.memory_space<semaphore_mem>>) src(%dma_wait3A_50 : memref<320xf32, #tpu.memory_space<vmem_shared>>) dst(%dma_wait3A_49 : memref<320xf32, #tpu.memory_space<vmem>>)
      tpu.yield
    }) : () -> ()
    %mul3A_29 = arith.constant 5120 : i32
    %mul3A_30 = arith.muli %arg0, %mul3A_29 : i32
    %mul3A_31 = arith.constant 320 : i32
    %mul3A_32 = arith.muli %arg1, %mul3A_31 : i32
    %add3A_33 = arith.addi %mul3A_30, %mul3A_32 : i32
    "tpu.region"() ({
      %run_scoped3A = tpu.sem_alloc : memref<!tpu.dma_semaphore, #tpu.memory_space<semaphore_mem>>
      %dma_start3A = arith.constant 0 : i32
      %dma_start3A_41 = tpu.memref_slice %arg10[%dma_start3A] : memref<640xf32, #tpu.memory_space<vmem>> -> memref<320xf32, #tpu.memory_space<vmem>>
      %dma_start3A_42 = tpu.memref_slice %arg6[%add3A_33] : memref<10240xf32, #tpu.memory_space<hbm>> -> memref<320xf32, #tpu.memory_space<hbm>>
      %dma_start3A_43 = tpu.memref_slice %arg6[%add3A_33] : memref<10240xf32, #tpu.memory_space<hbm>> -> memref<320xf32, #tpu.memory_space<hbm>>
      %dma_start3A_44 = arith.constant 0 : i32
      %dma_start3A_45 = tpu.memref_slice %arg10[%dma_start3A_44] : memref<640xf32, #tpu.memory_space<vmem>> -> memref<320xf32, #tpu.memory_space<vmem>>
      tpu.enqueue_dma source(%dma_start3A_45 : memref<320xf32, #tpu.memory_space<vmem>>) target(%dma_start3A_43 : memref<320xf32, #tpu.memory_space<hbm>>) target_semaphore(%run_scoped3A : memref<!tpu.dma_semaphore, #tpu.memory_space<semaphore_mem>>)
      %dma_wait3A = arith.constant 0 : i32
      %dma_wait3A_46 = tpu.memref_slice %arg10[%dma_wait3A] : memref<640xf32, #tpu.memory_space<vmem>> -> memref<320xf32, #tpu.memory_space<vmem>>
      %dma_wait3A_47 = tpu.memref_slice %arg6[%add3A_33] : memref<10240xf32, #tpu.memory_space<hbm>> -> memref<320xf32, #tpu.memory_space<hbm>>
      %dma_wait3A_48 = tpu.memref_slice %arg6[%add3A_33] : memref<10240xf32, #tpu.memory_space<hbm>> -> memref<320xf32, #tpu.memory_space<hbm>>
      %dma_wait3A_49 = arith.constant 0 : i32
      %dma_wait3A_50 = tpu.memref_slice %arg10[%dma_wait3A_49] : memref<640xf32, #tpu.memory_space<vmem>> -> memref<320xf32, #tpu.memory_space<vmem>>
      tpu.wait_dma2 semaphore(%run_scoped3A : memref<!tpu.dma_semaphore, #tpu.memory_space<semaphore_mem>>) src(%dma_wait3A_50 : memref<320xf32, #tpu.memory_space<vmem>>) dst(%dma_wait3A_48 : memref<320xf32, #tpu.memory_space<hbm>>)
      tpu.yield
    }) : () -> ()
    %mul3A_34 = arith.constant 640 : i32
    %mul3A_35 = arith.muli %arg1, %mul3A_34 : i32
    "tpu.region"() ({
      %run_scoped3A = tpu.sem_alloc : memref<!tpu.dma_semaphore, #tpu.memory_space<semaphore_mem>>
      %dma_start3A = tpu.memref_slice %arg9[%mul3A_35] : memref<10240xf32, #tpu.memory_space<vmem_shared>> -> memref<640xf32, #tpu.memory_space<vmem_shared>>
      %dma_start3A_41 = tpu.memref_slice %arg9[%mul3A_35] : memref<10240xf32, #tpu.memory_space<vmem_shared>> -> memref<640xf32, #tpu.memory_space<vmem_shared>>
      tpu.enqueue_dma source(%dma_start3A_41 : memref<640xf32, #tpu.memory_space<vmem_shared>>) target(%arg10 : memref<640xf32, #tpu.memory_space<vmem>>) target_semaphore(%run_scoped3A : memref<!tpu.dma_semaphore, #tpu.memory_space<semaphore_mem>>)
      %dma_wait3A = tpu.memref_slice %arg9[%mul3A_35] : memref<10240xf32, #tpu.memory_space<vmem_shared>> -> memref<640xf32, #tpu.memory_space<vmem_shared>>
      %dma_wait3A_42 = tpu.memref_slice %arg9[%mul3A_35] : memref<10240xf32, #tpu.memory_space<vmem_shared>> -> memref<640xf32, #tpu.memory_space<vmem_shared>>
      tpu.wait_dma2 semaphore(%run_scoped3A : memref<!tpu.dma_semaphore, #tpu.memory_space<semaphore_mem>>) src(%dma_wait3A_42 : memref<640xf32, #tpu.memory_space<vmem_shared>>) dst(%arg10 : memref<640xf32, #tpu.memory_space<vmem>>)
      tpu.yield
    }) : () -> ()
    %mul3A_36 = arith.constant 10240 : i32
    %mul3A_37 = arith.muli %arg0, %mul3A_36 : i32
    %mul3A_38 = arith.constant 640 : i32
    %mul3A_39 = arith.muli %arg1, %mul3A_38 : i32
    %add3A_40 = arith.addi %mul3A_37, %mul3A_39 : i32
    "tpu.region"() ({
      %run_scoped3A = tpu.sem_alloc : memref<!tpu.dma_semaphore, #tpu.memory_space<semaphore_mem>>
      %dma_start3A = tpu.memref_slice %arg7[%add3A_40] : memref<20480xf32, #tpu.memory_space<hbm>> -> memref<640xf32, #tpu.memory_space<hbm>>
      %dma_start3A_41 = tpu.memref_slice %arg7[%add3A_40] : memref<20480xf32, #tpu.memory_space<hbm>> -> memref<640xf32, #tpu.memory_space<hbm>>
      tpu.enqueue_dma source(%arg10 : memref<640xf32, #tpu.memory_space<vmem>>) target(%dma_start3A_41 : memref<640xf32, #tpu.memory_space<hbm>>) target_semaphore(%run_scoped3A : memref<!tpu.dma_semaphore, #tpu.memory_space<semaphore_mem>>)
      %dma_wait3A = tpu.memref_slice %arg7[%add3A_40] : memref<20480xf32, #tpu.memory_space<hbm>> -> memref<640xf32, #tpu.memory_space<hbm>>
      %dma_wait3A_42 = tpu.memref_slice %arg7[%add3A_40] : memref<20480xf32, #tpu.memory_space<hbm>> -> memref<640xf32, #tpu.memory_space<hbm>>
      tpu.wait_dma2 semaphore(%run_scoped3A : memref<!tpu.dma_semaphore, #tpu.memory_space<semaphore_mem>>) src(%arg10 : memref<640xf32, #tpu.memory_space<vmem>>) dst(%dma_wait3A_42 : memref<640xf32, #tpu.memory_space<hbm>>)
      tpu.yield
    }) : () -> ()
    return
  }
}

#map = affine_map<(d0, d1) -> (0, 0)>
#map1 = affine_map<(d0, d1) -> (0)>
#map2 = affine_map<(d0, d1) -> (0, 0, 0)>
module attributes {stable_mosaic.version = 14 : i64} {
  func.func @body(%arg0: i32, %arg1: i32, %arg2: memref<10000x128xf32, #tpu.memory_space<hbm>>, %arg3: memref<320000xi32, #tpu.memory_space<hbm>>, %arg4: memref<320000xi32, #tpu.memory_space<hbm>>, %arg5: memref<2x5120x128xf32, #tpu.memory_space<hbm>>, %arg6: memref<5120x128xf32, #tpu.memory_space<vmem_shared>>, %arg7: memref<40x128xf32, #tpu.memory_space<vmem>>, %arg8: memref<128xi32, #tpu.memory_space<vmem>>, %arg9: memref<128xi32, #tpu.memory_space<vmem>>, %arg10: memref<128x128xf32, #tpu.memory_space<vmem>>, %arg11: memref<!tpu.dma_semaphore, #tpu.memory_space<semaphore_mem>>) attributes {dimension_semantics = [#tpu.dimension_semantics<core_parallel>, #tpu.dimension_semantics<subcore_parallel>], iteration_bounds = array<i64: 2, 16>, scalar_prefetch = 0 : i64, scratch_operands = 6 : i64, tpu.core_type = #tpu.core_type<sc_vector_subcore>, window_params = [{transform_indices = #map}, {transform_indices = #map1}, {transform_indices = #map1}, {transform_indices = #map2}]} {
    %scan3A = arith.constant 0 : i32
    %scan3A_0 = arith.constant 0 : i32
    %scan3A_1 = arith.constant 40 : i32
    %scan3A_2 = arith.addi %scan3A_0, %scan3A_1 : i32
    %scan3A_3 = arith.constant 1 : i32
    %scan3A_4 = scf.for %scan3A_56 = %scan3A_0 to %scan3A_2 step %scan3A_3 iter_args(%scan3A_57 = %scan3A) -> (i32)  : i32 {
      %broadcast_in_dim3A = arith.constant 0.000000e+00 : f32
      %broadcast_in_dim3A_58 = vector.broadcast %broadcast_in_dim3A : f32 to vector<16xf32>
      %swap3A = arith.index_cast %scan3A_56 : i32 to index
      %swap3A_59 = arith.constant 0 : index
      %swap3A_60 = tpu.vector_load %arg7[%swap3A, %swap3A_59] {strides = array<i32>} : memref<40x128xf32, #tpu.memory_space<vmem>>, vector<1x16xf32>,
      %swap3A_61 = vector.shape_cast %swap3A_60 : vector<1x16xf32> to vector<16xf32>
      %swap3A_62 = vector.shape_cast %broadcast_in_dim3A_58 : vector<16xf32> to vector<1x16xf32>
      tpu.vector_store %arg7[%swap3A, %swap3A_59], %swap3A_62 {strides = array<i32>} : memref<40x128xf32, #tpu.memory_space<vmem>>, vector<1x16xf32>,
      %broadcast_in_dim3A_63 = arith.constant 0.000000e+00 : f32
      %broadcast_in_dim3A_64 = vector.broadcast %broadcast_in_dim3A_63 : f32 to vector<16xf32>
      %swap3A_65 = arith.index_cast %scan3A_56 : i32 to index
      %swap3A_66 = arith.constant 16 : index
      %swap3A_67 = tpu.vector_load %arg7[%swap3A_65, %swap3A_66] {strides = array<i32>} : memref<40x128xf32, #tpu.memory_space<vmem>>, vector<1x16xf32>,
      %swap3A_68 = vector.shape_cast %swap3A_67 : vector<1x16xf32> to vector<16xf32>
      %swap3A_69 = vector.shape_cast %broadcast_in_dim3A_64 : vector<16xf32> to vector<1x16xf32>
      tpu.vector_store %arg7[%swap3A_65, %swap3A_66], %swap3A_69 {strides = array<i32>} : memref<40x128xf32, #tpu.memory_space<vmem>>, vector<1x16xf32>,
      %broadcast_in_dim3A_70 = arith.constant 0.000000e+00 : f32
      %broadcast_in_dim3A_71 = vector.broadcast %broadcast_in_dim3A_70 : f32 to vector<16xf32>
      %swap3A_72 = arith.index_cast %scan3A_56 : i32 to index
      %swap3A_73 = arith.constant 32 : index
      %swap3A_74 = tpu.vector_load %arg7[%swap3A_72, %swap3A_73] {strides = array<i32>} : memref<40x128xf32, #tpu.memory_space<vmem>>, vector<1x16xf32>,
      %swap3A_75 = vector.shape_cast %swap3A_74 : vector<1x16xf32> to vector<16xf32>
      %swap3A_76 = vector.shape_cast %broadcast_in_dim3A_71 : vector<16xf32> to vector<1x16xf32>
      tpu.vector_store %arg7[%swap3A_72, %swap3A_73], %swap3A_76 {strides = array<i32>} : memref<40x128xf32, #tpu.memory_space<vmem>>, vector<1x16xf32>,
      %broadcast_in_dim3A_77 = arith.constant 0.000000e+00 : f32
      %broadcast_in_dim3A_78 = vector.broadcast %broadcast_in_dim3A_77 : f32 to vector<16xf32>
      %swap3A_79 = arith.index_cast %scan3A_56 : i32 to index
      %swap3A_80 = arith.constant 48 : index
      %swap3A_81 = tpu.vector_load %arg7[%swap3A_79, %swap3A_80] {strides = array<i32>} : memref<40x128xf32, #tpu.memory_space<vmem>>, vector<1x16xf32>,
      %swap3A_82 = vector.shape_cast %swap3A_81 : vector<1x16xf32> to vector<16xf32>
      %swap3A_83 = vector.shape_cast %broadcast_in_dim3A_78 : vector<16xf32> to vector<1x16xf32>
      tpu.vector_store %arg7[%swap3A_79, %swap3A_80], %swap3A_83 {strides = array<i32>} : memref<40x128xf32, #tpu.memory_space<vmem>>, vector<1x16xf32>,
      %broadcast_in_dim3A_84 = arith.constant 0.000000e+00 : f32
      %broadcast_in_dim3A_85 = vector.broadcast %broadcast_in_dim3A_84 : f32 to vector<16xf32>
      %swap3A_86 = arith.index_cast %scan3A_56 : i32 to index
      %swap3A_87 = arith.constant 64 : index
      %swap3A_88 = tpu.vector_load %arg7[%swap3A_86, %swap3A_87] {strides = array<i32>} : memref<40x128xf32, #tpu.memory_space<vmem>>, vector<1x16xf32>,
      %swap3A_89 = vector.shape_cast %swap3A_88 : vector<1x16xf32> to vector<16xf32>
      %swap3A_90 = vector.shape_cast %broadcast_in_dim3A_85 : vector<16xf32> to vector<1x16xf32>
      tpu.vector_store %arg7[%swap3A_86, %swap3A_87], %swap3A_90 {strides = array<i32>} : memref<40x128xf32, #tpu.memory_space<vmem>>, vector<1x16xf32>,
      %broadcast_in_dim3A_91 = arith.constant 0.000000e+00 : f32
      %broadcast_in_dim3A_92 = vector.broadcast %broadcast_in_dim3A_91 : f32 to vector<16xf32>
      %swap3A_93 = arith.index_cast %scan3A_56 : i32 to index
      %swap3A_94 = arith.constant 80 : index
      %swap3A_95 = tpu.vector_load %arg7[%swap3A_93, %swap3A_94] {strides = array<i32>} : memref<40x128xf32, #tpu.memory_space<vmem>>, vector<1x16xf32>,
      %swap3A_96 = vector.shape_cast %swap3A_95 : vector<1x16xf32> to vector<16xf32>
      %swap3A_97 = vector.shape_cast %broadcast_in_dim3A_92 : vector<16xf32> to vector<1x16xf32>
      tpu.vector_store %arg7[%swap3A_93, %swap3A_94], %swap3A_97 {strides = array<i32>} : memref<40x128xf32, #tpu.memory_space<vmem>>, vector<1x16xf32>,
      %broadcast_in_dim3A_98 = arith.constant 0.000000e+00 : f32
      %broadcast_in_dim3A_99 = vector.broadcast %broadcast_in_dim3A_98 : f32 to vector<16xf32>
      %swap3A_100 = arith.index_cast %scan3A_56 : i32 to index
      %swap3A_101 = arith.constant 96 : index
      %swap3A_102 = tpu.vector_load %arg7[%swap3A_100, %swap3A_101] {strides = array<i32>} : memref<40x128xf32, #tpu.memory_space<vmem>>, vector<1x16xf32>,
      %swap3A_103 = vector.shape_cast %swap3A_102 : vector<1x16xf32> to vector<16xf32>
      %swap3A_104 = vector.shape_cast %broadcast_in_dim3A_99 : vector<16xf32> to vector<1x16xf32>
      tpu.vector_store %arg7[%swap3A_100, %swap3A_101], %swap3A_104 {strides = array<i32>} : memref<40x128xf32, #tpu.memory_space<vmem>>, vector<1x16xf32>,
      %broadcast_in_dim3A_105 = arith.constant 0.000000e+00 : f32
      %broadcast_in_dim3A_106 = vector.broadcast %broadcast_in_dim3A_105 : f32 to vector<16xf32>
      %swap3A_107 = arith.index_cast %scan3A_56 : i32 to index
      %swap3A_108 = arith.constant 112 : index
      %swap3A_109 = tpu.vector_load %arg7[%swap3A_107, %swap3A_108] {strides = array<i32>} : memref<40x128xf32, #tpu.memory_space<vmem>>, vector<1x16xf32>,
      %swap3A_110 = vector.shape_cast %swap3A_109 : vector<1x16xf32> to vector<16xf32>
      %swap3A_111 = vector.shape_cast %broadcast_in_dim3A_106 : vector<16xf32> to vector<1x16xf32>
      tpu.vector_store %arg7[%swap3A_107, %swap3A_108], %swap3A_111 {strides = array<i32>} : memref<40x128xf32, #tpu.memory_space<vmem>>, vector<1x16xf32>,
      %scan3A_112 = arith.constant 0 : i32
      scf.yield %scan3A_112 : i32
    }
    %scan3A_5 = arith.constant 40 : i32
    %mul3A = arith.constant 320 : i32
    %mul3A_6 = arith.muli %arg1, %mul3A : i32
    %add3A = arith.constant 0 : i32
    %add3A_7 = arith.addi %mul3A_6, %add3A : i32
    "tpu.region"() ({
      %run_scoped3A = tpu.sem_alloc : memref<!tpu.dma_semaphore, #tpu.memory_space<semaphore_mem>>
      %dma_start3A = arith.constant 0 : i32
      %dma_start3A_56 = tpu.memref_slice %arg6[%add3A_7, %dma_start3A] : memref<5120x128xf32, #tpu.memory_space<vmem_shared>> -> memref<40x128xf32, #tpu.memory_space<vmem_shared>>
      %dma_start3A_57 = arith.constant 0 : i32
      %dma_start3A_58 = tpu.memref_slice %arg6[%add3A_7, %dma_start3A_57] : memref<5120x128xf32, #tpu.memory_space<vmem_shared>> -> memref<40x128xf32, #tpu.memory_space<vmem_shared>>
      tpu.enqueue_dma source(%arg7 : memref<40x128xf32, #tpu.memory_space<vmem>>) target(%dma_start3A_58 : memref<40x128xf32, #tpu.memory_space<vmem_shared>>) target_semaphore(%run_scoped3A : memref<!tpu.dma_semaphore, #tpu.memory_space<semaphore_mem>>)
      %dma_wait3A = arith.constant 0 : i32
      %dma_wait3A_59 = tpu.memref_slice %arg6[%add3A_7, %dma_wait3A] : memref<5120x128xf32, #tpu.memory_space<vmem_shared>> -> memref<40x128xf32, #tpu.memory_space<vmem_shared>>
      %dma_wait3A_60 = arith.constant 0 : i32
      %dma_wait3A_61 = tpu.memref_slice %arg6[%add3A_7, %dma_wait3A_60] : memref<5120x128xf32, #tpu.memory_space<vmem_shared>> -> memref<40x128xf32, #tpu.memory_space<vmem_shared>>
      tpu.wait_dma2 semaphore(%run_scoped3A : memref<!tpu.dma_semaphore, #tpu.memory_space<semaphore_mem>>) src(%arg7 : memref<40x128xf32, #tpu.memory_space<vmem>>) dst(%dma_wait3A_61 : memref<40x128xf32, #tpu.memory_space<vmem_shared>>)
      tpu.yield
    }) : () -> ()
    %mul3A_8 = arith.constant 320 : i32
    %mul3A_9 = arith.muli %arg1, %mul3A_8 : i32
    %add3A_10 = arith.constant 40 : i32
    %add3A_11 = arith.addi %mul3A_9, %add3A_10 : i32
    "tpu.region"() ({
      %run_scoped3A = tpu.sem_alloc : memref<!tpu.dma_semaphore, #tpu.memory_space<semaphore_mem>>
      %dma_start3A = arith.constant 0 : i32
      %dma_start3A_56 = tpu.memref_slice %arg6[%add3A_11, %dma_start3A] : memref<5120x128xf32, #tpu.memory_space<vmem_shared>> -> memref<40x128xf32, #tpu.memory_space<vmem_shared>>
      %dma_start3A_57 = arith.constant 0 : i32
      %dma_start3A_58 = tpu.memref_slice %arg6[%add3A_11, %dma_start3A_57] : memref<5120x128xf32, #tpu.memory_space<vmem_shared>> -> memref<40x128xf32, #tpu.memory_space<vmem_shared>>
      tpu.enqueue_dma source(%arg7 : memref<40x128xf32, #tpu.memory_space<vmem>>) target(%dma_start3A_58 : memref<40x128xf32, #tpu.memory_space<vmem_shared>>) target_semaphore(%run_scoped3A : memref<!tpu.dma_semaphore, #tpu.memory_space<semaphore_mem>>)
      %dma_wait3A = arith.constant 0 : i32
      %dma_wait3A_59 = tpu.memref_slice %arg6[%add3A_11, %dma_wait3A] : memref<5120x128xf32, #tpu.memory_space<vmem_shared>> -> memref<40x128xf32, #tpu.memory_space<vmem_shared>>
      %dma_wait3A_60 = arith.constant 0 : i32
      %dma_wait3A_61 = tpu.memref_slice %arg6[%add3A_11, %dma_wait3A_60] : memref<5120x128xf32, #tpu.memory_space<vmem_shared>> -> memref<40x128xf32, #tpu.memory_space<vmem_shared>>
      tpu.wait_dma2 semaphore(%run_scoped3A : memref<!tpu.dma_semaphore, #tpu.memory_space<semaphore_mem>>) src(%arg7 : memref<40x128xf32, #tpu.memory_space<vmem>>) dst(%dma_wait3A_61 : memref<40x128xf32, #tpu.memory_space<vmem_shared>>)
      tpu.yield
    }) : () -> ()
    %mul3A_12 = arith.constant 320 : i32
    %mul3A_13 = arith.muli %arg1, %mul3A_12 : i32
    %add3A_14 = arith.constant 80 : i32
    %add3A_15 = arith.addi %mul3A_13, %add3A_14 : i32
    "tpu.region"() ({
      %run_scoped3A = tpu.sem_alloc : memref<!tpu.dma_semaphore, #tpu.memory_space<semaphore_mem>>
      %dma_start3A = arith.constant 0 : i32
      %dma_start3A_56 = tpu.memref_slice %arg6[%add3A_15, %dma_start3A] : memref<5120x128xf32, #tpu.memory_space<vmem_shared>> -> memref<40x128xf32, #tpu.memory_space<vmem_shared>>
      %dma_start3A_57 = arith.constant 0 : i32
      %dma_start3A_58 = tpu.memref_slice %arg6[%add3A_15, %dma_start3A_57] : memref<5120x128xf32, #tpu.memory_space<vmem_shared>> -> memref<40x128xf32, #tpu.memory_space<vmem_shared>>
      tpu.enqueue_dma source(%arg7 : memref<40x128xf32, #tpu.memory_space<vmem>>) target(%dma_start3A_58 : memref<40x128xf32, #tpu.memory_space<vmem_shared>>) target_semaphore(%run_scoped3A : memref<!tpu.dma_semaphore, #tpu.memory_space<semaphore_mem>>)
      %dma_wait3A = arith.constant 0 : i32
      %dma_wait3A_59 = tpu.memref_slice %arg6[%add3A_15, %dma_wait3A] : memref<5120x128xf32, #tpu.memory_space<vmem_shared>> -> memref<40x128xf32, #tpu.memory_space<vmem_shared>>
      %dma_wait3A_60 = arith.constant 0 : i32
      %dma_wait3A_61 = tpu.memref_slice %arg6[%add3A_15, %dma_wait3A_60] : memref<5120x128xf32, #tpu.memory_space<vmem_shared>> -> memref<40x128xf32, #tpu.memory_space<vmem_shared>>
      tpu.wait_dma2 semaphore(%run_scoped3A : memref<!tpu.dma_semaphore, #tpu.memory_space<semaphore_mem>>) src(%arg7 : memref<40x128xf32, #tpu.memory_space<vmem>>) dst(%dma_wait3A_61 : memref<40x128xf32, #tpu.memory_space<vmem_shared>>)
      tpu.yield
    }) : () -> ()
    %mul3A_16 = arith.constant 320 : i32
    %mul3A_17 = arith.muli %arg1, %mul3A_16 : i32
    %add3A_18 = arith.constant 120 : i32
    %add3A_19 = arith.addi %mul3A_17, %add3A_18 : i32
    "tpu.region"() ({
      %run_scoped3A = tpu.sem_alloc : memref<!tpu.dma_semaphore, #tpu.memory_space<semaphore_mem>>
      %dma_start3A = arith.constant 0 : i32
      %dma_start3A_56 = tpu.memref_slice %arg6[%add3A_19, %dma_start3A] : memref<5120x128xf32, #tpu.memory_space<vmem_shared>> -> memref<40x128xf32, #tpu.memory_space<vmem_shared>>
      %dma_start3A_57 = arith.constant 0 : i32
      %dma_start3A_58 = tpu.memref_slice %arg6[%add3A_19, %dma_start3A_57] : memref<5120x128xf32, #tpu.memory_space<vmem_shared>> -> memref<40x128xf32, #tpu.memory_space<vmem_shared>>
      tpu.enqueue_dma source(%arg7 : memref<40x128xf32, #tpu.memory_space<vmem>>) target(%dma_start3A_58 : memref<40x128xf32, #tpu.memory_space<vmem_shared>>) target_semaphore(%run_scoped3A : memref<!tpu.dma_semaphore, #tpu.memory_space<semaphore_mem>>)
      %dma_wait3A = arith.constant 0 : i32
      %dma_wait3A_59 = tpu.memref_slice %arg6[%add3A_19, %dma_wait3A] : memref<5120x128xf32, #tpu.memory_space<vmem_shared>> -> memref<40x128xf32, #tpu.memory_space<vmem_shared>>
      %dma_wait3A_60 = arith.constant 0 : i32
      %dma_wait3A_61 = tpu.memref_slice %arg6[%add3A_19, %dma_wait3A_60] : memref<5120x128xf32, #tpu.memory_space<vmem_shared>> -> memref<40x128xf32, #tpu.memory_space<vmem_shared>>
      tpu.wait_dma2 semaphore(%run_scoped3A : memref<!tpu.dma_semaphore, #tpu.memory_space<semaphore_mem>>) src(%arg7 : memref<40x128xf32, #tpu.memory_space<vmem>>) dst(%dma_wait3A_61 : memref<40x128xf32, #tpu.memory_space<vmem_shared>>)
      tpu.yield
    }) : () -> ()
    %mul3A_20 = arith.constant 320 : i32
    %mul3A_21 = arith.muli %arg1, %mul3A_20 : i32
    %add3A_22 = arith.constant 160 : i32
    %add3A_23 = arith.addi %mul3A_21, %add3A_22 : i32
    "tpu.region"() ({
      %run_scoped3A = tpu.sem_alloc : memref<!tpu.dma_semaphore, #tpu.memory_space<semaphore_mem>>
      %dma_start3A = arith.constant 0 : i32
      %dma_start3A_56 = tpu.memref_slice %arg6[%add3A_23, %dma_start3A] : memref<5120x128xf32, #tpu.memory_space<vmem_shared>> -> memref<40x128xf32, #tpu.memory_space<vmem_shared>>
      %dma_start3A_57 = arith.constant 0 : i32
      %dma_start3A_58 = tpu.memref_slice %arg6[%add3A_23, %dma_start3A_57] : memref<5120x128xf32, #tpu.memory_space<vmem_shared>> -> memref<40x128xf32, #tpu.memory_space<vmem_shared>>
      tpu.enqueue_dma source(%arg7 : memref<40x128xf32, #tpu.memory_space<vmem>>) target(%dma_start3A_58 : memref<40x128xf32, #tpu.memory_space<vmem_shared>>) target_semaphore(%run_scoped3A : memref<!tpu.dma_semaphore, #tpu.memory_space<semaphore_mem>>)
      %dma_wait3A = arith.constant 0 : i32
      %dma_wait3A_59 = tpu.memref_slice %arg6[%add3A_23, %dma_wait3A] : memref<5120x128xf32, #tpu.memory_space<vmem_shared>> -> memref<40x128xf32, #tpu.memory_space<vmem_shared>>
      %dma_wait3A_60 = arith.constant 0 : i32
      %dma_wait3A_61 = tpu.memref_slice %arg6[%add3A_23, %dma_wait3A_60] : memref<5120x128xf32, #tpu.memory_space<vmem_shared>> -> memref<40x128xf32, #tpu.memory_space<vmem_shared>>
      tpu.wait_dma2 semaphore(%run_scoped3A : memref<!tpu.dma_semaphore, #tpu.memory_space<semaphore_mem>>) src(%arg7 : memref<40x128xf32, #tpu.memory_space<vmem>>) dst(%dma_wait3A_61 : memref<40x128xf32, #tpu.memory_space<vmem_shared>>)
      tpu.yield
    }) : () -> ()
    %mul3A_24 = arith.constant 320 : i32
    %mul3A_25 = arith.muli %arg1, %mul3A_24 : i32
    %add3A_26 = arith.constant 200 : i32
    %add3A_27 = arith.addi %mul3A_25, %add3A_26 : i32
    "tpu.region"() ({
      %run_scoped3A = tpu.sem_alloc : memref<!tpu.dma_semaphore, #tpu.memory_space<semaphore_mem>>
      %dma_start3A = arith.constant 0 : i32
      %dma_start3A_56 = tpu.memref_slice %arg6[%add3A_27, %dma_start3A] : memref<5120x128xf32, #tpu.memory_space<vmem_shared>> -> memref<40x128xf32, #tpu.memory_space<vmem_shared>>
      %dma_start3A_57 = arith.constant 0 : i32
      %dma_start3A_58 = tpu.memref_slice %arg6[%add3A_27, %dma_start3A_57] : memref<5120x128xf32, #tpu.memory_space<vmem_shared>> -> memref<40x128xf32, #tpu.memory_space<vmem_shared>>
      tpu.enqueue_dma source(%arg7 : memref<40x128xf32, #tpu.memory_space<vmem>>) target(%dma_start3A_58 : memref<40x128xf32, #tpu.memory_space<vmem_shared>>) target_semaphore(%run_scoped3A : memref<!tpu.dma_semaphore, #tpu.memory_space<semaphore_mem>>)
      %dma_wait3A = arith.constant 0 : i32
      %dma_wait3A_59 = tpu.memref_slice %arg6[%add3A_27, %dma_wait3A] : memref<5120x128xf32, #tpu.memory_space<vmem_shared>> -> memref<40x128xf32, #tpu.memory_space<vmem_shared>>
      %dma_wait3A_60 = arith.constant 0 : i32
      %dma_wait3A_61 = tpu.memref_slice %arg6[%add3A_27, %dma_wait3A_60] : memref<5120x128xf32, #tpu.memory_space<vmem_shared>> -> memref<40x128xf32, #tpu.memory_space<vmem_shared>>
      tpu.wait_dma2 semaphore(%run_scoped3A : memref<!tpu.dma_semaphore, #tpu.memory_space<semaphore_mem>>) src(%arg7 : memref<40x128xf32, #tpu.memory_space<vmem>>) dst(%dma_wait3A_61 : memref<40x128xf32, #tpu.memory_space<vmem_shared>>)
      tpu.yield
    }) : () -> ()
    %mul3A_28 = arith.constant 320 : i32
    %mul3A_29 = arith.muli %arg1, %mul3A_28 : i32
    %add3A_30 = arith.constant 240 : i32
    %add3A_31 = arith.addi %mul3A_29, %add3A_30 : i32
    "tpu.region"() ({
      %run_scoped3A = tpu.sem_alloc : memref<!tpu.dma_semaphore, #tpu.memory_space<semaphore_mem>>
      %dma_start3A = arith.constant 0 : i32
      %dma_start3A_56 = tpu.memref_slice %arg6[%add3A_31, %dma_start3A] : memref<5120x128xf32, #tpu.memory_space<vmem_shared>> -> memref<40x128xf32, #tpu.memory_space<vmem_shared>>
      %dma_start3A_57 = arith.constant 0 : i32
      %dma_start3A_58 = tpu.memref_slice %arg6[%add3A_31, %dma_start3A_57] : memref<5120x128xf32, #tpu.memory_space<vmem_shared>> -> memref<40x128xf32, #tpu.memory_space<vmem_shared>>
      tpu.enqueue_dma source(%arg7 : memref<40x128xf32, #tpu.memory_space<vmem>>) target(%dma_start3A_58 : memref<40x128xf32, #tpu.memory_space<vmem_shared>>) target_semaphore(%run_scoped3A : memref<!tpu.dma_semaphore, #tpu.memory_space<semaphore_mem>>)
      %dma_wait3A = arith.constant 0 : i32
      %dma_wait3A_59 = tpu.memref_slice %arg6[%add3A_31, %dma_wait3A] : memref<5120x128xf32, #tpu.memory_space<vmem_shared>> -> memref<40x128xf32, #tpu.memory_space<vmem_shared>>
      %dma_wait3A_60 = arith.constant 0 : i32
      %dma_wait3A_61 = tpu.memref_slice %arg6[%add3A_31, %dma_wait3A_60] : memref<5120x128xf32, #tpu.memory_space<vmem_shared>> -> memref<40x128xf32, #tpu.memory_space<vmem_shared>>
      tpu.wait_dma2 semaphore(%run_scoped3A : memref<!tpu.dma_semaphore, #tpu.memory_space<semaphore_mem>>) src(%arg7 : memref<40x128xf32, #tpu.memory_space<vmem>>) dst(%dma_wait3A_61 : memref<40x128xf32, #tpu.memory_space<vmem_shared>>)
      tpu.yield
    }) : () -> ()
    %mul3A_32 = arith.constant 320 : i32
    %mul3A_33 = arith.muli %arg1, %mul3A_32 : i32
    %add3A_34 = arith.constant 280 : i32
    %add3A_35 = arith.addi %mul3A_33, %add3A_34 : i32
    "tpu.region"() ({
      %run_scoped3A = tpu.sem_alloc : memref<!tpu.dma_semaphore, #tpu.memory_space<semaphore_mem>>
      %dma_start3A = arith.constant 0 : i32
      %dma_start3A_56 = tpu.memref_slice %arg6[%add3A_35, %dma_start3A] : memref<5120x128xf32, #tpu.memory_space<vmem_shared>> -> memref<40x128xf32, #tpu.memory_space<vmem_shared>>
      %dma_start3A_57 = arith.constant 0 : i32
      %dma_start3A_58 = tpu.memref_slice %arg6[%add3A_35, %dma_start3A_57] : memref<5120x128xf32, #tpu.memory_space<vmem_shared>> -> memref<40x128xf32, #tpu.memory_space<vmem_shared>>
      tpu.enqueue_dma source(%arg7 : memref<40x128xf32, #tpu.memory_space<vmem>>) target(%dma_start3A_58 : memref<40x128xf32, #tpu.memory_space<vmem_shared>>) target_semaphore(%run_scoped3A : memref<!tpu.dma_semaphore, #tpu.memory_space<semaphore_mem>>)
      %dma_wait3A = arith.constant 0 : i32
      %dma_wait3A_59 = tpu.memref_slice %arg6[%add3A_35, %dma_wait3A] : memref<5120x128xf32, #tpu.memory_space<vmem_shared>> -> memref<40x128xf32, #tpu.memory_space<vmem_shared>>
      %dma_wait3A_60 = arith.constant 0 : i32
      %dma_wait3A_61 = tpu.memref_slice %arg6[%add3A_35, %dma_wait3A_60] : memref<5120x128xf32, #tpu.memory_space<vmem_shared>> -> memref<40x128xf32, #tpu.memory_space<vmem_shared>>
      tpu.wait_dma2 semaphore(%run_scoped3A : memref<!tpu.dma_semaphore, #tpu.memory_space<semaphore_mem>>) src(%arg7 : memref<40x128xf32, #tpu.memory_space<vmem>>) dst(%dma_wait3A_61 : memref<40x128xf32, #tpu.memory_space<vmem_shared>>)
      tpu.yield
    }) : () -> ()
    %barrier3A = arith.constant 0 : index
    tpu.barrier barrier_id(%barrier3A)
    %lt3A = arith.constant 2 : i32
    %lt3A_36 = arith.cmpi slt, %arg1, %lt3A : i32
    %jit3A = arith.constant 1 : i32
    %jit3A_37 = arith.constant 0 : i32
    %select_n3A = arith.select %lt3A_36, %jit3A, %jit3A_37 : i32
    %add3A_38 = arith.constant 78 : i32
    %add3A_39 = arith.addi %add3A_38, %select_n3A : i32
    %while3A = arith.constant 0 : i32
    %while3A_40 = arith.constant 0 : i32
    %while3A_41 = arith.subi %add3A_39, %while3A : i32
    %while3A_42 = arith.addi %while3A, %while3A_41 : i32
    %while3A_43 = arith.constant 1 : i32
    %while3A_44 = arith.divsi %while3A_41, %while3A_43 : i32
    %while3A_45 = arith.muli %while3A_44, %while3A_43 : i32
    %while3A_46 = arith.addi %while3A, %while3A_45 : i32
    %while3A_47 = arith.constant 1 : i32
    %while3A_48 = scf.for %while3A_56 = %while3A to %while3A_46 step %while3A_47 iter_args(%while3A_57 = %while3A_40) -> (i32)  : i32 {
      %mul3A_58 = arith.constant 1250 : i32
      %mul3A_59 = arith.muli %arg0, %mul3A_58 : i32
      %mul3A_60 = arith.constant 16 : i32
      %mul3A_61 = arith.muli %while3A_56, %mul3A_60 : i32
      %add3A_62 = arith.addi %mul3A_59, %mul3A_61 : i32
      %add3A_63 = arith.addi %add3A_62, %arg1 : i32
      %mul3A_64 = arith.constant 128 : i32
      %mul3A_65 = arith.muli %add3A_63, %mul3A_64 : i32
      "tpu.region"() ({
        %run_scoped3A = tpu.sem_alloc : memref<!tpu.dma_semaphore, #tpu.memory_space<semaphore_mem>>
        %dma_start3A_71 = tpu.memref_slice %arg3[%mul3A_65] : memref<320000xi32, #tpu.memory_space<hbm>> -> memref<128xi32, #tpu.memory_space<hbm>>
        %dma_start3A_72 = tpu.memref_slice %arg3[%mul3A_65] : memref<320000xi32, #tpu.memory_space<hbm>> -> memref<128xi32, #tpu.memory_space<hbm>>
        tpu.enqueue_dma source(%dma_start3A_72 : memref<128xi32, #tpu.memory_space<hbm>>) target(%arg8 : memref<128xi32, #tpu.memory_space<vmem>>) target_semaphore(%run_scoped3A : memref<!tpu.dma_semaphore, #tpu.memory_space<semaphore_mem>>)
        %dma_wait3A_73 = tpu.memref_slice %arg3[%mul3A_65] : memref<320000xi32, #tpu.memory_space<hbm>> -> memref<128xi32, #tpu.memory_space<hbm>>
        %dma_wait3A_74 = tpu.memref_slice %arg3[%mul3A_65] : memref<320000xi32, #tpu.memory_space<hbm>> -> memref<128xi32, #tpu.memory_space<hbm>>
        tpu.wait_dma2 semaphore(%run_scoped3A : memref<!tpu.dma_semaphore, #tpu.memory_space<semaphore_mem>>) src(%dma_wait3A_74 : memref<128xi32, #tpu.memory_space<hbm>>) dst(%arg8 : memref<128xi32, #tpu.memory_space<vmem>>)
        tpu.yield
      }) : () -> ()
      "tpu.region"() ({
        %run_scoped3A = tpu.sem_alloc : memref<!tpu.dma_semaphore, #tpu.memory_space<semaphore_mem>>
        %dma_start3A_71 = tpu.memref_slice %arg4[%mul3A_65] : memref<320000xi32, #tpu.memory_space<hbm>> -> memref<128xi32, #tpu.memory_space<hbm>>
        %dma_start3A_72 = tpu.memref_slice %arg4[%mul3A_65] : memref<320000xi32, #tpu.memory_space<hbm>> -> memref<128xi32, #tpu.memory_space<hbm>>
        tpu.enqueue_dma source(%dma_start3A_72 : memref<128xi32, #tpu.memory_space<hbm>>) target(%arg9 : memref<128xi32, #tpu.memory_space<vmem>>) target_semaphore(%run_scoped3A : memref<!tpu.dma_semaphore, #tpu.memory_space<semaphore_mem>>)
        %dma_wait3A_73 = tpu.memref_slice %arg4[%mul3A_65] : memref<320000xi32, #tpu.memory_space<hbm>> -> memref<128xi32, #tpu.memory_space<hbm>>
        %dma_wait3A_74 = tpu.memref_slice %arg4[%mul3A_65] : memref<320000xi32, #tpu.memory_space<hbm>> -> memref<128xi32, #tpu.memory_space<hbm>>
        tpu.wait_dma2 semaphore(%run_scoped3A : memref<!tpu.dma_semaphore, #tpu.memory_space<semaphore_mem>>) src(%dma_wait3A_74 : memref<128xi32, #tpu.memory_space<hbm>>) dst(%arg9 : memref<128xi32, #tpu.memory_space<vmem>>)
        tpu.yield
      }) : () -> ()
      %dma_start3A = arith.constant 0 : i32
      %dma_start3A_66 = arith.constant 0 : i32
      %dma_start3A_67 = tpu.memref_slice %arg2[%dma_start3A, %dma_start3A_66] : memref<10000x128xf32, #tpu.memory_space<hbm>> -> memref<10000x128xf32, #tpu.memory_space<hbm>>
      tpu.enqueue_indirect_dma source(%dma_start3A_67 : memref<10000x128xf32, #tpu.memory_space<hbm>>) target(%arg10 : memref<128x128xf32, #tpu.memory_space<vmem>>) offsets(%arg8 : memref<128xi32, #tpu.memory_space<vmem>>) semaphore(%arg11 : memref<!tpu.dma_semaphore, #tpu.memory_space<semaphore_mem>>)
      %dma_wait3A = arith.constant 0 : i32
      %dma_wait3A_68 = arith.constant 0 : i32
      %dma_wait3A_69 = tpu.memref_slice %arg2[%dma_wait3A, %dma_wait3A_68] : memref<10000x128xf32, #tpu.memory_space<hbm>> -> memref<10000x128xf32, #tpu.memory_space<hbm>>
      tpu.wait_indirect_dma semaphore(%arg11 : memref<!tpu.dma_semaphore, #tpu.memory_space<semaphore_mem>>) src(%dma_wait3A_69 : memref<10000x128xf32, #tpu.memory_space<hbm>>) dst(%arg10 : memref<128x128xf32, #tpu.memory_space<vmem>>)
      "tpu.region"() ({
        %run_scoped3A = tpu.sem_alloc : memref<!tpu.dma_semaphore, #tpu.memory_space<semaphore_mem>>
        %dma_start3A_71 = arith.constant 0 : i32
        %dma_start3A_72 = arith.constant 0 : i32
        %dma_start3A_73 = tpu.memref_slice %arg6[%dma_start3A_71, %dma_start3A_72] : memref<5120x128xf32, #tpu.memory_space<vmem_shared>> -> memref<5120x128xf32, #tpu.memory_space<vmem_shared>>
        tpu.enqueue_indirect_dma source(%arg10 : memref<128x128xf32, #tpu.memory_space<vmem>>) target(%dma_start3A_73 : memref<5120x128xf32, #tpu.memory_space<vmem_shared>>) offsets(%arg9 : memref<128xi32, #tpu.memory_space<vmem>>) semaphore(%run_scoped3A : memref<!tpu.dma_semaphore, #tpu.memory_space<semaphore_mem>>) {add = true}
        %dma_wait3A_74 = arith.constant 0 : i32
        %dma_wait3A_75 = arith.constant 0 : i32
        %dma_wait3A_76 = tpu.memref_slice %arg6[%dma_wait3A_74, %dma_wait3A_75] : memref<5120x128xf32, #tpu.memory_space<vmem_shared>> -> memref<5120x128xf32, #tpu.memory_space<vmem_shared>>
        tpu.wait_indirect_dma semaphore(%run_scoped3A : memref<!tpu.dma_semaphore, #tpu.memory_space<semaphore_mem>>) src(%arg10 : memref<128x128xf32, #tpu.memory_space<vmem>>) dst(%dma_wait3A_76 : memref<5120x128xf32, #tpu.memory_space<vmem_shared>>)
        tpu.yield
      }) : () -> ()
      %while3A_70 = arith.constant 0 : i32
      scf.yield %while3A_70 : i32
    }
    %while3A_49 = arith.constant 1 : i32
    %while3A_50 = scf.for %while3A_56 = %while3A_46 to %while3A_42 step %while3A_49 iter_args(%while3A_57 = %while3A_48) -> (i32)  : i32 {
      %mul3A_58 = arith.constant 1250 : i32
      %mul3A_59 = arith.muli %arg0, %mul3A_58 : i32
      %mul3A_60 = arith.constant 16 : i32
      %mul3A_61 = arith.muli %while3A_56, %mul3A_60 : i32
      %add3A_62 = arith.addi %mul3A_59, %mul3A_61 : i32
      %add3A_63 = arith.addi %add3A_62, %arg1 : i32
      %mul3A_64 = arith.constant 128 : i32
      %mul3A_65 = arith.muli %add3A_63, %mul3A_64 : i32
      "tpu.region"() ({
        %run_scoped3A = tpu.sem_alloc : memref<!tpu.dma_semaphore, #tpu.memory_space<semaphore_mem>>
        %dma_start3A_71 = tpu.memref_slice %arg3[%mul3A_65] : memref<320000xi32, #tpu.memory_space<hbm>> -> memref<128xi32, #tpu.memory_space<hbm>>
        %dma_start3A_72 = tpu.memref_slice %arg3[%mul3A_65] : memref<320000xi32, #tpu.memory_space<hbm>> -> memref<128xi32, #tpu.memory_space<hbm>>
        tpu.enqueue_dma source(%dma_start3A_72 : memref<128xi32, #tpu.memory_space<hbm>>) target(%arg8 : memref<128xi32, #tpu.memory_space<vmem>>) target_semaphore(%run_scoped3A : memref<!tpu.dma_semaphore, #tpu.memory_space<semaphore_mem>>)
        %dma_wait3A_73 = tpu.memref_slice %arg3[%mul3A_65] : memref<320000xi32, #tpu.memory_space<hbm>> -> memref<128xi32, #tpu.memory_space<hbm>>
        %dma_wait3A_74 = tpu.memref_slice %arg3[%mul3A_65] : memref<320000xi32, #tpu.memory_space<hbm>> -> memref<128xi32, #tpu.memory_space<hbm>>
        tpu.wait_dma2 semaphore(%run_scoped3A : memref<!tpu.dma_semaphore, #tpu.memory_space<semaphore_mem>>) src(%dma_wait3A_74 : memref<128xi32, #tpu.memory_space<hbm>>) dst(%arg8 : memref<128xi32, #tpu.memory_space<vmem>>)
        tpu.yield
      }) : () -> ()
      "tpu.region"() ({
        %run_scoped3A = tpu.sem_alloc : memref<!tpu.dma_semaphore, #tpu.memory_space<semaphore_mem>>
        %dma_start3A_71 = tpu.memref_slice %arg4[%mul3A_65] : memref<320000xi32, #tpu.memory_space<hbm>> -> memref<128xi32, #tpu.memory_space<hbm>>
        %dma_start3A_72 = tpu.memref_slice %arg4[%mul3A_65] : memref<320000xi32, #tpu.memory_space<hbm>> -> memref<128xi32, #tpu.memory_space<hbm>>
        tpu.enqueue_dma source(%dma_start3A_72 : memref<128xi32, #tpu.memory_space<hbm>>) target(%arg9 : memref<128xi32, #tpu.memory_space<vmem>>) target_semaphore(%run_scoped3A : memref<!tpu.dma_semaphore, #tpu.memory_space<semaphore_mem>>)
        %dma_wait3A_73 = tpu.memref_slice %arg4[%mul3A_65] : memref<320000xi32, #tpu.memory_space<hbm>> -> memref<128xi32, #tpu.memory_space<hbm>>
        %dma_wait3A_74 = tpu.memref_slice %arg4[%mul3A_65] : memref<320000xi32, #tpu.memory_space<hbm>> -> memref<128xi32, #tpu.memory_space<hbm>>
        tpu.wait_dma2 semaphore(%run_scoped3A : memref<!tpu.dma_semaphore, #tpu.memory_space<semaphore_mem>>) src(%dma_wait3A_74 : memref<128xi32, #tpu.memory_space<hbm>>) dst(%arg9 : memref<128xi32, #tpu.memory_space<vmem>>)
        tpu.yield
      }) : () -> ()
      %dma_start3A = arith.constant 0 : i32
      %dma_start3A_66 = arith.constant 0 : i32
      %dma_start3A_67 = tpu.memref_slice %arg2[%dma_start3A, %dma_start3A_66] : memref<10000x128xf32, #tpu.memory_space<hbm>> -> memref<10000x128xf32, #tpu.memory_space<hbm>>
      tpu.enqueue_indirect_dma source(%dma_start3A_67 : memref<10000x128xf32, #tpu.memory_space<hbm>>) target(%arg10 : memref<128x128xf32, #tpu.memory_space<vmem>>) offsets(%arg8 : memref<128xi32, #tpu.memory_space<vmem>>) semaphore(%arg11 : memref<!tpu.dma_semaphore, #tpu.memory_space<semaphore_mem>>)
      %dma_wait3A = arith.constant 0 : i32
      %dma_wait3A_68 = arith.constant 0 : i32
      %dma_wait3A_69 = tpu.memref_slice %arg2[%dma_wait3A, %dma_wait3A_68] : memref<10000x128xf32, #tpu.memory_space<hbm>> -> memref<10000x128xf32, #tpu.memory_space<hbm>>
      tpu.wait_indirect_dma semaphore(%arg11 : memref<!tpu.dma_semaphore, #tpu.memory_space<semaphore_mem>>) src(%dma_wait3A_69 : memref<10000x128xf32, #tpu.memory_space<hbm>>) dst(%arg10 : memref<128x128xf32, #tpu.memory_space<vmem>>)
      "tpu.region"() ({
        %run_scoped3A = tpu.sem_alloc : memref<!tpu.dma_semaphore, #tpu.memory_space<semaphore_mem>>
        %dma_start3A_71 = arith.constant 0 : i32
        %dma_start3A_72 = arith.constant 0 : i32
        %dma_start3A_73 = tpu.memref_slice %arg6[%dma_start3A_71, %dma_start3A_72] : memref<5120x128xf32, #tpu.memory_space<vmem_shared>> -> memref<5120x128xf32, #tpu.memory_space<vmem_shared>>
        tpu.enqueue_indirect_dma source(%arg10 : memref<128x128xf32, #tpu.memory_space<vmem>>) target(%dma_start3A_73 : memref<5120x128xf32, #tpu.memory_space<vmem_shared>>) offsets(%arg9 : memref<128xi32, #tpu.memory_space<vmem>>) semaphore(%run_scoped3A : memref<!tpu.dma_semaphore, #tpu.memory_space<semaphore_mem>>) {add = true}
        %dma_wait3A_74 = arith.constant 0 : i32
        %dma_wait3A_75 = arith.constant 0 : i32
        %dma_wait3A_76 = tpu.memref_slice %arg6[%dma_wait3A_74, %dma_wait3A_75] : memref<5120x128xf32, #tpu.memory_space<vmem_shared>> -> memref<5120x128xf32, #tpu.memory_space<vmem_shared>>
        tpu.wait_indirect_dma semaphore(%run_scoped3A : memref<!tpu.dma_semaphore, #tpu.memory_space<semaphore_mem>>) src(%arg10 : memref<128x128xf32, #tpu.memory_space<vmem>>) dst(%dma_wait3A_76 : memref<5120x128xf32, #tpu.memory_space<vmem_shared>>)
        tpu.yield
      }) : () -> ()
      %while3A_70 = arith.constant 0 : i32
      scf.yield %while3A_70 : i32
    }
    %barrier3A_51 = arith.constant 0 : index
    tpu.barrier barrier_id(%barrier3A_51)
    %mul3A_52 = arith.constant 320 : i32
    %mul3A_53 = arith.muli %arg1, %mul3A_52 : i32
    %add3A_54 = arith.constant 0 : i32
    %add3A_55 = arith.addi %mul3A_53, %add3A_54 : i32
    "tpu.region"() ({
      %run_scoped3A = tpu.sem_alloc : memref<!tpu.dma_semaphore, #tpu.memory_space<semaphore_mem>>
      %dma_start3A = arith.constant 0 : i32
      %dma_start3A_56 = tpu.memref_slice %arg5[%arg0, %add3A_55, %dma_start3A] : memref<2x5120x128xf32, #tpu.memory_space<hbm>> -> memref<1x320x128xf32, #tpu.memory_space<hbm>>
      %dma_start3A_57 = tpu.memref_squeeze %dma_start3A_56 : memref<1x320x128xf32, #tpu.memory_space<hbm>> -> memref<320x128xf32, #tpu.memory_space<hbm>>
      %dma_start3A_58 = arith.constant 0 : i32
      %dma_start3A_59 = tpu.memref_slice %arg6[%add3A_55, %dma_start3A_58] : memref<5120x128xf32, #tpu.memory_space<vmem_shared>> -> memref<320x128xf32, #tpu.memory_space<vmem_shared>>
      tpu.enqueue_dma source(%dma_start3A_59 : memref<320x128xf32, #tpu.memory_space<vmem_shared>>) target(%dma_start3A_57 : memref<320x128xf32, #tpu.memory_space<hbm>>) target_semaphore(%run_scoped3A : memref<!tpu.dma_semaphore, #tpu.memory_space<semaphore_mem>>)
      %dma_wait3A = arith.constant 0 : i32
      %dma_wait3A_60 = tpu.memref_slice %arg5[%arg0, %add3A_55, %dma_wait3A] : memref<2x5120x128xf32, #tpu.memory_space<hbm>> -> memref<1x320x128xf32, #tpu.memory_space<hbm>>
      %dma_wait3A_61 = tpu.memref_squeeze %dma_wait3A_60 : memref<1x320x128xf32, #tpu.memory_space<hbm>> -> memref<320x128xf32, #tpu.memory_space<hbm>>
      %dma_wait3A_62 = arith.constant 0 : i32
      %dma_wait3A_63 = tpu.memref_slice %arg6[%add3A_55, %dma_wait3A_62] : memref<5120x128xf32, #tpu.memory_space<vmem_shared>> -> memref<320x128xf32, #tpu.memory_space<vmem_shared>>
      tpu.wait_dma2 semaphore(%run_scoped3A : memref<!tpu.dma_semaphore, #tpu.memory_space<semaphore_mem>>) src(%dma_wait3A_63 : memref<320x128xf32, #tpu.memory_space<vmem_shared>>) dst(%dma_wait3A_61 : memref<320x128xf32, #tpu.memory_space<hbm>>)
      tpu.yield
    }) : () -> ()
    return
  }
}

#map = affine_map<(d0, d1) -> (0, 0)>
#map1 = affine_map<(d0, d1) -> (0)>
#map2 = affine_map<(d0, d1) -> (0, 0, 0)>
module attributes {stable_mosaic.version = 14 : i64} {
  func.func @body(%arg0: i32, %arg1: i32, %arg2: memref<5000x128xf32, #tpu.memory_space<hbm>>, %arg3: memref<320000xi32, #tpu.memory_space<hbm>>, %arg4: memref<320000xi32, #tpu.memory_space<hbm>>, %arg5: memref<2x10240x128xf32, #tpu.memory_space<hbm>>, %arg6: memref<10240x128xf32, #tpu.memory_space<vmem_shared>>, %arg7: memref<40x128xf32, #tpu.memory_space<vmem>>, %arg8: memref<128xi32, #tpu.memory_space<vmem>>, %arg9: memref<128xi32, #tpu.memory_space<vmem>>, %arg10: memref<128x128xf32, #tpu.memory_space<vmem>>, %arg11: memref<!tpu.dma_semaphore, #tpu.memory_space<semaphore_mem>>) attributes {dimension_semantics = [#tpu.dimension_semantics<core_parallel>, #tpu.dimension_semantics<subcore_parallel>], iteration_bounds = array<i64: 2, 16>, scalar_prefetch = 0 : i64, scratch_operands = 6 : i64, tpu.core_type = #tpu.core_type<sc_vector_subcore>, window_params = [{transform_indices = #map}, {transform_indices = #map1}, {transform_indices = #map1}, {transform_indices = #map2}]} {
    %scan3A = arith.constant 0 : i32
    %scan3A_0 = arith.constant 0 : i32
    %scan3A_1 = arith.constant 40 : i32
    %scan3A_2 = arith.addi %scan3A_0, %scan3A_1 : i32
    %scan3A_3 = arith.constant 1 : i32
    %scan3A_4 = scf.for %scan3A_92 = %scan3A_0 to %scan3A_2 step %scan3A_3 iter_args(%scan3A_93 = %scan3A) -> (i32)  : i32 {
      %broadcast_in_dim3A = arith.constant 0.000000e+00 : f32
      %broadcast_in_dim3A_94 = vector.broadcast %broadcast_in_dim3A : f32 to vector<16xf32>
      %swap3A = arith.index_cast %scan3A_92 : i32 to index
      %swap3A_95 = arith.constant 0 : index
      %swap3A_96 = tpu.vector_load %arg7[%swap3A, %swap3A_95] {strides = array<i32>} : memref<40x128xf32, #tpu.memory_space<vmem>>, vector<1x16xf32>,
      %swap3A_97 = vector.shape_cast %swap3A_96 : vector<1x16xf32> to vector<16xf32>
      %swap3A_98 = vector.shape_cast %broadcast_in_dim3A_94 : vector<16xf32> to vector<1x16xf32>
      tpu.vector_store %arg7[%swap3A, %swap3A_95], %swap3A_98 {strides = array<i32>} : memref<40x128xf32, #tpu.memory_space<vmem>>, vector<1x16xf32>,
      %broadcast_in_dim3A_99 = arith.constant 0.000000e+00 : f32
      %broadcast_in_dim3A_100 = vector.broadcast %broadcast_in_dim3A_99 : f32 to vector<16xf32>
      %swap3A_101 = arith.index_cast %scan3A_92 : i32 to index
      %swap3A_102 = arith.constant 16 : index
      %swap3A_103 = tpu.vector_load %arg7[%swap3A_101, %swap3A_102] {strides = array<i32>} : memref<40x128xf32, #tpu.memory_space<vmem>>, vector<1x16xf32>,
      %swap3A_104 = vector.shape_cast %swap3A_103 : vector<1x16xf32> to vector<16xf32>
      %swap3A_105 = vector.shape_cast %broadcast_in_dim3A_100 : vector<16xf32> to vector<1x16xf32>
      tpu.vector_store %arg7[%swap3A_101, %swap3A_102], %swap3A_105 {strides = array<i32>} : memref<40x128xf32, #tpu.memory_space<vmem>>, vector<1x16xf32>,
      %broadcast_in_dim3A_106 = arith.constant 0.000000e+00 : f32
      %broadcast_in_dim3A_107 = vector.broadcast %broadcast_in_dim3A_106 : f32 to vector<16xf32>
      %swap3A_108 = arith.index_cast %scan3A_92 : i32 to index
      %swap3A_109 = arith.constant 32 : index
      %swap3A_110 = tpu.vector_load %arg7[%swap3A_108, %swap3A_109] {strides = array<i32>} : memref<40x128xf32, #tpu.memory_space<vmem>>, vector<1x16xf32>,
      %swap3A_111 = vector.shape_cast %swap3A_110 : vector<1x16xf32> to vector<16xf32>
      %swap3A_112 = vector.shape_cast %broadcast_in_dim3A_107 : vector<16xf32> to vector<1x16xf32>
      tpu.vector_store %arg7[%swap3A_108, %swap3A_109], %swap3A_112 {strides = array<i32>} : memref<40x128xf32, #tpu.memory_space<vmem>>, vector<1x16xf32>,
      %broadcast_in_dim3A_113 = arith.constant 0.000000e+00 : f32
      %broadcast_in_dim3A_114 = vector.broadcast %broadcast_in_dim3A_113 : f32 to vector<16xf32>
      %swap3A_115 = arith.index_cast %scan3A_92 : i32 to index
      %swap3A_116 = arith.constant 48 : index
      %swap3A_117 = tpu.vector_load %arg7[%swap3A_115, %swap3A_116] {strides = array<i32>} : memref<40x128xf32, #tpu.memory_space<vmem>>, vector<1x16xf32>,
      %swap3A_118 = vector.shape_cast %swap3A_117 : vector<1x16xf32> to vector<16xf32>
      %swap3A_119 = vector.shape_cast %broadcast_in_dim3A_114 : vector<16xf32> to vector<1x16xf32>
      tpu.vector_store %arg7[%swap3A_115, %swap3A_116], %swap3A_119 {strides = array<i32>} : memref<40x128xf32, #tpu.memory_space<vmem>>, vector<1x16xf32>,
      %broadcast_in_dim3A_120 = arith.constant 0.000000e+00 : f32
      %broadcast_in_dim3A_121 = vector.broadcast %broadcast_in_dim3A_120 : f32 to vector<16xf32>
      %swap3A_122 = arith.index_cast %scan3A_92 : i32 to index
      %swap3A_123 = arith.constant 64 : index
      %swap3A_124 = tpu.vector_load %arg7[%swap3A_122, %swap3A_123] {strides = array<i32>} : memref<40x128xf32, #tpu.memory_space<vmem>>, vector<1x16xf32>,
      %swap3A_125 = vector.shape_cast %swap3A_124 : vector<1x16xf32> to vector<16xf32>
      %swap3A_126 = vector.shape_cast %broadcast_in_dim3A_121 : vector<16xf32> to vector<1x16xf32>
      tpu.vector_store %arg7[%swap3A_122, %swap3A_123], %swap3A_126 {strides = array<i32>} : memref<40x128xf32, #tpu.memory_space<vmem>>, vector<1x16xf32>,
      %broadcast_in_dim3A_127 = arith.constant 0.000000e+00 : f32
      %broadcast_in_dim3A_128 = vector.broadcast %broadcast_in_dim3A_127 : f32 to vector<16xf32>
      %swap3A_129 = arith.index_cast %scan3A_92 : i32 to index
      %swap3A_130 = arith.constant 80 : index
      %swap3A_131 = tpu.vector_load %arg7[%swap3A_129, %swap3A_130] {strides = array<i32>} : memref<40x128xf32, #tpu.memory_space<vmem>>, vector<1x16xf32>,
      %swap3A_132 = vector.shape_cast %swap3A_131 : vector<1x16xf32> to vector<16xf32>
      %swap3A_133 = vector.shape_cast %broadcast_in_dim3A_128 : vector<16xf32> to vector<1x16xf32>
      tpu.vector_store %arg7[%swap3A_129, %swap3A_130], %swap3A_133 {strides = array<i32>} : memref<40x128xf32, #tpu.memory_space<vmem>>, vector<1x16xf32>,
      %broadcast_in_dim3A_134 = arith.constant 0.000000e+00 : f32
      %broadcast_in_dim3A_135 = vector.broadcast %broadcast_in_dim3A_134 : f32 to vector<16xf32>
      %swap3A_136 = arith.index_cast %scan3A_92 : i32 to index
      %swap3A_137 = arith.constant 96 : index
      %swap3A_138 = tpu.vector_load %arg7[%swap3A_136, %swap3A_137] {strides = array<i32>} : memref<40x128xf32, #tpu.memory_space<vmem>>, vector<1x16xf32>,
      %swap3A_139 = vector.shape_cast %swap3A_138 : vector<1x16xf32> to vector<16xf32>
      %swap3A_140 = vector.shape_cast %broadcast_in_dim3A_135 : vector<16xf32> to vector<1x16xf32>
      tpu.vector_store %arg7[%swap3A_136, %swap3A_137], %swap3A_140 {strides = array<i32>} : memref<40x128xf32, #tpu.memory_space<vmem>>, vector<1x16xf32>,
      %broadcast_in_dim3A_141 = arith.constant 0.000000e+00 : f32
      %broadcast_in_dim3A_142 = vector.broadcast %broadcast_in_dim3A_141 : f32 to vector<16xf32>
      %swap3A_143 = arith.index_cast %scan3A_92 : i32 to index
      %swap3A_144 = arith.constant 112 : index
      %swap3A_145 = tpu.vector_load %arg7[%swap3A_143, %swap3A_144] {strides = array<i32>} : memref<40x128xf32, #tpu.memory_space<vmem>>, vector<1x16xf32>,
      %swap3A_146 = vector.shape_cast %swap3A_145 : vector<1x16xf32> to vector<16xf32>
      %swap3A_147 = vector.shape_cast %broadcast_in_dim3A_142 : vector<16xf32> to vector<1x16xf32>
      tpu.vector_store %arg7[%swap3A_143, %swap3A_144], %swap3A_147 {strides = array<i32>} : memref<40x128xf32, #tpu.memory_space<vmem>>, vector<1x16xf32>,
      %scan3A_148 = arith.constant 0 : i32
      scf.yield %scan3A_148 : i32
    }
    %scan3A_5 = arith.constant 40 : i32
    %mul3A = arith.constant 640 : i32
    %mul3A_6 = arith.muli %arg1, %mul3A : i32
    %add3A = arith.constant 0 : i32
    %add3A_7 = arith.addi %mul3A_6, %add3A : i32
    "tpu.region"() ({
      %run_scoped3A = tpu.sem_alloc : memref<!tpu.dma_semaphore, #tpu.memory_space<semaphore_mem>>
      %dma_start3A = arith.constant 0 : i32
      %dma_start3A_92 = tpu.memref_slice %arg6[%add3A_7, %dma_start3A] : memref<10240x128xf32, #tpu.memory_space<vmem_shared>> -> memref<40x128xf32, #tpu.memory_space<vmem_shared>>
      %dma_start3A_93 = arith.constant 0 : i32
      %dma_start3A_94 = tpu.memref_slice %arg6[%add3A_7, %dma_start3A_93] : memref<10240x128xf32, #tpu.memory_space<vmem_shared>> -> memref<40x128xf32, #tpu.memory_space<vmem_shared>>
      tpu.enqueue_dma source(%arg7 : memref<40x128xf32, #tpu.memory_space<vmem>>) target(%dma_start3A_94 : memref<40x128xf32, #tpu.memory_space<vmem_shared>>) target_semaphore(%run_scoped3A : memref<!tpu.dma_semaphore, #tpu.memory_space<semaphore_mem>>)
      %dma_wait3A = arith.constant 0 : i32
      %dma_wait3A_95 = tpu.memref_slice %arg6[%add3A_7, %dma_wait3A] : memref<10240x128xf32, #tpu.memory_space<vmem_shared>> -> memref<40x128xf32, #tpu.memory_space<vmem_shared>>
      %dma_wait3A_96 = arith.constant 0 : i32
      %dma_wait3A_97 = tpu.memref_slice %arg6[%add3A_7, %dma_wait3A_96] : memref<10240x128xf32, #tpu.memory_space<vmem_shared>> -> memref<40x128xf32, #tpu.memory_space<vmem_shared>>
      tpu.wait_dma2 semaphore(%run_scoped3A : memref<!tpu.dma_semaphore, #tpu.memory_space<semaphore_mem>>) src(%arg7 : memref<40x128xf32, #tpu.memory_space<vmem>>) dst(%dma_wait3A_97 : memref<40x128xf32, #tpu.memory_space<vmem_shared>>)
      tpu.yield
    }) : () -> ()
    %mul3A_8 = arith.constant 640 : i32
    %mul3A_9 = arith.muli %arg1, %mul3A_8 : i32
    %add3A_10 = arith.constant 40 : i32
    %add3A_11 = arith.addi %mul3A_9, %add3A_10 : i32
    "tpu.region"() ({
      %run_scoped3A = tpu.sem_alloc : memref<!tpu.dma_semaphore, #tpu.memory_space<semaphore_mem>>
      %dma_start3A = arith.constant 0 : i32
      %dma_start3A_92 = tpu.memref_slice %arg6[%add3A_11, %dma_start3A] : memref<10240x128xf32, #tpu.memory_space<vmem_shared>> -> memref<40x128xf32, #tpu.memory_space<vmem_shared>>
      %dma_start3A_93 = arith.constant 0 : i32
      %dma_start3A_94 = tpu.memref_slice %arg6[%add3A_11, %dma_start3A_93] : memref<10240x128xf32, #tpu.memory_space<vmem_shared>> -> memref<40x128xf32, #tpu.memory_space<vmem_shared>>
      tpu.enqueue_dma source(%arg7 : memref<40x128xf32, #tpu.memory_space<vmem>>) target(%dma_start3A_94 : memref<40x128xf32, #tpu.memory_space<vmem_shared>>) target_semaphore(%run_scoped3A : memref<!tpu.dma_semaphore, #tpu.memory_space<semaphore_mem>>)
      %dma_wait3A = arith.constant 0 : i32
      %dma_wait3A_95 = tpu.memref_slice %arg6[%add3A_11, %dma_wait3A] : memref<10240x128xf32, #tpu.memory_space<vmem_shared>> -> memref<40x128xf32, #tpu.memory_space<vmem_shared>>
      %dma_wait3A_96 = arith.constant 0 : i32
      %dma_wait3A_97 = tpu.memref_slice %arg6[%add3A_11, %dma_wait3A_96] : memref<10240x128xf32, #tpu.memory_space<vmem_shared>> -> memref<40x128xf32, #tpu.memory_space<vmem_shared>>
      tpu.wait_dma2 semaphore(%run_scoped3A : memref<!tpu.dma_semaphore, #tpu.memory_space<semaphore_mem>>) src(%arg7 : memref<40x128xf32, #tpu.memory_space<vmem>>) dst(%dma_wait3A_97 : memref<40x128xf32, #tpu.memory_space<vmem_shared>>)
      tpu.yield
    }) : () -> ()
    %mul3A_12 = arith.constant 640 : i32
    %mul3A_13 = arith.muli %arg1, %mul3A_12 : i32
    %add3A_14 = arith.constant 80 : i32
    %add3A_15 = arith.addi %mul3A_13, %add3A_14 : i32
    "tpu.region"() ({
      %run_scoped3A = tpu.sem_alloc : memref<!tpu.dma_semaphore, #tpu.memory_space<semaphore_mem>>
      %dma_start3A = arith.constant 0 : i32
      %dma_start3A_92 = tpu.memref_slice %arg6[%add3A_15, %dma_start3A] : memref<10240x128xf32, #tpu.memory_space<vmem_shared>> -> memref<40x128xf32, #tpu.memory_space<vmem_shared>>
      %dma_start3A_93 = arith.constant 0 : i32
      %dma_start3A_94 = tpu.memref_slice %arg6[%add3A_15, %dma_start3A_93] : memref<10240x128xf32, #tpu.memory_space<vmem_shared>> -> memref<40x128xf32, #tpu.memory_space<vmem_shared>>
      tpu.enqueue_dma source(%arg7 : memref<40x128xf32, #tpu.memory_space<vmem>>) target(%dma_start3A_94 : memref<40x128xf32, #tpu.memory_space<vmem_shared>>) target_semaphore(%run_scoped3A : memref<!tpu.dma_semaphore, #tpu.memory_space<semaphore_mem>>)
      %dma_wait3A = arith.constant 0 : i32
      %dma_wait3A_95 = tpu.memref_slice %arg6[%add3A_15, %dma_wait3A] : memref<10240x128xf32, #tpu.memory_space<vmem_shared>> -> memref<40x128xf32, #tpu.memory_space<vmem_shared>>
      %dma_wait3A_96 = arith.constant 0 : i32
      %dma_wait3A_97 = tpu.memref_slice %arg6[%add3A_15, %dma_wait3A_96] : memref<10240x128xf32, #tpu.memory_space<vmem_shared>> -> memref<40x128xf32, #tpu.memory_space<vmem_shared>>
      tpu.wait_dma2 semaphore(%run_scoped3A : memref<!tpu.dma_semaphore, #tpu.memory_space<semaphore_mem>>) src(%arg7 : memref<40x128xf32, #tpu.memory_space<vmem>>) dst(%dma_wait3A_97 : memref<40x128xf32, #tpu.memory_space<vmem_shared>>)
      tpu.yield
    }) : () -> ()
    %mul3A_16 = arith.constant 640 : i32
    %mul3A_17 = arith.muli %arg1, %mul3A_16 : i32
    %add3A_18 = arith.constant 120 : i32
    %add3A_19 = arith.addi %mul3A_17, %add3A_18 : i32
    "tpu.region"() ({
      %run_scoped3A = tpu.sem_alloc : memref<!tpu.dma_semaphore, #tpu.memory_space<semaphore_mem>>
      %dma_start3A = arith.constant 0 : i32
      %dma_start3A_92 = tpu.memref_slice %arg6[%add3A_19, %dma_start3A] : memref<10240x128xf32, #tpu.memory_space<vmem_shared>> -> memref<40x128xf32, #tpu.memory_space<vmem_shared>>
      %dma_start3A_93 = arith.constant 0 : i32
      %dma_start3A_94 = tpu.memref_slice %arg6[%add3A_19, %dma_start3A_93] : memref<10240x128xf32, #tpu.memory_space<vmem_shared>> -> memref<40x128xf32, #tpu.memory_space<vmem_shared>>
      tpu.enqueue_dma source(%arg7 : memref<40x128xf32, #tpu.memory_space<vmem>>) target(%dma_start3A_94 : memref<40x128xf32, #tpu.memory_space<vmem_shared>>) target_semaphore(%run_scoped3A : memref<!tpu.dma_semaphore, #tpu.memory_space<semaphore_mem>>)
      %dma_wait3A = arith.constant 0 : i32
      %dma_wait3A_95 = tpu.memref_slice %arg6[%add3A_19, %dma_wait3A] : memref<10240x128xf32, #tpu.memory_space<vmem_shared>> -> memref<40x128xf32, #tpu.memory_space<vmem_shared>>
      %dma_wait3A_96 = arith.constant 0 : i32
      %dma_wait3A_97 = tpu.memref_slice %arg6[%add3A_19, %dma_wait3A_96] : memref<10240x128xf32, #tpu.memory_space<vmem_shared>> -> memref<40x128xf32, #tpu.memory_space<vmem_shared>>
      tpu.wait_dma2 semaphore(%run_scoped3A : memref<!tpu.dma_semaphore, #tpu.memory_space<semaphore_mem>>) src(%arg7 : memref<40x128xf32, #tpu.memory_space<vmem>>) dst(%dma_wait3A_97 : memref<40x128xf32, #tpu.memory_space<vmem_shared>>)
      tpu.yield
    }) : () -> ()
    %mul3A_20 = arith.constant 640 : i32
    %mul3A_21 = arith.muli %arg1, %mul3A_20 : i32
    %add3A_22 = arith.constant 160 : i32
    %add3A_23 = arith.addi %mul3A_21, %add3A_22 : i32
    "tpu.region"() ({
      %run_scoped3A = tpu.sem_alloc : memref<!tpu.dma_semaphore, #tpu.memory_space<semaphore_mem>>
      %dma_start3A = arith.constant 0 : i32
      %dma_start3A_92 = tpu.memref_slice %arg6[%add3A_23, %dma_start3A] : memref<10240x128xf32, #tpu.memory_space<vmem_shared>> -> memref<40x128xf32, #tpu.memory_space<vmem_shared>>
      %dma_start3A_93 = arith.constant 0 : i32
      %dma_start3A_94 = tpu.memref_slice %arg6[%add3A_23, %dma_start3A_93] : memref<10240x128xf32, #tpu.memory_space<vmem_shared>> -> memref<40x128xf32, #tpu.memory_space<vmem_shared>>
      tpu.enqueue_dma source(%arg7 : memref<40x128xf32, #tpu.memory_space<vmem>>) target(%dma_start3A_94 : memref<40x128xf32, #tpu.memory_space<vmem_shared>>) target_semaphore(%run_scoped3A : memref<!tpu.dma_semaphore, #tpu.memory_space<semaphore_mem>>)
      %dma_wait3A = arith.constant 0 : i32
      %dma_wait3A_95 = tpu.memref_slice %arg6[%add3A_23, %dma_wait3A] : memref<10240x128xf32, #tpu.memory_space<vmem_shared>> -> memref<40x128xf32, #tpu.memory_space<vmem_shared>>
      %dma_wait3A_96 = arith.constant 0 : i32
      %dma_wait3A_97 = tpu.memref_slice %arg6[%add3A_23, %dma_wait3A_96] : memref<10240x128xf32, #tpu.memory_space<vmem_shared>> -> memref<40x128xf32, #tpu.memory_space<vmem_shared>>
      tpu.wait_dma2 semaphore(%run_scoped3A : memref<!tpu.dma_semaphore, #tpu.memory_space<semaphore_mem>>) src(%arg7 : memref<40x128xf32, #tpu.memory_space<vmem>>) dst(%dma_wait3A_97 : memref<40x128xf32, #tpu.memory_space<vmem_shared>>)
      tpu.yield
    }) : () -> ()
    %mul3A_24 = arith.constant 640 : i32
    %mul3A_25 = arith.muli %arg1, %mul3A_24 : i32
    %add3A_26 = arith.constant 200 : i32
    %add3A_27 = arith.addi %mul3A_25, %add3A_26 : i32
    "tpu.region"() ({
      %run_scoped3A = tpu.sem_alloc : memref<!tpu.dma_semaphore, #tpu.memory_space<semaphore_mem>>
      %dma_start3A = arith.constant 0 : i32
      %dma_start3A_92 = tpu.memref_slice %arg6[%add3A_27, %dma_start3A] : memref<10240x128xf32, #tpu.memory_space<vmem_shared>> -> memref<40x128xf32, #tpu.memory_space<vmem_shared>>
      %dma_start3A_93 = arith.constant 0 : i32
      %dma_start3A_94 = tpu.memref_slice %arg6[%add3A_27, %dma_start3A_93] : memref<10240x128xf32, #tpu.memory_space<vmem_shared>> -> memref<40x128xf32, #tpu.memory_space<vmem_shared>>
      tpu.enqueue_dma source(%arg7 : memref<40x128xf32, #tpu.memory_space<vmem>>) target(%dma_start3A_94 : memref<40x128xf32, #tpu.memory_space<vmem_shared>>) target_semaphore(%run_scoped3A : memref<!tpu.dma_semaphore, #tpu.memory_space<semaphore_mem>>)
      %dma_wait3A = arith.constant 0 : i32
      %dma_wait3A_95 = tpu.memref_slice %arg6[%add3A_27, %dma_wait3A] : memref<10240x128xf32, #tpu.memory_space<vmem_shared>> -> memref<40x128xf32, #tpu.memory_space<vmem_shared>>
      %dma_wait3A_96 = arith.constant 0 : i32
      %dma_wait3A_97 = tpu.memref_slice %arg6[%add3A_27, %dma_wait3A_96] : memref<10240x128xf32, #tpu.memory_space<vmem_shared>> -> memref<40x128xf32, #tpu.memory_space<vmem_shared>>
      tpu.wait_dma2 semaphore(%run_scoped3A : memref<!tpu.dma_semaphore, #tpu.memory_space<semaphore_mem>>) src(%arg7 : memref<40x128xf32, #tpu.memory_space<vmem>>) dst(%dma_wait3A_97 : memref<40x128xf32, #tpu.memory_space<vmem_shared>>)
      tpu.yield
    }) : () -> ()
    %mul3A_28 = arith.constant 640 : i32
    %mul3A_29 = arith.muli %arg1, %mul3A_28 : i32
    %add3A_30 = arith.constant 240 : i32
    %add3A_31 = arith.addi %mul3A_29, %add3A_30 : i32
    "tpu.region"() ({
      %run_scoped3A = tpu.sem_alloc : memref<!tpu.dma_semaphore, #tpu.memory_space<semaphore_mem>>
      %dma_start3A = arith.constant 0 : i32
      %dma_start3A_92 = tpu.memref_slice %arg6[%add3A_31, %dma_start3A] : memref<10240x128xf32, #tpu.memory_space<vmem_shared>> -> memref<40x128xf32, #tpu.memory_space<vmem_shared>>
      %dma_start3A_93 = arith.constant 0 : i32
      %dma_start3A_94 = tpu.memref_slice %arg6[%add3A_31, %dma_start3A_93] : memref<10240x128xf32, #tpu.memory_space<vmem_shared>> -> memref<40x128xf32, #tpu.memory_space<vmem_shared>>
      tpu.enqueue_dma source(%arg7 : memref<40x128xf32, #tpu.memory_space<vmem>>) target(%dma_start3A_94 : memref<40x128xf32, #tpu.memory_space<vmem_shared>>) target_semaphore(%run_scoped3A : memref<!tpu.dma_semaphore, #tpu.memory_space<semaphore_mem>>)
      %dma_wait3A = arith.constant 0 : i32
      %dma_wait3A_95 = tpu.memref_slice %arg6[%add3A_31, %dma_wait3A] : memref<10240x128xf32, #tpu.memory_space<vmem_shared>> -> memref<40x128xf32, #tpu.memory_space<vmem_shared>>
      %dma_wait3A_96 = arith.constant 0 : i32
      %dma_wait3A_97 = tpu.memref_slice %arg6[%add3A_31, %dma_wait3A_96] : memref<10240x128xf32, #tpu.memory_space<vmem_shared>> -> memref<40x128xf32, #tpu.memory_space<vmem_shared>>
      tpu.wait_dma2 semaphore(%run_scoped3A : memref<!tpu.dma_semaphore, #tpu.memory_space<semaphore_mem>>) src(%arg7 : memref<40x128xf32, #tpu.memory_space<vmem>>) dst(%dma_wait3A_97 : memref<40x128xf32, #tpu.memory_space<vmem_shared>>)
      tpu.yield
    }) : () -> ()
    %mul3A_32 = arith.constant 640 : i32
    %mul3A_33 = arith.muli %arg1, %mul3A_32 : i32
    %add3A_34 = arith.constant 280 : i32
    %add3A_35 = arith.addi %mul3A_33, %add3A_34 : i32
    "tpu.region"() ({
      %run_scoped3A = tpu.sem_alloc : memref<!tpu.dma_semaphore, #tpu.memory_space<semaphore_mem>>
      %dma_start3A = arith.constant 0 : i32
      %dma_start3A_92 = tpu.memref_slice %arg6[%add3A_35, %dma_start3A] : memref<10240x128xf32, #tpu.memory_space<vmem_shared>> -> memref<40x128xf32, #tpu.memory_space<vmem_shared>>
      %dma_start3A_93 = arith.constant 0 : i32
      %dma_start3A_94 = tpu.memref_slice %arg6[%add3A_35, %dma_start3A_93] : memref<10240x128xf32, #tpu.memory_space<vmem_shared>> -> memref<40x128xf32, #tpu.memory_space<vmem_shared>>
      tpu.enqueue_dma source(%arg7 : memref<40x128xf32, #tpu.memory_space<vmem>>) target(%dma_start3A_94 : memref<40x128xf32, #tpu.memory_space<vmem_shared>>) target_semaphore(%run_scoped3A : memref<!tpu.dma_semaphore, #tpu.memory_space<semaphore_mem>>)
      %dma_wait3A = arith.constant 0 : i32
      %dma_wait3A_95 = tpu.memref_slice %arg6[%add3A_35, %dma_wait3A] : memref<10240x128xf32, #tpu.memory_space<vmem_shared>> -> memref<40x128xf32, #tpu.memory_space<vmem_shared>>
      %dma_wait3A_96 = arith.constant 0 : i32
      %dma_wait3A_97 = tpu.memref_slice %arg6[%add3A_35, %dma_wait3A_96] : memref<10240x128xf32, #tpu.memory_space<vmem_shared>> -> memref<40x128xf32, #tpu.memory_space<vmem_shared>>
      tpu.wait_dma2 semaphore(%run_scoped3A : memref<!tpu.dma_semaphore, #tpu.memory_space<semaphore_mem>>) src(%arg7 : memref<40x128xf32, #tpu.memory_space<vmem>>) dst(%dma_wait3A_97 : memref<40x128xf32, #tpu.memory_space<vmem_shared>>)
      tpu.yield
    }) : () -> ()
    %mul3A_36 = arith.constant 640 : i32
    %mul3A_37 = arith.muli %arg1, %mul3A_36 : i32
    %add3A_38 = arith.constant 320 : i32
    %add3A_39 = arith.addi %mul3A_37, %add3A_38 : i32
    "tpu.region"() ({
      %run_scoped3A = tpu.sem_alloc : memref<!tpu.dma_semaphore, #tpu.memory_space<semaphore_mem>>
      %dma_start3A = arith.constant 0 : i32
      %dma_start3A_92 = tpu.memref_slice %arg6[%add3A_39, %dma_start3A] : memref<10240x128xf32, #tpu.memory_space<vmem_shared>> -> memref<40x128xf32, #tpu.memory_space<vmem_shared>>
      %dma_start3A_93 = arith.constant 0 : i32
      %dma_start3A_94 = tpu.memref_slice %arg6[%add3A_39, %dma_start3A_93] : memref<10240x128xf32, #tpu.memory_space<vmem_shared>> -> memref<40x128xf32, #tpu.memory_space<vmem_shared>>
      tpu.enqueue_dma source(%arg7 : memref<40x128xf32, #tpu.memory_space<vmem>>) target(%dma_start3A_94 : memref<40x128xf32, #tpu.memory_space<vmem_shared>>) target_semaphore(%run_scoped3A : memref<!tpu.dma_semaphore, #tpu.memory_space<semaphore_mem>>)
      %dma_wait3A = arith.constant 0 : i32
      %dma_wait3A_95 = tpu.memref_slice %arg6[%add3A_39, %dma_wait3A] : memref<10240x128xf32, #tpu.memory_space<vmem_shared>> -> memref<40x128xf32, #tpu.memory_space<vmem_shared>>
      %dma_wait3A_96 = arith.constant 0 : i32
      %dma_wait3A_97 = tpu.memref_slice %arg6[%add3A_39, %dma_wait3A_96] : memref<10240x128xf32, #tpu.memory_space<vmem_shared>> -> memref<40x128xf32, #tpu.memory_space<vmem_shared>>
      tpu.wait_dma2 semaphore(%run_scoped3A : memref<!tpu.dma_semaphore, #tpu.memory_space<semaphore_mem>>) src(%arg7 : memref<40x128xf32, #tpu.memory_space<vmem>>) dst(%dma_wait3A_97 : memref<40x128xf32, #tpu.memory_space<vmem_shared>>)
      tpu.yield
    }) : () -> ()
    %mul3A_40 = arith.constant 640 : i32
    %mul3A_41 = arith.muli %arg1, %mul3A_40 : i32
    %add3A_42 = arith.constant 360 : i32
    %add3A_43 = arith.addi %mul3A_41, %add3A_42 : i32
    "tpu.region"() ({
      %run_scoped3A = tpu.sem_alloc : memref<!tpu.dma_semaphore, #tpu.memory_space<semaphore_mem>>
      %dma_start3A = arith.constant 0 : i32
      %dma_start3A_92 = tpu.memref_slice %arg6[%add3A_43, %dma_start3A] : memref<10240x128xf32, #tpu.memory_space<vmem_shared>> -> memref<40x128xf32, #tpu.memory_space<vmem_shared>>
      %dma_start3A_93 = arith.constant 0 : i32
      %dma_start3A_94 = tpu.memref_slice %arg6[%add3A_43, %dma_start3A_93] : memref<10240x128xf32, #tpu.memory_space<vmem_shared>> -> memref<40x128xf32, #tpu.memory_space<vmem_shared>>
      tpu.enqueue_dma source(%arg7 : memref<40x128xf32, #tpu.memory_space<vmem>>) target(%dma_start3A_94 : memref<40x128xf32, #tpu.memory_space<vmem_shared>>) target_semaphore(%run_scoped3A : memref<!tpu.dma_semaphore, #tpu.memory_space<semaphore_mem>>)
      %dma_wait3A = arith.constant 0 : i32
      %dma_wait3A_95 = tpu.memref_slice %arg6[%add3A_43, %dma_wait3A] : memref<10240x128xf32, #tpu.memory_space<vmem_shared>> -> memref<40x128xf32, #tpu.memory_space<vmem_shared>>
      %dma_wait3A_96 = arith.constant 0 : i32
      %dma_wait3A_97 = tpu.memref_slice %arg6[%add3A_43, %dma_wait3A_96] : memref<10240x128xf32, #tpu.memory_space<vmem_shared>> -> memref<40x128xf32, #tpu.memory_space<vmem_shared>>
      tpu.wait_dma2 semaphore(%run_scoped3A : memref<!tpu.dma_semaphore, #tpu.memory_space<semaphore_mem>>) src(%arg7 : memref<40x128xf32, #tpu.memory_space<vmem>>) dst(%dma_wait3A_97 : memref<40x128xf32, #tpu.memory_space<vmem_shared>>)
      tpu.yield
    }) : () -> ()
    %mul3A_44 = arith.constant 640 : i32
    %mul3A_45 = arith.muli %arg1, %mul3A_44 : i32
    %add3A_46 = arith.constant 400 : i32
    %add3A_47 = arith.addi %mul3A_45, %add3A_46 : i32
    "tpu.region"() ({
      %run_scoped3A = tpu.sem_alloc : memref<!tpu.dma_semaphore, #tpu.memory_space<semaphore_mem>>
      %dma_start3A = arith.constant 0 : i32
      %dma_start3A_92 = tpu.memref_slice %arg6[%add3A_47, %dma_start3A] : memref<10240x128xf32, #tpu.memory_space<vmem_shared>> -> memref<40x128xf32, #tpu.memory_space<vmem_shared>>
      %dma_start3A_93 = arith.constant 0 : i32
      %dma_start3A_94 = tpu.memref_slice %arg6[%add3A_47, %dma_start3A_93] : memref<10240x128xf32, #tpu.memory_space<vmem_shared>> -> memref<40x128xf32, #tpu.memory_space<vmem_shared>>
      tpu.enqueue_dma source(%arg7 : memref<40x128xf32, #tpu.memory_space<vmem>>) target(%dma_start3A_94 : memref<40x128xf32, #tpu.memory_space<vmem_shared>>) target_semaphore(%run_scoped3A : memref<!tpu.dma_semaphore, #tpu.memory_space<semaphore_mem>>)
      %dma_wait3A = arith.constant 0 : i32
      %dma_wait3A_95 = tpu.memref_slice %arg6[%add3A_47, %dma_wait3A] : memref<10240x128xf32, #tpu.memory_space<vmem_shared>> -> memref<40x128xf32, #tpu.memory_space<vmem_shared>>
      %dma_wait3A_96 = arith.constant 0 : i32
      %dma_wait3A_97 = tpu.memref_slice %arg6[%add3A_47, %dma_wait3A_96] : memref<10240x128xf32, #tpu.memory_space<vmem_shared>> -> memref<40x128xf32, #tpu.memory_space<vmem_shared>>
      tpu.wait_dma2 semaphore(%run_scoped3A : memref<!tpu.dma_semaphore, #tpu.memory_space<semaphore_mem>>) src(%arg7 : memref<40x128xf32, #tpu.memory_space<vmem>>) dst(%dma_wait3A_97 : memref<40x128xf32, #tpu.memory_space<vmem_shared>>)
      tpu.yield
    }) : () -> ()
    %mul3A_48 = arith.constant 640 : i32
    %mul3A_49 = arith.muli %arg1, %mul3A_48 : i32
    %add3A_50 = arith.constant 440 : i32
    %add3A_51 = arith.addi %mul3A_49, %add3A_50 : i32
    "tpu.region"() ({
      %run_scoped3A = tpu.sem_alloc : memref<!tpu.dma_semaphore, #tpu.memory_space<semaphore_mem>>
      %dma_start3A = arith.constant 0 : i32
      %dma_start3A_92 = tpu.memref_slice %arg6[%add3A_51, %dma_start3A] : memref<10240x128xf32, #tpu.memory_space<vmem_shared>> -> memref<40x128xf32, #tpu.memory_space<vmem_shared>>
      %dma_start3A_93 = arith.constant 0 : i32
      %dma_start3A_94 = tpu.memref_slice %arg6[%add3A_51, %dma_start3A_93] : memref<10240x128xf32, #tpu.memory_space<vmem_shared>> -> memref<40x128xf32, #tpu.memory_space<vmem_shared>>
      tpu.enqueue_dma source(%arg7 : memref<40x128xf32, #tpu.memory_space<vmem>>) target(%dma_start3A_94 : memref<40x128xf32, #tpu.memory_space<vmem_shared>>) target_semaphore(%run_scoped3A : memref<!tpu.dma_semaphore, #tpu.memory_space<semaphore_mem>>)
      %dma_wait3A = arith.constant 0 : i32
      %dma_wait3A_95 = tpu.memref_slice %arg6[%add3A_51, %dma_wait3A] : memref<10240x128xf32, #tpu.memory_space<vmem_shared>> -> memref<40x128xf32, #tpu.memory_space<vmem_shared>>
      %dma_wait3A_96 = arith.constant 0 : i32
      %dma_wait3A_97 = tpu.memref_slice %arg6[%add3A_51, %dma_wait3A_96] : memref<10240x128xf32, #tpu.memory_space<vmem_shared>> -> memref<40x128xf32, #tpu.memory_space<vmem_shared>>
      tpu.wait_dma2 semaphore(%run_scoped3A : memref<!tpu.dma_semaphore, #tpu.memory_space<semaphore_mem>>) src(%arg7 : memref<40x128xf32, #tpu.memory_space<vmem>>) dst(%dma_wait3A_97 : memref<40x128xf32, #tpu.memory_space<vmem_shared>>)
      tpu.yield
    }) : () -> ()
    %mul3A_52 = arith.constant 640 : i32
    %mul3A_53 = arith.muli %arg1, %mul3A_52 : i32
    %add3A_54 = arith.constant 480 : i32
    %add3A_55 = arith.addi %mul3A_53, %add3A_54 : i32
    "tpu.region"() ({
      %run_scoped3A = tpu.sem_alloc : memref<!tpu.dma_semaphore, #tpu.memory_space<semaphore_mem>>
      %dma_start3A = arith.constant 0 : i32
      %dma_start3A_92 = tpu.memref_slice %arg6[%add3A_55, %dma_start3A] : memref<10240x128xf32, #tpu.memory_space<vmem_shared>> -> memref<40x128xf32, #tpu.memory_space<vmem_shared>>
      %dma_start3A_93 = arith.constant 0 : i32
      %dma_start3A_94 = tpu.memref_slice %arg6[%add3A_55, %dma_start3A_93] : memref<10240x128xf32, #tpu.memory_space<vmem_shared>> -> memref<40x128xf32, #tpu.memory_space<vmem_shared>>
      tpu.enqueue_dma source(%arg7 : memref<40x128xf32, #tpu.memory_space<vmem>>) target(%dma_start3A_94 : memref<40x128xf32, #tpu.memory_space<vmem_shared>>) target_semaphore(%run_scoped3A : memref<!tpu.dma_semaphore, #tpu.memory_space<semaphore_mem>>)
      %dma_wait3A = arith.constant 0 : i32
      %dma_wait3A_95 = tpu.memref_slice %arg6[%add3A_55, %dma_wait3A] : memref<10240x128xf32, #tpu.memory_space<vmem_shared>> -> memref<40x128xf32, #tpu.memory_space<vmem_shared>>
      %dma_wait3A_96 = arith.constant 0 : i32
      %dma_wait3A_97 = tpu.memref_slice %arg6[%add3A_55, %dma_wait3A_96] : memref<10240x128xf32, #tpu.memory_space<vmem_shared>> -> memref<40x128xf32, #tpu.memory_space<vmem_shared>>
      tpu.wait_dma2 semaphore(%run_scoped3A : memref<!tpu.dma_semaphore, #tpu.memory_space<semaphore_mem>>) src(%arg7 : memref<40x128xf32, #tpu.memory_space<vmem>>) dst(%dma_wait3A_97 : memref<40x128xf32, #tpu.memory_space<vmem_shared>>)
      tpu.yield
    }) : () -> ()
    %mul3A_56 = arith.constant 640 : i32
    %mul3A_57 = arith.muli %arg1, %mul3A_56 : i32
    %add3A_58 = arith.constant 520 : i32
    %add3A_59 = arith.addi %mul3A_57, %add3A_58 : i32
    "tpu.region"() ({
      %run_scoped3A = tpu.sem_alloc : memref<!tpu.dma_semaphore, #tpu.memory_space<semaphore_mem>>
      %dma_start3A = arith.constant 0 : i32
      %dma_start3A_92 = tpu.memref_slice %arg6[%add3A_59, %dma_start3A] : memref<10240x128xf32, #tpu.memory_space<vmem_shared>> -> memref<40x128xf32, #tpu.memory_space<vmem_shared>>
      %dma_start3A_93 = arith.constant 0 : i32
      %dma_start3A_94 = tpu.memref_slice %arg6[%add3A_59, %dma_start3A_93] : memref<10240x128xf32, #tpu.memory_space<vmem_shared>> -> memref<40x128xf32, #tpu.memory_space<vmem_shared>>
      tpu.enqueue_dma source(%arg7 : memref<40x128xf32, #tpu.memory_space<vmem>>) target(%dma_start3A_94 : memref<40x128xf32, #tpu.memory_space<vmem_shared>>) target_semaphore(%run_scoped3A : memref<!tpu.dma_semaphore, #tpu.memory_space<semaphore_mem>>)
      %dma_wait3A = arith.constant 0 : i32
      %dma_wait3A_95 = tpu.memref_slice %arg6[%add3A_59, %dma_wait3A] : memref<10240x128xf32, #tpu.memory_space<vmem_shared>> -> memref<40x128xf32, #tpu.memory_space<vmem_shared>>
      %dma_wait3A_96 = arith.constant 0 : i32
      %dma_wait3A_97 = tpu.memref_slice %arg6[%add3A_59, %dma_wait3A_96] : memref<10240x128xf32, #tpu.memory_space<vmem_shared>> -> memref<40x128xf32, #tpu.memory_space<vmem_shared>>
      tpu.wait_dma2 semaphore(%run_scoped3A : memref<!tpu.dma_semaphore, #tpu.memory_space<semaphore_mem>>) src(%arg7 : memref<40x128xf32, #tpu.memory_space<vmem>>) dst(%dma_wait3A_97 : memref<40x128xf32, #tpu.memory_space<vmem_shared>>)
      tpu.yield
    }) : () -> ()
    %mul3A_60 = arith.constant 640 : i32
    %mul3A_61 = arith.muli %arg1, %mul3A_60 : i32
    %add3A_62 = arith.constant 560 : i32
    %add3A_63 = arith.addi %mul3A_61, %add3A_62 : i32
    "tpu.region"() ({
      %run_scoped3A = tpu.sem_alloc : memref<!tpu.dma_semaphore, #tpu.memory_space<semaphore_mem>>
      %dma_start3A = arith.constant 0 : i32
      %dma_start3A_92 = tpu.memref_slice %arg6[%add3A_63, %dma_start3A] : memref<10240x128xf32, #tpu.memory_space<vmem_shared>> -> memref<40x128xf32, #tpu.memory_space<vmem_shared>>
      %dma_start3A_93 = arith.constant 0 : i32
      %dma_start3A_94 = tpu.memref_slice %arg6[%add3A_63, %dma_start3A_93] : memref<10240x128xf32, #tpu.memory_space<vmem_shared>> -> memref<40x128xf32, #tpu.memory_space<vmem_shared>>
      tpu.enqueue_dma source(%arg7 : memref<40x128xf32, #tpu.memory_space<vmem>>) target(%dma_start3A_94 : memref<40x128xf32, #tpu.memory_space<vmem_shared>>) target_semaphore(%run_scoped3A : memref<!tpu.dma_semaphore, #tpu.memory_space<semaphore_mem>>)
      %dma_wait3A = arith.constant 0 : i32
      %dma_wait3A_95 = tpu.memref_slice %arg6[%add3A_63, %dma_wait3A] : memref<10240x128xf32, #tpu.memory_space<vmem_shared>> -> memref<40x128xf32, #tpu.memory_space<vmem_shared>>
      %dma_wait3A_96 = arith.constant 0 : i32
      %dma_wait3A_97 = tpu.memref_slice %arg6[%add3A_63, %dma_wait3A_96] : memref<10240x128xf32, #tpu.memory_space<vmem_shared>> -> memref<40x128xf32, #tpu.memory_space<vmem_shared>>
      tpu.wait_dma2 semaphore(%run_scoped3A : memref<!tpu.dma_semaphore, #tpu.memory_space<semaphore_mem>>) src(%arg7 : memref<40x128xf32, #tpu.memory_space<vmem>>) dst(%dma_wait3A_97 : memref<40x128xf32, #tpu.memory_space<vmem_shared>>)
      tpu.yield
    }) : () -> ()
    %mul3A_64 = arith.constant 640 : i32
    %mul3A_65 = arith.muli %arg1, %mul3A_64 : i32
    %add3A_66 = arith.constant 600 : i32
    %add3A_67 = arith.addi %mul3A_65, %add3A_66 : i32
    "tpu.region"() ({
      %run_scoped3A = tpu.sem_alloc : memref<!tpu.dma_semaphore, #tpu.memory_space<semaphore_mem>>
      %dma_start3A = arith.constant 0 : i32
      %dma_start3A_92 = tpu.memref_slice %arg6[%add3A_67, %dma_start3A] : memref<10240x128xf32, #tpu.memory_space<vmem_shared>> -> memref<40x128xf32, #tpu.memory_space<vmem_shared>>
      %dma_start3A_93 = arith.constant 0 : i32
      %dma_start3A_94 = tpu.memref_slice %arg6[%add3A_67, %dma_start3A_93] : memref<10240x128xf32, #tpu.memory_space<vmem_shared>> -> memref<40x128xf32, #tpu.memory_space<vmem_shared>>
      tpu.enqueue_dma source(%arg7 : memref<40x128xf32, #tpu.memory_space<vmem>>) target(%dma_start3A_94 : memref<40x128xf32, #tpu.memory_space<vmem_shared>>) target_semaphore(%run_scoped3A : memref<!tpu.dma_semaphore, #tpu.memory_space<semaphore_mem>>)
      %dma_wait3A = arith.constant 0 : i32
      %dma_wait3A_95 = tpu.memref_slice %arg6[%add3A_67, %dma_wait3A] : memref<10240x128xf32, #tpu.memory_space<vmem_shared>> -> memref<40x128xf32, #tpu.memory_space<vmem_shared>>
      %dma_wait3A_96 = arith.constant 0 : i32
      %dma_wait3A_97 = tpu.memref_slice %arg6[%add3A_67, %dma_wait3A_96] : memref<10240x128xf32, #tpu.memory_space<vmem_shared>> -> memref<40x128xf32, #tpu.memory_space<vmem_shared>>
      tpu.wait_dma2 semaphore(%run_scoped3A : memref<!tpu.dma_semaphore, #tpu.memory_space<semaphore_mem>>) src(%arg7 : memref<40x128xf32, #tpu.memory_space<vmem>>) dst(%dma_wait3A_97 : memref<40x128xf32, #tpu.memory_space<vmem_shared>>)
      tpu.yield
    }) : () -> ()
    %barrier3A = arith.constant 0 : index
    tpu.barrier barrier_id(%barrier3A)
    %lt3A = arith.constant 2 : i32
    %lt3A_68 = arith.cmpi slt, %arg1, %lt3A : i32
    %jit3A = arith.constant 1 : i32
    %jit3A_69 = arith.constant 0 : i32
    %select_n3A = arith.select %lt3A_68, %jit3A, %jit3A_69 : i32
    %add3A_70 = arith.constant 78 : i32
    %add3A_71 = arith.addi %add3A_70, %select_n3A : i32
    %while3A = arith.constant 0 : i32
    %while3A_72 = arith.constant 0 : i32
    %while3A_73 = arith.subi %add3A_71, %while3A : i32
    %while3A_74 = arith.addi %while3A, %while3A_73 : i32
    %while3A_75 = arith.constant 1 : i32
    %while3A_76 = arith.divsi %while3A_73, %while3A_75 : i32
    %while3A_77 = arith.muli %while3A_76, %while3A_75 : i32
    %while3A_78 = arith.addi %while3A, %while3A_77 : i32
    %while3A_79 = arith.constant 1 : i32
    %while3A_80 = scf.for %while3A_92 = %while3A to %while3A_78 step %while3A_79 iter_args(%while3A_93 = %while3A_72) -> (i32)  : i32 {
      %mul3A_94 = arith.constant 1250 : i32
      %mul3A_95 = arith.muli %arg0, %mul3A_94 : i32
      %mul3A_96 = arith.constant 16 : i32
      %mul3A_97 = arith.muli %while3A_92, %mul3A_96 : i32
      %add3A_98 = arith.addi %mul3A_95, %mul3A_97 : i32
      %add3A_99 = arith.addi %add3A_98, %arg1 : i32
      %mul3A_100 = arith.constant 128 : i32
      %mul3A_101 = arith.muli %add3A_99, %mul3A_100 : i32
      "tpu.region"() ({
        %run_scoped3A = tpu.sem_alloc : memref<!tpu.dma_semaphore, #tpu.memory_space<semaphore_mem>>
        %dma_start3A_107 = tpu.memref_slice %arg3[%mul3A_101] : memref<320000xi32, #tpu.memory_space<hbm>> -> memref<128xi32, #tpu.memory_space<hbm>>
        %dma_start3A_108 = tpu.memref_slice %arg3[%mul3A_101] : memref<320000xi32, #tpu.memory_space<hbm>> -> memref<128xi32, #tpu.memory_space<hbm>>
        tpu.enqueue_dma source(%dma_start3A_108 : memref<128xi32, #tpu.memory_space<hbm>>) target(%arg8 : memref<128xi32, #tpu.memory_space<vmem>>) target_semaphore(%run_scoped3A : memref<!tpu.dma_semaphore, #tpu.memory_space<semaphore_mem>>)
        %dma_wait3A_109 = tpu.memref_slice %arg3[%mul3A_101] : memref<320000xi32, #tpu.memory_space<hbm>> -> memref<128xi32, #tpu.memory_space<hbm>>
        %dma_wait3A_110 = tpu.memref_slice %arg3[%mul3A_101] : memref<320000xi32, #tpu.memory_space<hbm>> -> memref<128xi32, #tpu.memory_space<hbm>>
        tpu.wait_dma2 semaphore(%run_scoped3A : memref<!tpu.dma_semaphore, #tpu.memory_space<semaphore_mem>>) src(%dma_wait3A_110 : memref<128xi32, #tpu.memory_space<hbm>>) dst(%arg8 : memref<128xi32, #tpu.memory_space<vmem>>)
        tpu.yield
      }) : () -> ()
      "tpu.region"() ({
        %run_scoped3A = tpu.sem_alloc : memref<!tpu.dma_semaphore, #tpu.memory_space<semaphore_mem>>
        %dma_start3A_107 = tpu.memref_slice %arg4[%mul3A_101] : memref<320000xi32, #tpu.memory_space<hbm>> -> memref<128xi32, #tpu.memory_space<hbm>>
        %dma_start3A_108 = tpu.memref_slice %arg4[%mul3A_101] : memref<320000xi32, #tpu.memory_space<hbm>> -> memref<128xi32, #tpu.memory_space<hbm>>
        tpu.enqueue_dma source(%dma_start3A_108 : memref<128xi32, #tpu.memory_space<hbm>>) target(%arg9 : memref<128xi32, #tpu.memory_space<vmem>>) target_semaphore(%run_scoped3A : memref<!tpu.dma_semaphore, #tpu.memory_space<semaphore_mem>>)
        %dma_wait3A_109 = tpu.memref_slice %arg4[%mul3A_101] : memref<320000xi32, #tpu.memory_space<hbm>> -> memref<128xi32, #tpu.memory_space<hbm>>
        %dma_wait3A_110 = tpu.memref_slice %arg4[%mul3A_101] : memref<320000xi32, #tpu.memory_space<hbm>> -> memref<128xi32, #tpu.memory_space<hbm>>
        tpu.wait_dma2 semaphore(%run_scoped3A : memref<!tpu.dma_semaphore, #tpu.memory_space<semaphore_mem>>) src(%dma_wait3A_110 : memref<128xi32, #tpu.memory_space<hbm>>) dst(%arg9 : memref<128xi32, #tpu.memory_space<vmem>>)
        tpu.yield
      }) : () -> ()
      %dma_start3A = arith.constant 0 : i32
      %dma_start3A_102 = arith.constant 0 : i32
      %dma_start3A_103 = tpu.memref_slice %arg2[%dma_start3A, %dma_start3A_102] : memref<5000x128xf32, #tpu.memory_space<hbm>> -> memref<5000x128xf32, #tpu.memory_space<hbm>>
      tpu.enqueue_indirect_dma source(%dma_start3A_103 : memref<5000x128xf32, #tpu.memory_space<hbm>>) target(%arg10 : memref<128x128xf32, #tpu.memory_space<vmem>>) offsets(%arg8 : memref<128xi32, #tpu.memory_space<vmem>>) semaphore(%arg11 : memref<!tpu.dma_semaphore, #tpu.memory_space<semaphore_mem>>)
      %dma_wait3A = arith.constant 0 : i32
      %dma_wait3A_104 = arith.constant 0 : i32
      %dma_wait3A_105 = tpu.memref_slice %arg2[%dma_wait3A, %dma_wait3A_104] : memref<5000x128xf32, #tpu.memory_space<hbm>> -> memref<5000x128xf32, #tpu.memory_space<hbm>>
      tpu.wait_indirect_dma semaphore(%arg11 : memref<!tpu.dma_semaphore, #tpu.memory_space<semaphore_mem>>) src(%dma_wait3A_105 : memref<5000x128xf32, #tpu.memory_space<hbm>>) dst(%arg10 : memref<128x128xf32, #tpu.memory_space<vmem>>)
      "tpu.region"() ({
        %run_scoped3A = tpu.sem_alloc : memref<!tpu.dma_semaphore, #tpu.memory_space<semaphore_mem>>
        %dma_start3A_107 = arith.constant 0 : i32
        %dma_start3A_108 = arith.constant 0 : i32
        %dma_start3A_109 = tpu.memref_slice %arg6[%dma_start3A_107, %dma_start3A_108] : memref<10240x128xf32, #tpu.memory_space<vmem_shared>> -> memref<10240x128xf32, #tpu.memory_space<vmem_shared>>
        tpu.enqueue_indirect_dma source(%arg10 : memref<128x128xf32, #tpu.memory_space<vmem>>) target(%dma_start3A_109 : memref<10240x128xf32, #tpu.memory_space<vmem_shared>>) offsets(%arg9 : memref<128xi32, #tpu.memory_space<vmem>>) semaphore(%run_scoped3A : memref<!tpu.dma_semaphore, #tpu.memory_space<semaphore_mem>>) {add = true}
        %dma_wait3A_110 = arith.constant 0 : i32
        %dma_wait3A_111 = arith.constant 0 : i32
        %dma_wait3A_112 = tpu.memref_slice %arg6[%dma_wait3A_110, %dma_wait3A_111] : memref<10240x128xf32, #tpu.memory_space<vmem_shared>> -> memref<10240x128xf32, #tpu.memory_space<vmem_shared>>
        tpu.wait_indirect_dma semaphore(%run_scoped3A : memref<!tpu.dma_semaphore, #tpu.memory_space<semaphore_mem>>) src(%arg10 : memref<128x128xf32, #tpu.memory_space<vmem>>) dst(%dma_wait3A_112 : memref<10240x128xf32, #tpu.memory_space<vmem_shared>>)
        tpu.yield
      }) : () -> ()
      %while3A_106 = arith.constant 0 : i32
      scf.yield %while3A_106 : i32
    }
    %while3A_81 = arith.constant 1 : i32
    %while3A_82 = scf.for %while3A_92 = %while3A_78 to %while3A_74 step %while3A_81 iter_args(%while3A_93 = %while3A_80) -> (i32)  : i32 {
      %mul3A_94 = arith.constant 1250 : i32
      %mul3A_95 = arith.muli %arg0, %mul3A_94 : i32
      %mul3A_96 = arith.constant 16 : i32
      %mul3A_97 = arith.muli %while3A_92, %mul3A_96 : i32
      %add3A_98 = arith.addi %mul3A_95, %mul3A_97 : i32
      %add3A_99 = arith.addi %add3A_98, %arg1 : i32
      %mul3A_100 = arith.constant 128 : i32
      %mul3A_101 = arith.muli %add3A_99, %mul3A_100 : i32
      "tpu.region"() ({
        %run_scoped3A = tpu.sem_alloc : memref<!tpu.dma_semaphore, #tpu.memory_space<semaphore_mem>>
        %dma_start3A_107 = tpu.memref_slice %arg3[%mul3A_101] : memref<320000xi32, #tpu.memory_space<hbm>> -> memref<128xi32, #tpu.memory_space<hbm>>
        %dma_start3A_108 = tpu.memref_slice %arg3[%mul3A_101] : memref<320000xi32, #tpu.memory_space<hbm>> -> memref<128xi32, #tpu.memory_space<hbm>>
        tpu.enqueue_dma source(%dma_start3A_108 : memref<128xi32, #tpu.memory_space<hbm>>) target(%arg8 : memref<128xi32, #tpu.memory_space<vmem>>) target_semaphore(%run_scoped3A : memref<!tpu.dma_semaphore, #tpu.memory_space<semaphore_mem>>)
        %dma_wait3A_109 = tpu.memref_slice %arg3[%mul3A_101] : memref<320000xi32, #tpu.memory_space<hbm>> -> memref<128xi32, #tpu.memory_space<hbm>>
        %dma_wait3A_110 = tpu.memref_slice %arg3[%mul3A_101] : memref<320000xi32, #tpu.memory_space<hbm>> -> memref<128xi32, #tpu.memory_space<hbm>>
        tpu.wait_dma2 semaphore(%run_scoped3A : memref<!tpu.dma_semaphore, #tpu.memory_space<semaphore_mem>>) src(%dma_wait3A_110 : memref<128xi32, #tpu.memory_space<hbm>>) dst(%arg8 : memref<128xi32, #tpu.memory_space<vmem>>)
        tpu.yield
      }) : () -> ()
      "tpu.region"() ({
        %run_scoped3A = tpu.sem_alloc : memref<!tpu.dma_semaphore, #tpu.memory_space<semaphore_mem>>
        %dma_start3A_107 = tpu.memref_slice %arg4[%mul3A_101] : memref<320000xi32, #tpu.memory_space<hbm>> -> memref<128xi32, #tpu.memory_space<hbm>>
        %dma_start3A_108 = tpu.memref_slice %arg4[%mul3A_101] : memref<320000xi32, #tpu.memory_space<hbm>> -> memref<128xi32, #tpu.memory_space<hbm>>
        tpu.enqueue_dma source(%dma_start3A_108 : memref<128xi32, #tpu.memory_space<hbm>>) target(%arg9 : memref<128xi32, #tpu.memory_space<vmem>>) target_semaphore(%run_scoped3A : memref<!tpu.dma_semaphore, #tpu.memory_space<semaphore_mem>>)
        %dma_wait3A_109 = tpu.memref_slice %arg4[%mul3A_101] : memref<320000xi32, #tpu.memory_space<hbm>> -> memref<128xi32, #tpu.memory_space<hbm>>
        %dma_wait3A_110 = tpu.memref_slice %arg4[%mul3A_101] : memref<320000xi32, #tpu.memory_space<hbm>> -> memref<128xi32, #tpu.memory_space<hbm>>
        tpu.wait_dma2 semaphore(%run_scoped3A : memref<!tpu.dma_semaphore, #tpu.memory_space<semaphore_mem>>) src(%dma_wait3A_110 : memref<128xi32, #tpu.memory_space<hbm>>) dst(%arg9 : memref<128xi32, #tpu.memory_space<vmem>>)
        tpu.yield
      }) : () -> ()
      %dma_start3A = arith.constant 0 : i32
      %dma_start3A_102 = arith.constant 0 : i32
      %dma_start3A_103 = tpu.memref_slice %arg2[%dma_start3A, %dma_start3A_102] : memref<5000x128xf32, #tpu.memory_space<hbm>> -> memref<5000x128xf32, #tpu.memory_space<hbm>>
      tpu.enqueue_indirect_dma source(%dma_start3A_103 : memref<5000x128xf32, #tpu.memory_space<hbm>>) target(%arg10 : memref<128x128xf32, #tpu.memory_space<vmem>>) offsets(%arg8 : memref<128xi32, #tpu.memory_space<vmem>>) semaphore(%arg11 : memref<!tpu.dma_semaphore, #tpu.memory_space<semaphore_mem>>)
      %dma_wait3A = arith.constant 0 : i32
      %dma_wait3A_104 = arith.constant 0 : i32
      %dma_wait3A_105 = tpu.memref_slice %arg2[%dma_wait3A, %dma_wait3A_104] : memref<5000x128xf32, #tpu.memory_space<hbm>> -> memref<5000x128xf32, #tpu.memory_space<hbm>>
      tpu.wait_indirect_dma semaphore(%arg11 : memref<!tpu.dma_semaphore, #tpu.memory_space<semaphore_mem>>) src(%dma_wait3A_105 : memref<5000x128xf32, #tpu.memory_space<hbm>>) dst(%arg10 : memref<128x128xf32, #tpu.memory_space<vmem>>)
      "tpu.region"() ({
        %run_scoped3A = tpu.sem_alloc : memref<!tpu.dma_semaphore, #tpu.memory_space<semaphore_mem>>
        %dma_start3A_107 = arith.constant 0 : i32
        %dma_start3A_108 = arith.constant 0 : i32
        %dma_start3A_109 = tpu.memref_slice %arg6[%dma_start3A_107, %dma_start3A_108] : memref<10240x128xf32, #tpu.memory_space<vmem_shared>> -> memref<10240x128xf32, #tpu.memory_space<vmem_shared>>
        tpu.enqueue_indirect_dma source(%arg10 : memref<128x128xf32, #tpu.memory_space<vmem>>) target(%dma_start3A_109 : memref<10240x128xf32, #tpu.memory_space<vmem_shared>>) offsets(%arg9 : memref<128xi32, #tpu.memory_space<vmem>>) semaphore(%run_scoped3A : memref<!tpu.dma_semaphore, #tpu.memory_space<semaphore_mem>>) {add = true}
        %dma_wait3A_110 = arith.constant 0 : i32
        %dma_wait3A_111 = arith.constant 0 : i32
        %dma_wait3A_112 = tpu.memref_slice %arg6[%dma_wait3A_110, %dma_wait3A_111] : memref<10240x128xf32, #tpu.memory_space<vmem_shared>> -> memref<10240x128xf32, #tpu.memory_space<vmem_shared>>
        tpu.wait_indirect_dma semaphore(%run_scoped3A : memref<!tpu.dma_semaphore, #tpu.memory_space<semaphore_mem>>) src(%arg10 : memref<128x128xf32, #tpu.memory_space<vmem>>) dst(%dma_wait3A_112 : memref<10240x128xf32, #tpu.memory_space<vmem_shared>>)
        tpu.yield
      }) : () -> ()
      %while3A_106 = arith.constant 0 : i32
      scf.yield %while3A_106 : i32
    }
    %barrier3A_83 = arith.constant 0 : index
    tpu.barrier barrier_id(%barrier3A_83)
    %mul3A_84 = arith.constant 640 : i32
    %mul3A_85 = arith.muli %arg1, %mul3A_84 : i32
    %add3A_86 = arith.constant 0 : i32
    %add3A_87 = arith.addi %mul3A_85, %add3A_86 : i32
    "tpu.region"() ({
      %run_scoped3A = tpu.sem_alloc : memref<!tpu.dma_semaphore, #tpu.memory_space<semaphore_mem>>
      %dma_start3A = arith.constant 0 : i32
      %dma_start3A_92 = tpu.memref_slice %arg5[%arg0, %add3A_87, %dma_start3A] : memref<2x10240x128xf32, #tpu.memory_space<hbm>> -> memref<1x320x128xf32, #tpu.memory_space<hbm>>
      %dma_start3A_93 = tpu.memref_squeeze %dma_start3A_92 : memref<1x320x128xf32, #tpu.memory_space<hbm>> -> memref<320x128xf32, #tpu.memory_space<hbm>>
      %dma_start3A_94 = arith.constant 0 : i32
      %dma_start3A_95 = tpu.memref_slice %arg6[%add3A_87, %dma_start3A_94] : memref<10240x128xf32, #tpu.memory_space<vmem_shared>> -> memref<320x128xf32, #tpu.memory_space<vmem_shared>>
      tpu.enqueue_dma source(%dma_start3A_95 : memref<320x128xf32, #tpu.memory_space<vmem_shared>>) target(%dma_start3A_93 : memref<320x128xf32, #tpu.memory_space<hbm>>) target_semaphore(%run_scoped3A : memref<!tpu.dma_semaphore, #tpu.memory_space<semaphore_mem>>)
      %dma_wait3A = arith.constant 0 : i32
      %dma_wait3A_96 = tpu.memref_slice %arg5[%arg0, %add3A_87, %dma_wait3A] : memref<2x10240x128xf32, #tpu.memory_space<hbm>> -> memref<1x320x128xf32, #tpu.memory_space<hbm>>
      %dma_wait3A_97 = tpu.memref_squeeze %dma_wait3A_96 : memref<1x320x128xf32, #tpu.memory_space<hbm>> -> memref<320x128xf32, #tpu.memory_space<hbm>>
      %dma_wait3A_98 = arith.constant 0 : i32
      %dma_wait3A_99 = tpu.memref_slice %arg6[%add3A_87, %dma_wait3A_98] : memref<10240x128xf32, #tpu.memory_space<vmem_shared>> -> memref<320x128xf32, #tpu.memory_space<vmem_shared>>
      tpu.wait_dma2 semaphore(%run_scoped3A : memref<!tpu.dma_semaphore, #tpu.memory_space<semaphore_mem>>) src(%dma_wait3A_99 : memref<320x128xf32, #tpu.memory_space<vmem_shared>>) dst(%dma_wait3A_97 : memref<320x128xf32, #tpu.memory_space<hbm>>)
      tpu.yield
    }) : () -> ()
    %mul3A_88 = arith.constant 640 : i32
    %mul3A_89 = arith.muli %arg1, %mul3A_88 : i32
    %add3A_90 = arith.constant 320 : i32
    %add3A_91 = arith.addi %mul3A_89, %add3A_90 : i32
    "tpu.region"() ({
      %run_scoped3A = tpu.sem_alloc : memref<!tpu.dma_semaphore, #tpu.memory_space<semaphore_mem>>
      %dma_start3A = arith.constant 0 : i32
      %dma_start3A_92 = tpu.memref_slice %arg5[%arg0, %add3A_91, %dma_start3A] : memref<2x10240x128xf32, #tpu.memory_space<hbm>> -> memref<1x320x128xf32, #tpu.memory_space<hbm>>
      %dma_start3A_93 = tpu.memref_squeeze %dma_start3A_92 : memref<1x320x128xf32, #tpu.memory_space<hbm>> -> memref<320x128xf32, #tpu.memory_space<hbm>>
      %dma_start3A_94 = arith.constant 0 : i32
      %dma_start3A_95 = tpu.memref_slice %arg6[%add3A_91, %dma_start3A_94] : memref<10240x128xf32, #tpu.memory_space<vmem_shared>> -> memref<320x128xf32, #tpu.memory_space<vmem_shared>>
      tpu.enqueue_dma source(%dma_start3A_95 : memref<320x128xf32, #tpu.memory_space<vmem_shared>>) target(%dma_start3A_93 : memref<320x128xf32, #tpu.memory_space<hbm>>) target_semaphore(%run_scoped3A : memref<!tpu.dma_semaphore, #tpu.memory_space<semaphore_mem>>)
      %dma_wait3A = arith.constant 0 : i32
      %dma_wait3A_96 = tpu.memref_slice %arg5[%arg0, %add3A_91, %dma_wait3A] : memref<2x10240x128xf32, #tpu.memory_space<hbm>> -> memref<1x320x128xf32, #tpu.memory_space<hbm>>
      %dma_wait3A_97 = tpu.memref_squeeze %dma_wait3A_96 : memref<1x320x128xf32, #tpu.memory_space<hbm>> -> memref<320x128xf32, #tpu.memory_space<hbm>>
      %dma_wait3A_98 = arith.constant 0 : i32
      %dma_wait3A_99 = tpu.memref_slice %arg6[%add3A_91, %dma_wait3A_98] : memref<10240x128xf32, #tpu.memory_space<vmem_shared>> -> memref<320x128xf32, #tpu.memory_space<vmem_shared>>
      tpu.wait_dma2 semaphore(%run_scoped3A : memref<!tpu.dma_semaphore, #tpu.memory_space<semaphore_mem>>) src(%dma_wait3A_99 : memref<320x128xf32, #tpu.memory_space<vmem_shared>>) dst(%dma_wait3A_97 : memref<320x128xf32, #tpu.memory_space<hbm>>)
      tpu.yield
    }) : () -> ()
    return
  }
}

module attributes {stable_mosaic.version = 14 : i64} {
  func.func @_pow_body(%arg0: memref<2x80x128xf32, #tpu.memory_space<vmem>>, %arg1: memref<2x40x128xf32, #tpu.memory_space<vmem>>, %arg2: memref<80x128xf32, #tpu.memory_space<vmem>>, %arg3: memref<40x128xf32, #tpu.memory_space<vmem>>) attributes {dimension_semantics = [], scalar_prefetch = 0 : i64, scratch_operands = 0 : i64, tpu.core_type = #tpu.core_type<tc>} {
    %get3A = arith.constant 0 : index
    %get3A_0 = arith.constant 0 : index
    %get3A_1 = arith.constant 0 : index
    %get3A_2 = vector.load %arg0[%get3A, %get3A_0, %get3A_1] : memref<2x80x128xf32, #tpu.memory_space<vmem>>, vector<1x80x128xf32>
    %get3A_3 = vector.shape_cast %get3A_2 : vector<1x80x128xf32> to vector<80x128xf32>
    %get3A_4 = arith.constant 1 : index
    %get3A_5 = arith.constant 0 : index
    %get3A_6 = arith.constant 0 : index
    %get3A_7 = vector.load %arg0[%get3A_4, %get3A_5, %get3A_6] : memref<2x80x128xf32, #tpu.memory_space<vmem>>, vector<1x80x128xf32>
    %get3A_8 = vector.shape_cast %get3A_7 : vector<1x80x128xf32> to vector<80x128xf32>
    %add3A = arith.addf %get3A_3, %get3A_8 : vector<80x128xf32>
    %max3A = arith.constant 1.000000e+00 : f32
    %max3A_9 = vector.broadcast %max3A : f32 to vector<80x128xf32>
    %max3A_10 = arith.maximumf %add3A, %max3A_9 : vector<80x128xf32>
    %rsqrt3A = math.rsqrt %max3A_10 : vector<80x128xf32>
    %mul3A = arith.mulf %rsqrt3A, %rsqrt3A : vector<80x128xf32>
    %mul3A_11 = arith.mulf %mul3A, %rsqrt3A : vector<80x128xf32>
    %swap3A = arith.constant 0 : index
    %swap3A_12 = arith.constant 0 : index
    %swap3A_13 = vector.load %arg2[%swap3A, %swap3A_12] : memref<80x128xf32, #tpu.memory_space<vmem>>, vector<80x128xf32>
    tpu.vector_store %arg2[%swap3A, %swap3A_12], %mul3A_11 {strides = array<i32>} : memref<80x128xf32, #tpu.memory_space<vmem>>, vector<80x128xf32>,
    %get3A_14 = arith.constant 0 : index
    %get3A_15 = arith.constant 0 : index
    %get3A_16 = arith.constant 0 : index
    %get3A_17 = vector.load %arg1[%get3A_14, %get3A_15, %get3A_16] : memref<2x40x128xf32, #tpu.memory_space<vmem>>, vector<1x40x128xf32>
    %get3A_18 = vector.shape_cast %get3A_17 : vector<1x40x128xf32> to vector<40x128xf32>
    %get3A_19 = arith.constant 1 : index
    %get3A_20 = arith.constant 0 : index
    %get3A_21 = arith.constant 0 : index
    %get3A_22 = vector.load %arg1[%get3A_19, %get3A_20, %get3A_21] : memref<2x40x128xf32, #tpu.memory_space<vmem>>, vector<1x40x128xf32>
    %get3A_23 = vector.shape_cast %get3A_22 : vector<1x40x128xf32> to vector<40x128xf32>
    %add3A_24 = arith.addf %get3A_18, %get3A_23 : vector<40x128xf32>
    %max3A_25 = arith.constant 1.000000e+00 : f32
    %max3A_26 = vector.broadcast %max3A_25 : f32 to vector<40x128xf32>
    %max3A_27 = arith.maximumf %add3A_24, %max3A_26 : vector<40x128xf32>
    %rsqrt3A_28 = math.rsqrt %max3A_27 : vector<40x128xf32>
    %swap3A_29 = arith.constant 0 : index
    %swap3A_30 = arith.constant 0 : index
    %swap3A_31 = vector.load %arg3[%swap3A_29, %swap3A_30] : memref<40x128xf32, #tpu.memory_space<vmem>>, vector<40x128xf32>
    tpu.vector_store %arg3[%swap3A_29, %swap3A_30], %rsqrt3A_28 {strides = array<i32>} : memref<40x128xf32, #tpu.memory_space<vmem>>, vector<40x128xf32>,
    return
  }
}

module attributes {stable_mosaic.version = 14 : i64} {
  func.func @_m0_body(%arg0: i32, %arg1: memref<400x128xf32, #tpu.memory_space<vmem>>, %arg2: memref<128x128xf32, #tpu.memory_space<vmem>>, %arg3: memref<1x128xf32, #tpu.memory_space<vmem>>, %arg4: memref<128x128xf32, #tpu.memory_space<vmem>>, %arg5: memref<1x128xf32, #tpu.memory_space<vmem>>, %arg6: memref<400x1xf32, #tpu.memory_space<vmem>>, %arg7: memref<400x128xf32, #tpu.memory_space<vmem>>) attributes {dimension_semantics = [#tpu.dimension_semantics<arbitrary>], iteration_bounds = array<i64: 25>, scalar_prefetch = 0 : i64, scratch_operands = 0 : i64, tpu.core_type = #tpu.core_type<tc>, window_params = [{transform_indices = @transform_0, window_bounds = array<i64: 400, 128>}, {pipeline_mode = #tpu.pipeline_mode<synchronous>, transform_indices = @transform_1, window_bounds = array<i64: 128, 128>}, {pipeline_mode = #tpu.pipeline_mode<synchronous>, transform_indices = @transform_2, window_bounds = array<i64: 1, 128>}, {pipeline_mode = #tpu.pipeline_mode<synchronous>, transform_indices = @transform_3, window_bounds = array<i64: 128, 128>}, {pipeline_mode = #tpu.pipeline_mode<synchronous>, transform_indices = @transform_4, window_bounds = array<i64: 1, 128>}, {transform_indices = @transform_5, window_bounds = array<i64: 400, 1>}, {transform_indices = @transform_6, window_bounds = array<i64: 400, 128>}]} {
    %get3A = arith.constant 0 : index
    %get3A_0 = arith.constant 0 : index
    %get3A_1 = vector.load %arg1[%get3A, %get3A_0] : memref<400x128xf32, #tpu.memory_space<vmem>>, vector<400x128xf32>
    %get3A_2 = arith.constant 0 : index
    %get3A_3 = arith.constant 0 : index
    %get3A_4 = vector.load %arg2[%get3A_2, %get3A_3] : memref<128x128xf32, #tpu.memory_space<vmem>>, vector<128x128xf32>
    %dot_general3A = arith.constant dense<0.000000e+00> : vector<400x128xf32>
    %dot_general3A_5 = tpu.matmul %get3A_1, %get3A_4, %dot_general3A {dimension_numbers = #tpu.dot_dimension_numbers<[1], [0], [0], [1], [0, 0, 1, 1], [], []>, transpose_lhs_hint = false} : vector<400x128xf32>, vector<128x128xf32>, vector<400x128xf32> -> vector<400x128xf32>
    %get3A_6 = arith.constant 0 : index
    %get3A_7 = arith.constant 0 : index
    %get3A_8 = vector.load %arg3[%get3A_6, %get3A_7] : memref<1x128xf32, #tpu.memory_space<vmem>>, vector<1x128xf32>
    %add3A = vector.broadcast %get3A_8 : vector<1x128xf32> to vector<400x128xf32>
    %add3A_9 = arith.addf %dot_general3A_5, %add3A : vector<400x128xf32>
    %get3A_10 = arith.constant 0 : index
    %get3A_11 = arith.constant 0 : index
    %get3A_12 = vector.load %arg4[%get3A_10, %get3A_11] : memref<128x128xf32, #tpu.memory_space<vmem>>, vector<128x128xf32>
    %dot_general3A_13 = arith.constant dense<0.000000e+00> : vector<400x128xf32>
    %dot_general3A_14 = tpu.matmul %add3A_9, %get3A_12, %dot_general3A_13 {dimension_numbers = #tpu.dot_dimension_numbers<[1], [0], [0], [1], [0, 0, 1, 1], [], []>, transpose_lhs_hint = false} : vector<400x128xf32>, vector<128x128xf32>, vector<400x128xf32> -> vector<400x128xf32>
    %get3A_15 = arith.constant 0 : index
    %get3A_16 = arith.constant 0 : index
    %get3A_17 = vector.load %arg5[%get3A_15, %get3A_16] : memref<1x128xf32, #tpu.memory_space<vmem>>, vector<1x128xf32>
    %add3A_18 = vector.broadcast %get3A_17 : vector<1x128xf32> to vector<400x128xf32>
    %add3A_19 = arith.addf %dot_general3A_14, %add3A_18 : vector<400x128xf32>
    %get3A_20 = arith.constant 0 : index
    %get3A_21 = arith.constant 0 : index
    %get3A_22 = vector.load %arg6[%get3A_20, %get3A_21] : memref<400x1xf32, #tpu.memory_space<vmem>>, vector<400x1xf32>
    %mul3A = vector.broadcast %get3A_22 : vector<400x1xf32> to vector<400x128xf32>
    %mul3A_23 = arith.mulf %add3A_19, %mul3A : vector<400x128xf32>
    %swap3A = arith.constant 0 : index
    %swap3A_24 = arith.constant 0 : index
    %swap3A_25 = vector.load %arg7[%swap3A, %swap3A_24] : memref<400x128xf32, #tpu.memory_space<vmem>>, vector<400x128xf32>
    tpu.vector_store %arg7[%swap3A, %swap3A_24], %mul3A_23 {strides = array<i32>} : memref<400x128xf32, #tpu.memory_space<vmem>>, vector<400x128xf32>,
    return
  }
  func.func @transform_0(%arg0: i32) -> (i32, i32) {
    %c0_i32 = arith.constant 0 : i32
    %c0_i32_0 = arith.constant 0 : i32
    return %arg0, %c0_i32 : i32, i32
  }
  func.func @transform_1(%arg0: i32) -> (i32, i32) {
    %c0_i32 = arith.constant 0 : i32
    %c0_i32_0 = arith.constant 0 : i32
    %c0_i32_1 = arith.constant 0 : i32
    return %c0_i32, %c0_i32_0 : i32, i32
  }
  func.func @transform_2(%arg0: i32) -> (i32, i32) {
    %c0_i32 = arith.constant 0 : i32
    %c0_i32_0 = arith.constant 0 : i32
    %c0_i32_1 = arith.constant 0 : i32
    return %c0_i32, %c0_i32_0 : i32, i32
  }
  func.func @transform_3(%arg0: i32) -> (i32, i32) {
    %c0_i32 = arith.constant 0 : i32
    %c0_i32_0 = arith.constant 0 : i32
    %c0_i32_1 = arith.constant 0 : i32
    return %c0_i32, %c0_i32_0 : i32, i32
  }
  func.func @transform_4(%arg0: i32) -> (i32, i32) {
    %c0_i32 = arith.constant 0 : i32
    %c0_i32_0 = arith.constant 0 : i32
    %c0_i32_1 = arith.constant 0 : i32
    return %c0_i32, %c0_i32_0 : i32, i32
  }
  func.func @transform_5(%arg0: i32) -> (i32, i32) {
    %c0_i32 = arith.constant 0 : i32
    %c0_i32_0 = arith.constant 0 : i32
    return %arg0, %c0_i32 : i32, i32
  }
  func.func @transform_6(%arg0: i32) -> (i32, i32) {
    %c0_i32 = arith.constant 0 : i32
    %c0_i32_0 = arith.constant 0 : i32
    return %arg0, %c0_i32 : i32, i32
  }
}

module attributes {stable_mosaic.version = 14 : i64} {
  func.func @_mid_body(%arg0: i32, %arg1: memref<200x128xf32, #tpu.memory_space<vmem>>, %arg2: memref<200x128xf32, #tpu.memory_space<vmem>>, %arg3: memref<200x1xf32, #tpu.memory_space<vmem>>, %arg4: memref<200x1xf32, #tpu.memory_space<vmem>>, %arg5: memref<128x128xf32, #tpu.memory_space<vmem>>, %arg6: memref<1x128xf32, #tpu.memory_space<vmem>>, %arg7: memref<200x1xf32, #tpu.memory_space<vmem>>, %arg8: memref<200x128xf32, #tpu.memory_space<vmem>>) attributes {dimension_semantics = [#tpu.dimension_semantics<arbitrary>], iteration_bounds = array<i64: 25>, scalar_prefetch = 0 : i64, scratch_operands = 0 : i64, tpu.core_type = #tpu.core_type<tc>, window_params = [{transform_indices = @transform_0, window_bounds = array<i64: 200, 128>}, {transform_indices = @transform_1, window_bounds = array<i64: 200, 128>}, {transform_indices = @transform_2, window_bounds = array<i64: 200, 1>}, {transform_indices = @transform_3, window_bounds = array<i64: 200, 1>}, {pipeline_mode = #tpu.pipeline_mode<synchronous>, transform_indices = @transform_4, window_bounds = array<i64: 128, 128>}, {pipeline_mode = #tpu.pipeline_mode<synchronous>, transform_indices = @transform_5, window_bounds = array<i64: 1, 128>}, {transform_indices = @transform_6, window_bounds = array<i64: 200, 1>}, {transform_indices = @transform_7, window_bounds = array<i64: 200, 128>}]} {
    %get3A = arith.constant 0 : index
    %get3A_0 = arith.constant 0 : index
    %get3A_1 = vector.load %arg1[%get3A, %get3A_0] : memref<200x128xf32, #tpu.memory_space<vmem>>, vector<200x128xf32>
    %get3A_2 = arith.constant 0 : index
    %get3A_3 = arith.constant 0 : index
    %get3A_4 = vector.load %arg2[%get3A_2, %get3A_3] : memref<200x128xf32, #tpu.memory_space<vmem>>, vector<200x128xf32>
    %add3A = arith.addf %get3A_1, %get3A_4 : vector<200x128xf32>
    %get3A_5 = arith.constant 0 : index
    %get3A_6 = arith.constant 0 : index
    %get3A_7 = vector.load %arg3[%get3A_5, %get3A_6] : memref<200x1xf32, #tpu.memory_space<vmem>>, vector<200x1xf32>
    %get3A_8 = arith.constant 0 : index
    %get3A_9 = arith.constant 0 : index
    %get3A_10 = vector.load %arg4[%get3A_8, %get3A_9] : memref<200x1xf32, #tpu.memory_space<vmem>>, vector<200x1xf32>
    %add3A_11 = arith.addf %get3A_7, %get3A_10 : vector<200x1xf32>
    %max3A = arith.constant 9.99999996E-13 : f32
    %max3A_12 = vector.broadcast %max3A : f32 to vector<200x1xf32>
    %max3A_13 = arith.maximumf %add3A_11, %max3A_12 : vector<200x1xf32>
    %div3A = vector.broadcast %max3A_13 : vector<200x1xf32> to vector<200x128xf32>
    %div3A_14 = arith.divf %add3A, %div3A : vector<200x128xf32>
    %max3A_15 = arith.constant 0.000000e+00 : f32
    %max3A_16 = vector.broadcast %max3A_15 : f32 to vector<200x128xf32>
    %max3A_17 = arith.maximumf %div3A_14, %max3A_16 : vector<200x128xf32>
    %get3A_18 = arith.constant 0 : index
    %get3A_19 = arith.constant 0 : index
    %get3A_20 = vector.load %arg5[%get3A_18, %get3A_19] : memref<128x128xf32, #tpu.memory_space<vmem>>, vector<128x128xf32>
    %dot_general3A = arith.constant dense<0.000000e+00> : vector<200x128xf32>
    %dot_general3A_21 = tpu.matmul %max3A_17, %get3A_20, %dot_general3A {dimension_numbers = #tpu.dot_dimension_numbers<[1], [0], [0], [1], [0, 0, 1, 1], [], []>, transpose_lhs_hint = false} : vector<200x128xf32>, vector<128x128xf32>, vector<200x128xf32> -> vector<200x128xf32>
    %get3A_22 = arith.constant 0 : index
    %get3A_23 = arith.constant 0 : index
    %get3A_24 = vector.load %arg6[%get3A_22, %get3A_23] : memref<1x128xf32, #tpu.memory_space<vmem>>, vector<1x128xf32>
    %add3A_25 = vector.broadcast %get3A_24 : vector<1x128xf32> to vector<200x128xf32>
    %add3A_26 = arith.addf %dot_general3A_21, %add3A_25 : vector<200x128xf32>
    %get3A_27 = arith.constant 0 : index
    %get3A_28 = arith.constant 0 : index
    %get3A_29 = vector.load %arg7[%get3A_27, %get3A_28] : memref<200x1xf32, #tpu.memory_space<vmem>>, vector<200x1xf32>
    %mul3A = vector.broadcast %get3A_29 : vector<200x1xf32> to vector<200x128xf32>
    %mul3A_30 = arith.mulf %add3A_26, %mul3A : vector<200x128xf32>
    %swap3A = arith.constant 0 : index
    %swap3A_31 = arith.constant 0 : index
    %swap3A_32 = vector.load %arg8[%swap3A, %swap3A_31] : memref<200x128xf32, #tpu.memory_space<vmem>>, vector<200x128xf32>
    tpu.vector_store %arg8[%swap3A, %swap3A_31], %mul3A_30 {strides = array<i32>} : memref<200x128xf32, #tpu.memory_space<vmem>>, vector<200x128xf32>,
    return
  }
  func.func @transform_0(%arg0: i32) -> (i32, i32) {
    %c0_i32 = arith.constant 0 : i32
    %c0_i32_0 = arith.constant 0 : i32
    return %arg0, %c0_i32 : i32, i32
  }
  func.func @transform_1(%arg0: i32) -> (i32, i32) {
    %c0_i32 = arith.constant 0 : i32
    %c0_i32_0 = arith.constant 0 : i32
    return %arg0, %c0_i32 : i32, i32
  }
  func.func @transform_2(%arg0: i32) -> (i32, i32) {
    %c0_i32 = arith.constant 0 : i32
    %c0_i32_0 = arith.constant 0 : i32
    return %arg0, %c0_i32 : i32, i32
  }
  func.func @transform_3(%arg0: i32) -> (i32, i32) {
    %c0_i32 = arith.constant 0 : i32
    %c0_i32_0 = arith.constant 0 : i32
    return %arg0, %c0_i32 : i32, i32
  }
  func.func @transform_4(%arg0: i32) -> (i32, i32) {
    %c0_i32 = arith.constant 0 : i32
    %c0_i32_0 = arith.constant 0 : i32
    %c0_i32_1 = arith.constant 0 : i32
    return %c0_i32, %c0_i32_0 : i32, i32
  }
  func.func @transform_5(%arg0: i32) -> (i32, i32) {
    %c0_i32 = arith.constant 0 : i32
    %c0_i32_0 = arith.constant 0 : i32
    %c0_i32_1 = arith.constant 0 : i32
    return %c0_i32, %c0_i32_0 : i32, i32
  }
  func.func @transform_6(%arg0: i32) -> (i32, i32) {
    %c0_i32 = arith.constant 0 : i32
    %c0_i32_0 = arith.constant 0 : i32
    return %arg0, %c0_i32 : i32, i32
  }
  func.func @transform_7(%arg0: i32) -> (i32, i32) {
    %c0_i32 = arith.constant 0 : i32
    %c0_i32_0 = arith.constant 0 : i32
    return %arg0, %c0_i32 : i32, i32
  }
}

module attributes {stable_mosaic.version = 14 : i64} {
  func.func @_mid_body(%arg0: i32, %arg1: memref<400x128xf32, #tpu.memory_space<vmem>>, %arg2: memref<400x128xf32, #tpu.memory_space<vmem>>, %arg3: memref<400x1xf32, #tpu.memory_space<vmem>>, %arg4: memref<400x1xf32, #tpu.memory_space<vmem>>, %arg5: memref<128x128xf32, #tpu.memory_space<vmem>>, %arg6: memref<1x128xf32, #tpu.memory_space<vmem>>, %arg7: memref<400x1xf32, #tpu.memory_space<vmem>>, %arg8: memref<400x128xf32, #tpu.memory_space<vmem>>) attributes {dimension_semantics = [#tpu.dimension_semantics<arbitrary>], iteration_bounds = array<i64: 25>, scalar_prefetch = 0 : i64, scratch_operands = 0 : i64, tpu.core_type = #tpu.core_type<tc>, window_params = [{transform_indices = @transform_0, window_bounds = array<i64: 400, 128>}, {transform_indices = @transform_1, window_bounds = array<i64: 400, 128>}, {transform_indices = @transform_2, window_bounds = array<i64: 400, 1>}, {transform_indices = @transform_3, window_bounds = array<i64: 400, 1>}, {pipeline_mode = #tpu.pipeline_mode<synchronous>, transform_indices = @transform_4, window_bounds = array<i64: 128, 128>}, {pipeline_mode = #tpu.pipeline_mode<synchronous>, transform_indices = @transform_5, window_bounds = array<i64: 1, 128>}, {transform_indices = @transform_6, window_bounds = array<i64: 400, 1>}, {transform_indices = @transform_7, window_bounds = array<i64: 400, 128>}]} {
    %get3A = arith.constant 0 : index
    %get3A_0 = arith.constant 0 : index
    %get3A_1 = vector.load %arg1[%get3A, %get3A_0] : memref<400x128xf32, #tpu.memory_space<vmem>>, vector<400x128xf32>
    %get3A_2 = arith.constant 0 : index
    %get3A_3 = arith.constant 0 : index
    %get3A_4 = vector.load %arg2[%get3A_2, %get3A_3] : memref<400x128xf32, #tpu.memory_space<vmem>>, vector<400x128xf32>
    %add3A = arith.addf %get3A_1, %get3A_4 : vector<400x128xf32>
    %get3A_5 = arith.constant 0 : index
    %get3A_6 = arith.constant 0 : index
    %get3A_7 = vector.load %arg3[%get3A_5, %get3A_6] : memref<400x1xf32, #tpu.memory_space<vmem>>, vector<400x1xf32>
    %get3A_8 = arith.constant 0 : index
    %get3A_9 = arith.constant 0 : index
    %get3A_10 = vector.load %arg4[%get3A_8, %get3A_9] : memref<400x1xf32, #tpu.memory_space<vmem>>, vector<400x1xf32>
    %add3A_11 = arith.addf %get3A_7, %get3A_10 : vector<400x1xf32>
    %max3A = arith.constant 9.99999996E-13 : f32
    %max3A_12 = vector.broadcast %max3A : f32 to vector<400x1xf32>
    %max3A_13 = arith.maximumf %add3A_11, %max3A_12 : vector<400x1xf32>
    %div3A = vector.broadcast %max3A_13 : vector<400x1xf32> to vector<400x128xf32>
    %div3A_14 = arith.divf %add3A, %div3A : vector<400x128xf32>
    %max3A_15 = arith.constant 0.000000e+00 : f32
    %max3A_16 = vector.broadcast %max3A_15 : f32 to vector<400x128xf32>
    %max3A_17 = arith.maximumf %div3A_14, %max3A_16 : vector<400x128xf32>
    %get3A_18 = arith.constant 0 : index
    %get3A_19 = arith.constant 0 : index
    %get3A_20 = vector.load %arg5[%get3A_18, %get3A_19] : memref<128x128xf32, #tpu.memory_space<vmem>>, vector<128x128xf32>
    %dot_general3A = arith.constant dense<0.000000e+00> : vector<400x128xf32>
    %dot_general3A_21 = tpu.matmul %max3A_17, %get3A_20, %dot_general3A {dimension_numbers = #tpu.dot_dimension_numbers<[1], [0], [0], [1], [0, 0, 1, 1], [], []>, transpose_lhs_hint = false} : vector<400x128xf32>, vector<128x128xf32>, vector<400x128xf32> -> vector<400x128xf32>
    %get3A_22 = arith.constant 0 : index
    %get3A_23 = arith.constant 0 : index
    %get3A_24 = vector.load %arg6[%get3A_22, %get3A_23] : memref<1x128xf32, #tpu.memory_space<vmem>>, vector<1x128xf32>
    %add3A_25 = vector.broadcast %get3A_24 : vector<1x128xf32> to vector<400x128xf32>
    %add3A_26 = arith.addf %dot_general3A_21, %add3A_25 : vector<400x128xf32>
    %get3A_27 = arith.constant 0 : index
    %get3A_28 = arith.constant 0 : index
    %get3A_29 = vector.load %arg7[%get3A_27, %get3A_28] : memref<400x1xf32, #tpu.memory_space<vmem>>, vector<400x1xf32>
    %mul3A = vector.broadcast %get3A_29 : vector<400x1xf32> to vector<400x128xf32>
    %mul3A_30 = arith.mulf %add3A_26, %mul3A : vector<400x128xf32>
    %swap3A = arith.constant 0 : index
    %swap3A_31 = arith.constant 0 : index
    %swap3A_32 = vector.load %arg8[%swap3A, %swap3A_31] : memref<400x128xf32, #tpu.memory_space<vmem>>, vector<400x128xf32>
    tpu.vector_store %arg8[%swap3A, %swap3A_31], %mul3A_30 {strides = array<i32>} : memref<400x128xf32, #tpu.memory_space<vmem>>, vector<400x128xf32>,
    return
  }
  func.func @transform_0(%arg0: i32) -> (i32, i32) {
    %c0_i32 = arith.constant 0 : i32
    %c0_i32_0 = arith.constant 0 : i32
    return %arg0, %c0_i32 : i32, i32
  }
  func.func @transform_1(%arg0: i32) -> (i32, i32) {
    %c0_i32 = arith.constant 0 : i32
    %c0_i32_0 = arith.constant 0 : i32
    return %arg0, %c0_i32 : i32, i32
  }
  func.func @transform_2(%arg0: i32) -> (i32, i32) {
    %c0_i32 = arith.constant 0 : i32
    %c0_i32_0 = arith.constant 0 : i32
    return %arg0, %c0_i32 : i32, i32
  }
  func.func @transform_3(%arg0: i32) -> (i32, i32) {
    %c0_i32 = arith.constant 0 : i32
    %c0_i32_0 = arith.constant 0 : i32
    return %arg0, %c0_i32 : i32, i32
  }
  func.func @transform_4(%arg0: i32) -> (i32, i32) {
    %c0_i32 = arith.constant 0 : i32
    %c0_i32_0 = arith.constant 0 : i32
    %c0_i32_1 = arith.constant 0 : i32
    return %c0_i32, %c0_i32_0 : i32, i32
  }
  func.func @transform_5(%arg0: i32) -> (i32, i32) {
    %c0_i32 = arith.constant 0 : i32
    %c0_i32_0 = arith.constant 0 : i32
    %c0_i32_1 = arith.constant 0 : i32
    return %c0_i32, %c0_i32_0 : i32, i32
  }
  func.func @transform_6(%arg0: i32) -> (i32, i32) {
    %c0_i32 = arith.constant 0 : i32
    %c0_i32_0 = arith.constant 0 : i32
    return %arg0, %c0_i32 : i32, i32
  }
  func.func @transform_7(%arg0: i32) -> (i32, i32) {
    %c0_i32 = arith.constant 0 : i32
    %c0_i32_0 = arith.constant 0 : i32
    return %arg0, %c0_i32 : i32, i32
  }
}

module attributes {stable_mosaic.version = 14 : i64} {
  func.func @_mid_keep_body(%arg0: i32, %arg1: memref<200x128xf32, #tpu.memory_space<vmem>>, %arg2: memref<200x128xf32, #tpu.memory_space<vmem>>, %arg3: memref<200x1xf32, #tpu.memory_space<vmem>>, %arg4: memref<200x1xf32, #tpu.memory_space<vmem>>, %arg5: memref<128x128xf32, #tpu.memory_space<vmem>>, %arg6: memref<1x128xf32, #tpu.memory_space<vmem>>, %arg7: memref<200x1xf32, #tpu.memory_space<vmem>>, %arg8: memref<200x128xf32, #tpu.memory_space<vmem>>, %arg9: memref<200x128xf32, #tpu.memory_space<vmem>>) attributes {dimension_semantics = [#tpu.dimension_semantics<arbitrary>], iteration_bounds = array<i64: 25>, scalar_prefetch = 0 : i64, scratch_operands = 0 : i64, tpu.core_type = #tpu.core_type<tc>, window_params = [{transform_indices = @transform_0, window_bounds = array<i64: 200, 128>}, {transform_indices = @transform_1, window_bounds = array<i64: 200, 128>}, {transform_indices = @transform_2, window_bounds = array<i64: 200, 1>}, {transform_indices = @transform_3, window_bounds = array<i64: 200, 1>}, {pipeline_mode = #tpu.pipeline_mode<synchronous>, transform_indices = @transform_4, window_bounds = array<i64: 128, 128>}, {pipeline_mode = #tpu.pipeline_mode<synchronous>, transform_indices = @transform_5, window_bounds = array<i64: 1, 128>}, {transform_indices = @transform_6, window_bounds = array<i64: 200, 1>}, {transform_indices = @transform_7, window_bounds = array<i64: 200, 128>}, {transform_indices = @transform_8, window_bounds = array<i64: 200, 128>}]} {
    %get3A = arith.constant 0 : index
    %get3A_0 = arith.constant 0 : index
    %get3A_1 = vector.load %arg1[%get3A, %get3A_0] : memref<200x128xf32, #tpu.memory_space<vmem>>, vector<200x128xf32>
    %get3A_2 = arith.constant 0 : index
    %get3A_3 = arith.constant 0 : index
    %get3A_4 = vector.load %arg2[%get3A_2, %get3A_3] : memref<200x128xf32, #tpu.memory_space<vmem>>, vector<200x128xf32>
    %add3A = arith.addf %get3A_1, %get3A_4 : vector<200x128xf32>
    %get3A_5 = arith.constant 0 : index
    %get3A_6 = arith.constant 0 : index
    %get3A_7 = vector.load %arg3[%get3A_5, %get3A_6] : memref<200x1xf32, #tpu.memory_space<vmem>>, vector<200x1xf32>
    %get3A_8 = arith.constant 0 : index
    %get3A_9 = arith.constant 0 : index
    %get3A_10 = vector.load %arg4[%get3A_8, %get3A_9] : memref<200x1xf32, #tpu.memory_space<vmem>>, vector<200x1xf32>
    %add3A_11 = arith.addf %get3A_7, %get3A_10 : vector<200x1xf32>
    %max3A = arith.constant 9.99999996E-13 : f32
    %max3A_12 = vector.broadcast %max3A : f32 to vector<200x1xf32>
    %max3A_13 = arith.maximumf %add3A_11, %max3A_12 : vector<200x1xf32>
    %div3A = vector.broadcast %max3A_13 : vector<200x1xf32> to vector<200x128xf32>
    %div3A_14 = arith.divf %add3A, %div3A : vector<200x128xf32>
    %max3A_15 = arith.constant 0.000000e+00 : f32
    %max3A_16 = vector.broadcast %max3A_15 : f32 to vector<200x128xf32>
    %max3A_17 = arith.maximumf %div3A_14, %max3A_16 : vector<200x128xf32>
    %swap3A = arith.constant 0 : index
    %swap3A_18 = arith.constant 0 : index
    %swap3A_19 = vector.load %arg8[%swap3A, %swap3A_18] : memref<200x128xf32, #tpu.memory_space<vmem>>, vector<200x128xf32>
    tpu.vector_store %arg8[%swap3A, %swap3A_18], %max3A_17 {strides = array<i32>} : memref<200x128xf32, #tpu.memory_space<vmem>>, vector<200x128xf32>,
    %get3A_20 = arith.constant 0 : index
    %get3A_21 = arith.constant 0 : index
    %get3A_22 = vector.load %arg5[%get3A_20, %get3A_21] : memref<128x128xf32, #tpu.memory_space<vmem>>, vector<128x128xf32>
    %dot_general3A = arith.constant dense<0.000000e+00> : vector<200x128xf32>
    %dot_general3A_23 = tpu.matmul %max3A_17, %get3A_22, %dot_general3A {dimension_numbers = #tpu.dot_dimension_numbers<[1], [0], [0], [1], [0, 0, 1, 1], [], []>, transpose_lhs_hint = false} : vector<200x128xf32>, vector<128x128xf32>, vector<200x128xf32> -> vector<200x128xf32>
    %get3A_24 = arith.constant 0 : index
    %get3A_25 = arith.constant 0 : index
    %get3A_26 = vector.load %arg6[%get3A_24, %get3A_25] : memref<1x128xf32, #tpu.memory_space<vmem>>, vector<1x128xf32>
    %add3A_27 = vector.broadcast %get3A_26 : vector<1x128xf32> to vector<200x128xf32>
    %add3A_28 = arith.addf %dot_general3A_23, %add3A_27 : vector<200x128xf32>
    %get3A_29 = arith.constant 0 : index
    %get3A_30 = arith.constant 0 : index
    %get3A_31 = vector.load %arg7[%get3A_29, %get3A_30] : memref<200x1xf32, #tpu.memory_space<vmem>>, vector<200x1xf32>
    %mul3A = vector.broadcast %get3A_31 : vector<200x1xf32> to vector<200x128xf32>
    %mul3A_32 = arith.mulf %add3A_28, %mul3A : vector<200x128xf32>
    %swap3A_33 = arith.constant 0 : index
    %swap3A_34 = arith.constant 0 : index
    %swap3A_35 = vector.load %arg9[%swap3A_33, %swap3A_34] : memref<200x128xf32, #tpu.memory_space<vmem>>, vector<200x128xf32>
    tpu.vector_store %arg9[%swap3A_33, %swap3A_34], %mul3A_32 {strides = array<i32>} : memref<200x128xf32, #tpu.memory_space<vmem>>, vector<200x128xf32>,
    return
  }
  func.func @transform_0(%arg0: i32) -> (i32, i32) {
    %c0_i32 = arith.constant 0 : i32
    %c0_i32_0 = arith.constant 0 : i32
    return %arg0, %c0_i32 : i32, i32
  }
  func.func @transform_1(%arg0: i32) -> (i32, i32) {
    %c0_i32 = arith.constant 0 : i32
    %c0_i32_0 = arith.constant 0 : i32
    return %arg0, %c0_i32 : i32, i32
  }
  func.func @transform_2(%arg0: i32) -> (i32, i32) {
    %c0_i32 = arith.constant 0 : i32
    %c0_i32_0 = arith.constant 0 : i32
    return %arg0, %c0_i32 : i32, i32
  }
  func.func @transform_3(%arg0: i32) -> (i32, i32) {
    %c0_i32 = arith.constant 0 : i32
    %c0_i32_0 = arith.constant 0 : i32
    return %arg0, %c0_i32 : i32, i32
  }
  func.func @transform_4(%arg0: i32) -> (i32, i32) {
    %c0_i32 = arith.constant 0 : i32
    %c0_i32_0 = arith.constant 0 : i32
    %c0_i32_1 = arith.constant 0 : i32
    return %c0_i32, %c0_i32_0 : i32, i32
  }
  func.func @transform_5(%arg0: i32) -> (i32, i32) {
    %c0_i32 = arith.constant 0 : i32
    %c0_i32_0 = arith.constant 0 : i32
    %c0_i32_1 = arith.constant 0 : i32
    return %c0_i32, %c0_i32_0 : i32, i32
  }
  func.func @transform_6(%arg0: i32) -> (i32, i32) {
    %c0_i32 = arith.constant 0 : i32
    %c0_i32_0 = arith.constant 0 : i32
    return %arg0, %c0_i32 : i32, i32
  }
  func.func @transform_7(%arg0: i32) -> (i32, i32) {
    %c0_i32 = arith.constant 0 : i32
    %c0_i32_0 = arith.constant 0 : i32
    return %arg0, %c0_i32 : i32, i32
  }
  func.func @transform_8(%arg0: i32) -> (i32, i32) {
    %c0_i32 = arith.constant 0 : i32
    %c0_i32_0 = arith.constant 0 : i32
    return %arg0, %c0_i32 : i32, i32
  }
}

module attributes {stable_mosaic.version = 14 : i64} {
  func.func @_out_body(%arg0: i32, %arg1: memref<400x128xf32, #tpu.memory_space<vmem>>, %arg2: memref<400x128xf32, #tpu.memory_space<vmem>>, %arg3: memref<400x1xf32, #tpu.memory_space<vmem>>, %arg4: memref<400x1xf32, #tpu.memory_space<vmem>>, %arg5: memref<128x128xf32, #tpu.memory_space<vmem>>, %arg6: memref<1x128xf32, #tpu.memory_space<vmem>>, %arg7: memref<400x128xf32, #tpu.memory_space<vmem>>) attributes {dimension_semantics = [#tpu.dimension_semantics<arbitrary>], iteration_bounds = array<i64: 25>, scalar_prefetch = 0 : i64, scratch_operands = 0 : i64, tpu.core_type = #tpu.core_type<tc>, window_params = [{transform_indices = @transform_0, window_bounds = array<i64: 400, 128>}, {transform_indices = @transform_1, window_bounds = array<i64: 400, 128>}, {transform_indices = @transform_2, window_bounds = array<i64: 400, 1>}, {transform_indices = @transform_3, window_bounds = array<i64: 400, 1>}, {pipeline_mode = #tpu.pipeline_mode<synchronous>, transform_indices = @transform_4, window_bounds = array<i64: 128, 128>}, {pipeline_mode = #tpu.pipeline_mode<synchronous>, transform_indices = @transform_5, window_bounds = array<i64: 1, 128>}, {transform_indices = @transform_6, window_bounds = array<i64: 400, 128>}]} {
    %get3A = arith.constant 0 : index
    %get3A_0 = arith.constant 0 : index
    %get3A_1 = vector.load %arg1[%get3A, %get3A_0] : memref<400x128xf32, #tpu.memory_space<vmem>>, vector<400x128xf32>
    %get3A_2 = arith.constant 0 : index
    %get3A_3 = arith.constant 0 : index
    %get3A_4 = vector.load %arg2[%get3A_2, %get3A_3] : memref<400x128xf32, #tpu.memory_space<vmem>>, vector<400x128xf32>
    %add3A = arith.addf %get3A_1, %get3A_4 : vector<400x128xf32>
    %get3A_5 = arith.constant 0 : index
    %get3A_6 = arith.constant 0 : index
    %get3A_7 = vector.load %arg3[%get3A_5, %get3A_6] : memref<400x1xf32, #tpu.memory_space<vmem>>, vector<400x1xf32>
    %get3A_8 = arith.constant 0 : index
    %get3A_9 = arith.constant 0 : index
    %get3A_10 = vector.load %arg4[%get3A_8, %get3A_9] : memref<400x1xf32, #tpu.memory_space<vmem>>, vector<400x1xf32>
    %add3A_11 = arith.addf %get3A_7, %get3A_10 : vector<400x1xf32>
    %max3A = arith.constant 9.99999996E-13 : f32
    %max3A_12 = vector.broadcast %max3A : f32 to vector<400x1xf32>
    %max3A_13 = arith.maximumf %add3A_11, %max3A_12 : vector<400x1xf32>
    %div3A = vector.broadcast %max3A_13 : vector<400x1xf32> to vector<400x128xf32>
    %div3A_14 = arith.divf %add3A, %div3A : vector<400x128xf32>
    %max3A_15 = arith.constant 0.000000e+00 : f32
    %max3A_16 = vector.broadcast %max3A_15 : f32 to vector<400x128xf32>
    %max3A_17 = arith.maximumf %div3A_14, %max3A_16 : vector<400x128xf32>
    %get3A_18 = arith.constant 0 : index
    %get3A_19 = arith.constant 0 : index
    %get3A_20 = vector.load %arg5[%get3A_18, %get3A_19] : memref<128x128xf32, #tpu.memory_space<vmem>>, vector<128x128xf32>
    %dot_general3A = arith.constant dense<0.000000e+00> : vector<400x128xf32>
    %dot_general3A_21 = tpu.matmul %max3A_17, %get3A_20, %dot_general3A {dimension_numbers = #tpu.dot_dimension_numbers<[1], [0], [0], [1], [0, 0, 1, 1], [], []>, transpose_lhs_hint = false} : vector<400x128xf32>, vector<128x128xf32>, vector<400x128xf32> -> vector<400x128xf32>
    %get3A_22 = arith.constant 0 : index
    %get3A_23 = arith.constant 0 : index
    %get3A_24 = vector.load %arg6[%get3A_22, %get3A_23] : memref<1x128xf32, #tpu.memory_space<vmem>>, vector<1x128xf32>
    %add3A_25 = vector.broadcast %get3A_24 : vector<1x128xf32> to vector<400x128xf32>
    %add3A_26 = arith.addf %dot_general3A_21, %add3A_25 : vector<400x128xf32>
    %swap3A = arith.constant 0 : index
    %swap3A_27 = arith.constant 0 : index
    %swap3A_28 = vector.load %arg7[%swap3A, %swap3A_27] : memref<400x128xf32, #tpu.memory_space<vmem>>, vector<400x128xf32>
    tpu.vector_store %arg7[%swap3A, %swap3A_27], %add3A_26 {strides = array<i32>} : memref<400x128xf32, #tpu.memory_space<vmem>>, vector<400x128xf32>,
    return
  }
  func.func @transform_0(%arg0: i32) -> (i32, i32) {
    %c0_i32 = arith.constant 0 : i32
    %c0_i32_0 = arith.constant 0 : i32
    return %arg0, %c0_i32 : i32, i32
  }
  func.func @transform_1(%arg0: i32) -> (i32, i32) {
    %c0_i32 = arith.constant 0 : i32
    %c0_i32_0 = arith.constant 0 : i32
    return %arg0, %c0_i32 : i32, i32
  }
  func.func @transform_2(%arg0: i32) -> (i32, i32) {
    %c0_i32 = arith.constant 0 : i32
    %c0_i32_0 = arith.constant 0 : i32
    return %arg0, %c0_i32 : i32, i32
  }
  func.func @transform_3(%arg0: i32) -> (i32, i32) {
    %c0_i32 = arith.constant 0 : i32
    %c0_i32_0 = arith.constant 0 : i32
    return %arg0, %c0_i32 : i32, i32
  }
  func.func @transform_4(%arg0: i32) -> (i32, i32) {
    %c0_i32 = arith.constant 0 : i32
    %c0_i32_0 = arith.constant 0 : i32
    %c0_i32_1 = arith.constant 0 : i32
    return %c0_i32, %c0_i32_0 : i32, i32
  }
  func.func @transform_5(%arg0: i32) -> (i32, i32) {
    %c0_i32 = arith.constant 0 : i32
    %c0_i32_0 = arith.constant 0 : i32
    %c0_i32_1 = arith.constant 0 : i32
    return %c0_i32, %c0_i32_0 : i32, i32
  }
  func.func @transform_6(%arg0: i32) -> (i32, i32) {
    %c0_i32 = arith.constant 0 : i32
    %c0_i32_0 = arith.constant 0 : i32
    return %arg0, %c0_i32 : i32, i32
  }
}

</mosaic_0001>

<sc_bundles>
// kernel: kernel.14.cloned.1.call-start
scs
__scs_entry_jumppad:
0x0: {  	(pc) =	sbr.rel $0x88, $3  }
0x1: {  	(tag) =	ssettag $0x0;
	lr =	simm.s32 $0x1  }
0x2: {  	[smem:$0x3F92] =	sst lr;
	_ =	strace $0xD0000000  }
0x3: {  	_ = 	snop  }
0x4: {  	_ = 	snop  }
0x5: {  	_ = 	snop  }
0x6: {  	_ = 	snop  }
0x7: {  	_ = 	snop  }
__scs_overlays_trampoline_lowered:
0x8: {  	[smem:$0x3FA1] =	sst s0  }
0x9: {  	[smem:$0x3FA2] =	sst s1  }
0xa: {  	[smem:$0x3FA3] =	sst s2  }
0xb: {  	[smem:$0x3FA4] =	sst s3  }
0xc: {  	[smem:$0x3FA5] =	sst s4  }
0xd: {  	[smem:$0x3FA6] =	sst s5  }
0xe: {  	[smem:$0x3FA7] =	sst s6  }
0xf: {  	[smem:$0x3FA8] =	sst s7  }
0x10: {  	[smem:$0x3FA9] =	sst s8  }
0x11: {  	[smem:$0x3FAA] =	sst s9;
	s0 =	simm.s32 @!p0 $0x0  }
0x12: {  	s1 =	sld [smem:$0x3F90];
	s0 =	simm.s32 @p0 $0x1  }
0x13: {  	[smem:$0x3FAB] =	sst s0;
	s0 =	simm.s32 @!p1 $0x0  }
0x14: {  	s2 =	sld [smem:$0x3F8F];
	s0 =	simm.s32 @p1 $0x1  }
0x15: {  	[smem:$0x3FAC] =	sst s0;
	s0 =	simm.s32 @!p2 $0x0  }
0x16: {  	s3 =	sld [smem:$0x3FDB];
	s0 =	simm.s32 @p2 $0x1  }
0x17: {  	s4 =	simm.s32 $0x1BF5;
	[smem:$0x3FAE] =	sst s0  }
0x18: {  	s0 =	sld [smem:$0x3F91];
	_ =	swait.ge [sflag:s4], $0x0  }
0x19: {  	s7 =	sld [smem:$0x3F92]  }
0x1a: {  	s8 =	sadd.s32 $0xFFFFE003, lr  }
0x1b: {  	s9 =	sadd.s32 $0xFFFFFEF7, lr;
	s5 =	simm.s32 $0xFFFFFFFF;
	p2 =	slt.u32 s8, $0xFFFFF086  }
0x1c: {  	p1 =	slt.u32 s9, $0xF7A;
	s5 =	simm.s32 @!p2 $0x0  }
0x1d: {  	s5 =	simm.s32 @p1 $0x1;
	p0 =	seq.s32 s7, s2  }
0x1e: {  	s7 =	smul.u32 @!p0 $0xF7A, s2;
	p2 =	seq.s32 @!p0 s5, $0x0  }
0x1f: {  	s9 =	smul.u32 $0xF7A, s1;
	s8 =	simm.s32 @!p0 $0x1BF5;
	p2 =	por !p2, p0  }
0x20: {  	[sflag:s8] =	ssyncset.s32 @!p0 $0xFFFFF086;
	s6 =	sadd.s32 @!p0 s3, s7;
	s7 =	simm.s32 @!p0 $0x108  }
0x21: {  	s3 =	sadd.s32 s3, s9;
	s6 =	sadd.s32 @!p0 $0x88, s6;
	s7 =	simm.s32 @p2 $0x1082  }
0x22: {  	[simem:s7], [sflag:s8] =	dma.local @!p0 [hbm:s6], $0xF7A  }
0x23: {  	s9 =	sor.u32 $0xD0000000, s2;
	s6 =	simm.s32 $0x108;
	_ =	swait.ge @!p0 [sflag:s8], $0x0  }
0x24: {  	s3 =	sadd.s32 $0x88, s3;
	s6 =	simm.s32 @!p1 $0x1082;
	[sflag:s4] =	ssyncset.s32 $0xFFFFF086  }
0x25: {  	[simem:s6], [sflag:s4] =	dma.local [hbm:s3], $0xF7A  }
0x26: {  	[smem:$0x3F92] =	sst s1;
	(tag) =	ssettag s2;
	_ =	strace s9  }
0x27: {  	s1 =	sld [smem:$0x3FA2]  }
0x28: {  	s2 =	sld [smem:$0x3FA3]  }
0x29: {  	s4 =	sld [smem:$0x3FA5]  }
0x2a: {  	p0 =	seq.s32 s5, $0x0;
	s5 =	sld [smem:$0x3FA6]  }
0x2b: {  	s6 =	sld [smem:$0x3FA7]  }
0x2c: {  	s7 =	sld [smem:$0x3FA8]  }
0x2d: {  	s3 =	simm.s32 $0x108;
	s8 =	sld [smem:$0x3FA9]  }
0x2e: {  	s3 =	simm.s32 @!p0 $0x1082;
	s9 =	sld [smem:$0x3FAA]  }
0x2f: {  	lr =	sadd.s32 s0, s3;
	s0 =	sld [smem:$0x3FA1]  }
0x30: {  	s3 =	sld [smem:$0x3FA4]  }
0x31: {  	[smem:$0x3FAD] =	sst s10  }
0x32: {  	s10 =	sld [smem:$0x3FAB];
	_ =	sdelay $0x3  }
0x33: {  	p0 =	seq.s32 s10, $0x1;
	s10 =	sld [smem:$0x3FAD];
	_ =	sdelay $0x3  }
0x34: {  	[smem:$0x3FAD] =	sst s10  }
0x35: {  	s10 =	sld [smem:$0x3FAC];
	_ =	sdelay $0x3  }
0x36: {  	p1 =	seq.s32 s10, $0x1;
	s10 =	sld [smem:$0x3FAD];
	_ =	sdelay $0x3  }
0x37: {  	[smem:$0x3FAD] =	sst s10  }
0x38: {  	s10 =	sld [smem:$0x3FAE]  }
0x39: {  	_ = 	snop;
	(pc) =	sbr.ind lr, $3  }
0x3a: {  	_ = 	snop  }
0x3b: {  	_ = 	snop  }
0x3c: {  	p2 =	seq.s32 s10, $0x1;
	s10 =	sld [smem:$0x3FAD]  }
0x3d: {  	_ =	shalt  }
0x3e: {  	_ =	shalt  }
0x3f: {  	_ =	shalt  }
0x40: {  	_ =	shalt  }
0x41: {  	_ =	shalt  }
0x42: {  	_ =	shalt  }
0x43: {  	_ =	shalt  }
0x44: {  	_ =	shalt  }
0x45: {  	_ =	shalt  }
0x46: {  	_ =	shalt  }
0x47: {  	_ =	shalt  }
0x48: {  	_ =	shalt  }
0x49: {  	_ =	shalt  }
0x4a: {  	_ =	shalt  }
0x4b: {  	_ =	shalt  }
0x4c: {  	_ =	shalt  }
0x4d: {  	_ =	shalt  }
0x4e: {  	_ =	shalt  }
0x4f: {  	_ =	shalt  }
0x50: {  	_ =	shalt  }
0x51: {  	_ =	shalt  }
0x52: {  	_ =	shalt  }
0x53: {  	_ =	shalt  }
0x54: {  	_ =	shalt  }
0x55: {  	_ =	shalt  }
0x56: {  	_ =	shalt  }
0x57: {  	_ =	shalt  }
0x58: {  	_ =	shalt  }
0x59: {  	_ =	shalt  }
0x5a: {  	_ =	shalt  }
0x5b: {  	_ =	shalt  }
0x5c: {  	_ =	shalt  }
0x5d: {  	_ =	shalt  }
0x5e: {  	_ =	shalt  }
0x5f: {  	_ =	shalt  }
0x60: {  	_ =	shalt  }
0x61: {  	_ =	shalt  }
0x62: {  	_ =	shalt  }
0x63: {  	_ =	shalt  }
0x64: {  	_ =	shalt  }
0x65: {  	_ =	shalt  }
0x66: {  	_ =	shalt  }
0x67: {  	_ =	shalt  }
0x68: {  	_ =	shalt  }
0x69: {  	_ =	shalt  }
0x6a: {  	_ =	shalt  }
0x6b: {  	_ =	shalt  }
0x6c: {  	_ =	shalt  }
0x6d: {  	_ =	shalt  }
0x6e: {  	_ =	shalt  }
0x6f: {  	_ =	shalt  }
0x70: {  	_ =	shalt  }
0x71: {  	_ =	shalt  }
0x72: {  	_ =	shalt  }
0x73: {  	_ =	shalt  }
0x74: {  	_ =	shalt  }
0x75: {  	_ =	shalt  }
0x76: {  	_ =	shalt  }
0x77: {  	_ =	shalt  }
0x78: {  	_ =	shalt  }
0x79: {  	_ =	shalt  }
0x7a: {  	_ =	shalt  }
0x7b: {  	_ =	shalt  }
0x7c: {  	_ =	shalt  }
0x7d: {  	_ =	shalt  }
0x7e: {  	_ =	shalt  }
0x7f: {  	_ =	shalt  }
0x80: {  	_ =	shalt  }
0x81: {  	_ =	shalt  }
0x82: {  	_ =	shalt  }
0x83: {  	_ =	shalt  }
0x84: {  	_ =	shalt  }
0x85: {  	_ =	shalt  }
0x86: {  	_ =	shalt  }
0x87: {  	_ =	shalt  }
.Lfunc_end0:
.L_simem_size_0:
called_computation_lowered:
.L_overlay_start_0:
0x88: {  	s2 =	sld [smem:$0x3FD9]  }
0x89: {  	s3 =	sld [smem:$0x3FFE];
	_ =	sdelay $0x1  }
0x8a: {  	s1 =	srdreg.scid  }
0x8b: {  	s0 =	sand.u32 $0x1, s1  }
0x8c: {  	s15 =	sshll.u32 s0, $0xA;
	s2 =	sadd.s32 s3, s2  }
0x8d: {  	s2 =	sadd.s32 s2, s15  }
0x8e: {  	[smem:$0x3FB9] =	sst s2  }
0x8f: {  	_ = 	snop  }
0x90: {  	s2 =	sld [smem:$0x3FD0];
	_ =	sdelay $0x1  }
0x91: {  	s16 =	sld [smem:$0x3FC8]  }
0x92: {  	s5 =	simm.s32 $0xB;
	s6 =	simm.s32 $0x10;
	s4 =	sld [smem:$0x3FC7]  }
0x93: {  	[smem:s6], [sflag:s5] =	dma.local [hbm:s2], $0x1  }
0x94: {  	_ =	swait.eq [sflag:s5], $0x1  }
0x95: {  	[sflag:s5] =	ssyncset.done $0x0  }
0x96: {  	s17 =	sld [smem:$0x10];
	[sflag:s5] =	ssyncadd.s32 $0xFFFFFFFF  }
0x97: {  	s18 =	sld [smem:$0x11];
	(tm) =	ssettm $0x1  }
0x98: {  	s19 =	sld [smem:$0x3FFB];
	_ =	sdelay $0x3  }
0x99: {  	_ =	strace s19  }
0x9a: {  	s6 =	sld [smem:$0x3FFC];
	_ =	sdelay $0x3  }
0x9b: {  	_ =	strace s6  }
0x9c: {  	s6 =	sld [smem:$0x3FFD];
	_ =	sdelay $0x3  }
0x9d: {  	_ =	strace s6  }
0x9e: {  	_ =	strace $0x8FFFFFFF  }
0x9f: {  	s20 =	sld [smem:$0x3FDB];
	_ =	sdelay $0x1  }
0xa0: {  	s7 =	simm.s32 $_scs_section_size  }
0xa1: {  	s8 =	simm.s32 $_size__tile_overlayer_lowered;
	s9 =	simm.s32 $_tile_overlayer_lowered  }
0xa2: {  	s23 =	simm.s32 $0x1BFF;
	s22 =	sshll.u32 s9, $0x1;
	s6 =	sadd.s32 s7, s20  }
0xa3: {  	s10 =	simm.s32 $0x0;
	s21 =	sshll.u32 s8, $0x1;
	s8 =	sadd.s32 s22, s6  }
0xa4: {  	[timem:s10], [sflag:s23] =	dma.local [hbm:s8], s21  }
0xa5: {  	_ =	swait.ge [sflag:s23], s21  }
0xa6: {  	s7 =	ssub.s32 $0x0, s21;
	[sflag:s23] =	ssyncset.done $0x0  }
0xa7: {  	[sflag:s23] =	ssyncadd.s32 s7;
	_ =	sdelay $0x1  }
0xa8: {  	s24 =	simm.s32 $0x1B8B  }
0xa9: {  	_ =	swait.ge [sflag:s24], $0x1  }
0xaa: {  	[sflag:s24] =	ssyncset.done $0x0  }
0xab: {  	s25 =	simm.s32 $0x1B8E;
	[sflag:s24] =	ssyncadd.s32 $0xFFFFFFFF  }
0xac: {  	s26 =	simm.s32 $execute0_lowered;
	[smem:$0x3FD2] =	sst s25  }
0xad: {  	s7 =	sshll.u32 s26, $0x1;
	_ =	strace $0x80000046;
	[dreg:$0x1] =	wrdreg $0xFFFFFFFF  }
0xae: {  	s28 =	simm.s32 $_size_execute0_lowered;
	s6 =	sadd.s32 s6, s7;
	[dreg:$0x0] =	wrdreg $0x0  }
0xaf: {  	s7 =	sshll.u32 s28, $0x1;
	[dreg:$0x2] =	wrdreg s6  }
0xb0: {  	[dreg:$0x3] =	wrdreg s7  }
0xb1: {  	[dreg:$0x4] =	wrdreg $0xC0  }
0xb2: {  	_ =	task [dreg:s10], $0x5FFFF  }
0xb3: {  	[dreg:$0x1] =	wrdreg $0xFFFFFFFF  }
0xb4: {  	[dreg:$0x0] =	wrdreg $0x60  }
0xb5: {  	[dreg:$0x2] =	wrdreg s16  }
0xb6: {  	[dreg:$0x3] =	wrdreg s4  }
0xb7: {  	[dreg:$0x4] =	wrdreg s17  }
0xb8: {  	[dreg:$0x5] =	wrdreg s18  }
0xb9: {  	[dreg:$0x6] =	wrdreg $0x0  }
0xba: {  	[dreg:$0x7] =	wrdreg $0x2800  }
0xbb: {  	[dreg:$0x8] =	wrdreg $0x9  }
0xbc: {  	_ =	task.clear_ibuf [dreg:s10], $0x9FFFF;
	_ =	strace $0x90000046  }
0xbd: {  	s29 =	simm.s32 $0x9;
	_ =	strace $0x80000048  }
0xbe: {  	_ =	swait.ge [sflag:s29], $0x1  }
0xbf: {  	[sflag:s29] =	ssyncadd.s32 $0xFFFFFFFF  }
0xc0: {  	_ =	strace $0x90000048  }
0xc1: {  	_ =	sfence  }
0xc2: {  	s30 =	sld [smem:$0x0];
	_ =	sdelay $0x2  }
0xc3: {  	s31 =	sshll.u32 s1, $0xD;
	s1 =	sshrl.u32 s1, $0x2  }
0xc4: {  	s3 =	sand.u32 $0x4000, s31;
	s1 =	sadd.s32 s1, s30  }
0xc5: {  	s0 =	sor.u32 s3, s0;
	s1 =	sshll.u32 s1, $0x11  }
0xc6: {  	s0 =	sor.u32 s1, s0  }
0xc7: {  	s0 =	sadd.s32 $0x8F2B, s0  }
0xc8: {  	[sflag:s0] =	ssyncadd.remote.s32 $0x1  }
0xc9: {  	_ =	sfence.sel $0xFFFF  }
0xca: {  	[dreg:$0x0] =	wrdreg $0xFFFFFFFF;
	(pc) =	sbr.abs _section_cstart, $3  }
0xcb: {  	[dreg:$0x1] =	wrdreg $0xFFFFFFFF  }
0xcc: {  	_ =	task.clear_ibuf [dreg:s10], $0x2FFFF;
	_ =	strace $0x9FFFFFFF  }
0xcd: {  	(tm) =	ssettm $0x7FFFFFFF  }
tec
execute0_lowered:
.L_overlay_start_1:
0x0: {  	(tag) =	ssettag $0x1  }
0x1: {  	s12 =	rddreg [dreg:$0x0]  }
0x2: {  	s11 =	rddreg [dreg:$0x1]  }
0x3: {  	s8 =	rddreg [dreg:$0x2]  }
0x4: {  	s9 =	rddreg [dreg:$0x3]  }
0x5: {  	s2 =	rddreg [dreg:$0x4]  }
0x6: {  	s3 =	rddreg [dreg:$0x5];
	s4 =	srdreg.scid  }
0x7: {  	s0 =	rddreg [dreg:$0x6];
	s1 =	stileid.u32  }
0x8: {  	s7 =	simm.s32 $0x4F;
	s19 =	simm.s32 $0x0;
	s13 =	smul.u32 $0x280, s1  }
0x9: {  	s10 =	sand.u32 $0x1, s4;
	s4 =	simm.s32 $0x0;
	s14 =	smul.u32 $0x140, s1  }
0xa: {  	p0 =	slt.u32 s1, $0x2;
	s18 =	sshll.u32 s1, $0x8;
	s16 =	smul.u32 $0x2800, s10  }
0xb: {  	s5 =	ssub.s32 $0x2, s10;
	[smem:$0x7FF] =	sst s4;
	s17 =	smul.u32 $0x1400, s10  }
0xc: {  	s7 =	simm.s32 @!p0 $0x4E;
	s10 =	sshll.u32 s10, $0x7;
	s6 =	sshrl.u32 s5, $0x1  }
0xd: {  	_ =	strace $0x80000047;
	s30 =	sor.u32 s10, s18;
	s18 =	simm.s32 $0x640  }
0xe: {  	s15 =	ssub.s32 s5, s6;
	s5 =	sadd.s32 s13, s2;
	s6 =	sadd.s32 s14, s3  }
0xf: {  	s13 =	sadd.s32 s13, s16;
	s14 =	sadd.s32 s14, s17;
	s31 =	sshrl.u32 s30, $0x3  }
0x10: {  	s16 =	simm.s32 $0x740;
	s17 =	simm.s32 $0x80;
	s13 =	sshrl.u32 s13, $0x3  }
0x11: {  	s29 =	sshrl.u32 s14, $0x3;
	s10 =	smax.u32 s15, $0x1;
	s11 =	sadd.s32 s31, s11  }
0x12: {  	s12 =	sadd.s32 s31, s12;
	s14 =	simm.s32 $0x1;
	s15 =	simm.s32 $0x6C0  }
0x13: {  	v0 =	vimm.f32 $0.0e+00;
	v1 =	vimm.f32 $1.000000000e+00;
	s8 =	sadd.s32 s8, s13;
	s9 =	sadd.s32 s9, s29;
	s13 =	simm.s32 $0x3C0  }
.LBB2_1:
0x14: {  	[tilespmem:$0x3C0] =	vst v0  }
0x15: {  	[tilespmem:$0x3D0] =	vst v0  }
0x16: {  	[tilespmem:$0x3E0] =	vst v0  }
0x17: {  	[tilespmem:$0x3F0] =	vst v0  }
0x18: {  	[tilespmem:$0x400] =	vst v0  }
0x19: {  	[tilespmem:$0x410] =	vst v0  }
0x1a: {  	[tilespmem:$0x420] =	vst v0  }
0x1b: {  	[tilespmem:$0x430] =	vst v0  }
0x1c: {  	[tilespmem:$0x440] =	vst v0  }
0x1d: {  	[tilespmem:$0x450] =	vst v0  }
0x1e: {  	[tilespmem:$0x460] =	vst v0  }
0x1f: {  	[tilespmem:$0x470] =	vst v0  }
0x20: {  	[tilespmem:$0x480] =	vst v0  }
0x21: {  	[tilespmem:$0x490] =	vst v0  }
0x22: {  	[tilespmem:$0x4A0] =	vst v0  }
0x23: {  	[tilespmem:$0x4B0] =	vst v0  }
0x24: {  	[tilespmem:$0x4C0] =	vst v0  }
0x25: {  	[tilespmem:$0x4D0] =	vst v0  }
0x26: {  	[tilespmem:$0x4E0] =	vst v0  }
0x27: {  	[tilespmem:$0x4F0] =	vst v0  }
0x28: {  	[tilespmem:$0x500] =	vst v0  }
0x29: {  	[tilespmem:$0x510] =	vst v0  }
0x2a: {  	[tilespmem:$0x520] =	vst v0  }
0x2b: {  	[tilespmem:$0x530] =	vst v0  }
0x2c: {  	[tilespmem:$0x540] =	vst v0  }
0x2d: {  	[tilespmem:$0x550] =	vst v0  }
0x2e: {  	[tilespmem:$0x560] =	vst v0  }
0x2f: {  	[tilespmem:$0x570] =	vst v0  }
0x30: {  	[tilespmem:$0x580] =	vst v0  }
0x31: {  	[tilespmem:$0x590] =	vst v0  }
0x32: {  	[tilespmem:$0x5A0] =	vst v0  }
0x33: {  	[tilespmem:$0x5B0] =	vst v0  }
0x34: {  	[tilespmem:$0x5C0] =	vst v0  }
0x35: {  	[tilespmem:$0x5D0] =	vst v0  }
0x36: {  	[tilespmem:$0x5E0] =	vst v0  }
0x37: {  	[tilespmem:$0x5F0] =	vst v0  }
0x38: {  	[tilespmem:$0x600] =	vst v0  }
0x39: {  	[tilespmem:$0x610] =	vst v0  }
0x3a: {  	[tilespmem:$0x620] =	vst v0  }
0x3b: {  	[tilespmem:$0x630] =	vst v0  }
0x3c: {  	[tilespmem:$0x640] =	vst v1  }
0x3d: {  	[tilespmem:$0x650] =	vst v1  }
0x3e: {  	[tilespmem:$0x660] =	vst v1  }
0x3f: {  	[tilespmem:$0x670] =	vst v1  }
0x40: {  	[tilespmem:$0x680] =	vst v1  }
0x41: {  	[tilespmem:$0x690] =	vst v1  }
0x42: {  	[tilespmem:$0x6A0] =	vst v1  }
0x43: {  	[tilespmem:$0x6B0] =	vst v1  }
0x44: {  	[spmem:s5] =	stream.linear.scatter [tilespmem:s13], [sflag:$0x1], $0x280, $0x38;
	[tilespmem:$0x7C0] =	vst v63  }
0x45: {  	_ =	swait.ge [sflag:s14], $0x280  }
0x46: {  	[sflag:s14] =	ssyncset.done $0x0  }
0x47: {  	[sflag:s14] =	ssyncadd.s32 $0xFFFFFD80  }
0x48: {  	[spmem:s6] =	stream.linear.scatter [tilespmem:s13], [sflag:$0x1], $0x140, $0x38;
	[tilespmem:$0x7C0] =	vst v63  }
0x49: {  	_ =	swait.ge [sflag:s14], $0x140  }
0x4a: {  	[sflag:s14] =	ssyncset.done $0x0  }
0x4b: {  	[sflag:s14] =	ssyncadd.s32 $0xFFFFFEC0  }
0x4c: {  	[bflag:$0x0] =	sbarrier.arrive $0xFFFF  }
0x4d: {  	[tilespmem:s15], [sflag:$0x1] =	stream.linear.gather [hbm4b:s12+s4], $0x80, $0x38;
	[tilespmem:$0x7C0] =	vst v63  }
0x4e: {  	_ =	swait.ge [sflag:s14], $0x80  }
0x4f: {  	[sflag:s14] =	ssyncset.done $0x0  }
0x50: {  	[sflag:s14] =	ssyncadd.s32 $0xFFFFFF80  }
0x51: {  	[tilespmem:s16], [sflag:$0x1] =	stream.linear.gather [hbm4b:s11+s4], $0x80, $0x38;
	[tilespmem:$0x7C0] =	vst v63  }
0x52: {  	_ =	swait.ge [sflag:s14], $0x80  }
0x53: {  	[sflag:s14] =	ssyncset.done $0x0  }
0x54: {  	[sflag:s14] =	ssyncadd.s32 $0xFFFFFF80  }
0x55: {  	[spmem:s2] =	stream.indirect.scatter.add.f32 [tilespmem:s18], [sflag:$0x1], $0x1, s15, s17, $0xb8;
	[tilespmem:$0x7C0] =	vst v63  }
0x56: {  	p0 =	sne.s32 s7, $0x1;
	_ =	swait.ge [sflag:s14], $0x80  }
.Ltmp0:
0x57: {  	[sflag:s14] =	ssyncset.done $0x0;
	(pc) =	sbr.rel @!p0 .LBB2_3-.Ltmp0, $4  }
0x58: {  	[sflag:s14] =	ssyncadd.s32 $0xFFFFFF80  }
0x59: {  	[spmem:s3] =	stream.indirect.scatter.add.f32 [tilespmem:s18], [sflag:$0x1], $0x1, s16, s17, $0xb8;
	[tilespmem:$0x7C0] =	vst v63  }
0x5a: {  	s20 =	sadd.s32 $0xFFFFFFFF, s7;
	_ =	swait.ge [sflag:s14], $0x80  }
0x5b: {  	s21 =	smov.u32 s11;
	s22 =	smov.u32 s12;
	[sflag:s14] =	ssyncset.done $0x0  }
.LBB2_2:
0x5c: {  	[sflag:s14] =	ssyncadd.s32 $0xFFFFFF80;
	s21 =	sadd.s32 $0x200, s21;
	s22 =	sadd.s32 $0x200, s22  }
0x5d: {  	[tilespmem:s15], [sflag:$0x1] =	stream.linear.gather [hbm4b:s22+s4], $0x80, $0x38;
	[tilespmem:$0x7C0] =	vst v63  }
0x5e: {  	p0 =	sne.s32 s20, $0x1;
	s20 =	sadd.s32 $0xFFFFFFFF, s20;
	_ =	swait.ge [sflag:s14], $0x80  }
0x5f: {  	[sflag:s14] =	ssyncset.done $0x0  }
0x60: {  	[sflag:s14] =	ssyncadd.s32 $0xFFFFFF80  }
0x61: {  	[tilespmem:s16], [sflag:$0x1] =	stream.linear.gather [hbm4b:s21+s4], $0x80, $0x38;
	[tilespmem:$0x7C0] =	vst v63  }
0x62: {  	_ =	swait.ge [sflag:s14], $0x80  }
0x63: {  	[sflag:s14] =	ssyncset.done $0x0  }
0x64: {  	[sflag:s14] =	ssyncadd.s32 $0xFFFFFF80  }
0x65: {  	[spmem:s2] =	stream.indirect.scatter.add.f32 [tilespmem:s18], [sflag:$0x1], $0x1, s15, s17, $0xb8;
	[tilespmem:$0x7C0] =	vst v63  }
0x66: {  	_ =	swait.ge [sflag:s14], $0x80  }
.Ltmp1:
0x67: {  	[sflag:s14] =	ssyncset.done $0x0;
	(pc) =	sbr.rel @p0 .LBB2_2-.Ltmp1, $4  }
0x68: {  	[sflag:s14] =	ssyncadd.s32 $0xFFFFFF80  }
0x69: {  	[spmem:s3] =	stream.indirect.scatter.add.f32 [tilespmem:s18], [sflag:$0x1], $0x1, s16, s17, $0xb8;
	[tilespmem:$0x7C0] =	vst v63  }
0x6a: {  	_ =	swait.ge [sflag:s14], $0x80  }
0x6b: {  	[sflag:s14] =	ssyncset.done $0x0  }
.LBB2_3:
0x6c: {  	[sflag:s14] =	ssyncadd.s32 $0xFFFFFF80  }
0x6d: {  	[bflag:$0x0] =	sbarrier.arrive $0xFFFF  }
0x6e: {  	[tilespmem:s13], [sflag:$0x1] =	stream.linear.gather [spmem:s5], $0x280, $0x38;
	[tilespmem:$0x7C0] =	vst v63  }
0x6f: {  	_ =	swait.ge [sflag:s14], $0x280  }
0x70: {  	[sflag:s14] =	ssyncset.done $0x0  }
0x71: {  	[sflag:s14] =	ssyncadd.s32 $0xFFFFFD80  }
0x72: {  	[hbm4b:s8+s4] =	stream.linear.scatter [tilespmem:s13], [sflag:$0x1], $0x280, $0x38;
	[tilespmem:$0x7C0] =	vst v63  }
0x73: {  	_ =	swait.ge [sflag:s14], $0x280  }
0x74: {  	[sflag:s14] =	ssyncset.done $0x0  }
0x75: {  	[sflag:s14] =	ssyncadd.s32 $0xFFFFFD80  }
0x76: {  	[tilespmem:s13], [sflag:$0x1] =	stream.linear.gather [spmem:s6], $0x140, $0x38;
	[tilespmem:$0x7C0] =	vst v63  }
0x77: {  	s19 =	sadd.s32 $0x1, s19;
	_ =	swait.ge [sflag:s14], $0x140  }
0x78: {  	p0 =	sne.s32 s19, s10;
	[sflag:s14] =	ssyncset.done $0x0  }
.Ltmp2:
0x79: {  	[sflag:s14] =	ssyncadd.s32 $0xFFFFFEC0;
	(pc) =	sbr.rel @p0 .LBB2_1-.Ltmp2, $4  }
0x7a: {  	[hbm4b:s9+s4] =	stream.linear.scatter [tilespmem:s13], [sflag:$0x1], $0x140, $0x38;
	[tilespmem:$0x7C0] =	vst v63  }
0x7b: {  	_ =	swait.ge [sflag:s14], $0x140  }
0x7c: {  	[sflag:s14] =	ssyncset.done $0x0  }
0x7d: {  	[sflag:s14] =	ssyncadd.s32 $0xFFFFFEC0  }
0x7e: {  	_ =	sfence.sel $0x180000  }
0x7f: {  	[bflag:$0x0] =	sbarrier.arrive $0xFFFF  }
0x80: {  	p0 =	sne.s32 s1, $0x0;
	_ =	strace $0x90000047  }
0x81: {  	s0 =	sadd.s32 @!p0 $0x100000, s0;
	[bflag:$0x2] =	sbarrier.arrive $0xFFFF  }
0x82: {  	[sflag:s0] =	ssyncadd.tile.s32 @!p0 $0x1;
	_ =	shalt  }
.Lfunc_end2:
_tile_overlayer_lowered:
.L_overlay_start_2:
0x83: {  	(tag) =	ssettag $0x2  }
0x84: {  	s0 =	rddreg [dreg:$0x0];
	s2 =	stileid.u32  }
0x85: {  	s1 =	rddreg [dreg:$0x1];
	p0 =	sne.s32 s2, $0x0  }
0x86: {  	s3 =	rddreg [dreg:$0x2];
	[bflag:$0x3] =	sbarrier.arrive $0xFFFF;
	s2 =	simm.s32 @!p0 $0x1C01  }
0x87: {  	[timem:s3], [sflag:s2] =	dma.local @!p0 [hbm:s0], s1  }
0x88: {  	s0 =	simm.s32 @!p0 $0x1  }
0x89: {  	_ =	swait.ge @!p0 [sflag:s0], s1  }
0x8a: {  	s1 =	ssub.s32 @!p0 $0x0, s1;
	[sflag:s0] =	ssyncset.done @!p0 $0x0  }
0x8b: {  	[sflag:s0] =	ssyncadd.s32 @!p0 s1  }
0x8c: {  	[bflag:$0x3] =	sbarrier.arrive $0xFFFF  }
0x8d: {  	_ =	shalt  }

// kernel: kernel.17.cloned.1.call-start
scs
__scs_entry_jumppad:
0x0: {  	(pc) =	sbr.rel $0x88, $3  }
0x1: {  	(tag) =	ssettag $0x0;
	lr =	simm.s32 $0x1  }
0x2: {  	[smem:$0x3F92] =	sst lr;
	_ =	strace $0xD0000000  }
0x3: {  	_ = 	snop  }
0x4: {  	_ = 	snop  }
0x5: {  	_ = 	snop  }
0x6: {  	_ = 	snop  }
0x7: {  	_ = 	snop  }
__scs_overlays_trampoline_lowered:
0x8: {  	[smem:$0x3FA1] =	sst s0  }
0x9: {  	[smem:$0x3FA2] =	sst s1  }
0xa: {  	[smem:$0x3FA3] =	sst s2  }
0xb: {  	[smem:$0x3FA4] =	sst s3  }
0xc: {  	[smem:$0x3FA5] =	sst s4  }
0xd: {  	[smem:$0x3FA6] =	sst s5  }
0xe: {  	[smem:$0x3FA7] =	sst s6  }
0xf: {  	[smem:$0x3FA8] =	sst s7  }
0x10: {  	[smem:$0x3FA9] =	sst s8  }
0x11: {  	[smem:$0x3FAA] =	sst s9;
	s0 =	simm.s32 @!p0 $0x0  }
0x12: {  	s1 =	sld [smem:$0x3F90];
	s0 =	simm.s32 @p0 $0x1  }
0x13: {  	[smem:$0x3FAB] =	sst s0;
	s0 =	simm.s32 @!p1 $0x0  }
0x14: {  	s2 =	sld [smem:$0x3F8F];
	s0 =	simm.s32 @p1 $0x1  }
0x15: {  	[smem:$0x3FAC] =	sst s0;
	s0 =	simm.s32 @!p2 $0x0  }
0x16: {  	s3 =	sld [smem:$0x3FDB];
	s0 =	simm.s32 @p2 $0x1  }
0x17: {  	s4 =	simm.s32 $0x1BF5;
	[smem:$0x3FAE] =	sst s0  }
0x18: {  	s0 =	sld [smem:$0x3F91];
	_ =	swait.ge [sflag:s4], $0x0  }
0x19: {  	s7 =	sld [smem:$0x3F92]  }
0x1a: {  	s8 =	sadd.s32 $0xFFFFE003, lr  }
0x1b: {  	s9 =	sadd.s32 $0xFFFFFEF7, lr;
	s5 =	simm.s32 $0xFFFFFFFF;
	p2 =	slt.u32 s8, $0xFFFFF086  }
0x1c: {  	p1 =	slt.u32 s9, $0xF7A;
	s5 =	simm.s32 @!p2 $0x0  }
0x1d: {  	s5 =	simm.s32 @p1 $0x1;
	p0 =	seq.s32 s7, s2  }
0x1e: {  	s7 =	smul.u32 @!p0 $0xF7A, s2;
	p2 =	seq.s32 @!p0 s5, $0x0  }
0x1f: {  	s9 =	smul.u32 $0xF7A, s1;
	s8 =	simm.s32 @!p0 $0x1BF5;
	p2 =	por !p2, p0  }
0x20: {  	[sflag:s8] =	ssyncset.s32 @!p0 $0xFFFFF086;
	s6 =	sadd.s32 @!p0 s3, s7;
	s7 =	simm.s32 @!p0 $0x108  }
0x21: {  	s3 =	sadd.s32 s3, s9;
	s6 =	sadd.s32 @!p0 $0x88, s6;
	s7 =	simm.s32 @p2 $0x1082  }
0x22: {  	[simem:s7], [sflag:s8] =	dma.local @!p0 [hbm:s6], $0xF7A  }
0x23: {  	s9 =	sor.u32 $0xD0000000, s2;
	s6 =	simm.s32 $0x108;
	_ =	swait.ge @!p0 [sflag:s8], $0x0  }
0x24: {  	s3 =	sadd.s32 $0x88, s3;
	s6 =	simm.s32 @!p1 $0x1082;
	[sflag:s4] =	ssyncset.s32 $0xFFFFF086  }
0x25: {  	[simem:s6], [sflag:s4] =	dma.local [hbm:s3], $0xF7A  }
0x26: {  	[smem:$0x3F92] =	sst s1;
	(tag) =	ssettag s2;
	_ =	strace s9  }
0x27: {  	s1 =	sld [smem:$0x3FA2]  }
0x28: {  	s2 =	sld [smem:$0x3FA3]  }
0x29: {  	s4 =	sld [smem:$0x3FA5]  }
0x2a: {  	p0 =	seq.s32 s5, $0x0;
	s5 =	sld [smem:$0x3FA6]  }
0x2b: {  	s6 =	sld [smem:$0x3FA7]  }
0x2c: {  	s7 =	sld [smem:$0x3FA8]  }
0x2d: {  	s3 =	simm.s32 $0x108;
	s8 =	sld [smem:$0x3FA9]  }
0x2e: {  	s3 =	simm.s32 @!p0 $0x1082;
	s9 =	sld [smem:$0x3FAA]  }
0x2f: {  	lr =	sadd.s32 s0, s3;
	s0 =	sld [smem:$0x3FA1]  }
0x30: {  	s3 =	sld [smem:$0x3FA4]  }
0x31: {  	[smem:$0x3FAD] =	sst s10  }
0x32: {  	s10 =	sld [smem:$0x3FAB];
	_ =	sdelay $0x3  }
0x33: {  	p0 =	seq.s32 s10, $0x1;
	s10 =	sld [smem:$0x3FAD];
	_ =	sdelay $0x3  }
0x34: {  	[smem:$0x3FAD] =	sst s10  }
0x35: {  	s10 =	sld [smem:$0x3FAC];
	_ =	sdelay $0x3  }
0x36: {  	p1 =	seq.s32 s10, $0x1;
	s10 =	sld [smem:$0x3FAD];
	_ =	sdelay $0x3  }
0x37: {  	[smem:$0x3FAD] =	sst s10  }
0x38: {  	s10 =	sld [smem:$0x3FAE]  }
0x39: {  	_ = 	snop;
	(pc) =	sbr.ind lr, $3  }
0x3a: {  	_ = 	snop  }
0x3b: {  	_ = 	snop  }
0x3c: {  	p2 =	seq.s32 s10, $0x1;
	s10 =	sld [smem:$0x3FAD]  }
0x3d: {  	_ =	shalt  }
0x3e: {  	_ =	shalt  }
0x3f: {  	_ =	shalt  }
0x40: {  	_ =	shalt  }
0x41: {  	_ =	shalt  }
0x42: {  	_ =	shalt  }
0x43: {  	_ =	shalt  }
0x44: {  	_ =	shalt  }
0x45: {  	_ =	shalt  }
0x46: {  	_ =	shalt  }
0x47: {  	_ =	shalt  }
0x48: {  	_ =	shalt  }
0x49: {  	_ =	shalt  }
0x4a: {  	_ =	shalt  }
0x4b: {  	_ =	shalt  }
0x4c: {  	_ =	shalt  }
0x4d: {  	_ =	shalt  }
0x4e: {  	_ =	shalt  }
0x4f: {  	_ =	shalt  }
0x50: {  	_ =	shalt  }
0x51: {  	_ =	shalt  }
0x52: {  	_ =	shalt  }
0x53: {  	_ =	shalt  }
0x54: {  	_ =	shalt  }
0x55: {  	_ =	shalt  }
0x56: {  	_ =	shalt  }
0x57: {  	_ =	shalt  }
0x58: {  	_ =	shalt  }
0x59: {  	_ =	shalt  }
0x5a: {  	_ =	shalt  }
0x5b: {  	_ =	shalt  }
0x5c: {  	_ =	shalt  }
0x5d: {  	_ =	shalt  }
0x5e: {  	_ =	shalt  }
0x5f: {  	_ =	shalt  }
0x60: {  	_ =	shalt  }
0x61: {  	_ =	shalt  }
0x62: {  	_ =	shalt  }
0x63: {  	_ =	shalt  }
0x64: {  	_ =	shalt  }
0x65: {  	_ =	shalt  }
0x66: {  	_ =	shalt  }
0x67: {  	_ =	shalt  }
0x68: {  	_ =	shalt  }
0x69: {  	_ =	shalt  }
0x6a: {  	_ =	shalt  }
0x6b: {  	_ =	shalt  }
0x6c: {  	_ =	shalt  }
0x6d: {  	_ =	shalt  }
0x6e: {  	_ =	shalt  }
0x6f: {  	_ =	shalt  }
0x70: {  	_ =	shalt  }
0x71: {  	_ =	shalt  }
0x72: {  	_ =	shalt  }
0x73: {  	_ =	shalt  }
0x74: {  	_ =	shalt  }
0x75: {  	_ =	shalt  }
0x76: {  	_ =	shalt  }
0x77: {  	_ =	shalt  }
0x78: {  	_ =	shalt  }
0x79: {  	_ =	shalt  }
0x7a: {  	_ =	shalt  }
0x7b: {  	_ =	shalt  }
0x7c: {  	_ =	shalt  }
0x7d: {  	_ =	shalt  }
0x7e: {  	_ =	shalt  }
0x7f: {  	_ =	shalt  }
0x80: {  	_ =	shalt  }
0x81: {  	_ =	shalt  }
0x82: {  	_ =	shalt  }
0x83: {  	_ =	shalt  }
0x84: {  	_ =	shalt  }
0x85: {  	_ =	shalt  }
0x86: {  	_ =	shalt  }
0x87: {  	_ =	shalt  }
.Lfunc_end0:
.L_simem_size_0:
called_computation.1_lowered:
.L_overlay_start_0:
0x88: {  	s2 =	sld [smem:$0x3FD9]  }
0x89: {  	s3 =	sld [smem:$0x3FFE];
	_ =	sdelay $0x1  }
0x8a: {  	s1 =	srdreg.scid  }
0x8b: {  	s0 =	sand.u32 $0x1, s1  }
0x8c: {  	s14 =	sshll.u32 s0, $0xA;
	s2 =	sadd.s32 s3, s2  }
0x8d: {  	s2 =	sadd.s32 s2, s14  }
0x8e: {  	[smem:$0x3FB9] =	sst s2  }
0x8f: {  	_ = 	snop  }
0x90: {  	s2 =	sld [smem:$0x3FD0];
	_ =	sdelay $0x1  }
0x91: {  	s15 =	sld [smem:$0x3FC8]  }
0x92: {  	s5 =	simm.s32 $0xB;
	s6 =	simm.s32 $0x10;
	s4 =	sld [smem:$0x3FC7]  }
0x93: {  	[smem:s6], [sflag:s5] =	dma.local [hbm:s2], $0x1  }
0x94: {  	_ =	swait.eq [sflag:s5], $0x1  }
0x95: {  	[sflag:s5] =	ssyncset.done $0x0  }
0x96: {  	s16 =	sld [smem:$0x10];
	[sflag:s5] =	ssyncadd.s32 $0xFFFFFFFF  }
0x97: {  	s17 =	sld [smem:$0x11];
	(tm) =	ssettm $0x1  }
0x98: {  	s18 =	sld [smem:$0x3FFB];
	_ =	sdelay $0x3  }
0x99: {  	_ =	strace s18  }
0x9a: {  	s6 =	sld [smem:$0x3FFC];
	_ =	sdelay $0x3  }
0x9b: {  	_ =	strace s6  }
0x9c: {  	s6 =	sld [smem:$0x3FFD];
	_ =	sdelay $0x3  }
0x9d: {  	_ =	strace s6  }
0x9e: {  	_ =	strace $0x8FFFFFFF  }
0x9f: {  	s19 =	sld [smem:$0x3FDB];
	_ =	sdelay $0x1  }
0xa0: {  	s7 =	simm.s32 $_scs_section_size  }
0xa1: {  	s8 =	simm.s32 $_size__tile_overlayer_lowered;
	s9 =	simm.s32 $_tile_overlayer_lowered  }
0xa2: {  	s22 =	simm.s32 $0x1BFF;
	s21 =	sshll.u32 s9, $0x1;
	s6 =	sadd.s32 s7, s19  }
0xa3: {  	s10 =	simm.s32 $0x0;
	s20 =	sshll.u32 s8, $0x1;
	s8 =	sadd.s32 s21, s6  }
0xa4: {  	[timem:s10], [sflag:s22] =	dma.local [hbm:s8], s20  }
0xa5: {  	_ =	swait.ge [sflag:s22], s20  }
0xa6: {  	s7 =	ssub.s32 $0x0, s20;
	[sflag:s22] =	ssyncset.done $0x0  }
0xa7: {  	[sflag:s22] =	ssyncadd.s32 s7;
	_ =	sdelay $0x1  }
0xa8: {  	s23 =	simm.s32 $0x1B8B  }
0xa9: {  	_ =	swait.ge [sflag:s23], $0x1  }
0xaa: {  	[sflag:s23] =	ssyncset.done $0x0  }
0xab: {  	s25 =	simm.s32 $0x1B8E;
	s24 =	sld [smem:$0x3FFE];
	[sflag:s23] =	ssyncadd.s32 $0xFFFFFFFF  }
0xac: {  	s26 =	simm.s32 $execute0_lowered;
	[smem:$0x3FD2] =	sst s25  }
0xad: {  	s8 =	sshll.u32 s26, $0x1;
	_ =	strace $0x80000049;
	[dreg:$0x1] =	wrdreg $0xFFFFFFFF  }
0xae: {  	s28 =	simm.s32 $_size_execute0_lowered;
	s6 =	sadd.s32 s6, s8;
	[dreg:$0x0] =	wrdreg $0x0  }
0xaf: {  	s8 =	sshll.u32 s28, $0x1;
	[dreg:$0x2] =	wrdreg s6  }
0xb0: {  	[dreg:$0x3] =	wrdreg s8  }
0xb1: {  	[dreg:$0x4] =	wrdreg $0xC0  }
0xb2: {  	_ =	task [dreg:s10], $0x5FFFF  }
0xb3: {  	[dreg:$0x1] =	wrdreg $0xFFFFFFFF  }
0xb4: {  	[dreg:$0x0] =	wrdreg $0x60  }
0xb5: {  	[dreg:$0x2] =	wrdreg s15  }
0xb6: {  	[dreg:$0x3] =	wrdreg s4  }
0xb7: {  	[dreg:$0x4] =	wrdreg s17  }
0xb8: {  	[dreg:$0x5] =	wrdreg s24  }
0xb9: {  	[dreg:$0x6] =	wrdreg s16  }
0xba: {  	[dreg:$0x7] =	wrdreg $0x1400  }
0xbb: {  	[dreg:$0x8] =	wrdreg $0x0  }
0xbc: {  	[dreg:$0x9] =	wrdreg $0x9  }
0xbd: {  	_ =	task.clear_ibuf [dreg:s10], $0xAFFFF;
	_ =	strace $0x90000049  }
0xbe: {  	s29 =	simm.s32 $0x9;
	_ =	strace $0x8000004B  }
0xbf: {  	_ =	swait.ge [sflag:s29], $0x1  }
0xc0: {  	[sflag:s29] =	ssyncadd.s32 $0xFFFFFFFF  }
0xc1: {  	_ =	strace $0x9000004B  }
0xc2: {  	_ =	sfence  }
0xc3: {  	s30 =	sld [smem:$0x0];
	_ =	sdelay $0x2  }
0xc4: {  	s31 =	sshll.u32 s1, $0xD;
	s1 =	sshrl.u32 s1, $0x2  }
0xc5: {  	s3 =	sand.u32 $0x4000, s31;
	s1 =	sadd.s32 s1, s30  }
0xc6: {  	s0 =	sor.u32 s3, s0;
	s1 =	sshll.u32 s1, $0x11  }
0xc7: {  	s0 =	sor.u32 s1, s0  }
0xc8: {  	s0 =	sadd.s32 $0x8F2B, s0  }
0xc9: {  	[sflag:s0] =	ssyncadd.remote.s32 $0x1  }
0xca: {  	_ =	sfence.sel $0xFFFF  }
0xcb: {  	[dreg:$0x0] =	wrdreg $0xFFFFFFFF;
	(pc) =	sbr.abs _section_cstart, $3  }
0xcc: {  	[dreg:$0x1] =	wrdreg $0xFFFFFFFF  }
0xcd: {  	_ =	task.clear_ibuf [dreg:s10], $0x2FFFF;
	_ =	strace $0x9FFFFFFF  }
0xce: {  	(tm) =	ssettm $0x7FFFFFFF  }
0xcf: {  	_ =	shalt  }
tec
execute0_lowered:
.L_overlay_start_1:
0x0: {  	(tag) =	ssettag $0x1  }
0x1: {  	s14 =	rddreg [dreg:$0x0]  }
0x2: {  	s13 =	rddreg [dreg:$0x1]  }
0x3: {  	s0 =	rddreg [dreg:$0x2]  }
0x4: {  	s7 =	rddreg [dreg:$0x3]  }
0x5: {  	s11 =	rddreg [dreg:$0x4]  }
0x6: {  	s3 =	rddreg [dreg:$0x5]  }
0x7: {  	s2 =	srdreg.scid;
	s1 =	stileid.u32  }
0x8: {  	s4 =	rddreg [dreg:$0x6];
	s5 =	simm.s32 $0x0;
	s19 =	simm.s32 $0x80  }
0x9: {  	s20 =	simm.s32 $0x7C0;
	s21 =	simm.s32 $0x1;
	s22 =	simm.s32 $0x740  }
0xa: {  	s10 =	sand.u32 $0x1, s2;
	s8 =	smul.u32 $0x140, s1;
	s2 =	rddreg [dreg:$0x7]  }
0xb: {  	s23 =	simm.s32 $0x0;
	[smem:$0x7FF] =	sst s5;
	s15 =	smul.u32 $0x280, s1  }
0xc: {  	p0 =	slt.u32 s1, $0x2;
	s18 =	sshll.u32 s1, $0x8;
	s6 =	smul.u32 $0x1400, s10  }
0xd: {  	s12 =	ssub.s32 $0x2, s10;
	s17 =	smul.u32 $0x2800, s10;
	s10 =	sshll.u32 s10, $0x7  }
0xe: {  	_ =	strace $0x8000004A;
	s29 =	sshrl.u32 s12, $0x1;
	s30 =	sor.u32 s10, s18  }
0xf: {  	s18 =	simm.s32 $0x6C0;
	s6 =	sadd.s32 s8, s6;
	s12 =	ssub.s32 s12, s29  }
0x10: {  	s8 =	sadd.s32 s8, s4;
	s31 =	sshrl.u32 s30, $0x3;
	s9 =	sshrl.u32 s6, $0x3  }
0x11: {  	s6 =	sadd.s32 $0x6800, s7;
	s12 =	smax.u32 s12, $0x1;
	s13 =	sadd.s32 s31, s13  }
0x12: {  	s14 =	sadd.s32 s31, s14;
	s16 =	sadd.s32 s9, s7;
	s7 =	sadd.s32 s15, s3  }
0x13: {  	s9 =	simm.s32 $0x4F;
	s15 =	sadd.s32 s15, s17;
	s17 =	simm.s32 $0x640  }
0x14: {  	s9 =	simm.s32 @!p0 $0x4E;
	s15 =	sshrl.u32 s15, $0x3;
	s10 =	sadd.s32 $0x6C00, s16  }
0x15: {  	v0 =	vimm.f32 $0.0e+00;
	s16 =	simm.s32 $0x2;
	s11 =	sadd.s32 s11, s15;
	s15 =	simm.s32 $0x3C0  }
.LBB2_1:
0x16: {  	[tilespmem:$0x3C0] =	vst v0  }
0x17: {  	[tilespmem:$0x3D0] =	vst v0  }
0x18: {  	[tilespmem:$0x3E0] =	vst v0  }
0x19: {  	[tilespmem:$0x3F0] =	vst v0  }
0x1a: {  	[tilespmem:$0x400] =	vst v0  }
0x1b: {  	[tilespmem:$0x410] =	vst v0  }
0x1c: {  	[tilespmem:$0x420] =	vst v0  }
0x1d: {  	[tilespmem:$0x430] =	vst v0  }
0x1e: {  	[tilespmem:$0x440] =	vst v0  }
0x1f: {  	[tilespmem:$0x450] =	vst v0  }
0x20: {  	[tilespmem:$0x460] =	vst v0  }
0x21: {  	[tilespmem:$0x470] =	vst v0  }
0x22: {  	[tilespmem:$0x480] =	vst v0  }
0x23: {  	[tilespmem:$0x490] =	vst v0  }
0x24: {  	[tilespmem:$0x4A0] =	vst v0  }
0x25: {  	[tilespmem:$0x4B0] =	vst v0  }
0x26: {  	[tilespmem:$0x4C0] =	vst v0  }
0x27: {  	[tilespmem:$0x4D0] =	vst v0  }
0x28: {  	[tilespmem:$0x4E0] =	vst v0  }
0x29: {  	[tilespmem:$0x4F0] =	vst v0  }
0x2a: {  	[tilespmem:$0x500] =	vst v0  }
0x2b: {  	[tilespmem:$0x510] =	vst v0  }
0x2c: {  	[tilespmem:$0x520] =	vst v0  }
0x2d: {  	[tilespmem:$0x530] =	vst v0  }
0x2e: {  	[tilespmem:$0x540] =	vst v0  }
0x2f: {  	[tilespmem:$0x550] =	vst v0  }
0x30: {  	[tilespmem:$0x560] =	vst v0  }
0x31: {  	[tilespmem:$0x570] =	vst v0  }
0x32: {  	[tilespmem:$0x580] =	vst v0  }
0x33: {  	[tilespmem:$0x590] =	vst v0  }
0x34: {  	[tilespmem:$0x5A0] =	vst v0  }
0x35: {  	[tilespmem:$0x5B0] =	vst v0  }
0x36: {  	[tilespmem:$0x5C0] =	vst v0  }
0x37: {  	[tilespmem:$0x5D0] =	vst v0  }
0x38: {  	[tilespmem:$0x5E0] =	vst v0  }
0x39: {  	[tilespmem:$0x5F0] =	vst v0  }
0x3a: {  	[tilespmem:$0x600] =	vst v0  }
0x3b: {  	[tilespmem:$0x610] =	vst v0  }
0x3c: {  	[tilespmem:$0x620] =	vst v0  }
0x3d: {  	[tilespmem:$0x630] =	vst v0  }
0x3e: {  	[spmem:s7] =	stream.linear.scatter [tilespmem:s15], [sflag:$0x2], $0x280, $0x38;
	[tilespmem:$0x840] =	vst v63  }
0x3f: {  	_ =	swait.ge [sflag:s16], $0x280  }
0x40: {  	[sflag:s16] =	ssyncset.done $0x0  }
0x41: {  	[sflag:s16] =	ssyncadd.s32 $0xFFFFFD80  }
0x42: {  	[spmem:s8] =	stream.linear.scatter [tilespmem:s15], [sflag:$0x2], $0x140, $0x38;
	[tilespmem:$0x840] =	vst v63  }
0x43: {  	_ =	swait.ge [sflag:s16], $0x140  }
0x44: {  	[sflag:s16] =	ssyncset.done $0x0  }
0x45: {  	[sflag:s16] =	ssyncadd.s32 $0xFFFFFEC0  }
0x46: {  	[bflag:$0x0] =	sbarrier.arrive $0xFFFF  }
0x47: {  	[tilespmem:s17], [sflag:$0x2] =	stream.linear.gather [hbm4b:s14+s5], $0x80, $0x38;
	[tilespmem:$0x840] =	vst v63  }
0x48: {  	_ =	swait.ge [sflag:s16], $0x80  }
0x49: {  	[sflag:s16] =	ssyncset.done $0x0  }
0x4a: {  	[sflag:s16] =	ssyncadd.s32 $0xFFFFFF80  }
0x4b: {  	[tilespmem:s18], [sflag:$0x2] =	stream.linear.gather [hbm4b:s13+s5], $0x80, $0x38;
	[tilespmem:$0x840] =	vst v63  }
0x4c: {  	_ =	swait.ge [sflag:s16], $0x80  }
0x4d: {  	[sflag:s16] =	ssyncset.done $0x0  }
0x4e: {  	[sflag:s16] =	ssyncadd.s32 $0xFFFFFF80  }
0x4f: {  	[tilespmem:s20], [sflag:$0x1] =	stream.indirect.gather [hbm4b:s0+s19], $0x1, s17, s19, $0xb8;
	[tilespmem:$0x840] =	vst v63  }
0x50: {  	_ =	swait.ge [sflag:s21], $0x80  }
0x51: {  	[sflag:s21] =	ssyncset.done $0x0  }
0x52: {  	[sflag:s21] =	ssyncadd.s32 $0xFFFFFF80  }
0x53: {  	[tilespmem:s22], [sflag:$0x1] =	stream.indirect.gather [hbm4b:s6+s19], $0x1, s18, s19, $0xb8;
	[tilespmem:$0x840] =	vst v63  }
0x54: {  	_ =	swait.ge [sflag:s21], $0x80  }
0x55: {  	[sflag:s21] =	ssyncset.done $0x0  }
0x56: {  	[sflag:s21] =	ssyncadd.s32 $0xFFFFFF80  }
0x57: {  	[spmem:s4] =	stream.indirect.scatter.add.f32 [tilespmem:s20], [sflag:$0x2], $0x1, s18, s19, $0xb8;
	[tilespmem:$0x840] =	vst v63  }
0x58: {  	p0 =	sne.s32 s9, $0x1;
	_ =	swait.ge [sflag:s16], $0x80  }
.Ltmp0:
0x59: {  	[sflag:s16] =	ssyncset.done $0x0;
	(pc) =	sbr.rel @!p0 .LBB2_3-.Ltmp0, $4  }
0x5a: {  	[sflag:s16] =	ssyncadd.s32 $0xFFFFFF80  }
0x5b: {  	[spmem:s3] =	stream.indirect.scatter.add.f32 [tilespmem:s22], [sflag:$0x2], $0x1, s17, s19, $0xb8;
	[tilespmem:$0x840] =	vst v63  }
0x5c: {  	s24 =	sadd.s32 $0xFFFFFFFF, s9;
	_ =	swait.ge [sflag:s16], $0x80  }
0x5d: {  	s25 =	smov.u32 s13;
	s26 =	smov.u32 s14;
	[sflag:s16] =	ssyncset.done $0x0  }
.LBB2_2:
0x5e: {  	[sflag:s16] =	ssyncadd.s32 $0xFFFFFF80;
	s25 =	sadd.s32 $0x200, s25;
	s26 =	sadd.s32 $0x200, s26  }
0x5f: {  	[tilespmem:s17], [sflag:$0x2] =	stream.linear.gather [hbm4b:s26+s5], $0x80, $0x38;
	[tilespmem:$0x840] =	vst v63  }
0x60: {  	p0 =	sne.s32 s24, $0x1;
	s24 =	sadd.s32 $0xFFFFFFFF, s24;
	_ =	swait.ge [sflag:s16], $0x80  }
0x61: {  	[sflag:s16] =	ssyncset.done $0x0  }
0x62: {  	[sflag:s16] =	ssyncadd.s32 $0xFFFFFF80  }
0x63: {  	[tilespmem:s18], [sflag:$0x2] =	stream.linear.gather [hbm4b:s25+s5], $0x80, $0x38;
	[tilespmem:$0x840] =	vst v63  }
0x64: {  	_ =	swait.ge [sflag:s16], $0x80  }
0x65: {  	[sflag:s16] =	ssyncset.done $0x0  }
0x66: {  	[sflag:s16] =	ssyncadd.s32 $0xFFFFFF80  }
0x67: {  	[tilespmem:s20], [sflag:$0x1] =	stream.indirect.gather [hbm4b:s0+s19], $0x1, s17, s19, $0xb8;
	[tilespmem:$0x840] =	vst v63  }
0x68: {  	_ =	swait.ge [sflag:s21], $0x80  }
0x69: {  	[sflag:s21] =	ssyncset.done $0x0  }
0x6a: {  	[sflag:s21] =	ssyncadd.s32 $0xFFFFFF80  }
0x6b: {  	[tilespmem:s22], [sflag:$0x1] =	stream.indirect.gather [hbm4b:s6+s19], $0x1, s18, s19, $0xb8;
	[tilespmem:$0x840] =	vst v63  }
0x6c: {  	_ =	swait.ge [sflag:s21], $0x80  }
0x6d: {  	[sflag:s21] =	ssyncset.done $0x0  }
0x6e: {  	[sflag:s21] =	ssyncadd.s32 $0xFFFFFF80  }
0x6f: {  	[spmem:s4] =	stream.indirect.scatter.add.f32 [tilespmem:s20], [sflag:$0x2], $0x1, s18, s19, $0xb8;
	[tilespmem:$0x840] =	vst v63  }
0x70: {  	_ =	swait.ge [sflag:s16], $0x80  }
.Ltmp1:
0x71: {  	[sflag:s16] =	ssyncset.done $0x0;
	(pc) =	sbr.rel @p0 .LBB2_2-.Ltmp1, $4  }
0x72: {  	[sflag:s16] =	ssyncadd.s32 $0xFFFFFF80  }
0x73: {  	[spmem:s3] =	stream.indirect.scatter.add.f32 [tilespmem:s22], [sflag:$0x2], $0x1, s17, s19, $0xb8;
	[tilespmem:$0x840] =	vst v63  }
0x74: {  	_ =	swait.ge [sflag:s16], $0x80  }
0x75: {  	[sflag:s16] =	ssyncset.done $0x0  }
.LBB2_3:
0x76: {  	[sflag:s16] =	ssyncadd.s32 $0xFFFFFF80  }
0x77: {  	[bflag:$0x0] =	sbarrier.arrive $0xFFFF  }
0x78: {  	[tilespmem:s15], [sflag:$0x2] =	stream.linear.gather [spmem:s8], $0x140, $0x38;
	[tilespmem:$0x840] =	vst v63  }
0x79: {  	_ =	swait.ge [sflag:s16], $0x140  }
0x7a: {  	[sflag:s16] =	ssyncset.done $0x0  }
0x7b: {  	[sflag:s16] =	ssyncadd.s32 $0xFFFFFEC0  }
0x7c: {  	[hbm4b:s10+s5] =	stream.linear.scatter [tilespmem:s15], [sflag:$0x2], $0x140, $0x38;
	[tilespmem:$0x840] =	vst v63  }
0x7d: {  	_ =	swait.ge [sflag:s16], $0x140  }
0x7e: {  	[sflag:s16] =	ssyncset.done $0x0  }
0x7f: {  	[sflag:s16] =	ssyncadd.s32 $0xFFFFFEC0  }
0x80: {  	[tilespmem:s15], [sflag:$0x2] =	stream.linear.gather [spmem:s7], $0x280, $0x38;
	[tilespmem:$0x840] =	vst v63  }
0x81: {  	s23 =	sadd.s32 $0x1, s23;
	_ =	swait.ge [sflag:s16], $0x280  }
0x82: {  	p0 =	sne.s32 s23, s12;
	[sflag:s16] =	ssyncset.done $0x0  }
.Ltmp2:
0x83: {  	[sflag:s16] =	ssyncadd.s32 $0xFFFFFD80;
	(pc) =	sbr.rel @p0 .LBB2_1-.Ltmp2, $4  }
0x84: {  	[hbm4b:s11+s5] =	stream.linear.scatter [tilespmem:s15], [sflag:$0x2], $0x280, $0x38;
	[tilespmem:$0x840] =	vst v63  }
0x85: {  	_ =	swait.ge [sflag:s16], $0x280  }
0x86: {  	[sflag:s16] =	ssyncset.done $0x0  }
0x87: {  	[sflag:s16] =	ssyncadd.s32 $0xFFFFFD80  }
0x88: {  	_ =	sfence.sel $0x180000  }
0x89: {  	[bflag:$0x0] =	sbarrier.arrive $0xFFFF  }
0x8a: {  	p0 =	sne.s32 s1, $0x0;
	_ =	strace $0x9000004A  }
0x8b: {  	s0 =	sadd.s32 @!p0 $0x100000, s2;
	[bflag:$0x2] =	sbarrier.arrive $0xFFFF  }
0x8c: {  	[sflag:s0] =	ssyncadd.tile.s32 @!p0 $0x1;
	_ =	shalt  }
.Lfunc_end2:
_tile_overlayer_lowered:
.L_overlay_start_2:
0x8d: {  	(tag) =	ssettag $0x2  }
0x8e: {  	s0 =	rddreg [dreg:$0x0];
	s2 =	stileid.u32  }
0x8f: {  	s1 =	rddreg [dreg:$0x1];
	p0 =	sne.s32 s2, $0x0  }
0x90: {  	s3 =	rddreg [dreg:$0x2];
	[bflag:$0x3] =	sbarrier.arrive $0xFFFF;
	s2 =	simm.s32 @!p0 $0x1C02  }
0x91: {  	[timem:s3], [sflag:s2] =	dma.local @!p0 [hbm:s0], s1  }
0x92: {  	s0 =	simm.s32 @!p0 $0x2  }
0x93: {  	_ =	swait.ge @!p0 [sflag:s0], s1  }
0x94: {  	s1 =	ssub.s32 @!p0 $0x0, s1;
	[sflag:s0] =	ssyncset.done @!p0 $0x0  }
0x95: {  	[sflag:s0] =	ssyncadd.s32 @!p0 s1  }
0x96: {  	[bflag:$0x3] =	sbarrier.arrive $0xFFFF  }
0x97: {  	_ =	shalt  }

// kernel: kernel.20.cloned.1.call-start
scs
__scs_entry_jumppad:
0x0: {  	(pc) =	sbr.rel $0x88, $3  }
0x1: {  	(tag) =	ssettag $0x0;
	lr =	simm.s32 $0x1  }
0x2: {  	[smem:$0x3F92] =	sst lr;
	_ =	strace $0xD0000000  }
0x3: {  	_ = 	snop  }
0x4: {  	_ = 	snop  }
0x5: {  	_ = 	snop  }
0x6: {  	_ = 	snop  }
0x7: {  	_ = 	snop  }
__scs_overlays_trampoline_lowered:
0x8: {  	[smem:$0x3FA1] =	sst s0  }
0x9: {  	[smem:$0x3FA2] =	sst s1  }
0xa: {  	[smem:$0x3FA3] =	sst s2  }
0xb: {  	[smem:$0x3FA4] =	sst s3  }
0xc: {  	[smem:$0x3FA5] =	sst s4  }
0xd: {  	[smem:$0x3FA6] =	sst s5  }
0xe: {  	[smem:$0x3FA7] =	sst s6  }
0xf: {  	[smem:$0x3FA8] =	sst s7  }
0x10: {  	[smem:$0x3FA9] =	sst s8  }
0x11: {  	[smem:$0x3FAA] =	sst s9;
	s0 =	simm.s32 @!p0 $0x0  }
0x12: {  	s1 =	sld [smem:$0x3F90];
	s0 =	simm.s32 @p0 $0x1  }
0x13: {  	[smem:$0x3FAB] =	sst s0;
	s0 =	simm.s32 @!p1 $0x0  }
0x14: {  	s2 =	sld [smem:$0x3F8F];
	s0 =	simm.s32 @p1 $0x1  }
0x15: {  	[smem:$0x3FAC] =	sst s0;
	s0 =	simm.s32 @!p2 $0x0  }
0x16: {  	s3 =	sld [smem:$0x3FDB];
	s0 =	simm.s32 @p2 $0x1  }
0x17: {  	s4 =	simm.s32 $0x1BF5;
	[smem:$0x3FAE] =	sst s0  }
0x18: {  	s0 =	sld [smem:$0x3F91];
	_ =	swait.ge [sflag:s4], $0x0  }
0x19: {  	s7 =	sld [smem:$0x3F92]  }
0x1a: {  	s8 =	sadd.s32 $0xFFFFE003, lr  }
0x1b: {  	s9 =	sadd.s32 $0xFFFFFEF7, lr;
	s5 =	simm.s32 $0xFFFFFFFF;
	p2 =	slt.u32 s8, $0xFFFFF086  }
0x1c: {  	p1 =	slt.u32 s9, $0xF7A;
	s5 =	simm.s32 @!p2 $0x0  }
0x1d: {  	s5 =	simm.s32 @p1 $0x1;
	p0 =	seq.s32 s7, s2  }
0x1e: {  	s7 =	smul.u32 @!p0 $0xF7A, s2;
	p2 =	seq.s32 @!p0 s5, $0x0  }
0x1f: {  	s9 =	smul.u32 $0xF7A, s1;
	s8 =	simm.s32 @!p0 $0x1BF5;
	p2 =	por !p2, p0  }
0x20: {  	[sflag:s8] =	ssyncset.s32 @!p0 $0xFFFFF086;
	s6 =	sadd.s32 @!p0 s3, s7;
	s7 =	simm.s32 @!p0 $0x108  }
0x21: {  	s3 =	sadd.s32 s3, s9;
	s6 =	sadd.s32 @!p0 $0x88, s6;
	s7 =	simm.s32 @p2 $0x1082  }
0x22: {  	[simem:s7], [sflag:s8] =	dma.local @!p0 [hbm:s6], $0xF7A  }
0x23: {  	s9 =	sor.u32 $0xD0000000, s2;
	s6 =	simm.s32 $0x108;
	_ =	swait.ge @!p0 [sflag:s8], $0x0  }
0x24: {  	s3 =	sadd.s32 $0x88, s3;
	s6 =	simm.s32 @!p1 $0x1082;
	[sflag:s4] =	ssyncset.s32 $0xFFFFF086  }
0x25: {  	[simem:s6], [sflag:s4] =	dma.local [hbm:s3], $0xF7A  }
0x26: {  	[smem:$0x3F92] =	sst s1;
	(tag) =	ssettag s2;
	_ =	strace s9  }
0x27: {  	s1 =	sld [smem:$0x3FA2]  }
0x28: {  	s2 =	sld [smem:$0x3FA3]  }
0x29: {  	s4 =	sld [smem:$0x3FA5]  }
0x2a: {  	p0 =	seq.s32 s5, $0x0;
	s5 =	sld [smem:$0x3FA6]  }
0x2b: {  	s6 =	sld [smem:$0x3FA7]  }
0x2c: {  	s7 =	sld [smem:$0x3FA8]  }
0x2d: {  	s3 =	simm.s32 $0x108;
	s8 =	sld [smem:$0x3FA9]  }
0x2e: {  	s3 =	simm.s32 @!p0 $0x1082;
	s9 =	sld [smem:$0x3FAA]  }
0x2f: {  	lr =	sadd.s32 s0, s3;
	s0 =	sld [smem:$0x3FA1]  }
0x30: {  	s3 =	sld [smem:$0x3FA4]  }
0x31: {  	[smem:$0x3FAD] =	sst s10  }
0x32: {  	s10 =	sld [smem:$0x3FAB];
	_ =	sdelay $0x3  }
0x33: {  	p0 =	seq.s32 s10, $0x1;
	s10 =	sld [smem:$0x3FAD];
	_ =	sdelay $0x3  }
0x34: {  	[smem:$0x3FAD] =	sst s10  }
0x35: {  	s10 =	sld [smem:$0x3FAC];
	_ =	sdelay $0x3  }
0x36: {  	p1 =	seq.s32 s10, $0x1;
	s10 =	sld [smem:$0x3FAD];
	_ =	sdelay $0x3  }
0x37: {  	[smem:$0x3FAD] =	sst s10  }
0x38: {  	s10 =	sld [smem:$0x3FAE]  }
0x39: {  	_ = 	snop;
	(pc) =	sbr.ind lr, $3  }
0x3a: {  	_ = 	snop  }
0x3b: {  	_ = 	snop  }
0x3c: {  	p2 =	seq.s32 s10, $0x1;
	s10 =	sld [smem:$0x3FAD]  }
0x3d: {  	_ =	shalt  }
0x3e: {  	_ =	shalt  }
0x3f: {  	_ =	shalt  }
0x40: {  	_ =	shalt  }
0x41: {  	_ =	shalt  }
0x42: {  	_ =	shalt  }
0x43: {  	_ =	shalt  }
0x44: {  	_ =	shalt  }
0x45: {  	_ =	shalt  }
0x46: {  	_ =	shalt  }
0x47: {  	_ =	shalt  }
0x48: {  	_ =	shalt  }
0x49: {  	_ =	shalt  }
0x4a: {  	_ =	shalt  }
0x4b: {  	_ =	shalt  }
0x4c: {  	_ =	shalt  }
0x4d: {  	_ =	shalt  }
0x4e: {  	_ =	shalt  }
0x4f: {  	_ =	shalt  }
0x50: {  	_ =	shalt  }
0x51: {  	_ =	shalt  }
0x52: {  	_ =	shalt  }
0x53: {  	_ =	shalt  }
0x54: {  	_ =	shalt  }
0x55: {  	_ =	shalt  }
0x56: {  	_ =	shalt  }
0x57: {  	_ =	shalt  }
0x58: {  	_ =	shalt  }
0x59: {  	_ =	shalt  }
0x5a: {  	_ =	shalt  }
0x5b: {  	_ =	shalt  }
0x5c: {  	_ =	shalt  }
0x5d: {  	_ =	shalt  }
0x5e: {  	_ =	shalt  }
0x5f: {  	_ =	shalt  }
0x60: {  	_ =	shalt  }
0x61: {  	_ =	shalt  }
0x62: {  	_ =	shalt  }
0x63: {  	_ =	shalt  }
0x64: {  	_ =	shalt  }
0x65: {  	_ =	shalt  }
0x66: {  	_ =	shalt  }
0x67: {  	_ =	shalt  }
0x68: {  	_ =	shalt  }
0x69: {  	_ =	shalt  }
0x6a: {  	_ =	shalt  }
0x6b: {  	_ =	shalt  }
0x6c: {  	_ =	shalt  }
0x6d: {  	_ =	shalt  }
0x6e: {  	_ =	shalt  }
0x6f: {  	_ =	shalt  }
0x70: {  	_ =	shalt  }
0x71: {  	_ =	shalt  }
0x72: {  	_ =	shalt  }
0x73: {  	_ =	shalt  }
0x74: {  	_ =	shalt  }
0x75: {  	_ =	shalt  }
0x76: {  	_ =	shalt  }
0x77: {  	_ =	shalt  }
0x78: {  	_ =	shalt  }
0x79: {  	_ =	shalt  }
0x7a: {  	_ =	shalt  }
0x7b: {  	_ =	shalt  }
0x7c: {  	_ =	shalt  }
0x7d: {  	_ =	shalt  }
0x7e: {  	_ =	shalt  }
0x7f: {  	_ =	shalt  }
0x80: {  	_ =	shalt  }
0x81: {  	_ =	shalt  }
0x82: {  	_ =	shalt  }
0x83: {  	_ =	shalt  }
0x84: {  	_ =	shalt  }
0x85: {  	_ =	shalt  }
0x86: {  	_ =	shalt  }
0x87: {  	_ =	shalt  }
.Lfunc_end0:
.L_simem_size_0:
called_computation.2_lowered:
.L_overlay_start_0:
0x88: {  	s2 =	sld [smem:$0x3FD9]  }
0x89: {  	s3 =	sld [smem:$0x3FFE];
	_ =	sdelay $0x1  }
0x8a: {  	s1 =	srdreg.scid  }
0x8b: {  	s0 =	sand.u32 $0x1, s1  }
0x8c: {  	s17 =	sshll.u32 s0, $0xA;
	s2 =	sadd.s32 s3, s2  }
0x8d: {  	s2 =	sadd.s32 s2, s17  }
0x8e: {  	[smem:$0x3FB9] =	sst s2  }
0x8f: {  	_ = 	snop  }
0x90: {  	s18 =	sld [smem:$0x3FC8]  }
0x91: {  	s4 =	sld [smem:$0x3FC7];
	(tm) =	ssettm $0x1  }
0x92: {  	s19 =	sld [smem:$0x3FFB];
	_ =	sdelay $0x3  }
0x93: {  	_ =	strace s19  }
0x94: {  	s2 =	sld [smem:$0x3FFC];
	_ =	sdelay $0x3  }
0x95: {  	_ =	strace s2  }
0x96: {  	s2 =	sld [smem:$0x3FFD];
	_ =	sdelay $0x3  }
0x97: {  	_ =	strace s2  }
0x98: {  	_ =	strace $0x8FFFFFFF  }
0x99: {  	s20 =	sld [smem:$0x3FDB];
	_ =	sdelay $0x1  }
0x9a: {  	s5 =	simm.s32 $_scs_section_size  }
0x9b: {  	s6 =	simm.s32 $_size__tile_overlayer_lowered;
	s7 =	simm.s32 $_tile_overlayer_lowered  }
0x9c: {  	s8 =	simm.s32 $0x1BFF;
	s21 =	sshll.u32 s7, $0x1;
	s5 =	sadd.s32 s5, s20  }
0x9d: {  	s22 =	simm.s32 $0x0;
	s6 =	sshll.u32 s6, $0x1;
	s7 =	sadd.s32 s21, s5  }
0x9e: {  	[timem:s22], [sflag:s8] =	dma.local [hbm:s7], s6  }
0x9f: {  	_ =	swait.ge [sflag:s8], s6  }
0xa0: {  	s6 =	ssub.s32 $0x0, s6;
	[sflag:s8] =	ssyncset.done $0x0  }
0xa1: {  	[sflag:s8] =	ssyncadd.s32 s6;
	_ =	sdelay $0x1  }
0xa2: {  	s23 =	simm.s32 $0x1B8B  }
0xa3: {  	_ =	swait.ge [sflag:s23], $0x1  }
0xa4: {  	[sflag:s23] =	ssyncset.done $0x0  }
0xa5: {  	[sflag:s23] =	ssyncadd.s32 $0xFFFFFFFF  }
0xa6: {  	s6 =	sld [smem:$0x0]  }
0xa7: {  	s7 =	sand.u32 $0xFFFFFFFE, s1  }
0xa8: {  	p0 =	sne.s32 s1, s7  }
0xa9: {  	s7 =	sshll.u32 @p0 s7, $0xE  }
0xaa: {  	s7 =	sadd.s32 @p0 $0x11B8D, s7;
	s8 =	sshll.u32 @p0 s6, $0x11  }
0xab: {  	s7 =	sor.u32 @p0 s8, s7  }
0xac: {  	[sflag:s7] =	ssyncadd.remote.s32 @p0 $0x1;
	_ =	sdelay $0x1  }
0xad: {  	s7 =	simm.s32 @p0 $0x1B8D  }
0xae: {  	_ =	swait.eq @p0 [sflag:s7], $0x1  }
0xaf: {  	[sflag:s7] =	ssyncadd.s32 @p0 $0xFFFFFFFF  }
0xb0: {  	s8 =	sshll.u32 @!p0 s1, $0xE  }
0xb1: {  	s8 =	sor.u32 @!p0 $0x4000, s8;
	s7 =	simm.s32 @!p0 $0x1B8D  }
0xb2: {  	s6 =	sshll.u32 @!p0 s6, $0x11;
	s8 =	sadd.s32 @!p0 $0x11B8D, s8;
	_ =	swait.eq @!p0 [sflag:s7], $0x1  }
0xb3: {  	s6 =	sor.u32 @!p0 s6, s8;
	[sflag:s7] =	ssyncadd.s32 @!p0 $0xFFFFFFFF  }
0xb4: {  	s25 =	simm.s32 $0x1B8E;
	s24 =	sld [smem:$0x3FFE];
	[sflag:s6] =	ssyncadd.remote.s32 @!p0 $0x1  }
0xb5: {  	s26 =	simm.s32 $execute0_lowered;
	[smem:$0x3FD2] =	sst s25  }
0xb6: {  	s7 =	sshll.u32 s26, $0x1;
	_ =	strace $0x8000004C;
	[dreg:$0x1] =	wrdreg $0xFFFFFFFF  }
0xb7: {  	s28 =	simm.s32 $_size_execute0_lowered;
	s5 =	sadd.s32 s5, s7;
	[dreg:$0x0] =	wrdreg $0x0  }
0xb8: {  	s7 =	sshll.u32 s28, $0x1;
	[dreg:$0x2] =	wrdreg s5  }
0xb9: {  	[dreg:$0x3] =	wrdreg s7  }
0xba: {  	[dreg:$0x4] =	wrdreg $0xC0  }
0xbb: {  	_ =	task [dreg:s22], $0x5FFFF  }
0xbc: {  	[dreg:$0x1] =	wrdreg $0xFFFFFFFF  }
0xbd: {  	[dreg:$0x0] =	wrdreg $0x60  }
0xbe: {  	[dreg:$0x2] =	wrdreg s24  }
0xbf: {  	[dreg:$0x3] =	wrdreg s18  }
0xc0: {  	[dreg:$0x4] =	wrdreg s4  }
0xc1: {  	[dreg:$0x5] =	wrdreg $0x0  }
0xc2: {  	[dreg:$0x6] =	wrdreg $0xA  }
0xc3: {  	_ =	task.clear_ibuf [dreg:s22], $0x7FFFF;
	_ =	strace $0x9000004C  }
0xc4: {  	s29 =	simm.s32 $0xA;
	_ =	strace $0x8000004E  }
0xc5: {  	_ =	swait.ge [sflag:s29], $0x1  }
0xc6: {  	[sflag:s29] =	ssyncadd.s32 $0xFFFFFFFF  }
0xc7: {  	_ =	strace $0x9000004E  }
0xc8: {  	_ =	sfence  }
0xc9: {  	s30 =	sld [smem:$0x0];
	_ =	sdelay $0x2  }
0xca: {  	s31 =	sshll.u32 s1, $0xD;
	s1 =	sshrl.u32 s1, $0x2  }
0xcb: {  	s4 =	sand.u32 $0x4000, s31;
	s1 =	sadd.s32 s1, s30  }
0xcc: {  	s0 =	sor.u32 s4, s0;
	s1 =	sshll.u32 s1, $0x11  }
0xcd: {  	s0 =	sor.u32 s1, s0  }
0xce: {  	s0 =	sadd.s32 $0x8F2B, s0  }
0xcf: {  	[sflag:s0] =	ssyncadd.remote.s32 $0x1  }
0xd0: {  	_ =	sfence.sel $0xFFFF  }
0xd1: {  	[dreg:$0x0] =	wrdreg $0xFFFFFFFF;
	(pc) =	sbr.abs _section_cstart, $3  }
0xd2: {  	[dreg:$0x1] =	wrdreg $0xFFFFFFFF  }
0xd3: {  	_ =	task.clear_ibuf [dreg:s22], $0x2FFFF;
	_ =	strace $0x9FFFFFFF  }
0xd4: {  	(tm) =	ssettm $0x7FFFFFFF  }
0xd5: {  	_ =	shalt  }
tec
execute0_lowered:
.L_overlay_start_1:
0x0: {  	(tag) =	ssettag $0x1  }
0x1: {  	s5 =	rddreg [dreg:$0x0]  }
0x2: {  	s17 =	rddreg [dreg:$0x1]  }
0x3: {  	s15 =	rddreg [dreg:$0x2];
	s0 =	srdreg.scid  }
0x4: {  	s2 =	rddreg [dreg:$0x3];
	s1 =	stileid.u32;
	s3 =	simm.s32 $0x0  }
0x5: {  	s11 =	simm.s32 $0x4F;
	s21 =	simm.s32 $0xB480;
	s22 =	simm.s32 $0x80  }
0x6: {  	s23 =	simm.s32 $0xB500;
	s24 =	simm.s32 $0x1;
	s25 =	simm.s32 $0x0  }
0x7: {  	s12 =	sand.u32 $0x1, s0;
	s0 =	rddreg [dreg:$0x4];
	s7 =	smul.u32 $0xA000, s1  }
0x8: {  	[smem:$0x7FF] =	sst s3;
	s8 =	smul.u32 $0x28000, s1;
	s4 =	sadd.s32 $0x2E400, s5  }
0x9: {  	p0 =	slt.u32 s1, $0x2;
	s20 =	sshll.u32 s1, $0x4;
	s6 =	smul.u32 $0xA0000, s12  }
0xa: {  	_ =	strace $0x8000004D;
	s30 =	ssub.s32 $0x2, s12;
	s18 =	smul.u32 $0x4E20, s12  }
0xb: {  	s11 =	simm.s32 @!p0 $0x4E;
	s8 =	sshrl.u32 s8, $0x2;
	s31 =	sshrl.u32 s30, $0x1  }
0xc: {  	s6 =	sadd.s32 s7, s6;
	s16 =	ssub.s32 s30, s31;
	s19 =	sadd.s32 s18, s15  }
0xd: {  	s17 =	sadd.s32 s18, s17;
	s18 =	simm.s32 $0xA000;
	s6 =	sshrl.u32 s6, $0x3  }
0xe: {  	s15 =	smax.u32 s16, $0x1;
	s16 =	sadd.s32 s20, s19;
	s17 =	sadd.s32 s20, s17  }
0xf: {  	s19 =	simm.s32 $0x2;
	s14 =	sadd.s32 s6, s5;
	s5 =	sadd.s32 s8, s2  }
0x10: {  	s20 =	simm.s32 $0xB400;
	s6 =	sadd.s32 $0x1400, s5;
	s7 =	sadd.s32 $0x2800, s5  }
0x11: {  	s8 =	sadd.s32 $0x3C00, s5;
	s9 =	sadd.s32 $0x5000, s5;
	s10 =	sadd.s32 $0x6400, s5  }
0x12: {  	v0 =	vimm.f32 $0.0e+00;
	s12 =	sadd.s32 $0x7800, s5;
	s13 =	sadd.s32 $0x8C00, s5;
	s14 =	sadd.s32 $0x55600, s14  }
.LBB2_1:
0x13: {  	s26 =	simm.s32 $0x0;
	s28 =	simm.s32 $0x200  }
.LBB2_2:
0x14: {  	p0 =	sne.s32 s28, $0x4E00;
	[tilespmem:s26+$0xA070] =	vst v0  }
0x15: {  	[tilespmem:s26+$0xA000] =	vst v0  }
0x16: {  	[tilespmem:s26+$0xA010] =	vst v0  }
.Ltmp0:
0x17: {  	[tilespmem:s26+$0xA020] =	vst v0;
	(pc) =	sbr.rel @p0 .LBB2_2-.Ltmp0, $4  }
0x18: {  	[tilespmem:s26+$0xA030] =	vst v0  }
0x19: {  	[tilespmem:s26+$0xA040] =	vst v0  }
0x1a: {  	[tilespmem:s26+$0xA050] =	vst v0  }
0x1b: {  	[tilespmem:s26+$0xA060] =	vst v0;
	s26 =	sshra.s32 s28, $0x2;
	s28 =	sadd.s32 $0x200, s28  }
0x1c: {  	[tilespmem:s26+$0xA070] =	vst v0  }
0x1d: {  	[tilespmem:s26+$0xA000] =	vst v0  }
0x1e: {  	[tilespmem:s26+$0xA010] =	vst v0  }
0x1f: {  	[tilespmem:s26+$0xA020] =	vst v0  }
0x20: {  	[tilespmem:s26+$0xA030] =	vst v0  }
0x21: {  	[tilespmem:s26+$0xA040] =	vst v0  }
0x22: {  	[tilespmem:s26+$0xA050] =	vst v0  }
0x23: {  	[tilespmem:s26+$0xA060] =	vst v0  }
0x24: {  	[spmem:s5] =	stream.linear.scatter [tilespmem:s18], [sflag:$0x2], $0x1400, $0x38;
	[tilespmem:$0xF500] =	vst v63  }
0x25: {  	_ =	swait.ge [sflag:s19], $0x1400  }
0x26: {  	[sflag:s19] =	ssyncset.done $0x0  }
0x27: {  	[sflag:s19] =	ssyncadd.s32 $0xFFFFEC00  }
0x28: {  	[spmem:s6] =	stream.linear.scatter [tilespmem:s18], [sflag:$0x2], $0x1400, $0x38;
	[tilespmem:$0xF500] =	vst v63  }
0x29: {  	_ =	swait.ge [sflag:s19], $0x1400  }
0x2a: {  	[sflag:s19] =	ssyncset.done $0x0  }
0x2b: {  	[sflag:s19] =	ssyncadd.s32 $0xFFFFEC00  }
0x2c: {  	[spmem:s7] =	stream.linear.scatter [tilespmem:s18], [sflag:$0x2], $0x1400, $0x38;
	[tilespmem:$0xF500] =	vst v63  }
0x2d: {  	_ =	swait.ge [sflag:s19], $0x1400  }
0x2e: {  	[sflag:s19] =	ssyncset.done $0x0  }
0x2f: {  	[sflag:s19] =	ssyncadd.s32 $0xFFFFEC00  }
0x30: {  	[spmem:s8] =	stream.linear.scatter [tilespmem:s18], [sflag:$0x2], $0x1400, $0x38;
	[tilespmem:$0xF500] =	vst v63  }
0x31: {  	_ =	swait.ge [sflag:s19], $0x1400  }
0x32: {  	[sflag:s19] =	ssyncset.done $0x0  }
0x33: {  	[sflag:s19] =	ssyncadd.s32 $0xFFFFEC00  }
0x34: {  	[spmem:s9] =	stream.linear.scatter [tilespmem:s18], [sflag:$0x2], $0x1400, $0x38;
	[tilespmem:$0xF500] =	vst v63  }
0x35: {  	_ =	swait.ge [sflag:s19], $0x1400  }
0x36: {  	[sflag:s19] =	ssyncset.done $0x0  }
0x37: {  	[sflag:s19] =	ssyncadd.s32 $0xFFFFEC00  }
0x38: {  	[spmem:s10] =	stream.linear.scatter [tilespmem:s18], [sflag:$0x2], $0x1400, $0x38;
	[tilespmem:$0xF500] =	vst v63  }
0x39: {  	_ =	swait.ge [sflag:s19], $0x1400  }
0x3a: {  	[sflag:s19] =	ssyncset.done $0x0  }
0x3b: {  	[sflag:s19] =	ssyncadd.s32 $0xFFFFEC00  }
0x3c: {  	[spmem:s12] =	stream.linear.scatter [tilespmem:s18], [sflag:$0x2], $0x1400, $0x38;
	[tilespmem:$0xF500] =	vst v63  }
0x3d: {  	_ =	swait.ge [sflag:s19], $0x1400  }
0x3e: {  	[sflag:s19] =	ssyncset.done $0x0  }
0x3f: {  	[sflag:s19] =	ssyncadd.s32 $0xFFFFEC00  }
0x40: {  	[spmem:s13] =	stream.linear.scatter [tilespmem:s18], [sflag:$0x2], $0x1400, $0x38;
	[tilespmem:$0xF500] =	vst v63  }
0x41: {  	_ =	swait.ge [sflag:s19], $0x1400  }
0x42: {  	[sflag:s19] =	ssyncset.done $0x0  }
0x43: {  	[sflag:s19] =	ssyncadd.s32 $0xFFFFEC00  }
0x44: {  	[bflag:$0x0] =	sbarrier.arrive $0xFFFF  }
0x45: {  	[tilespmem:s20], [sflag:$0x2] =	stream.linear.gather [hbm4b:s17+s3], $0x80, $0x38;
	[tilespmem:$0xF500] =	vst v63  }
0x46: {  	_ =	swait.ge [sflag:s19], $0x80  }
0x47: {  	[sflag:s19] =	ssyncset.done $0x0  }
0x48: {  	[sflag:s19] =	ssyncadd.s32 $0xFFFFFF80  }
0x49: {  	[tilespmem:s21], [sflag:$0x2] =	stream.linear.gather [hbm4b:s16+s3], $0x80, $0x38;
	[tilespmem:$0xF500] =	vst v63  }
0x4a: {  	_ =	swait.ge [sflag:s19], $0x80  }
0x4b: {  	[sflag:s19] =	ssyncset.done $0x0  }
0x4c: {  	[sflag:s19] =	ssyncadd.s32 $0xFFFFFF80  }
0x4d: {  	[tilespmem:s23], [sflag:$0x1] =	stream.indirect.gather [hbm4b:s4+s22], $0x80, s20, s22, $0xb8;
	[tilespmem:$0xF500] =	vst v63  }
0x4e: {  	p0 =	sne.s32 s11, $0x1;
	_ =	swait.ge [sflag:s24], $0x4000  }
.Ltmp1:
0x4f: {  	[sflag:s24] =	ssyncset.done $0x0;
	(pc) =	sbr.rel @!p0 .LBB2_5-.Ltmp1, $4  }
0x50: {  	[sflag:s24] =	ssyncadd.s32 $0xFFFFC000  }
0x51: {  	[spmem:s2] =	stream.indirect.scatter.add.f32 [tilespmem:s23], [sflag:$0x2], $0x80, s21, s22, $0xb8;
	[tilespmem:$0xF500] =	vst v63  }
0x52: {  	s26 =	sadd.s32 $0xFFFFFFFF, s11;
	_ =	swait.ge [sflag:s19], $0x4000  }
0x53: {  	s28 =	smov.u32 s16;
	s29 =	smov.u32 s17;
	[sflag:s19] =	ssyncset.done $0x0  }
.LBB2_4:
0x54: {  	[sflag:s19] =	ssyncadd.s32 $0xFFFFC000;
	s28 =	sadd.s32 $0x100, s28;
	s29 =	sadd.s32 $0x100, s29  }
0x55: {  	[tilespmem:s20], [sflag:$0x2] =	stream.linear.gather [hbm4b:s29+s3], $0x80, $0x38;
	[tilespmem:$0xF500] =	vst v63  }
0x56: {  	p0 =	sne.s32 s26, $0x1;
	s26 =	sadd.s32 $0xFFFFFFFF, s26;
	_ =	swait.ge [sflag:s19], $0x80  }
0x57: {  	[sflag:s19] =	ssyncset.done $0x0  }
0x58: {  	[sflag:s19] =	ssyncadd.s32 $0xFFFFFF80  }
0x59: {  	[tilespmem:s21], [sflag:$0x2] =	stream.linear.gather [hbm4b:s28+s3], $0x80, $0x38;
	[tilespmem:$0xF500] =	vst v63  }
0x5a: {  	_ =	swait.ge [sflag:s19], $0x80  }
0x5b: {  	[sflag:s19] =	ssyncset.done $0x0  }
0x5c: {  	[sflag:s19] =	ssyncadd.s32 $0xFFFFFF80  }
0x5d: {  	[tilespmem:s23], [sflag:$0x1] =	stream.indirect.gather [hbm4b:s4+s22], $0x80, s20, s22, $0xb8;
	[tilespmem:$0xF500] =	vst v63  }
0x5e: {  	_ =	swait.ge [sflag:s24], $0x4000  }
.Ltmp2:
0x5f: {  	[sflag:s24] =	ssyncset.done $0x0;
	(pc) =	sbr.rel @p0 .LBB2_4-.Ltmp2, $4  }
0x60: {  	[sflag:s24] =	ssyncadd.s32 $0xFFFFC000  }
0x61: {  	[spmem:s2] =	stream.indirect.scatter.add.f32 [tilespmem:s23], [sflag:$0x2], $0x80, s21, s22, $0xb8;
	[tilespmem:$0xF500] =	vst v63  }
0x62: {  	_ =	swait.ge [sflag:s19], $0x4000  }
0x63: {  	[sflag:s19] =	ssyncset.done $0x0  }
.LBB2_5:
0x64: {  	[sflag:s19] =	ssyncadd.s32 $0xFFFFC000;
	s25 =	sadd.s32 $0x1, s25  }
0x65: {  	s26 =	sshll.u32 s1, $0x6;
	s28 =	sshrl.u32 s5, $0x3;
	p0 =	sne.s32 s25, s15  }
.Ltmp3:
0x66: {  	[bflag:$0x0] =	sbarrier.arrive $0xFFFF;
	s26 =	sor.u32 $0x1C02, s26;
	(pc) =	sbr.rel @p0 .LBB2_1-.Ltmp3, $4  }
0x67: {  	[hbm:s14], [sflag:s26] =	dma.local [spmem:s28], $0x1400  }
0x68: {  	_ =	swait.ge [sflag:s19], $0x1400  }
0x69: {  	[sflag:s19] =	ssyncset.done $0x0  }
0x6a: {  	[sflag:s19] =	ssyncadd.s32 $0xFFFFEC00  }
0x6b: {  	_ =	sfence.sel $0x180000  }
0x6c: {  	[bflag:$0x0] =	sbarrier.arrive $0xFFFF  }
0x6d: {  	p0 =	sne.s32 s1, $0x0;
	_ =	strace $0x9000004D  }
0x6e: {  	s0 =	sadd.s32 @!p0 $0x100000, s0;
	[bflag:$0x2] =	sbarrier.arrive $0xFFFF  }
0x6f: {  	[sflag:s0] =	ssyncadd.tile.s32 @!p0 $0x1;
	_ =	shalt  }
.Lfunc_end2:
_tile_overlayer_lowered:
.L_overlay_start_2:
0x70: {  	(tag) =	ssettag $0x2  }
0x71: {  	s0 =	rddreg [dreg:$0x0];
	s2 =	stileid.u32  }
0x72: {  	s1 =	rddreg [dreg:$0x1];
	p0 =	sne.s32 s2, $0x0  }
0x73: {  	s3 =	rddreg [dreg:$0x2];
	[bflag:$0x3] =	sbarrier.arrive $0xFFFF;
	s2 =	simm.s32 @!p0 $0x1C02  }
0x74: {  	[timem:s3], [sflag:s2] =	dma.local @!p0 [hbm:s0], s1  }
0x75: {  	s0 =	simm.s32 @!p0 $0x2  }
0x76: {  	_ =	swait.ge @!p0 [sflag:s0], s1  }
0x77: {  	s1 =	ssub.s32 @!p0 $0x0, s1;
	[sflag:s0] =	ssyncset.done @!p0 $0x0  }
0x78: {  	[sflag:s0] =	ssyncadd.s32 @!p0 s1  }
0x79: {  	[bflag:$0x3] =	sbarrier.arrive $0xFFFF  }
0x7a: {  	_ =	shalt  }

// kernel: kernel.23.cloned.1.call-start
scs
__scs_entry_jumppad:
0x0: {  	(pc) =	sbr.rel $0x88, $3  }
0x1: {  	(tag) =	ssettag $0x0;
	lr =	simm.s32 $0x1  }
0x2: {  	[smem:$0x3F92] =	sst lr;
	_ =	strace $0xD0000000  }
0x3: {  	_ = 	snop  }
0x4: {  	_ = 	snop  }
0x5: {  	_ = 	snop  }
0x6: {  	_ = 	snop  }
0x7: {  	_ = 	snop  }
__scs_overlays_trampoline_lowered:
0x8: {  	[smem:$0x3FA1] =	sst s0  }
0x9: {  	[smem:$0x3FA2] =	sst s1  }
0xa: {  	[smem:$0x3FA3] =	sst s2  }
0xb: {  	[smem:$0x3FA4] =	sst s3  }
0xc: {  	[smem:$0x3FA5] =	sst s4  }
0xd: {  	[smem:$0x3FA6] =	sst s5  }
0xe: {  	[smem:$0x3FA7] =	sst s6  }
0xf: {  	[smem:$0x3FA8] =	sst s7  }
0x10: {  	[smem:$0x3FA9] =	sst s8  }
0x11: {  	[smem:$0x3FAA] =	sst s9;
	s0 =	simm.s32 @!p0 $0x0  }
0x12: {  	s1 =	sld [smem:$0x3F90];
	s0 =	simm.s32 @p0 $0x1  }
0x13: {  	[smem:$0x3FAB] =	sst s0;
	s0 =	simm.s32 @!p1 $0x0  }
0x14: {  	s2 =	sld [smem:$0x3F8F];
	s0 =	simm.s32 @p1 $0x1  }
0x15: {  	[smem:$0x3FAC] =	sst s0;
	s0 =	simm.s32 @!p2 $0x0  }
0x16: {  	s3 =	sld [smem:$0x3FDB];
	s0 =	simm.s32 @p2 $0x1  }
0x17: {  	s4 =	simm.s32 $0x1BF5;
	[smem:$0x3FAE] =	sst s0  }
0x18: {  	s0 =	sld [smem:$0x3F91];
	_ =	swait.ge [sflag:s4], $0x0  }
0x19: {  	s7 =	sld [smem:$0x3F92]  }
0x1a: {  	s8 =	sadd.s32 $0xFFFFE003, lr  }
0x1b: {  	s9 =	sadd.s32 $0xFFFFFEF7, lr;
	s5 =	simm.s32 $0xFFFFFFFF;
	p2 =	slt.u32 s8, $0xFFFFF086  }
0x1c: {  	p1 =	slt.u32 s9, $0xF7A;
	s5 =	simm.s32 @!p2 $0x0  }
0x1d: {  	s5 =	simm.s32 @p1 $0x1;
	p0 =	seq.s32 s7, s2  }
0x1e: {  	s7 =	smul.u32 @!p0 $0xF7A, s2;
	p2 =	seq.s32 @!p0 s5, $0x0  }
0x1f: {  	s9 =	smul.u32 $0xF7A, s1;
	s8 =	simm.s32 @!p0 $0x1BF5;
	p2 =	por !p2, p0  }
0x20: {  	[sflag:s8] =	ssyncset.s32 @!p0 $0xFFFFF086;
	s6 =	sadd.s32 @!p0 s3, s7;
	s7 =	simm.s32 @!p0 $0x108  }
0x21: {  	s3 =	sadd.s32 s3, s9;
	s6 =	sadd.s32 @!p0 $0x88, s6;
	s7 =	simm.s32 @p2 $0x1082  }
0x22: {  	[simem:s7], [sflag:s8] =	dma.local @!p0 [hbm:s6], $0xF7A  }
0x23: {  	s9 =	sor.u32 $0xD0000000, s2;
	s6 =	simm.s32 $0x108;
	_ =	swait.ge @!p0 [sflag:s8], $0x0  }
0x24: {  	s3 =	sadd.s32 $0x88, s3;
	s6 =	simm.s32 @!p1 $0x1082;
	[sflag:s4] =	ssyncset.s32 $0xFFFFF086  }
0x25: {  	[simem:s6], [sflag:s4] =	dma.local [hbm:s3], $0xF7A  }
0x26: {  	[smem:$0x3F92] =	sst s1;
	(tag) =	ssettag s2;
	_ =	strace s9  }
0x27: {  	s1 =	sld [smem:$0x3FA2]  }
0x28: {  	s2 =	sld [smem:$0x3FA3]  }
0x29: {  	s4 =	sld [smem:$0x3FA5]  }
0x2a: {  	p0 =	seq.s32 s5, $0x0;
	s5 =	sld [smem:$0x3FA6]  }
0x2b: {  	s6 =	sld [smem:$0x3FA7]  }
0x2c: {  	s7 =	sld [smem:$0x3FA8]  }
0x2d: {  	s3 =	simm.s32 $0x108;
	s8 =	sld [smem:$0x3FA9]  }
0x2e: {  	s3 =	simm.s32 @!p0 $0x1082;
	s9 =	sld [smem:$0x3FAA]  }
0x2f: {  	lr =	sadd.s32 s0, s3;
	s0 =	sld [smem:$0x3FA1]  }
0x30: {  	s3 =	sld [smem:$0x3FA4]  }
0x31: {  	[smem:$0x3FAD] =	sst s10  }
0x32: {  	s10 =	sld [smem:$0x3FAB];
	_ =	sdelay $0x3  }
0x33: {  	p0 =	seq.s32 s10, $0x1;
	s10 =	sld [smem:$0x3FAD];
	_ =	sdelay $0x3  }
0x34: {  	[smem:$0x3FAD] =	sst s10  }
0x35: {  	s10 =	sld [smem:$0x3FAC];
	_ =	sdelay $0x3  }
0x36: {  	p1 =	seq.s32 s10, $0x1;
	s10 =	sld [smem:$0x3FAD];
	_ =	sdelay $0x3  }
0x37: {  	[smem:$0x3FAD] =	sst s10  }
0x38: {  	s10 =	sld [smem:$0x3FAE]  }
0x39: {  	_ = 	snop;
	(pc) =	sbr.ind lr, $3  }
0x3a: {  	_ = 	snop  }
0x3b: {  	_ = 	snop  }
0x3c: {  	p2 =	seq.s32 s10, $0x1;
	s10 =	sld [smem:$0x3FAD]  }
0x3d: {  	_ =	shalt  }
0x3e: {  	_ =	shalt  }
0x3f: {  	_ =	shalt  }
0x40: {  	_ =	shalt  }
0x41: {  	_ =	shalt  }
0x42: {  	_ =	shalt  }
0x43: {  	_ =	shalt  }
0x44: {  	_ =	shalt  }
0x45: {  	_ =	shalt  }
0x46: {  	_ =	shalt  }
0x47: {  	_ =	shalt  }
0x48: {  	_ =	shalt  }
0x49: {  	_ =	shalt  }
0x4a: {  	_ =	shalt  }
0x4b: {  	_ =	shalt  }
0x4c: {  	_ =	shalt  }
0x4d: {  	_ =	shalt  }
0x4e: {  	_ =	shalt  }
0x4f: {  	_ =	shalt  }
0x50: {  	_ =	shalt  }
0x51: {  	_ =	shalt  }
0x52: {  	_ =	shalt  }
0x53: {  	_ =	shalt  }
0x54: {  	_ =	shalt  }
0x55: {  	_ =	shalt  }
0x56: {  	_ =	shalt  }
0x57: {  	_ =	shalt  }
0x58: {  	_ =	shalt  }
0x59: {  	_ =	shalt  }
0x5a: {  	_ =	shalt  }
0x5b: {  	_ =	shalt  }
0x5c: {  	_ =	shalt  }
0x5d: {  	_ =	shalt  }
0x5e: {  	_ =	shalt  }
0x5f: {  	_ =	shalt  }
0x60: {  	_ =	shalt  }
0x61: {  	_ =	shalt  }
0x62: {  	_ =	shalt  }
0x63: {  	_ =	shalt  }
0x64: {  	_ =	shalt  }
0x65: {  	_ =	shalt  }
0x66: {  	_ =	shalt  }
0x67: {  	_ =	shalt  }
0x68: {  	_ =	shalt  }
0x69: {  	_ =	shalt  }
0x6a: {  	_ =	shalt  }
0x6b: {  	_ =	shalt  }
0x6c: {  	_ =	shalt  }
0x6d: {  	_ =	shalt  }
0x6e: {  	_ =	shalt  }
0x6f: {  	_ =	shalt  }
0x70: {  	_ =	shalt  }
0x71: {  	_ =	shalt  }
0x72: {  	_ =	shalt  }
0x73: {  	_ =	shalt  }
0x74: {  	_ =	shalt  }
0x75: {  	_ =	shalt  }
0x76: {  	_ =	shalt  }
0x77: {  	_ =	shalt  }
0x78: {  	_ =	shalt  }
0x79: {  	_ =	shalt  }
0x7a: {  	_ =	shalt  }
0x7b: {  	_ =	shalt  }
0x7c: {  	_ =	shalt  }
0x7d: {  	_ =	shalt  }
0x7e: {  	_ =	shalt  }
0x7f: {  	_ =	shalt  }
0x80: {  	_ =	shalt  }
0x81: {  	_ =	shalt  }
0x82: {  	_ =	shalt  }
0x83: {  	_ =	shalt  }
0x84: {  	_ =	shalt  }
0x85: {  	_ =	shalt  }
0x86: {  	_ =	shalt  }
0x87: {  	_ =	shalt  }
.Lfunc_end0:
.L_simem_size_0:
called_computation.3_lowered:
.L_overlay_start_0:
0x88: {  	s2 =	sld [smem:$0x3FD9]  }
0x89: {  	s3 =	sld [smem:$0x3FFE];
	_ =	sdelay $0x1  }
0x8a: {  	s1 =	srdreg.scid  }
0x8b: {  	s0 =	sand.u32 $0x1, s1  }
0x8c: {  	s14 =	sshll.u32 s0, $0xA;
	s2 =	sadd.s32 s3, s2  }
0x8d: {  	s2 =	sadd.s32 s2, s14  }
0x8e: {  	[smem:$0x3FB9] =	sst s2  }
0x8f: {  	_ = 	snop  }
0x90: {  	s2 =	sld [smem:$0x3FD0];
	_ =	sdelay $0x1  }
0x91: {  	s15 =	sld [smem:$0x3FC8]  }
0x92: {  	s5 =	simm.s32 $0xB;
	s6 =	simm.s32 $0x10;
	s4 =	sld [smem:$0x3FC7]  }
0x93: {  	[smem:s6], [sflag:s5] =	dma.local [hbm:s2], $0x1  }
0x94: {  	_ =	swait.eq [sflag:s5], $0x1  }
0x95: {  	[sflag:s5] =	ssyncset.done $0x0  }
0x96: {  	[sflag:s5] =	ssyncadd.s32 $0xFFFFFFFF  }
0x97: {  	s16 =	sld [smem:$0x11];
	(tm) =	ssettm $0x1  }
0x98: {  	s17 =	sld [smem:$0x3FFB];
	_ =	sdelay $0x3  }
0x99: {  	_ =	strace s17  }
0x9a: {  	s5 =	sld [smem:$0x3FFC];
	_ =	sdelay $0x3  }
0x9b: {  	_ =	strace s5  }
0x9c: {  	s5 =	sld [smem:$0x3FFD];
	_ =	sdelay $0x3  }
0x9d: {  	_ =	strace s5  }
0x9e: {  	_ =	strace $0x8FFFFFFF  }
0x9f: {  	s18 =	sld [smem:$0x3FDB];
	_ =	sdelay $0x1  }
0xa0: {  	s19 =	simm.s32 $_scs_section_size  }
0xa1: {  	s7 =	simm.s32 $_size__tile_overlayer_lowered;
	s8 =	simm.s32 $_tile_overlayer_lowered  }
0xa2: {  	s22 =	simm.s32 $0x1BFF;
	s21 =	sshll.u32 s8, $0x1;
	s5 =	sadd.s32 s19, s18  }
0xa3: {  	s9 =	simm.s32 $0x0;
	s20 =	sshll.u32 s7, $0x1;
	s7 =	sadd.s32 s21, s5  }
0xa4: {  	[timem:s9], [sflag:s22] =	dma.local [hbm:s7], s20  }
0xa5: {  	_ =	swait.ge [sflag:s22], s20  }
0xa6: {  	s6 =	ssub.s32 $0x0, s20;
	[sflag:s22] =	ssyncset.done $0x0  }
0xa7: {  	[sflag:s22] =	ssyncadd.s32 s6;
	_ =	sdelay $0x1  }
0xa8: {  	s23 =	simm.s32 $0x1B8B  }
0xa9: {  	_ =	swait.ge [sflag:s23], $0x1  }
0xaa: {  	[sflag:s23] =	ssyncset.done $0x0  }
0xab: {  	s25 =	simm.s32 $0x1B8E;
	s24 =	sld [smem:$0x3FFE];
	[sflag:s23] =	ssyncadd.s32 $0xFFFFFFFF  }
0xac: {  	s26 =	simm.s32 $execute0_lowered;
	[smem:$0x3FD2] =	sst s25  }
0xad: {  	s7 =	sshll.u32 s26, $0x1;
	_ =	strace $0x8000004F;
	[dreg:$0x1] =	wrdreg $0xFFFFFFFF  }
0xae: {  	s28 =	simm.s32 $_size_execute0_lowered;
	s5 =	sadd.s32 s5, s7;
	[dreg:$0x0] =	wrdreg $0x0  }
0xaf: {  	s7 =	sshll.u32 s28, $0x1;
	[dreg:$0x2] =	wrdreg s5  }
0xb0: {  	[dreg:$0x3] =	wrdreg s7  }
0xb1: {  	[dreg:$0x4] =	wrdreg $0xC0  }
0xb2: {  	_ =	task [dreg:s9], $0x5FFFF  }
0xb3: {  	[dreg:$0x1] =	wrdreg $0xFFFFFFFF  }
0xb4: {  	[dreg:$0x0] =	wrdreg $0x60  }
0xb5: {  	[dreg:$0x2] =	wrdreg s16  }
0xb6: {  	[dreg:$0x3] =	wrdreg s4  }
0xb7: {  	[dreg:$0x4] =	wrdreg s15  }
0xb8: {  	[dreg:$0x5] =	wrdreg s24  }
0xb9: {  	[dreg:$0x6] =	wrdreg $0x0  }
0xba: {  	[dreg:$0x7] =	wrdreg $0x9  }
0xbb: {  	_ =	task.clear_ibuf [dreg:s9], $0x8FFFF;
	_ =	strace $0x9000004F  }
0xbc: {  	s29 =	simm.s32 $0x9;
	_ =	strace $0x80000051  }
0xbd: {  	_ =	swait.ge [sflag:s29], $0x1  }
0xbe: {  	[sflag:s29] =	ssyncadd.s32 $0xFFFFFFFF  }
0xbf: {  	_ =	strace $0x90000051  }
0xc0: {  	_ =	sfence  }
0xc1: {  	s30 =	sld [smem:$0x0];
	_ =	sdelay $0x2  }
0xc2: {  	s31 =	sshll.u32 s1, $0xD;
	s1 =	sshrl.u32 s1, $0x2  }
0xc3: {  	s3 =	sand.u32 $0x4000, s31;
	s1 =	sadd.s32 s1, s30  }
0xc4: {  	s0 =	sor.u32 s3, s0;
	s1 =	sshll.u32 s1, $0x11  }
0xc5: {  	s0 =	sor.u32 s1, s0  }
0xc6: {  	s0 =	sadd.s32 $0x8F2B, s0  }
0xc7: {  	[sflag:s0] =	ssyncadd.remote.s32 $0x1  }
0xc8: {  	_ =	sfence.sel $0xFFFF  }
0xc9: {  	[dreg:$0x0] =	wrdreg $0xFFFFFFFF;
	(pc) =	sbr.abs _section_cstart, $3  }
0xca: {  	[dreg:$0x1] =	wrdreg $0xFFFFFFFF  }
0xcb: {  	_ =	task.clear_ibuf [dreg:s9], $0x2FFFF;
	_ =	strace $0x9FFFFFFF  }
0xcc: {  	(tm) =	ssettm $0x7FFFFFFF  }
0xcd: {  	_ =	shalt  }
tec
execute0_lowered:
.L_overlay_start_1:
0x0: {  	(tag) =	ssettag $0x1  }
0x1: {  	s1 =	rddreg [dreg:$0x0]  }
0x2: {  	s0 =	rddreg [dreg:$0x1]  }
0x3: {  	s2 =	rddreg [dreg:$0x2]  }
0x4: {  	s5 =	rddreg [dreg:$0x3]  }
0x5: {  	s3 =	rddreg [dreg:$0x4]  }
0x6: {  	s6 =	srdreg.scid;
	s21 =	stileid.u32;
	s4 =	simm.s32 $0x0  }
0x7: {  	s28 =	simm.s32 $0x14000;
	s29 =	simm.s32 $0x2;
	s30 =	simm.s32 $0x15400  }
0x8: {  	s31 =	simm.s32 $0x15480;
	s6 =	sand.u32 $0x1, s6;
	s7 =	smul.u32 $0x50000, s21  }
0x9: {  	[smem:$0x7FF] =	sst s4;
	s10 =	sadd.s32 $0x2E400, s5;
	s20 =	smul.u32 $0x14000, s21  }
0xa: {  	p0 =	slt.u32 s21, $0x2;
	s26 =	sshll.u32 s21, $0x4;
	s21 =	simm.s32 $0x4F  }
0xb: {  	s8 =	ssub.s32 $0x2, s6;
	_ =	strace $0x80000050;
	s18 =	smul.u32 $0x140000, s6  }
0xc: {  	s6 =	smul.u32 $0x4E20, s6;
	s21 =	simm.s32 @!p0 $0x4E;
	s9 =	sshrl.u32 s8, $0x1  }
0xd: {  	s7 =	sshrl.u32 s7, $0x2;
	s25 =	sadd.s32 $0xA000, s20;
	s8 =	ssub.s32 s8, s9  }
0xe: {  	s5 =	sadd.s32 s7, s3;
	s13 =	sadd.s32 s25, s3;
	s9 =	sadd.s32 s18, s25  }
0xf: {  	s2 =	sadd.s32 s6, s2;
	s0 =	sadd.s32 s6, s0;
	s6 =	simm.s32 $0x1  }
0x10: {  	s7 =	sadd.s32 $0x1400, s5;
	s19 =	sadd.s32 $0x2800, s5;
	s22 =	sadd.s32 $0x3C00, s5  }
0x11: {  	s23 =	sadd.s32 $0x5000, s5;
	s24 =	sadd.s32 $0x6400, s5;
	[dreg:$0x6] =	wrdreg s7  }
0x12: {  	s11 =	sadd.s32 $0x7800, s5;
	s12 =	sadd.s32 $0x8C00, s5;
	[dreg:$0x7] =	wrdreg s19  }
0x13: {  	s14 =	sadd.s32 $0xB400, s5;
	s15 =	sadd.s32 $0xC800, s5;
	[dreg:$0x8] =	wrdreg s22  }
0x14: {  	s16 =	sadd.s32 $0xDC00, s5;
	s17 =	sadd.s32 $0xF000, s5;
	[dreg:$0x9] =	wrdreg s23  }
0x15: {  	s9 =	sshrl.u32 s9, $0x3;
	s25 =	smax.u32 s8, $0x1;
	[dreg:$0xa] =	wrdreg s24  }
0x16: {  	s7 =	sadd.s32 s20, s18;
	s18 =	sadd.s32 $0x10400, s5;
	s20 =	sadd.s32 s10, s9  }
0x17: {  	s9 =	sadd.s32 s26, s2;
	s24 =	sadd.s32 $0x11800, s5;
	s7 =	sshrl.u32 s7, $0x3  }
0x18: {  	s2 =	simm.s32 $0x15500;
	s19 =	sadd.s32 s10, s7;
	s10 =	sadd.s32 s26, s0  }
0x19: {  	v0 =	vimm.f32 $0.0e+00;
	s26 =	sadd.s32 $0x12C00, s5;
	s0 =	simm.s32 $0x80;
	s7 =	simm.s32 $0x0  }
.LBB2_1:
0x1a: {  	s8 =	simm.s32 $0x0;
	s22 =	simm.s32 $0x200  }
.LBB2_2:
0x1b: {  	p0 =	sne.s32 s22, $0x4E00;
	[tilespmem:s8+$0x14070] =	vst v0  }
0x1c: {  	[tilespmem:s8+$0x14000] =	vst v0  }
0x1d: {  	[tilespmem:s8+$0x14010] =	vst v0  }
.Ltmp0:
0x1e: {  	[tilespmem:s8+$0x14020] =	vst v0;
	(pc) =	sbr.rel @p0 .LBB2_2-.Ltmp0, $4  }
0x1f: {  	[tilespmem:s8+$0x14030] =	vst v0  }
0x20: {  	[tilespmem:s8+$0x14040] =	vst v0  }
0x21: {  	[tilespmem:s8+$0x14050] =	vst v0  }
0x22: {  	[tilespmem:s8+$0x14060] =	vst v0;
	s8 =	sshra.s32 s22, $0x2;
	s22 =	sadd.s32 $0x200, s22  }
0x23: {  	[tilespmem:s8+$0x14070] =	vst v0  }
0x24: {  	[tilespmem:s8+$0x14000] =	vst v0  }
0x25: {  	[tilespmem:s8+$0x14010] =	vst v0  }
0x26: {  	[tilespmem:s8+$0x14020] =	vst v0  }
0x27: {  	[tilespmem:s8+$0x14030] =	vst v0  }
0x28: {  	[tilespmem:s8+$0x14040] =	vst v0  }
0x29: {  	[tilespmem:s8+$0x14050] =	vst v0  }
0x2a: {  	[tilespmem:s8+$0x14060] =	vst v0  }
0x2b: {  	[spmem:s5] =	stream.linear.scatter [tilespmem:s28], [sflag:$0x2], $0x1400, $0x38;
	[tilespmem:$0x19500] =	vst v63  }
0x2c: {  	_ =	swait.ge [sflag:s29], $0x1400  }
0x2d: {  	[sflag:s29] =	ssyncset.done $0x0  }
0x2e: {  	s23 =	rddreg [dreg:$0x6];
	[sflag:s29] =	ssyncadd.s32 $0xFFFFEC00  }
0x2f: {  	[spmem:s23] =	stream.linear.scatter [tilespmem:s28], [sflag:$0x2], $0x1400, $0x38;
	[tilespmem:$0x19500] =	vst v63  }
0x30: {  	_ =	swait.ge [sflag:s29], $0x1400  }
0x31: {  	[sflag:s29] =	ssyncset.done $0x0  }
0x32: {  	s22 =	rddreg [dreg:$0x7];
	[sflag:s29] =	ssyncadd.s32 $0xFFFFEC00  }
0x33: {  	[spmem:s22] =	stream.linear.scatter [tilespmem:s28], [sflag:$0x2], $0x1400, $0x38;
	[tilespmem:$0x19500] =	vst v63  }
0x34: {  	_ =	swait.ge [sflag:s29], $0x1400  }
0x35: {  	[sflag:s29] =	ssyncset.done $0x0  }
0x36: {  	s23 =	rddreg [dreg:$0x8];
	[sflag:s29] =	ssyncadd.s32 $0xFFFFEC00  }
0x37: {  	[spmem:s23] =	stream.linear.scatter [tilespmem:s28], [sflag:$0x2], $0x1400, $0x38;
	[tilespmem:$0x19500] =	vst v63  }
0x38: {  	_ =	swait.ge [sflag:s29], $0x1400  }
0x39: {  	[sflag:s29] =	ssyncset.done $0x0  }
0x3a: {  	s22 =	rddreg [dreg:$0x9];
	[sflag:s29] =	ssyncadd.s32 $0xFFFFEC00  }
0x3b: {  	[spmem:s22] =	stream.linear.scatter [tilespmem:s28], [sflag:$0x2], $0x1400, $0x38;
	[tilespmem:$0x19500] =	vst v63  }
0x3c: {  	_ =	swait.ge [sflag:s29], $0x1400  }
0x3d: {  	[sflag:s29] =	ssyncset.done $0x0  }
0x3e: {  	s23 =	rddreg [dreg:$0xa];
	[sflag:s29] =	ssyncadd.s32 $0xFFFFEC00  }
0x3f: {  	[spmem:s23] =	stream.linear.scatter [tilespmem:s28], [sflag:$0x2], $0x1400, $0x38;
	[tilespmem:$0x19500] =	vst v63  }
0x40: {  	_ =	swait.ge [sflag:s29], $0x1400  }
0x41: {  	[sflag:s29] =	ssyncset.done $0x0  }
0x42: {  	[sflag:s29] =	ssyncadd.s32 $0xFFFFEC00  }
0x43: {  	[spmem:s11] =	stream.linear.scatter [tilespmem:s28], [sflag:$0x2], $0x1400, $0x38;
	[tilespmem:$0x19500] =	vst v63  }
0x44: {  	_ =	swait.ge [sflag:s29], $0x1400  }
0x45: {  	[sflag:s29] =	ssyncset.done $0x0  }
0x46: {  	[sflag:s29] =	ssyncadd.s32 $0xFFFFEC00  }
0x47: {  	[spmem:s12] =	stream.linear.scatter [tilespmem:s28], [sflag:$0x2], $0x1400, $0x38;
	[tilespmem:$0x19500] =	vst v63  }
0x48: {  	_ =	swait.ge [sflag:s29], $0x1400  }
0x49: {  	[sflag:s29] =	ssyncset.done $0x0  }
0x4a: {  	[sflag:s29] =	ssyncadd.s32 $0xFFFFEC00  }
0x4b: {  	[spmem:s13] =	stream.linear.scatter [tilespmem:s28], [sflag:$0x2], $0x1400, $0x38;
	[tilespmem:$0x19500] =	vst v63  }
0x4c: {  	_ =	swait.ge [sflag:s29], $0x1400  }
0x4d: {  	[sflag:s29] =	ssyncset.done $0x0  }
0x4e: {  	[sflag:s29] =	ssyncadd.s32 $0xFFFFEC00  }
0x4f: {  	[spmem:s14] =	stream.linear.scatter [tilespmem:s28], [sflag:$0x2], $0x1400, $0x38;
	[tilespmem:$0x19500] =	vst v63  }
0x50: {  	_ =	swait.ge [sflag:s29], $0x1400  }
0x51: {  	[sflag:s29] =	ssyncset.done $0x0  }
0x52: {  	[sflag:s29] =	ssyncadd.s32 $0xFFFFEC00  }
0x53: {  	[spmem:s15] =	stream.linear.scatter [tilespmem:s28], [sflag:$0x2], $0x1400, $0x38;
	[tilespmem:$0x19500] =	vst v63  }
0x54: {  	_ =	swait.ge [sflag:s29], $0x1400  }
0x55: {  	[sflag:s29] =	ssyncset.done $0x0  }
0x56: {  	[sflag:s29] =	ssyncadd.s32 $0xFFFFEC00  }
0x57: {  	[spmem:s16] =	stream.linear.scatter [tilespmem:s28], [sflag:$0x2], $0x1400, $0x38;
	[tilespmem:$0x19500] =	vst v63  }
0x58: {  	_ =	swait.ge [sflag:s29], $0x1400  }
0x59: {  	[sflag:s29] =	ssyncset.done $0x0  }
0x5a: {  	[sflag:s29] =	ssyncadd.s32 $0xFFFFEC00  }
0x5b: {  	[spmem:s17] =	stream.linear.scatter [tilespmem:s28], [sflag:$0x2], $0x1400, $0x38;
	[tilespmem:$0x19500] =	vst v63  }
0x5c: {  	_ =	swait.ge [sflag:s29], $0x1400  }
0x5d: {  	[sflag:s29] =	ssyncset.done $0x0  }
0x5e: {  	[sflag:s29] =	ssyncadd.s32 $0xFFFFEC00  }
0x5f: {  	[spmem:s18] =	stream.linear.scatter [tilespmem:s28], [sflag:$0x2], $0x1400, $0x38;
	[tilespmem:$0x19500] =	vst v63  }
0x60: {  	_ =	swait.ge [sflag:s29], $0x1400  }
0x61: {  	[sflag:s29] =	ssyncset.done $0x0  }
0x62: {  	[sflag:s29] =	ssyncadd.s32 $0xFFFFEC00  }
0x63: {  	[spmem:s24] =	stream.linear.scatter [tilespmem:s28], [sflag:$0x2], $0x1400, $0x38;
	[tilespmem:$0x19500] =	vst v63  }
0x64: {  	_ =	swait.ge [sflag:s29], $0x1400  }
0x65: {  	[sflag:s29] =	ssyncset.done $0x0  }
0x66: {  	[sflag:s29] =	ssyncadd.s32 $0xFFFFEC00  }
0x67: {  	[spmem:s26] =	stream.linear.scatter [tilespmem:s28], [sflag:$0x2], $0x1400, $0x38;
	[tilespmem:$0x19500] =	vst v63  }
0x68: {  	_ =	swait.ge [sflag:s29], $0x1400  }
0x69: {  	[sflag:s29] =	ssyncset.done $0x0  }
0x6a: {  	[sflag:s29] =	ssyncadd.s32 $0xFFFFEC00  }
0x6b: {  	[bflag:$0x0] =	sbarrier.arrive $0xFFFF  }
0x6c: {  	[tilespmem:s30], [sflag:$0x2] =	stream.linear.gather [hbm4b:s10+s4], $0x80, $0x38;
	[tilespmem:$0x19500] =	vst v63  }
0x6d: {  	_ =	swait.ge [sflag:s29], $0x80  }
0x6e: {  	[sflag:s29] =	ssyncset.done $0x0  }
0x6f: {  	[sflag:s29] =	ssyncadd.s32 $0xFFFFFF80  }
0x70: {  	[tilespmem:s31], [sflag:$0x2] =	stream.linear.gather [hbm4b:s9+s4], $0x80, $0x38;
	[tilespmem:$0x19500] =	vst v63  }
0x71: {  	_ =	swait.ge [sflag:s29], $0x80  }
0x72: {  	[sflag:s29] =	ssyncset.done $0x0  }
0x73: {  	[sflag:s29] =	ssyncadd.s32 $0xFFFFFF80  }
0x74: {  	[tilespmem:s2], [sflag:$0x1] =	stream.indirect.gather [hbm4b:s1+s0], $0x80, s30, s0, $0xb8;
	[tilespmem:$0x19500] =	vst v63  }
0x75: {  	p0 =	sne.s32 s21, $0x1;
	_ =	swait.ge [sflag:s6], $0x4000  }
.Ltmp1:
0x76: {  	[sflag:s6] =	ssyncset.done $0x0;
	(pc) =	sbr.rel @!p0 .LBB2_5-.Ltmp1, $4  }
0x77: {  	[sflag:s6] =	ssyncadd.s32 $0xFFFFC000  }
0x78: {  	[spmem:s3] =	stream.indirect.scatter.add.f32 [tilespmem:s2], [sflag:$0x2], $0x80, s31, s0, $0xb8;
	[tilespmem:$0x19500] =	vst v63  }
0x79: {  	s8 =	sadd.s32 $0xFFFFFFFF, s21;
	_ =	swait.ge [sflag:s29], $0x4000  }
0x7a: {  	s22 =	smov.u32 s9;
	s23 =	smov.u32 s10;
	[sflag:s29] =	ssyncset.done $0x0  }
.LBB2_4:
0x7b: {  	[sflag:s29] =	ssyncadd.s32 $0xFFFFC000;
	s22 =	sadd.s32 $0x100, s22;
	s23 =	sadd.s32 $0x100, s23  }
0x7c: {  	[tilespmem:s30], [sflag:$0x2] =	stream.linear.gather [hbm4b:s23+s4], $0x80, $0x38;
	[tilespmem:$0x19500] =	vst v63  }
0x7d: {  	p0 =	sne.s32 s8, $0x1;
	s8 =	sadd.s32 $0xFFFFFFFF, s8;
	_ =	swait.ge [sflag:s29], $0x80  }
0x7e: {  	[sflag:s29] =	ssyncset.done $0x0  }
0x7f: {  	[sflag:s29] =	ssyncadd.s32 $0xFFFFFF80  }
0x80: {  	[tilespmem:s31], [sflag:$0x2] =	stream.linear.gather [hbm4b:s22+s4], $0x80, $0x38;
	[tilespmem:$0x19500] =	vst v63  }
0x81: {  	_ =	swait.ge [sflag:s29], $0x80  }
0x82: {  	[sflag:s29] =	ssyncset.done $0x0  }
0x83: {  	[sflag:s29] =	ssyncadd.s32 $0xFFFFFF80  }
0x84: {  	[tilespmem:s2], [sflag:$0x1] =	stream.indirect.gather [hbm4b:s1+s0], $0x80, s30, s0, $0xb8;
	[tilespmem:$0x19500] =	vst v63  }
0x85: {  	_ =	swait.ge [sflag:s6], $0x4000  }
.Ltmp2:
0x86: {  	[sflag:s6] =	ssyncset.done $0x0;
	(pc) =	sbr.rel @p0 .LBB2_4-.Ltmp2, $4  }
0x87: {  	[sflag:s6] =	ssyncadd.s32 $0xFFFFC000  }
0x88: {  	[spmem:s3] =	stream.indirect.scatter.add.f32 [tilespmem:s2], [sflag:$0x2], $0x80, s31, s0, $0xb8;
	[tilespmem:$0x19500] =	vst v63  }
0x89: {  	_ =	swait.ge [sflag:s29], $0x4000  }
0x8a: {  	[sflag:s29] =	ssyncset.done $0x0  }
.LBB2_5:
0x8b: {  	s8 =	stileid.u32  }
0x8c: {  	[sflag:s29] =	ssyncadd.s32 $0xFFFFC000;
	s8 =	sshll.u32 s8, $0x6  }
0x8d: {  	s22 =	sshrl.u32 s5, $0x3;
	[bflag:$0x0] =	sbarrier.arrive $0xFFFF;
	s8 =	sor.u32 $0x1C02, s8  }
0x8e: {  	[hbm:s19], [sflag:s8] =	dma.local [spmem:s22], $0x1400  }
0x8f: {  	s7 =	sadd.s32 $0x1, s7;
	_ =	swait.ge [sflag:s29], $0x1400  }
0x90: {  	p0 =	sne.s32 s7, s25;
	[sflag:s29] =	ssyncset.done $0x0  }
.Ltmp3:
0x91: {  	s23 =	sshrl.u32 s13, $0x3;
	[sflag:s29] =	ssyncadd.s32 $0xFFFFEC00;
	(pc) =	sbr.rel @p0 .LBB2_1-.Ltmp3, $4  }
0x92: {  	[hbm:s20], [sflag:s8] =	dma.local [spmem:s23], $0x1400  }
0x93: {  	_ =	swait.ge [sflag:s29], $0x1400  }
0x94: {  	[sflag:s29] =	ssyncset.done $0x0  }
0x95: {  	[sflag:s29] =	ssyncadd.s32 $0xFFFFEC00  }
0x96: {  	_ =	sfence.sel $0x180000  }
0x97: {  	[bflag:$0x0] =	sbarrier.arrive $0xFFFF  }
0x98: {  	_ =	strace $0x90000050  }
0x99: {  	s0 =	stileid.u32;
	[bflag:$0x2] =	sbarrier.arrive $0xFFFF  }
0x9a: {  	p0 =	sne.s32 s0, $0x0;
	s0 =	rddreg [dreg:$0x5]  }
0x9b: {  	s0 =	sadd.s32 @!p0 $0x100000, s0  }
0x9c: {  	[sflag:s0] =	ssyncadd.tile.s32 @!p0 $0x1;
	_ =	shalt  }
.Lfunc_end2:
_tile_overlayer_lowered:
.L_overlay_start_2:
0x9d: {  	(tag) =	ssettag $0x2  }
0x9e: {  	s0 =	rddreg [dreg:$0x0];
	s2 =	stileid.u32  }
0x9f: {  	s1 =	rddreg [dreg:$0x1];
	p0 =	sne.s32 s2, $0x0  }
0xa0: {  	s3 =	rddreg [dreg:$0x2];
	[bflag:$0x3] =	sbarrier.arrive $0xFFFF;
	s2 =	simm.s32 @!p0 $0x1C02  }
0xa1: {  	[timem:s3], [sflag:s2] =	dma.local @!p0 [hbm:s0], s1  }
0xa2: {  	s0 =	simm.s32 @!p0 $0x2  }
0xa3: {  	_ =	swait.ge @!p0 [sflag:s0], s1  }
0xa4: {  	s1 =	ssub.s32 @!p0 $0x0, s1;
	[sflag:s0] =	ssyncset.done @!p0 $0x0  }
0xa5: {  	[sflag:s0] =	ssyncadd.s32 @!p0 s1  }
0xa6: {  	[bflag:$0x3] =	sbarrier.arrive $0xFFFF  }
0xa7: {  	_ =	shalt  }

// kernel: kernel.26.cloned.1.call-start
scs
__scs_entry_jumppad:
0x0: {  	(pc) =	sbr.rel $0x88, $3  }
0x1: {  	(tag) =	ssettag $0x0;
	lr =	simm.s32 $0x1  }
0x2: {  	[smem:$0x3F92] =	sst lr;
	_ =	strace $0xD0000000  }
0x3: {  	_ = 	snop  }
0x4: {  	_ = 	snop  }
0x5: {  	_ = 	snop  }
0x6: {  	_ = 	snop  }
0x7: {  	_ = 	snop  }
__scs_overlays_trampoline_lowered:
0x8: {  	[smem:$0x3FA1] =	sst s0  }
0x9: {  	[smem:$0x3FA2] =	sst s1  }
0xa: {  	[smem:$0x3FA3] =	sst s2  }
0xb: {  	[smem:$0x3FA4] =	sst s3  }
0xc: {  	[smem:$0x3FA5] =	sst s4  }
0xd: {  	[smem:$0x3FA6] =	sst s5  }
0xe: {  	[smem:$0x3FA7] =	sst s6  }
0xf: {  	[smem:$0x3FA8] =	sst s7  }
0x10: {  	[smem:$0x3FA9] =	sst s8  }
0x11: {  	[smem:$0x3FAA] =	sst s9;
	s0 =	simm.s32 @!p0 $0x0  }
0x12: {  	s1 =	sld [smem:$0x3F90];
	s0 =	simm.s32 @p0 $0x1  }
0x13: {  	[smem:$0x3FAB] =	sst s0;
	s0 =	simm.s32 @!p1 $0x0  }
0x14: {  	s2 =	sld [smem:$0x3F8F];
	s0 =	simm.s32 @p1 $0x1  }
0x15: {  	[smem:$0x3FAC] =	sst s0;
	s0 =	simm.s32 @!p2 $0x0  }
0x16: {  	s3 =	sld [smem:$0x3FDB];
	s0 =	simm.s32 @p2 $0x1  }
0x17: {  	s4 =	simm.s32 $0x1BF5;
	[smem:$0x3FAE] =	sst s0  }
0x18: {  	s0 =	sld [smem:$0x3F91];
	_ =	swait.ge [sflag:s4], $0x0  }
0x19: {  	s7 =	sld [smem:$0x3F92]  }
0x1a: {  	s8 =	sadd.s32 $0xFFFFE003, lr  }
0x1b: {  	s9 =	sadd.s32 $0xFFFFFEF7, lr;
	s5 =	simm.s32 $0xFFFFFFFF;
	p2 =	slt.u32 s8, $0xFFFFF086  }
0x1c: {  	p1 =	slt.u32 s9, $0xF7A;
	s5 =	simm.s32 @!p2 $0x0  }
0x1d: {  	s5 =	simm.s32 @p1 $0x1;
	p0 =	seq.s32 s7, s2  }
0x1e: {  	s7 =	smul.u32 @!p0 $0xF7A, s2;
	p2 =	seq.s32 @!p0 s5, $0x0  }
0x1f: {  	s9 =	smul.u32 $0xF7A, s1;
	s8 =	simm.s32 @!p0 $0x1BF5;
	p2 =	por !p2, p0  }
0x20: {  	[sflag:s8] =	ssyncset.s32 @!p0 $0xFFFFF086;
	s6 =	sadd.s32 @!p0 s3, s7;
	s7 =	simm.s32 @!p0 $0x108  }
0x21: {  	s3 =	sadd.s32 s3, s9;
	s6 =	sadd.s32 @!p0 $0x88, s6;
	s7 =	simm.s32 @p2 $0x1082  }
0x22: {  	[simem:s7], [sflag:s8] =	dma.local @!p0 [hbm:s6], $0xF7A  }
0x23: {  	s9 =	sor.u32 $0xD0000000, s2;
	s6 =	simm.s32 $0x108;
	_ =	swait.ge @!p0 [sflag:s8], $0x0  }
0x24: {  	s3 =	sadd.s32 $0x88, s3;
	s6 =	simm.s32 @!p1 $0x1082;
	[sflag:s4] =	ssyncset.s32 $0xFFFFF086  }
0x25: {  	[simem:s6], [sflag:s4] =	dma.local [hbm:s3], $0xF7A  }
0x26: {  	[smem:$0x3F92] =	sst s1;
	(tag) =	ssettag s2;
	_ =	strace s9  }
0x27: {  	s1 =	sld [smem:$0x3FA2]  }
0x28: {  	s2 =	sld [smem:$0x3FA3]  }
0x29: {  	s4 =	sld [smem:$0x3FA5]  }
0x2a: {  	p0 =	seq.s32 s5, $0x0;
	s5 =	sld [smem:$0x3FA6]  }
0x2b: {  	s6 =	sld [smem:$0x3FA7]  }
0x2c: {  	s7 =	sld [smem:$0x3FA8]  }
0x2d: {  	s3 =	simm.s32 $0x108;
	s8 =	sld [smem:$0x3FA9]  }
0x2e: {  	s3 =	simm.s32 @!p0 $0x1082;
	s9 =	sld [smem:$0x3FAA]  }
0x2f: {  	lr =	sadd.s32 s0, s3;
	s0 =	sld [smem:$0x3FA1]  }
0x30: {  	s3 =	sld [smem:$0x3FA4]  }
0x31: {  	[smem:$0x3FAD] =	sst s10  }
0x32: {  	s10 =	sld [smem:$0x3FAB];
	_ =	sdelay $0x3  }
0x33: {  	p0 =	seq.s32 s10, $0x1;
	s10 =	sld [smem:$0x3FAD];
	_ =	sdelay $0x3  }
0x34: {  	[smem:$0x3FAD] =	sst s10  }
0x35: {  	s10 =	sld [smem:$0x3FAC];
	_ =	sdelay $0x3  }
0x36: {  	p1 =	seq.s32 s10, $0x1;
	s10 =	sld [smem:$0x3FAD];
	_ =	sdelay $0x3  }
0x37: {  	[smem:$0x3FAD] =	sst s10  }
0x38: {  	s10 =	sld [smem:$0x3FAE]  }
0x39: {  	_ = 	snop;
	(pc) =	sbr.ind lr, $3  }
0x3a: {  	_ = 	snop  }
0x3b: {  	_ = 	snop  }
0x3c: {  	p2 =	seq.s32 s10, $0x1;
	s10 =	sld [smem:$0x3FAD]  }
0x3d: {  	_ =	shalt  }
0x3e: {  	_ =	shalt  }
0x3f: {  	_ =	shalt  }
0x40: {  	_ =	shalt  }
0x41: {  	_ =	shalt  }
0x42: {  	_ =	shalt  }
0x43: {  	_ =	shalt  }
0x44: {  	_ =	shalt  }
0x45: {  	_ =	shalt  }
0x46: {  	_ =	shalt  }
0x47: {  	_ =	shalt  }
0x48: {  	_ =	shalt  }
0x49: {  	_ =	shalt  }
0x4a: {  	_ =	shalt  }
0x4b: {  	_ =	shalt  }
0x4c: {  	_ =	shalt  }
0x4d: {  	_ =	shalt  }
0x4e: {  	_ =	shalt  }
0x4f: {  	_ =	shalt  }
0x50: {  	_ =	shalt  }
0x51: {  	_ =	shalt  }
0x52: {  	_ =	shalt  }
0x53: {  	_ =	shalt  }
0x54: {  	_ =	shalt  }
0x55: {  	_ =	shalt  }
0x56: {  	_ =	shalt  }
0x57: {  	_ =	shalt  }
0x58: {  	_ =	shalt  }
0x59: {  	_ =	shalt  }
0x5a: {  	_ =	shalt  }
0x5b: {  	_ =	shalt  }
0x5c: {  	_ =	shalt  }
0x5d: {  	_ =	shalt  }
0x5e: {  	_ =	shalt  }
0x5f: {  	_ =	shalt  }
0x60: {  	_ =	shalt  }
0x61: {  	_ =	shalt  }
0x62: {  	_ =	shalt  }
0x63: {  	_ =	shalt  }
0x64: {  	_ =	shalt  }
0x65: {  	_ =	shalt  }
0x66: {  	_ =	shalt  }
0x67: {  	_ =	shalt  }
0x68: {  	_ =	shalt  }
0x69: {  	_ =	shalt  }
0x6a: {  	_ =	shalt  }
0x6b: {  	_ =	shalt  }
0x6c: {  	_ =	shalt  }
0x6d: {  	_ =	shalt  }
0x6e: {  	_ =	shalt  }
0x6f: {  	_ =	shalt  }
0x70: {  	_ =	shalt  }
0x71: {  	_ =	shalt  }
0x72: {  	_ =	shalt  }
0x73: {  	_ =	shalt  }
0x74: {  	_ =	shalt  }
0x75: {  	_ =	shalt  }
0x76: {  	_ =	shalt  }
0x77: {  	_ =	shalt  }
0x78: {  	_ =	shalt  }
0x79: {  	_ =	shalt  }
0x7a: {  	_ =	shalt  }
0x7b: {  	_ =	shalt  }
0x7c: {  	_ =	shalt  }
0x7d: {  	_ =	shalt  }
0x7e: {  	_ =	shalt  }
0x7f: {  	_ =	shalt  }
0x80: {  	_ =	shalt  }
0x81: {  	_ =	shalt  }
0x82: {  	_ =	shalt  }
0x83: {  	_ =	shalt  }
0x84: {  	_ =	shalt  }
0x85: {  	_ =	shalt  }
0x86: {  	_ =	shalt  }
0x87: {  	_ =	shalt  }
.Lfunc_end0:
.L_simem_size_0:
called_computation.4_lowered:
.L_overlay_start_0:
0x88: {  	s2 =	sld [smem:$0x3FD9]  }
0x89: {  	s3 =	sld [smem:$0x3FFE];
	_ =	sdelay $0x1  }
0x8a: {  	s1 =	srdreg.scid  }
0x8b: {  	s0 =	sand.u32 $0x1, s1  }
0x8c: {  	s17 =	sshll.u32 s0, $0xA;
	s2 =	sadd.s32 s3, s2  }
0x8d: {  	s2 =	sadd.s32 s2, s17  }
0x8e: {  	[smem:$0x3FB9] =	sst s2  }
0x8f: {  	_ = 	snop  }
0x90: {  	s2 =	sld [smem:$0x3FC8]  }
0x91: {  	s18 =	sld [smem:$0x3FC7];
	(tm) =	ssettm $0x1  }
0x92: {  	s4 =	sld [smem:$0x3FFB];
	_ =	sdelay $0x3  }
0x93: {  	_ =	strace s4  }
0x94: {  	s4 =	sld [smem:$0x3FFC];
	_ =	sdelay $0x3  }
0x95: {  	_ =	strace s4  }
0x96: {  	s4 =	sld [smem:$0x3FFD];
	_ =	sdelay $0x3  }
0x97: {  	_ =	strace s4  }
0x98: {  	_ =	strace $0x8FFFFFFF  }
0x99: {  	s19 =	sld [smem:$0x3FDB];
	_ =	sdelay $0x1  }
0x9a: {  	s5 =	simm.s32 $_scs_section_size  }
0x9b: {  	s6 =	simm.s32 $_size__tile_overlayer_lowered;
	s7 =	simm.s32 $_tile_overlayer_lowered  }
0x9c: {  	s22 =	simm.s32 $0x1BFF;
	s21 =	sshll.u32 s7, $0x1;
	s4 =	sadd.s32 s5, s19  }
0x9d: {  	s8 =	simm.s32 $0x0;
	s20 =	sshll.u32 s6, $0x1;
	s6 =	sadd.s32 s21, s4  }
0x9e: {  	[timem:s8], [sflag:s22] =	dma.local [hbm:s6], s20  }
0x9f: {  	_ =	swait.ge [sflag:s22], s20  }
0xa0: {  	s5 =	ssub.s32 $0x0, s20;
	[sflag:s22] =	ssyncset.done $0x0  }
0xa1: {  	[sflag:s22] =	ssyncadd.s32 s5;
	_ =	sdelay $0x1  }
0xa2: {  	s23 =	simm.s32 $0x1B8B  }
0xa3: {  	_ =	swait.ge [sflag:s23], $0x1  }
0xa4: {  	[sflag:s23] =	ssyncset.done $0x0  }
0xa5: {  	s25 =	simm.s32 $0x1B8E;
	s24 =	sld [smem:$0x3FFE];
	[sflag:s23] =	ssyncadd.s32 $0xFFFFFFFF  }
0xa6: {  	s26 =	simm.s32 $execute0_lowered;
	[smem:$0x3FD2] =	sst s25  }
0xa7: {  	s6 =	sshll.u32 s26, $0x1;
	_ =	strace $0x80000052;
	[dreg:$0x1] =	wrdreg $0xFFFFFFFF  }
0xa8: {  	s28 =	simm.s32 $_size_execute0_lowered;
	s4 =	sadd.s32 s4, s6;
	[dreg:$0x0] =	wrdreg $0x0  }
0xa9: {  	s6 =	sshll.u32 s28, $0x1;
	[dreg:$0x2] =	wrdreg s4  }
0xaa: {  	[dreg:$0x3] =	wrdreg s6  }
0xab: {  	[dreg:$0x4] =	wrdreg $0xC0  }
0xac: {  	_ =	task [dreg:s8], $0x5FFFF  }
0xad: {  	[dreg:$0x1] =	wrdreg $0xFFFFFFFF  }
0xae: {  	[dreg:$0x0] =	wrdreg $0x60  }
0xaf: {  	[dreg:$0x2] =	wrdreg s24  }
0xb0: {  	[dreg:$0x3] =	wrdreg s2  }
0xb1: {  	[dreg:$0x4] =	wrdreg s18  }
0xb2: {  	[dreg:$0x5] =	wrdreg $0x0  }
0xb3: {  	[dreg:$0x6] =	wrdreg $0x9  }
0xb4: {  	_ =	task.clear_ibuf [dreg:s8], $0x7FFFF;
	_ =	strace $0x90000052  }
0xb5: {  	s29 =	simm.s32 $0x9;
	_ =	strace $0x80000054  }
0xb6: {  	_ =	swait.ge [sflag:s29], $0x1  }
0xb7: {  	[sflag:s29] =	ssyncadd.s32 $0xFFFFFFFF  }
0xb8: {  	_ =	strace $0x90000054  }
0xb9: {  	_ =	sfence  }
0xba: {  	s30 =	sld [smem:$0x0];
	_ =	sdelay $0x2  }
0xbb: {  	s31 =	sshll.u32 s1, $0xD;
	s1 =	sshrl.u32 s1, $0x2  }
0xbc: {  	s3 =	sand.u32 $0x4000, s31;
	s1 =	sadd.s32 s1, s30  }
0xbd: {  	s0 =	sor.u32 s3, s0;
	s1 =	sshll.u32 s1, $0x11  }
0xbe: {  	s0 =	sor.u32 s1, s0  }
0xbf: {  	s0 =	sadd.s32 $0x8F2B, s0  }
0xc0: {  	[sflag:s0] =	ssyncadd.remote.s32 $0x1  }
0xc1: {  	_ =	sfence.sel $0xFFFF  }
0xc2: {  	[dreg:$0x0] =	wrdreg $0xFFFFFFFF;
	(pc) =	sbr.abs _section_cstart, $3  }
0xc3: {  	[dreg:$0x1] =	wrdreg $0xFFFFFFFF  }
0xc4: {  	_ =	task.clear_ibuf [dreg:s8], $0x2FFFF;
	_ =	strace $0x9FFFFFFF  }
0xc5: {  	(tm) =	ssettm $0x7FFFFFFF  }
tec
execute0_lowered:
.L_overlay_start_1:
0x0: {  	(tag) =	ssettag $0x1  }
0x1: {  	s5 =	rddreg [dreg:$0x0]  }
0x2: {  	s17 =	rddreg [dreg:$0x1]  }
0x3: {  	s15 =	rddreg [dreg:$0x2];
	s0 =	srdreg.scid  }
0x4: {  	s2 =	rddreg [dreg:$0x3];
	s1 =	stileid.u32;
	s3 =	simm.s32 $0x0  }
0x5: {  	s11 =	simm.s32 $0x4F;
	s21 =	simm.s32 $0xB480;
	s22 =	simm.s32 $0x80  }
0x6: {  	s23 =	simm.s32 $0xB500;
	s24 =	simm.s32 $0x1;
	s25 =	simm.s32 $0x0  }
0x7: {  	s12 =	sand.u32 $0x1, s0;
	s0 =	rddreg [dreg:$0x4];
	s7 =	smul.u32 $0xA000, s1  }
0x8: {  	[smem:$0x7FF] =	sst s3;
	s8 =	smul.u32 $0x28000, s1;
	s4 =	sadd.s32 $0x6800, s5  }
0x9: {  	p0 =	slt.u32 s1, $0x2;
	s20 =	sshll.u32 s1, $0x4;
	s6 =	smul.u32 $0xA0000, s12  }
0xa: {  	_ =	strace $0x80000053;
	s30 =	ssub.s32 $0x2, s12;
	s18 =	smul.u32 $0x4E20, s12  }
0xb: {  	s11 =	simm.s32 @!p0 $0x4E;
	s8 =	sshrl.u32 s8, $0x2;
	s31 =	sshrl.u32 s30, $0x1  }
0xc: {  	s6 =	sadd.s32 s7, s6;
	s16 =	ssub.s32 s30, s31;
	s19 =	sadd.s32 s18, s15  }
0xd: {  	s17 =	sadd.s32 s18, s17;
	s18 =	simm.s32 $0xA000;
	s6 =	sshrl.u32 s6, $0x3  }
0xe: {  	s15 =	smax.u32 s16, $0x1;
	s16 =	sadd.s32 s20, s19;
	s17 =	sadd.s32 s20, s17  }
0xf: {  	s19 =	simm.s32 $0x2;
	s14 =	sadd.s32 s6, s5;
	s5 =	sadd.s32 s8, s2  }
0x10: {  	s20 =	simm.s32 $0xB400;
	s6 =	sadd.s32 $0x1400, s5;
	s7 =	sadd.s32 $0x2800, s5  }
0x11: {  	s8 =	sadd.s32 $0x3C00, s5;
	s9 =	sadd.s32 $0x5000, s5;
	s10 =	sadd.s32 $0x6400, s5  }
0x12: {  	v0 =	vimm.f32 $0.0e+00;
	s12 =	sadd.s32 $0x7800, s5;
	s13 =	sadd.s32 $0x8C00, s5;
	s14 =	sadd.s32 $0x2DA00, s14  }
.LBB2_1:
0x13: {  	s26 =	simm.s32 $0x0;
	s28 =	simm.s32 $0x200  }
.LBB2_2:
0x14: {  	p0 =	sne.s32 s28, $0x4E00;
	[tilespmem:s26+$0xA070] =	vst v0  }
0x15: {  	[tilespmem:s26+$0xA000] =	vst v0  }
0x16: {  	[tilespmem:s26+$0xA010] =	vst v0  }
.Ltmp0:
0x17: {  	[tilespmem:s26+$0xA020] =	vst v0;
	(pc) =	sbr.rel @p0 .LBB2_2-.Ltmp0, $4  }
0x18: {  	[tilespmem:s26+$0xA030] =	vst v0  }
0x19: {  	[tilespmem:s26+$0xA040] =	vst v0  }
0x1a: {  	[tilespmem:s26+$0xA050] =	vst v0  }
0x1b: {  	[tilespmem:s26+$0xA060] =	vst v0;
	s26 =	sshra.s32 s28, $0x2;
	s28 =	sadd.s32 $0x200, s28  }
0x1c: {  	[tilespmem:s26+$0xA070] =	vst v0  }
0x1d: {  	[tilespmem:s26+$0xA000] =	vst v0  }
0x1e: {  	[tilespmem:s26+$0xA010] =	vst v0  }
0x1f: {  	[tilespmem:s26+$0xA020] =	vst v0  }
0x20: {  	[tilespmem:s26+$0xA030] =	vst v0  }
0x21: {  	[tilespmem:s26+$0xA040] =	vst v0  }
0x22: {  	[tilespmem:s26+$0xA050] =	vst v0  }
0x23: {  	[tilespmem:s26+$0xA060] =	vst v0  }
0x24: {  	[spmem:s5] =	stream.linear.scatter [tilespmem:s18], [sflag:$0x2], $0x1400, $0x38;
	[tilespmem:$0xF500] =	vst v63  }
0x25: {  	_ =	swait.ge [sflag:s19], $0x1400  }
0x26: {  	[sflag:s19] =	ssyncset.done $0x0  }
0x27: {  	[sflag:s19] =	ssyncadd.s32 $0xFFFFEC00  }
0x28: {  	[spmem:s6] =	stream.linear.scatter [tilespmem:s18], [sflag:$0x2], $0x1400, $0x38;
	[tilespmem:$0xF500] =	vst v63  }
0x29: {  	_ =	swait.ge [sflag:s19], $0x1400  }
0x2a: {  	[sflag:s19] =	ssyncset.done $0x0  }
0x2b: {  	[sflag:s19] =	ssyncadd.s32 $0xFFFFEC00  }
0x2c: {  	[spmem:s7] =	stream.linear.scatter [tilespmem:s18], [sflag:$0x2], $0x1400, $0x38;
	[tilespmem:$0xF500] =	vst v63  }
0x2d: {  	_ =	swait.ge [sflag:s19], $0x1400  }
0x2e: {  	[sflag:s19] =	ssyncset.done $0x0  }
0x2f: {  	[sflag:s19] =	ssyncadd.s32 $0xFFFFEC00  }
0x30: {  	[spmem:s8] =	stream.linear.scatter [tilespmem:s18], [sflag:$0x2], $0x1400, $0x38;
	[tilespmem:$0xF500] =	vst v63  }
0x31: {  	_ =	swait.ge [sflag:s19], $0x1400  }
0x32: {  	[sflag:s19] =	ssyncset.done $0x0  }
0x33: {  	[sflag:s19] =	ssyncadd.s32 $0xFFFFEC00  }
0x34: {  	[spmem:s9] =	stream.linear.scatter [tilespmem:s18], [sflag:$0x2], $0x1400, $0x38;
	[tilespmem:$0xF500] =	vst v63  }
0x35: {  	_ =	swait.ge [sflag:s19], $0x1400  }
0x36: {  	[sflag:s19] =	ssyncset.done $0x0  }
0x37: {  	[sflag:s19] =	ssyncadd.s32 $0xFFFFEC00  }
0x38: {  	[spmem:s10] =	stream.linear.scatter [tilespmem:s18], [sflag:$0x2], $0x1400, $0x38;
	[tilespmem:$0xF500] =	vst v63  }
0x39: {  	_ =	swait.ge [sflag:s19], $0x1400  }
0x3a: {  	[sflag:s19] =	ssyncset.done $0x0  }
0x3b: {  	[sflag:s19] =	ssyncadd.s32 $0xFFFFEC00  }
0x3c: {  	[spmem:s12] =	stream.linear.scatter [tilespmem:s18], [sflag:$0x2], $0x1400, $0x38;
	[tilespmem:$0xF500] =	vst v63  }
0x3d: {  	_ =	swait.ge [sflag:s19], $0x1400  }
0x3e: {  	[sflag:s19] =	ssyncset.done $0x0  }
0x3f: {  	[sflag:s19] =	ssyncadd.s32 $0xFFFFEC00  }
0x40: {  	[spmem:s13] =	stream.linear.scatter [tilespmem:s18], [sflag:$0x2], $0x1400, $0x38;
	[tilespmem:$0xF500] =	vst v63  }
0x41: {  	_ =	swait.ge [sflag:s19], $0x1400  }
0x42: {  	[sflag:s19] =	ssyncset.done $0x0  }
0x43: {  	[sflag:s19] =	ssyncadd.s32 $0xFFFFEC00  }
0x44: {  	[bflag:$0x0] =	sbarrier.arrive $0xFFFF  }
0x45: {  	[tilespmem:s20], [sflag:$0x2] =	stream.linear.gather [hbm4b:s17+s3], $0x80, $0x38;
	[tilespmem:$0xF500] =	vst v63  }
0x46: {  	_ =	swait.ge [sflag:s19], $0x80  }
0x47: {  	[sflag:s19] =	ssyncset.done $0x0  }
0x48: {  	[sflag:s19] =	ssyncadd.s32 $0xFFFFFF80  }
0x49: {  	[tilespmem:s21], [sflag:$0x2] =	stream.linear.gather [hbm4b:s16+s3], $0x80, $0x38;
	[tilespmem:$0xF500] =	vst v63  }
0x4a: {  	_ =	swait.ge [sflag:s19], $0x80  }
0x4b: {  	[sflag:s19] =	ssyncset.done $0x0  }
0x4c: {  	[sflag:s19] =	ssyncadd.s32 $0xFFFFFF80  }
0x4d: {  	[tilespmem:s23], [sflag:$0x1] =	stream.indirect.gather [hbm4b:s4+s22], $0x80, s20, s22, $0xb8;
	[tilespmem:$0xF500] =	vst v63  }
0x4e: {  	p0 =	sne.s32 s11, $0x1;
	_ =	swait.ge [sflag:s24], $0x4000  }
.Ltmp1:
0x4f: {  	[sflag:s24] =	ssyncset.done $0x0;
	(pc) =	sbr.rel @!p0 .LBB2_5-.Ltmp1, $4  }
0x50: {  	[sflag:s24] =	ssyncadd.s32 $0xFFFFC000  }
0x51: {  	[spmem:s2] =	stream.indirect.scatter.add.f32 [tilespmem:s23], [sflag:$0x2], $0x80, s21, s22, $0xb8;
	[tilespmem:$0xF500] =	vst v63  }
0x52: {  	s26 =	sadd.s32 $0xFFFFFFFF, s11;
	_ =	swait.ge [sflag:s19], $0x4000  }
0x53: {  	s28 =	smov.u32 s16;
	s29 =	smov.u32 s17;
	[sflag:s19] =	ssyncset.done $0x0  }
.LBB2_4:
0x54: {  	[sflag:s19] =	ssyncadd.s32 $0xFFFFC000;
	s28 =	sadd.s32 $0x100, s28;
	s29 =	sadd.s32 $0x100, s29  }
0x55: {  	[tilespmem:s20], [sflag:$0x2] =	stream.linear.gather [hbm4b:s29+s3], $0x80, $0x38;
	[tilespmem:$0xF500] =	vst v63  }
0x56: {  	p0 =	sne.s32 s26, $0x1;
	s26 =	sadd.s32 $0xFFFFFFFF, s26;
	_ =	swait.ge [sflag:s19], $0x80  }
0x57: {  	[sflag:s19] =	ssyncset.done $0x0  }
0x58: {  	[sflag:s19] =	ssyncadd.s32 $0xFFFFFF80  }
0x59: {  	[tilespmem:s21], [sflag:$0x2] =	stream.linear.gather [hbm4b:s28+s3], $0x80, $0x38;
	[tilespmem:$0xF500] =	vst v63  }
0x5a: {  	_ =	swait.ge [sflag:s19], $0x80  }
0x5b: {  	[sflag:s19] =	ssyncset.done $0x0  }
0x5c: {  	[sflag:s19] =	ssyncadd.s32 $0xFFFFFF80  }
0x5d: {  	[tilespmem:s23], [sflag:$0x1] =	stream.indirect.gather [hbm4b:s4+s22], $0x80, s20, s22, $0xb8;
	[tilespmem:$0xF500] =	vst v63  }
0x5e: {  	_ =	swait.ge [sflag:s24], $0x4000  }
.Ltmp2:
0x5f: {  	[sflag:s24] =	ssyncset.done $0x0;
	(pc) =	sbr.rel @p0 .LBB2_4-.Ltmp2, $4  }
0x60: {  	[sflag:s24] =	ssyncadd.s32 $0xFFFFC000  }
0x61: {  	[spmem:s2] =	stream.indirect.scatter.add.f32 [tilespmem:s23], [sflag:$0x2], $0x80, s21, s22, $0xb8;
	[tilespmem:$0xF500] =	vst v63  }
0x62: {  	_ =	swait.ge [sflag:s19], $0x4000  }
0x63: {  	[sflag:s19] =	ssyncset.done $0x0  }
.LBB2_5:
0x64: {  	[sflag:s19] =	ssyncadd.s32 $0xFFFFC000;
	s25 =	sadd.s32 $0x1, s25  }
0x65: {  	s26 =	sshll.u32 s1, $0x6;
	s28 =	sshrl.u32 s5, $0x3;
	p0 =	sne.s32 s25, s15  }
.Ltmp3:
0x66: {  	[bflag:$0x0] =	sbarrier.arrive $0xFFFF;
	s26 =	sor.u32 $0x1C02, s26;
	(pc) =	sbr.rel @p0 .LBB2_1-.Ltmp3, $4  }
0x67: {  	[hbm:s14], [sflag:s26] =	dma.local [spmem:s28], $0x1400  }
0x68: {  	_ =	swait.ge [sflag:s19], $0x1400  }
0x69: {  	[sflag:s19] =	ssyncset.done $0x0  }
0x6a: {  	[sflag:s19] =	ssyncadd.s32 $0xFFFFEC00  }
0x6b: {  	_ =	sfence.sel $0x180000  }
0x6c: {  	[bflag:$0x0] =	sbarrier.arrive $0xFFFF  }
0x6d: {  	p0 =	sne.s32 s1, $0x0;
	_ =	strace $0x90000053  }
0x6e: {  	s0 =	sadd.s32 @!p0 $0x100000, s0;
	[bflag:$0x2] =	sbarrier.arrive $0xFFFF  }
0x6f: {  	[sflag:s0] =	ssyncadd.tile.s32 @!p0 $0x1;
	_ =	shalt  }
.Lfunc_end2:
_tile_overlayer_lowered:
.L_overlay_start_2:
0x70: {  	(tag) =	ssettag $0x2  }
0x71: {  	s0 =	rddreg [dreg:$0x0];
	s2 =	stileid.u32  }
0x72: {  	s1 =	rddreg [dreg:$0x1];
	p0 =	sne.s32 s2, $0x0  }
0x73: {  	s3 =	rddreg [dreg:$0x2];
	[bflag:$0x3] =	sbarrier.arrive $0xFFFF;
	s2 =	simm.s32 @!p0 $0x1C02  }
0x74: {  	[timem:s3], [sflag:s2] =	dma.local @!p0 [hbm:s0], s1  }
0x75: {  	s0 =	simm.s32 @!p0 $0x2  }
0x76: {  	_ =	swait.ge @!p0 [sflag:s0], s1  }
0x77: {  	s1 =	ssub.s32 @!p0 $0x0, s1;
	[sflag:s0] =	ssyncset.done @!p0 $0x0  }
0x78: {  	[sflag:s0] =	ssyncadd.s32 @!p0 s1  }
0x79: {  	[bflag:$0x3] =	sbarrier.arrive $0xFFFF  }
0x7a: {  	_ =	shalt  }

// kernel: kernel.29.cloned.1.call-start
scs
__scs_entry_jumppad:
0x0: {  	(pc) =	sbr.rel $0x88, $3  }
0x1: {  	(tag) =	ssettag $0x0;
	lr =	simm.s32 $0x1  }
0x2: {  	[smem:$0x3F92] =	sst lr;
	_ =	strace $0xD0000000  }
0x3: {  	_ = 	snop  }
0x4: {  	_ = 	snop  }
0x5: {  	_ = 	snop  }
0x6: {  	_ = 	snop  }
0x7: {  	_ = 	snop  }
__scs_overlays_trampoline_lowered:
0x8: {  	[smem:$0x3FA1] =	sst s0  }
0x9: {  	[smem:$0x3FA2] =	sst s1  }
0xa: {  	[smem:$0x3FA3] =	sst s2  }
0xb: {  	[smem:$0x3FA4] =	sst s3  }
0xc: {  	[smem:$0x3FA5] =	sst s4  }
0xd: {  	[smem:$0x3FA6] =	sst s5  }
0xe: {  	[smem:$0x3FA7] =	sst s6  }
0xf: {  	[smem:$0x3FA8] =	sst s7  }
0x10: {  	[smem:$0x3FA9] =	sst s8  }
0x11: {  	[smem:$0x3FAA] =	sst s9;
	s0 =	simm.s32 @!p0 $0x0  }
0x12: {  	s1 =	sld [smem:$0x3F90];
	s0 =	simm.s32 @p0 $0x1  }
0x13: {  	[smem:$0x3FAB] =	sst s0;
	s0 =	simm.s32 @!p1 $0x0  }
0x14: {  	s2 =	sld [smem:$0x3F8F];
	s0 =	simm.s32 @p1 $0x1  }
0x15: {  	[smem:$0x3FAC] =	sst s0;
	s0 =	simm.s32 @!p2 $0x0  }
0x16: {  	s3 =	sld [smem:$0x3FDB];
	s0 =	simm.s32 @p2 $0x1  }
0x17: {  	s4 =	simm.s32 $0x1BF5;
	[smem:$0x3FAE] =	sst s0  }
0x18: {  	s0 =	sld [smem:$0x3F91];
	_ =	swait.ge [sflag:s4], $0x0  }
0x19: {  	s7 =	sld [smem:$0x3F92]  }
0x1a: {  	s8 =	sadd.s32 $0xFFFFE003, lr  }
0x1b: {  	s9 =	sadd.s32 $0xFFFFFEF7, lr;
	s5 =	simm.s32 $0xFFFFFFFF;
	p2 =	slt.u32 s8, $0xFFFFF086  }
0x1c: {  	p1 =	slt.u32 s9, $0xF7A;
	s5 =	simm.s32 @!p2 $0x0  }
0x1d: {  	s5 =	simm.s32 @p1 $0x1;
	p0 =	seq.s32 s7, s2  }
0x1e: {  	s7 =	smul.u32 @!p0 $0xF7A, s2;
	p2 =	seq.s32 @!p0 s5, $0x0  }
0x1f: {  	s9 =	smul.u32 $0xF7A, s1;
	s8 =	simm.s32 @!p0 $0x1BF5;
	p2 =	por !p2, p0  }
0x20: {  	[sflag:s8] =	ssyncset.s32 @!p0 $0xFFFFF086;
	s6 =	sadd.s32 @!p0 s3, s7;
	s7 =	simm.s32 @!p0 $0x108  }
0x21: {  	s3 =	sadd.s32 s3, s9;
	s6 =	sadd.s32 @!p0 $0x88, s6;
	s7 =	simm.s32 @p2 $0x1082  }
0x22: {  	[simem:s7], [sflag:s8] =	dma.local @!p0 [hbm:s6], $0xF7A  }
0x23: {  	s9 =	sor.u32 $0xD0000000, s2;
	s6 =	simm.s32 $0x108;
	_ =	swait.ge @!p0 [sflag:s8], $0x0  }
0x24: {  	s3 =	sadd.s32 $0x88, s3;
	s6 =	simm.s32 @!p1 $0x1082;
	[sflag:s4] =	ssyncset.s32 $0xFFFFF086  }
0x25: {  	[simem:s6], [sflag:s4] =	dma.local [hbm:s3], $0xF7A  }
0x26: {  	[smem:$0x3F92] =	sst s1;
	(tag) =	ssettag s2;
	_ =	strace s9  }
0x27: {  	s1 =	sld [smem:$0x3FA2]  }
0x28: {  	s2 =	sld [smem:$0x3FA3]  }
0x29: {  	s4 =	sld [smem:$0x3FA5]  }
0x2a: {  	p0 =	seq.s32 s5, $0x0;
	s5 =	sld [smem:$0x3FA6]  }
0x2b: {  	s6 =	sld [smem:$0x3FA7]  }
0x2c: {  	s7 =	sld [smem:$0x3FA8]  }
0x2d: {  	s3 =	simm.s32 $0x108;
	s8 =	sld [smem:$0x3FA9]  }
0x2e: {  	s3 =	simm.s32 @!p0 $0x1082;
	s9 =	sld [smem:$0x3FAA]  }
0x2f: {  	lr =	sadd.s32 s0, s3;
	s0 =	sld [smem:$0x3FA1]  }
0x30: {  	s3 =	sld [smem:$0x3FA4]  }
0x31: {  	[smem:$0x3FAD] =	sst s10  }
0x32: {  	s10 =	sld [smem:$0x3FAB];
	_ =	sdelay $0x3  }
0x33: {  	p0 =	seq.s32 s10, $0x1;
	s10 =	sld [smem:$0x3FAD];
	_ =	sdelay $0x3  }
0x34: {  	[smem:$0x3FAD] =	sst s10  }
0x35: {  	s10 =	sld [smem:$0x3FAC];
	_ =	sdelay $0x3  }
0x36: {  	p1 =	seq.s32 s10, $0x1;
	s10 =	sld [smem:$0x3FAD];
	_ =	sdelay $0x3  }
0x37: {  	[smem:$0x3FAD] =	sst s10  }
0x38: {  	s10 =	sld [smem:$0x3FAE]  }
0x39: {  	_ = 	snop;
	(pc) =	sbr.ind lr, $3  }
0x3a: {  	_ = 	snop  }
0x3b: {  	_ = 	snop  }
0x3c: {  	p2 =	seq.s32 s10, $0x1;
	s10 =	sld [smem:$0x3FAD]  }
0x3d: {  	_ =	shalt  }
0x3e: {  	_ =	shalt  }
0x3f: {  	_ =	shalt  }
0x40: {  	_ =	shalt  }
0x41: {  	_ =	shalt  }
0x42: {  	_ =	shalt  }
0x43: {  	_ =	shalt  }
0x44: {  	_ =	shalt  }
0x45: {  	_ =	shalt  }
0x46: {  	_ =	shalt  }
0x47: {  	_ =	shalt  }
0x48: {  	_ =	shalt  }
0x49: {  	_ =	shalt  }
0x4a: {  	_ =	shalt  }
0x4b: {  	_ =	shalt  }
0x4c: {  	_ =	shalt  }
0x4d: {  	_ =	shalt  }
0x4e: {  	_ =	shalt  }
0x4f: {  	_ =	shalt  }
0x50: {  	_ =	shalt  }
0x51: {  	_ =	shalt  }
0x52: {  	_ =	shalt  }
0x53: {  	_ =	shalt  }
0x54: {  	_ =	shalt  }
0x55: {  	_ =	shalt  }
0x56: {  	_ =	shalt  }
0x57: {  	_ =	shalt  }
0x58: {  	_ =	shalt  }
0x59: {  	_ =	shalt  }
0x5a: {  	_ =	shalt  }
0x5b: {  	_ =	shalt  }
0x5c: {  	_ =	shalt  }
0x5d: {  	_ =	shalt  }
0x5e: {  	_ =	shalt  }
0x5f: {  	_ =	shalt  }
0x60: {  	_ =	shalt  }
0x61: {  	_ =	shalt  }
0x62: {  	_ =	shalt  }
0x63: {  	_ =	shalt  }
0x64: {  	_ =	shalt  }
0x65: {  	_ =	shalt  }
0x66: {  	_ =	shalt  }
0x67: {  	_ =	shalt  }
0x68: {  	_ =	shalt  }
0x69: {  	_ =	shalt  }
0x6a: {  	_ =	shalt  }
0x6b: {  	_ =	shalt  }
0x6c: {  	_ =	shalt  }
0x6d: {  	_ =	shalt  }
0x6e: {  	_ =	shalt  }
0x6f: {  	_ =	shalt  }
0x70: {  	_ =	shalt  }
0x71: {  	_ =	shalt  }
0x72: {  	_ =	shalt  }
0x73: {  	_ =	shalt  }
0x74: {  	_ =	shalt  }
0x75: {  	_ =	shalt  }
0x76: {  	_ =	shalt  }
0x77: {  	_ =	shalt  }
0x78: {  	_ =	shalt  }
0x79: {  	_ =	shalt  }
0x7a: {  	_ =	shalt  }
0x7b: {  	_ =	shalt  }
0x7c: {  	_ =	shalt  }
0x7d: {  	_ =	shalt  }
0x7e: {  	_ =	shalt  }
0x7f: {  	_ =	shalt  }
0x80: {  	_ =	shalt  }
0x81: {  	_ =	shalt  }
0x82: {  	_ =	shalt  }
0x83: {  	_ =	shalt  }
0x84: {  	_ =	shalt  }
0x85: {  	_ =	shalt  }
0x86: {  	_ =	shalt  }
0x87: {  	_ =	shalt  }
.Lfunc_end0:
.L_simem_size_0:
called_computation.5_lowered:
.L_overlay_start_0:
0x88: {  	s2 =	sld [smem:$0x3FD9]  }
0x89: {  	s3 =	sld [smem:$0x3FFE];
	_ =	sdelay $0x1  }
0x8a: {  	s1 =	srdreg.scid  }
0x8b: {  	s0 =	sand.u32 $0x1, s1  }
0x8c: {  	s17 =	sshll.u32 s0, $0xA;
	s2 =	sadd.s32 s3, s2  }
0x8d: {  	s2 =	sadd.s32 s2, s17  }
0x8e: {  	[smem:$0x3FB9] =	sst s2  }
0x8f: {  	_ = 	snop  }
0x90: {  	s2 =	sld [smem:$0x3FC8]  }
0x91: {  	s18 =	sld [smem:$0x3FC7];
	(tm) =	ssettm $0x1  }
0x92: {  	s4 =	sld [smem:$0x3FFB];
	_ =	sdelay $0x3  }
0x93: {  	_ =	strace s4  }
0x94: {  	s4 =	sld [smem:$0x3FFC];
	_ =	sdelay $0x3  }
0x95: {  	_ =	strace s4  }
0x96: {  	s4 =	sld [smem:$0x3FFD];
	_ =	sdelay $0x3  }
0x97: {  	_ =	strace s4  }
0x98: {  	_ =	strace $0x8FFFFFFF  }
0x99: {  	s19 =	sld [smem:$0x3FDB];
	_ =	sdelay $0x1  }
0x9a: {  	s5 =	simm.s32 $_scs_section_size  }
0x9b: {  	s6 =	simm.s32 $_size__tile_overlayer_lowered;
	s7 =	simm.s32 $_tile_overlayer_lowered  }
0x9c: {  	s22 =	simm.s32 $0x1BFF;
	s21 =	sshll.u32 s7, $0x1;
	s4 =	sadd.s32 s5, s19  }
0x9d: {  	s8 =	simm.s32 $0x0;
	s20 =	sshll.u32 s6, $0x1;
	s6 =	sadd.s32 s21, s4  }
0x9e: {  	[timem:s8], [sflag:s22] =	dma.local [hbm:s6], s20  }
0x9f: {  	_ =	swait.ge [sflag:s22], s20  }
0xa0: {  	s5 =	ssub.s32 $0x0, s20;
	[sflag:s22] =	ssyncset.done $0x0  }
0xa1: {  	[sflag:s22] =	ssyncadd.s32 s5;
	_ =	sdelay $0x1  }
0xa2: {  	s23 =	simm.s32 $0x1B8B  }
0xa3: {  	_ =	swait.ge [sflag:s23], $0x1  }
0xa4: {  	[sflag:s23] =	ssyncset.done $0x0  }
0xa5: {  	s25 =	simm.s32 $0x1B8E;
	s24 =	sld [smem:$0x3FFE];
	[sflag:s23] =	ssyncadd.s32 $0xFFFFFFFF  }
0xa6: {  	s26 =	simm.s32 $execute0_lowered;
	[smem:$0x3FD2] =	sst s25  }
0xa7: {  	s6 =	sshll.u32 s26, $0x1;
	_ =	strace $0x80000055;
	[dreg:$0x1] =	wrdreg $0xFFFFFFFF  }
0xa8: {  	s28 =	simm.s32 $_size_execute0_lowered;
	s4 =	sadd.s32 s4, s6;
	[dreg:$0x0] =	wrdreg $0x0  }
0xa9: {  	s6 =	sshll.u32 s28, $0x1;
	[dreg:$0x2] =	wrdreg s4  }
0xaa: {  	[dreg:$0x3] =	wrdreg s6  }
0xab: {  	[dreg:$0x4] =	wrdreg $0xC0  }
0xac: {  	_ =	task [dreg:s8], $0x5FFFF  }
0xad: {  	[dreg:$0x1] =	wrdreg $0xFFFFFFFF  }
0xae: {  	[dreg:$0x0] =	wrdreg $0x60  }
0xaf: {  	[dreg:$0x2] =	wrdreg s24  }
0xb0: {  	[dreg:$0x3] =	wrdreg s18  }
0xb1: {  	[dreg:$0x4] =	wrdreg s2  }
0xb2: {  	[dreg:$0x5] =	wrdreg $0x0  }
0xb3: {  	[dreg:$0x6] =	wrdreg $0x9  }
0xb4: {  	_ =	task.clear_ibuf [dreg:s8], $0x7FFFF;
	_ =	strace $0x90000055  }
0xb5: {  	s29 =	simm.s32 $0x9;
	_ =	strace $0x80000057  }
0xb6: {  	_ =	swait.ge [sflag:s29], $0x1  }
0xb7: {  	[sflag:s29] =	ssyncadd.s32 $0xFFFFFFFF  }
0xb8: {  	_ =	strace $0x90000057  }
0xb9: {  	_ =	sfence  }
0xba: {  	s30 =	sld [smem:$0x0];
	_ =	sdelay $0x2  }
0xbb: {  	s31 =	sshll.u32 s1, $0xD;
	s1 =	sshrl.u32 s1, $0x2  }
0xbc: {  	s3 =	sand.u32 $0x4000, s31;
	s1 =	sadd.s32 s1, s30  }
0xbd: {  	s0 =	sor.u32 s3, s0;
	s1 =	sshll.u32 s1, $0x11  }
0xbe: {  	s0 =	sor.u32 s1, s0  }
0xbf: {  	s0 =	sadd.s32 $0x8F2B, s0  }
0xc0: {  	[sflag:s0] =	ssyncadd.remote.s32 $0x1  }
0xc1: {  	_ =	sfence.sel $0xFFFF  }
0xc2: {  	[dreg:$0x0] =	wrdreg $0xFFFFFFFF;
	(pc) =	sbr.abs _section_cstart, $3  }
0xc3: {  	[dreg:$0x1] =	wrdreg $0xFFFFFFFF  }
0xc4: {  	_ =	task.clear_ibuf [dreg:s8], $0x2FFFF;
	_ =	strace $0x9FFFFFFF  }
0xc5: {  	(tm) =	ssettm $0x7FFFFFFF  }
tec
execute0_lowered:
.L_overlay_start_1:
0x0: {  	(tag) =	ssettag $0x1  }
0x1: {  	s0 =	rddreg [dreg:$0x0]  }
0x2: {  	s1 =	rddreg [dreg:$0x1]  }
0x3: {  	s6 =	rddreg [dreg:$0x2]  }
0x4: {  	s2 =	rddreg [dreg:$0x3];
	s3 =	simm.s32 $0x0  }
0x5: {  	s4 =	srdreg.scid;
	s21 =	stileid.u32;
	s28 =	simm.s32 $0x14000  }
0x6: {  	s29 =	simm.s32 $0x2;
	s30 =	simm.s32 $0x15400;
	s31 =	simm.s32 $0x15480  }
0x7: {  	[smem:$0x7FF] =	sst s3;
	s7 =	sand.u32 $0x1, s4;
	s5 =	smul.u32 $0x50000, s21  }
0x8: {  	s4 =	sadd.s32 $0x6800, s0;
	s0 =	sadd.s32 $0x1A200, s0;
	s20 =	smul.u32 $0x14000, s21  }
0x9: {  	p0 =	slt.u32 s21, $0x2;
	s26 =	sshll.u32 s21, $0x4;
	s21 =	simm.s32 $0x4F  }
0xa: {  	_ =	strace $0x80000056;
	s8 =	ssub.s32 $0x2, s7;
	s21 =	simm.s32 @!p0 $0x4E  }
0xb: {  	s9 =	sshrl.u32 s8, $0x1;
	s5 =	sshrl.u32 s5, $0x2;
	s24 =	sadd.s32 $0xA000, s20  }
0xc: {  	s8 =	ssub.s32 s8, s9;
	s5 =	sadd.s32 s5, s2;
	s13 =	sadd.s32 s24, s2  }
0xd: {  	s18 =	sadd.s32 $0x1400, s5;
	s19 =	sadd.s32 $0x2800, s5;
	s10 =	sadd.s32 $0x3C00, s5  }
0xe: {  	s22 =	sadd.s32 $0x5000, s5;
	s23 =	sadd.s32 $0x6400, s5;
	[dreg:$0x5] =	wrdreg s18  }
0xf: {  	s11 =	sadd.s32 $0x7800, s5;
	s12 =	sadd.s32 $0x8C00, s5;
	[dreg:$0x6] =	wrdreg s19  }
0x10: {  	s14 =	sadd.s32 $0xB400, s5;
	s15 =	sadd.s32 $0xC800, s5;
	[dreg:$0x7] =	wrdreg s10  }
0x11: {  	s16 =	sadd.s32 $0xDC00, s5;
	[dreg:$0x8] =	wrdreg s22;
	s18 =	smul.u32 $0x140000, s7  }
0x12: {  	s17 =	sadd.s32 $0xF000, s5;
	[dreg:$0x9] =	wrdreg s23;
	s7 =	smul.u32 $0x4E20, s7  }
0x13: {  	s9 =	sadd.s32 s20, s18;
	s10 =	sadd.s32 s18, s24;
	s18 =	sadd.s32 $0x10400, s5  }
0x14: {  	s25 =	sadd.s32 s7, s6;
	s1 =	sadd.s32 s7, s1;
	s24 =	sadd.s32 $0x11800, s5  }
0x15: {  	s6 =	simm.s32 $0x1;
	s9 =	sshrl.u32 s9, $0x3;
	s10 =	sshrl.u32 s10, $0x3  }
0x16: {  	s7 =	simm.s32 $0x0;
	s19 =	sadd.s32 s0, s9;
	s20 =	sadd.s32 s0, s10  }
0x17: {  	s9 =	sadd.s32 s26, s25;
	s10 =	sadd.s32 s26, s1;
	s25 =	smax.u32 s8, $0x1  }
0x18: {  	v0 =	vimm.f32 $0.0e+00;
	s26 =	sadd.s32 $0x12C00, s5;
	s0 =	simm.s32 $0x80;
	s1 =	simm.s32 $0x15500  }
.LBB2_1:
0x19: {  	s8 =	simm.s32 $0x0;
	s22 =	simm.s32 $0x200  }
.LBB2_2:
0x1a: {  	p0 =	sne.s32 s22, $0x4E00;
	[tilespmem:s8+$0x14070] =	vst v0  }
0x1b: {  	[tilespmem:s8+$0x14000] =	vst v0  }
0x1c: {  	[tilespmem:s8+$0x14010] =	vst v0  }
.Ltmp0:
0x1d: {  	[tilespmem:s8+$0x14020] =	vst v0;
	(pc) =	sbr.rel @p0 .LBB2_2-.Ltmp0, $4  }
0x1e: {  	[tilespmem:s8+$0x14030] =	vst v0  }
0x1f: {  	[tilespmem:s8+$0x14040] =	vst v0  }
0x20: {  	[tilespmem:s8+$0x14050] =	vst v0  }
0x21: {  	[tilespmem:s8+$0x14060] =	vst v0;
	s8 =	sshra.s32 s22, $0x2;
	s22 =	sadd.s32 $0x200, s22  }
0x22: {  	[tilespmem:s8+$0x14070] =	vst v0  }
0x23: {  	[tilespmem:s8+$0x14000] =	vst v0  }
0x24: {  	[tilespmem:s8+$0x14010] =	vst v0  }
0x25: {  	[tilespmem:s8+$0x14020] =	vst v0  }
0x26: {  	[tilespmem:s8+$0x14030] =	vst v0  }
0x27: {  	[tilespmem:s8+$0x14040] =	vst v0  }
0x28: {  	[tilespmem:s8+$0x14050] =	vst v0  }
0x29: {  	[tilespmem:s8+$0x14060] =	vst v0  }
0x2a: {  	[spmem:s5] =	stream.linear.scatter [tilespmem:s28], [sflag:$0x2], $0x1400, $0x38;
	[tilespmem:$0x19500] =	vst v63  }
0x2b: {  	_ =	swait.ge [sflag:s29], $0x1400  }
0x2c: {  	[sflag:s29] =	ssyncset.done $0x0  }
0x2d: {  	s23 =	rddreg [dreg:$0x5];
	[sflag:s29] =	ssyncadd.s32 $0xFFFFEC00  }
0x2e: {  	[spmem:s23] =	stream.linear.scatter [tilespmem:s28], [sflag:$0x2], $0x1400, $0x38;
	[tilespmem:$0x19500] =	vst v63  }
0x2f: {  	_ =	swait.ge [sflag:s29], $0x1400  }
0x30: {  	[sflag:s29] =	ssyncset.done $0x0  }
0x31: {  	s22 =	rddreg [dreg:$0x6];
	[sflag:s29] =	ssyncadd.s32 $0xFFFFEC00  }
0x32: {  	[spmem:s22] =	stream.linear.scatter [tilespmem:s28], [sflag:$0x2], $0x1400, $0x38;
	[tilespmem:$0x19500] =	vst v63  }
0x33: {  	_ =	swait.ge [sflag:s29], $0x1400  }
0x34: {  	[sflag:s29] =	ssyncset.done $0x0  }
0x35: {  	s23 =	rddreg [dreg:$0x7];
	[sflag:s29] =	ssyncadd.s32 $0xFFFFEC00  }
0x36: {  	[spmem:s23] =	stream.linear.scatter [tilespmem:s28], [sflag:$0x2], $0x1400, $0x38;
	[tilespmem:$0x19500] =	vst v63  }
0x37: {  	_ =	swait.ge [sflag:s29], $0x1400  }
0x38: {  	[sflag:s29] =	ssyncset.done $0x0  }
0x39: {  	s22 =	rddreg [dreg:$0x8];
	[sflag:s29] =	ssyncadd.s32 $0xFFFFEC00  }
0x3a: {  	[spmem:s22] =	stream.linear.scatter [tilespmem:s28], [sflag:$0x2], $0x1400, $0x38;
	[tilespmem:$0x19500] =	vst v63  }
0x3b: {  	_ =	swait.ge [sflag:s29], $0x1400  }
0x3c: {  	[sflag:s29] =	ssyncset.done $0x0  }
0x3d: {  	s23 =	rddreg [dreg:$0x9];
	[sflag:s29] =	ssyncadd.s32 $0xFFFFEC00  }
0x3e: {  	[spmem:s23] =	stream.linear.scatter [tilespmem:s28], [sflag:$0x2], $0x1400, $0x38;
	[tilespmem:$0x19500] =	vst v63  }
0x3f: {  	_ =	swait.ge [sflag:s29], $0x1400  }
0x40: {  	[sflag:s29] =	ssyncset.done $0x0  }
0x41: {  	[sflag:s29] =	ssyncadd.s32 $0xFFFFEC00  }
0x42: {  	[spmem:s11] =	stream.linear.scatter [tilespmem:s28], [sflag:$0x2], $0x1400, $0x38;
	[tilespmem:$0x19500] =	vst v63  }
0x43: {  	_ =	swait.ge [sflag:s29], $0x1400  }
0x44: {  	[sflag:s29] =	ssyncset.done $0x0  }
0x45: {  	[sflag:s29] =	ssyncadd.s32 $0xFFFFEC00  }
0x46: {  	[spmem:s12] =	stream.linear.scatter [tilespmem:s28], [sflag:$0x2], $0x1400, $0x38;
	[tilespmem:$0x19500] =	vst v63  }
0x47: {  	_ =	swait.ge [sflag:s29], $0x1400  }
0x48: {  	[sflag:s29] =	ssyncset.done $0x0  }
0x49: {  	[sflag:s29] =	ssyncadd.s32 $0xFFFFEC00  }
0x4a: {  	[spmem:s13] =	stream.linear.scatter [tilespmem:s28], [sflag:$0x2], $0x1400, $0x38;
	[tilespmem:$0x19500] =	vst v63  }
0x4b: {  	_ =	swait.ge [sflag:s29], $0x1400  }
0x4c: {  	[sflag:s29] =	ssyncset.done $0x0  }
0x4d: {  	[sflag:s29] =	ssyncadd.s32 $0xFFFFEC00  }
0x4e: {  	[spmem:s14] =	stream.linear.scatter [tilespmem:s28], [sflag:$0x2], $0x1400, $0x38;
	[tilespmem:$0x19500] =	vst v63  }
0x4f: {  	_ =	swait.ge [sflag:s29], $0x1400  }
0x50: {  	[sflag:s29] =	ssyncset.done $0x0  }
0x51: {  	[sflag:s29] =	ssyncadd.s32 $0xFFFFEC00  }
0x52: {  	[spmem:s15] =	stream.linear.scatter [tilespmem:s28], [sflag:$0x2], $0x1400, $0x38;
	[tilespmem:$0x19500] =	vst v63  }
0x53: {  	_ =	swait.ge [sflag:s29], $0x1400  }
0x54: {  	[sflag:s29] =	ssyncset.done $0x0  }
0x55: {  	[sflag:s29] =	ssyncadd.s32 $0xFFFFEC00  }
0x56: {  	[spmem:s16] =	stream.linear.scatter [tilespmem:s28], [sflag:$0x2], $0x1400, $0x38;
	[tilespmem:$0x19500] =	vst v63  }
0x57: {  	_ =	swait.ge [sflag:s29], $0x1400  }
0x58: {  	[sflag:s29] =	ssyncset.done $0x0  }
0x59: {  	[sflag:s29] =	ssyncadd.s32 $0xFFFFEC00  }
0x5a: {  	[spmem:s17] =	stream.linear.scatter [tilespmem:s28], [sflag:$0x2], $0x1400, $0x38;
	[tilespmem:$0x19500] =	vst v63  }
0x5b: {  	_ =	swait.ge [sflag:s29], $0x1400  }
0x5c: {  	[sflag:s29] =	ssyncset.done $0x0  }
0x5d: {  	[sflag:s29] =	ssyncadd.s32 $0xFFFFEC00  }
0x5e: {  	[spmem:s18] =	stream.linear.scatter [tilespmem:s28], [sflag:$0x2], $0x1400, $0x38;
	[tilespmem:$0x19500] =	vst v63  }
0x5f: {  	_ =	swait.ge [sflag:s29], $0x1400  }
0x60: {  	[sflag:s29] =	ssyncset.done $0x0  }
0x61: {  	[sflag:s29] =	ssyncadd.s32 $0xFFFFEC00  }
0x62: {  	[spmem:s24] =	stream.linear.scatter [tilespmem:s28], [sflag:$0x2], $0x1400, $0x38;
	[tilespmem:$0x19500] =	vst v63  }
0x63: {  	_ =	swait.ge [sflag:s29], $0x1400  }
0x64: {  	[sflag:s29] =	ssyncset.done $0x0  }
0x65: {  	[sflag:s29] =	ssyncadd.s32 $0xFFFFEC00  }
0x66: {  	[spmem:s26] =	stream.linear.scatter [tilespmem:s28], [sflag:$0x2], $0x1400, $0x38;
	[tilespmem:$0x19500] =	vst v63  }
0x67: {  	_ =	swait.ge [sflag:s29], $0x1400  }
0x68: {  	[sflag:s29] =	ssyncset.done $0x0  }
0x69: {  	[sflag:s29] =	ssyncadd.s32 $0xFFFFEC00  }
0x6a: {  	[bflag:$0x0] =	sbarrier.arrive $0xFFFF  }
0x6b: {  	[tilespmem:s30], [sflag:$0x2] =	stream.linear.gather [hbm4b:s10+s3], $0x80, $0x38;
	[tilespmem:$0x19500] =	vst v63  }
0x6c: {  	_ =	swait.ge [sflag:s29], $0x80  }
0x6d: {  	[sflag:s29] =	ssyncset.done $0x0  }
0x6e: {  	[sflag:s29] =	ssyncadd.s32 $0xFFFFFF80  }
0x6f: {  	[tilespmem:s31], [sflag:$0x2] =	stream.linear.gather [hbm4b:s9+s3], $0x80, $0x38;
	[tilespmem:$0x19500] =	vst v63  }
0x70: {  	_ =	swait.ge [sflag:s29], $0x80  }
0x71: {  	[sflag:s29] =	ssyncset.done $0x0  }
0x72: {  	[sflag:s29] =	ssyncadd.s32 $0xFFFFFF80  }
0x73: {  	[tilespmem:s1], [sflag:$0x1] =	stream.indirect.gather [hbm4b:s4+s0], $0x80, s30, s0, $0xb8;
	[tilespmem:$0x19500] =	vst v63  }
0x74: {  	p0 =	sne.s32 s21, $0x1;
	_ =	swait.ge [sflag:s6], $0x4000  }
.Ltmp1:
0x75: {  	[sflag:s6] =	ssyncset.done $0x0;
	(pc) =	sbr.rel @!p0 .LBB2_5-.Ltmp1, $4  }
0x76: {  	[sflag:s6] =	ssyncadd.s32 $0xFFFFC000  }
0x77: {  	[spmem:s2] =	stream.indirect.scatter.add.f32 [tilespmem:s1], [sflag:$0x2], $0x80, s31, s0, $0xb8;
	[tilespmem:$0x19500] =	vst v63  }
0x78: {  	s8 =	sadd.s32 $0xFFFFFFFF, s21;
	_ =	swait.ge [sflag:s29], $0x4000  }
0x79: {  	s22 =	smov.u32 s9;
	s23 =	smov.u32 s10;
	[sflag:s29] =	ssyncset.done $0x0  }
.LBB2_4:
0x7a: {  	[sflag:s29] =	ssyncadd.s32 $0xFFFFC000;
	s22 =	sadd.s32 $0x100, s22;
	s23 =	sadd.s32 $0x100, s23  }
0x7b: {  	[tilespmem:s30], [sflag:$0x2] =	stream.linear.gather [hbm4b:s23+s3], $0x80, $0x38;
	[tilespmem:$0x19500] =	vst v63  }
0x7c: {  	p0 =	sne.s32 s8, $0x1;
	s8 =	sadd.s32 $0xFFFFFFFF, s8;
	_ =	swait.ge [sflag:s29], $0x80  }
0x7d: {  	[sflag:s29] =	ssyncset.done $0x0  }
0x7e: {  	[sflag:s29] =	ssyncadd.s32 $0xFFFFFF80  }
0x7f: {  	[tilespmem:s31], [sflag:$0x2] =	stream.linear.gather [hbm4b:s22+s3], $0x80, $0x38;
	[tilespmem:$0x19500] =	vst v63  }
0x80: {  	_ =	swait.ge [sflag:s29], $0x80  }
0x81: {  	[sflag:s29] =	ssyncset.done $0x0  }
0x82: {  	[sflag:s29] =	ssyncadd.s32 $0xFFFFFF80  }
0x83: {  	[tilespmem:s1], [sflag:$0x1] =	stream.indirect.gather [hbm4b:s4+s0], $0x80, s30, s0, $0xb8;
	[tilespmem:$0x19500] =	vst v63  }
0x84: {  	_ =	swait.ge [sflag:s6], $0x4000  }
.Ltmp2:
0x85: {  	[sflag:s6] =	ssyncset.done $0x0;
	(pc) =	sbr.rel @p0 .LBB2_4-.Ltmp2, $4  }
0x86: {  	[sflag:s6] =	ssyncadd.s32 $0xFFFFC000  }
0x87: {  	[spmem:s2] =	stream.indirect.scatter.add.f32 [tilespmem:s1], [sflag:$0x2], $0x80, s31, s0, $0xb8;
	[tilespmem:$0x19500] =	vst v63  }
0x88: {  	_ =	swait.ge [sflag:s29], $0x4000  }
0x89: {  	[sflag:s29] =	ssyncset.done $0x0  }
.LBB2_5:
0x8a: {  	s8 =	stileid.u32  }
0x8b: {  	[sflag:s29] =	ssyncadd.s32 $0xFFFFC000;
	s8 =	sshll.u32 s8, $0x6  }
0x8c: {  	s22 =	sshrl.u32 s5, $0x3;
	[bflag:$0x0] =	sbarrier.arrive $0xFFFF;
	s8 =	sor.u32 $0x1C02, s8  }
0x8d: {  	[hbm:s19], [sflag:s8] =	dma.local [spmem:s22], $0x1400  }
0x8e: {  	s7 =	sadd.s32 $0x1, s7;
	_ =	swait.ge [sflag:s29], $0x1400  }
0x8f: {  	p0 =	sne.s32 s7, s25;
	[sflag:s29] =	ssyncset.done $0x0  }
.Ltmp3:
0x90: {  	s23 =	sshrl.u32 s13, $0x3;
	[sflag:s29] =	ssyncadd.s32 $0xFFFFEC00;
	(pc) =	sbr.rel @p0 .LBB2_1-.Ltmp3, $4  }
0x91: {  	[hbm:s20], [sflag:s8] =	dma.local [spmem:s23], $0x1400  }
0x92: {  	_ =	swait.ge [sflag:s29], $0x1400  }
0x93: {  	[sflag:s29] =	ssyncset.done $0x0  }
0x94: {  	[sflag:s29] =	ssyncadd.s32 $0xFFFFEC00  }
0x95: {  	_ =	sfence.sel $0x180000  }
0x96: {  	[bflag:$0x0] =	sbarrier.arrive $0xFFFF  }
0x97: {  	_ =	strace $0x90000056  }
0x98: {  	s0 =	stileid.u32;
	[bflag:$0x2] =	sbarrier.arrive $0xFFFF  }
0x99: {  	p0 =	sne.s32 s0, $0x0;
	s0 =	rddreg [dreg:$0x4]  }
0x9a: {  	s0 =	sadd.s32 @!p0 $0x100000, s0  }
0x9b: {  	[sflag:s0] =	ssyncadd.tile.s32 @!p0 $0x1;
	_ =	shalt  }
.Lfunc_end2:
_tile_overlayer_lowered:
.L_overlay_start_2:
0x9c: {  	(tag) =	ssettag $0x2  }
0x9d: {  	s0 =	rddreg [dreg:$0x0];
	s2 =	stileid.u32  }
0x9e: {  	s1 =	rddreg [dreg:$0x1];
	p0 =	sne.s32 s2, $0x0  }
0x9f: {  	s3 =	rddreg [dreg:$0x2];
	[bflag:$0x3] =	sbarrier.arrive $0xFFFF;
	s2 =	simm.s32 @!p0 $0x1C02  }
0xa0: {  	[timem:s3], [sflag:s2] =	dma.local @!p0 [hbm:s0], s1  }
0xa1: {  	s0 =	simm.s32 @!p0 $0x2  }
0xa2: {  	_ =	swait.ge @!p0 [sflag:s0], s1  }
0xa3: {  	s1 =	ssub.s32 @!p0 $0x0, s1;
	[sflag:s0] =	ssyncset.done @!p0 $0x0  }
0xa4: {  	[sflag:s0] =	ssyncadd.s32 @!p0 s1  }
0xa5: {  	[bflag:$0x3] =	sbarrier.arrive $0xFFFF  }
0xa6: {  	_ =	shalt  }

</sc_bundles>
